<compile_context>
chip_gen: v7x
topology: tpu7x:2x2x1
jax: 0.10.2.dev20260603
libtpu: 0.0.44.dev20260713+nightly
codegen_flags: <defaults>
</compile_context>

<pallas_src>
import jax
import jax.numpy as jnp
from jax import lax
from jax.experimental import pallas as pl
from jax.experimental.pallas import tpu as pltpu
from jax.experimental.pallas import tpu_sc as plsc

_N = 10000
_E = 320000
_R = 3
_G = 64
_EMB = 128
_HID = 256
_NCLS = 10
_SLAB = 10112

_NS = 16
_K = 125
_NB = _E // _NS // _K
_NBH = _NB // 2
_CH = 40
_STR = _SLAB // _NS

_BN = 1000
_NBLK = _N // _BN



def _make_sc_scatter(gather: bool, nb: int, w: int = 128):
    nc = nb // _CH
    mesh = plsc.VectorSubcoreMesh(core_axis_name="c", subcore_axis_name="s")
    out_type = jax.ShapeDtypeStruct((2, _SLAB, w), jnp.float32)
    if gather:
        scratch = [
            pltpu.VMEM((_CH, _K), jnp.int32),
            pltpu.VMEM((_CH, _K), jnp.int32),
            pltpu.VMEM((2, _K, w), jnp.float32),
            pltpu.VMEM_SHARED((_SLAB, w), jnp.float32),
            pltpu.SemaphoreType.DMA,
            pltpu.SemaphoreType.DMA,
        ]
    else:
        scratch = [
            pltpu.VMEM((_CH, _K), jnp.int32),
            pltpu.VMEM((_K, w), jnp.float32),
            pltpu.VMEM_SHARED((_SLAB, w), jnp.float32),
        ]

    def body(*refs):
        if gather:
            (tbl0, tbl1, seg0_hbm, seg1_hbm, src0_hbm, src1_hbm, za,
             a_out, src_v, seg_v, rows_v, a_sh, sem0, sem1) = refs
        else:
            (ones_hbm, seg0_hbm, seg1_hbm, za,
             a_out, seg_v, rows_v, a_sh) = refs
        cid = lax.axis_index("c")
        sid = lax.axis_index("s")

        if not gather:
            pltpu.sync_copy(ones_hbm, rows_v)
        pltpu.sync_copy(za, a_sh.at[pl.ds(sid * _STR, _STR)])

        plsc.subcore_barrier()

        def edge_pass(tbl, seg_hbm, src_hbm):
            def chunk(ci, carry):
                pltpu.sync_copy(seg_hbm.at[sid, pl.ds(ci * _CH, _CH)], seg_v)
                if not gather:
                    def step(j, c2):
                        pltpu.sync_copy(rows_v, a_sh.at[seg_v.at[j]],
                                        add=True)
                        return c2
                    lax.fori_loop(0, _CH, step, 0)
                    return carry

                pltpu.sync_copy(src_hbm.at[sid, pl.ds(ci * _CH, _CH)], src_v)
                pltpu.async_copy(tbl.at[src_v.at[0]], rows_v.at[0], sem0)

                def pair(jp, c2):
                    j0 = 2 * jp
                    pltpu.make_async_copy(tbl.at[src_v.at[j0]],
                                          rows_v.at[0], sem0).wait()
                    pltpu.async_copy(tbl.at[src_v.at[j0 + 1]],
                                     rows_v.at[1], sem1)
                    pltpu.sync_copy(rows_v.at[0], a_sh.at[seg_v.at[j0]],
                                    add=True)
                    pltpu.make_async_copy(tbl.at[src_v.at[j0 + 1]],
                                          rows_v.at[1], sem1).wait()

                    @pl.when(jp < _CH // 2 - 1)
                    def _():
                        pltpu.async_copy(tbl.at[src_v.at[j0 + 2]],
                                         rows_v.at[0], sem0)

                    pltpu.sync_copy(rows_v.at[1], a_sh.at[seg_v.at[j0 + 1]],
                                    add=True)
                    return c2
                lax.fori_loop(0, _CH // 2, pair, 0)
                return carry
            lax.fori_loop(0, nc, chunk, 0)

        @pl.when(cid == 0)
        def _():
            edge_pass(tbl0 if gather else None, seg0_hbm,
                      src0_hbm if gather else None)

        @pl.when(cid == 1)
        def _():
            edge_pass(tbl1 if gather else None, seg1_hbm,
                      src1_hbm if gather else None)

        plsc.subcore_barrier()

        pltpu.sync_copy(a_sh.at[pl.ds(sid * _STR, _STR)],
                        a_out.at[cid, pl.ds(sid * _STR, _STR)])

    return pl.kernel(body, out_type=out_type, mesh=mesh,
                     scratch_types=scratch)



def _embed_body(s_ref, c_ref, se_ref, ce_ref, out_ref):
    sval = s_ref[0]
    cval = c_ref[0]
    ohs = (lax.broadcasted_iota(jnp.int32, (16, _BN), 0) == sval
           ).astype(jnp.float32)
    ohc = (lax.broadcasted_iota(jnp.int32, (16, _BN), 0) == cval
           ).astype(jnp.float32)
    dn = (((0,), (0,)), ((), ()))
    out_ref[...] = (
        lax.dot_general(ohs, se_ref[...], dn,
                        preferred_element_type=jnp.float32)
        + lax.dot_general(ohc, ce_ref[...], dn,
                          preferred_element_type=jnp.float32))


def _embed(s3, c3, se, ce):
    return pl.pallas_call(
        _embed_body,
        grid=(_NBLK,),
        in_specs=[
            pl.BlockSpec((1, 1, _BN), lambda i: (i, 0, 0)),
            pl.BlockSpec((1, 1, _BN), lambda i: (i, 0, 0)),
            pl.BlockSpec((16, _EMB), lambda i: (0, 0)),
            pl.BlockSpec((16, _EMB), lambda i: (0, 0)),
        ],
        out_specs=pl.BlockSpec((_BN, _EMB), lambda i: (i, 0)),
        out_shape=jax.ShapeDtypeStruct((_N, _EMB), jnp.float32),
    )(s3, c3, se, ce)


def _layer1_body(h_ref, s01_ref, s22_ref, cnt_ref, w_ref, b_ref,
                 out0_ref, out1_ref):
    inv = 1.0 / jnp.maximum(cnt_ref[...], 1.0)
    x = jnp.concatenate([
        h_ref[...],
        s01_ref[0] * inv[:, 0:1],
        s01_ref[1] * inv[:, 1:2],
        s22_ref[0] * inv[:, 2:3],
        s22_ref[1] * inv[:, 3:4],
    ], axis=1)
    acc = lax.dot_general(x, w_ref[...], (((1,), (0,)), ((), ())),
                          preferred_element_type=jnp.float32)
    acc = jnp.maximum(acc + b_ref[...], 0.0)
    out0_ref[...] = acc[:, :128]
    out1_ref[...] = acc[:, 128:]


def _layer1(h, s01, s22, cntp, wc, b):
    return pl.pallas_call(
        _layer1_body,
        grid=(_NBLK,),
        in_specs=[
            pl.BlockSpec((_BN, _EMB), lambda i: (i, 0)),
            pl.BlockSpec((2, _BN, 128), lambda i: (0, i, 0)),
            pl.BlockSpec((2, _BN, 128), lambda i: (0, i, 0)),
            pl.BlockSpec((_BN, 8), lambda i: (i, 0)),
            pl.BlockSpec((5 * _EMB, _HID), lambda i: (0, 0)),
            pl.BlockSpec((1, _HID), lambda i: (0, 0)),
        ],
        out_specs=[pl.BlockSpec((_BN, 128), lambda i: (i, 0)),
                   pl.BlockSpec((_BN, 128), lambda i: (i, 0))],
        out_shape=[jax.ShapeDtypeStruct((_N, 128), jnp.float32),
                   jax.ShapeDtypeStruct((_N, 128), jnp.float32)],
    )(h, s01, s22, cntp, wc, b)


def _layer2_pool_body(h0_ref, h1_ref, t01_ref, t20_ref, t12_ref, cnt_ref,
                      w_ref, b_ref, batch_ref, lw_ref, lb_ref, out_ref,
                      psum, gcnt):
    i = pl.program_id(0)

    @pl.when(i == 0)
    def _():
        psum[...] = jnp.zeros_like(psum)
        gcnt[...] = jnp.zeros_like(gcnt)

    inv = 1.0 / jnp.maximum(cnt_ref[...], 1.0)
    x = jnp.concatenate([
        h0_ref[...], h1_ref[...],
        t01_ref[0] * inv[:, 0:1], t20_ref[1] * inv[:, 0:1],
        t01_ref[1] * inv[:, 1:2], t12_ref[0] * inv[:, 1:2],
        t20_ref[0] * inv[:, 2:3], t12_ref[1] * inv[:, 2:3],
    ], axis=1)
    acc = lax.dot_general(x, w_ref[...], (((1,), (0,)), ((), ())),
                          preferred_element_type=jnp.float32)
    h2 = jnp.maximum(acc + b_ref[...], 0.0)

    mask = (lax.broadcasted_iota(jnp.int32, (_G, _BN), 0) == batch_ref[0]
            ).astype(jnp.float32)
    psum[...] += lax.dot_general(mask, h2, (((1,), (0,)), ((), ())),
                                 preferred_element_type=jnp.float32)
    gcnt[...] += jnp.broadcast_to(jnp.sum(mask, axis=1, keepdims=True),
                                  (_G, 128))

    @pl.when(i == _NBLK - 1)
    def _():
        pooled = psum[...] / jnp.maximum(gcnt[...][:, :1], 1.0)
        out_ref[...] = (lax.dot_general(
            pooled, lw_ref[...], (((1,), (0,)), ((), ())),
            preferred_element_type=jnp.float32) + lb_ref[...])


def _layer2_pool(h1c0, h1c1, t01, t20, t12, cntp, wc, b, batch3, lw, lb):
    return pl.pallas_call(
        _layer2_pool_body,
        grid=(_NBLK,),
        in_specs=[
            pl.BlockSpec((_BN, 128), lambda i: (i, 0)),
            pl.BlockSpec((_BN, 128), lambda i: (i, 0)),
            pl.BlockSpec((2, _BN, 128), lambda i: (0, i, 0)),
            pl.BlockSpec((2, _BN, 128), lambda i: (0, i, 0)),
            pl.BlockSpec((2, _BN, 128), lambda i: (0, i, 0)),
            pl.BlockSpec((_BN, 8), lambda i: (i, 0)),
            pl.BlockSpec((4 * _HID, _HID), lambda i: (0, 0)),
            pl.BlockSpec((1, _HID), lambda i: (0, 0)),
            pl.BlockSpec((1, 1, _BN), lambda i: (i, 0, 0)),
            pl.BlockSpec((_HID, _NCLS), lambda i: (0, 0)),
            pl.BlockSpec((1, _NCLS), lambda i: (0, 0)),
        ],
        out_specs=pl.BlockSpec((_G, _NCLS), lambda i: (0, 0)),
        out_shape=jax.ShapeDtypeStruct((_G, _NCLS), jnp.float32),
        scratch_shapes=[pltpu.VMEM((_G, _HID), jnp.float32),
                        pltpu.VMEM((_G, 128), jnp.float32)],
    )(h1c0, h1c1, t01, t20, t12, cntp, wc, b, batch3, lw, lb)



def kernel(x, edge_index, edge_type, batch, shape_emb, color_emb,
           W1, root1, b1, W2, root2, b2, lin_w, lin_b):
    f32 = jnp.float32
    s3 = x[:, 0].astype(jnp.int32).reshape(_NBLK, 1, _BN)
    c3 = x[:, 1].astype(jnp.int32).reshape(_NBLK, 1, _BN)
    batch3 = batch.astype(jnp.int32).reshape(_NBLK, 1, _BN)

    src = edge_index[0].astype(jnp.int32)
    dst = edge_index[1].astype(jnp.int32)
    rt = edge_type.astype(jnp.int32)
    dump = _N + jnp.arange(_NS, dtype=jnp.int32).reshape(_NS, 1, 1)

    src_f = src.reshape(_NS, _NB, _K)
    dst_f = dst.reshape(_NS, _NB, _K)
    rt_f = rt.reshape(_NS, _NB, _K)
    seg_f = [jnp.where(rt_f == r, dst_f, dump) for r in range(_R)]

    src_h = src.reshape(2, _NS, _NBH, _K)
    dst_h = dst.reshape(2, _NS, _NBH, _K)
    rt_h = rt.reshape(2, _NS, _NBH, _K)
    seg2_h = jnp.where(rt_h == 2, dst_h, dump)

    wc1 = jnp.concatenate([root1, W1[0], W1[1], W1[2], W1[2]], axis=0)
    wc2 = jnp.concatenate([root2, W2.reshape(_R * _HID, _HID)], axis=0)
    b1r = b1.reshape(1, _HID)
    b2r = b2.reshape(1, _HID)
    lbr = lin_b.reshape(1, _NCLS)

    za = jnp.zeros((_STR, 128), f32)
    ones_rows = jnp.ones((_K, 128), f32)

    gat_f = _make_sc_scatter(True, _NB)
    gat_h = _make_sc_scatter(True, _NBH)
    cnt_f = _make_sc_scatter(False, _NB)
    cnt_h = _make_sc_scatter(False, _NBH)

    c01 = cnt_f(ones_rows, seg_f[0], seg_f[1], za)
    c22 = cnt_h(ones_rows, seg2_h[0], seg2_h[1], za)
    cnt2 = c22[0, :_N, 0] + c22[1, :_N, 0]
    one = jnp.ones((_N,), f32)
    cntp = jnp.stack([c01[0, :_N, 0], c01[1, :_N, 0], cnt2, cnt2,
                      one, one, one, one], axis=1)

    h = _embed(s3, c3, shape_emb, color_emb)

    s01 = gat_f(h, h, seg_f[0], seg_f[1], src_f, src_f, za)
    s22 = gat_h(h, h, seg2_h[0], seg2_h[1], src_h[0], src_h[1], za)
    h1c0, h1c1 = _layer1(h, s01, s22, cntp, wc1, b1r)

    t01 = gat_f(h1c0, h1c0, seg_f[0], seg_f[1], src_f, src_f, za)
    t20 = gat_f(h1c0, h1c1, seg_f[2], seg_f[0], src_f, src_f, za)
    t12 = gat_f(h1c1, h1c1, seg_f[1], seg_f[2], src_f, src_f, za)
    return _layer2_pool(h1c0, h1c1, t01, t20, t12, cntp, wc2, b2r,
                        batch3, lin_w, lbr)

# --- scband reference (transcript-rebuilt; emitter-appended) ---
"""Pipeline reference for scband-rgcnclassifier-no-pos-88648124990455 (READ-ONLY COPY).

The authoritative reference and input builder live on the scoring server;
editing this copy changes nothing except your own understanding.
"""

import jax, jax.numpy as jnp
import numpy as np

N = 10000
E = 320000
R = 3
G = 64
N_SHAPE = 16
N_COLOR = 16
EMB = 128
HID = 256
N_CLASS = 10


def setup_inputs(seed: int = 0) -> dict:
    key = jax.random.key(seed)
    ks = jax.random.split(key, 16)
    x = jax.random.randint(ks[0], (N, 3), 0, N_SHAPE)
    edge_index = jax.random.randint(ks[1], (2, E), 0, N)
    edge_type = jax.random.randint(ks[2], (E,), 0, R)
    batch = jnp.sort(jax.random.randint(ks[3], (N,), 0, G))
    shape_emb = jax.random.normal(ks[4], (N_SHAPE, EMB), dtype=jnp.float32)
    color_emb = jax.random.normal(ks[5], (N_COLOR, EMB), dtype=jnp.float32)
    W1 = jax.random.normal(ks[6], (R, EMB, HID), dtype=jnp.float32) * 0.05
    root1 = jax.random.normal(ks[7], (EMB, HID), dtype=jnp.float32) * 0.05
    b1 = jnp.zeros((HID,), dtype=jnp.float32)
    W2 = jax.random.normal(ks[8], (R, HID, HID), dtype=jnp.float32) * 0.05
    root2 = jax.random.normal(ks[9], (HID, HID), dtype=jnp.float32) * 0.05
    b2 = jnp.zeros((HID,), dtype=jnp.float32)
    lin_w = jax.random.normal(ks[10], (HID, N_CLASS), dtype=jnp.float32) * 0.05
    lin_b = jnp.zeros((N_CLASS,), dtype=jnp.float32)
    return {"x": x, "edge_index": edge_index, "edge_type": edge_type, "batch": batch,
            "shape_emb": shape_emb, "color_emb": color_emb,
            "W1": W1, "root1": root1, "b1": b1,
            "W2": W2, "root2": root2, "b2": b2,
            "lin_w": lin_w, "lin_b": lin_b}


def _rgcn_layer(h, src, dst, edge_type, W, root, b):
    # PyG RGCNConv: out = x @ root + b + sum_r mean_{edges of rel r}(x_j @ W_r)
    out = h @ root + b
    for r in range(R):
        mask = (edge_type == r).astype(h.dtype)
        hr = h @ W[r]
        msg = jnp.take(hr, src, axis=0) * mask[:, None]
        sums = jax.ops.segment_sum(msg, dst, num_segments=N)
        cnt = jax.ops.segment_sum(mask, dst, num_segments=N)
        out = out + sums / jnp.maximum(cnt, 1.0)[:, None]
    return out


def reference(x, edge_index, edge_type, batch, shape_emb, color_emb,
              W1, root1, b1, W2, root2, b2, lin_w, lin_b):
    s = x[:, 0]
    c = x[:, 1]
    h = jnp.take(shape_emb, s, axis=0) + jnp.take(color_emb, c, axis=0)
    src, dst = edge_index[0], edge_index[1]
    h = jax.nn.relu(_rgcn_layer(h, src, dst, edge_type, W1, root1, b1))
    h = jax.nn.relu(_rgcn_layer(h, src, dst, edge_type, W2, root2, b2))
    pooled_sum = jax.ops.segment_sum(h, batch, num_segments=G)
    cnt = jax.ops.segment_sum(jnp.ones((N,), h.dtype), batch, num_segments=G)
    pooled = pooled_sum / jnp.maximum(cnt, 1.0)[:, None]
    return pooled @ lin_w + lin_b

if __name__ == "__main__":
    import jax
    _d = setup_inputs()
    print(jax.jit(kernel)(*tuple(_d.values())))

</pallas_src>

<mosaic_0001>
#map = affine_map<(d0, d1) -> (0, 0)>
#map1 = affine_map<(d0, d1) -> (0, 0, 0)>
module attributes {stable_mosaic.version = 14 : i64} {
  func.func @body(%arg0: i32, %arg1: i32, %arg2: memref<125x128xf32, #tpu.memory_space<hbm>>, %arg3: memref<16x160x125xi32, #tpu.memory_space<hbm>>, %arg4: memref<16x160x125xi32, #tpu.memory_space<hbm>>, %arg5: memref<632x128xf32, #tpu.memory_space<hbm>>, %arg6: memref<2x10112x128xf32, #tpu.memory_space<hbm>>, %arg7: memref<40x125xi32, #tpu.memory_space<vmem>>, %arg8: memref<125x128xf32, #tpu.memory_space<vmem>>, %arg9: memref<10112x128xf32, #tpu.memory_space<vmem_shared>>) attributes {dimension_semantics = [#tpu.dimension_semantics<core_parallel>, #tpu.dimension_semantics<subcore_parallel>], iteration_bounds = array<i64: 2, 16>, scalar_prefetch = 0 : i64, scratch_operands = 3 : i64, tpu.core_type = #tpu.core_type<sc_vector_subcore>, window_params = [{transform_indices = #map}, {transform_indices = #map1}, {transform_indices = #map1}, {transform_indices = #map}, {transform_indices = #map1}]} {
    "tpu.region"() ({
      %run_scoped3A = tpu.sem_alloc : memref<!tpu.dma_semaphore, #tpu.memory_space<semaphore_mem>>
      tpu.enqueue_dma source(%arg2 : memref<125x128xf32, #tpu.memory_space<hbm>>) target(%arg8 : memref<125x128xf32, #tpu.memory_space<vmem>>) target_semaphore(%run_scoped3A : memref<!tpu.dma_semaphore, #tpu.memory_space<semaphore_mem>>)
      tpu.wait_dma2 semaphore(%run_scoped3A : memref<!tpu.dma_semaphore, #tpu.memory_space<semaphore_mem>>) src(%arg2 : memref<125x128xf32, #tpu.memory_space<hbm>>) dst(%arg8 : memref<125x128xf32, #tpu.memory_space<vmem>>)
      tpu.yield
    }) : () -> ()
    %mul3A = arith.constant 632 : i32
    %mul3A_0 = arith.muli %arg1, %mul3A : i32
    "tpu.region"() ({
      %run_scoped3A = tpu.sem_alloc : memref<!tpu.dma_semaphore, #tpu.memory_space<semaphore_mem>>
      %dma_start3A = arith.constant 0 : i32
      %dma_start3A_13 = tpu.memref_slice %arg9[%mul3A_0, %dma_start3A] : memref<10112x128xf32, #tpu.memory_space<vmem_shared>> -> memref<632x128xf32, #tpu.memory_space<vmem_shared>>
      tpu.enqueue_dma source(%arg5 : memref<632x128xf32, #tpu.memory_space<hbm>>) target(%dma_start3A_13 : memref<632x128xf32, #tpu.memory_space<vmem_shared>>) target_semaphore(%run_scoped3A : memref<!tpu.dma_semaphore, #tpu.memory_space<semaphore_mem>>)
      %dma_wait3A = arith.constant 0 : i32
      %dma_wait3A_14 = tpu.memref_slice %arg9[%mul3A_0, %dma_wait3A] : memref<10112x128xf32, #tpu.memory_space<vmem_shared>> -> memref<632x128xf32, #tpu.memory_space<vmem_shared>>
      tpu.wait_dma2 semaphore(%run_scoped3A : memref<!tpu.dma_semaphore, #tpu.memory_space<semaphore_mem>>) src(%arg5 : memref<632x128xf32, #tpu.memory_space<hbm>>) dst(%dma_wait3A_14 : memref<632x128xf32, #tpu.memory_space<vmem_shared>>)
      tpu.yield
    }) : () -> ()
    %barrier3A = arith.constant 0 : index
    tpu.barrier barrier_id(%barrier3A)
    %eq3A = arith.constant 0 : i32
    %eq3A_1 = arith.cmpi eq, %arg0, %eq3A : i32
    %convert_element_type3A = arith.extui %eq3A_1 : i1 to i32
    %cond3A = arith.constant 0 : i32
    %cond3A_2 = arith.cmpi ne, %convert_element_type3A, %cond3A : i32
    scf.if %cond3A_2 {
      %scan3A = arith.constant 0 : i32
      %scan3A_13 = arith.constant 0 : i32
      %scan3A_14 = arith.constant 4 : i32
      %scan3A_15 = arith.addi %scan3A_13, %scan3A_14 : i32
      %scan3A_16 = arith.constant 1 : i32
      scf.for %scan3A_18 = %scan3A_13 to %scan3A_15 step %scan3A_16  : i32 {
        %mul3A_19 = arith.constant 40 : i32
        %mul3A_20 = arith.muli %scan3A_18, %mul3A_19 : i32
        "tpu.region"() ({
          %run_scoped3A = tpu.sem_alloc : memref<!tpu.dma_semaphore, #tpu.memory_space<semaphore_mem>>
          %dma_start3A = arith.constant 0 : i32
          %dma_start3A_27 = tpu.memref_slice %arg3[%arg1, %mul3A_20, %dma_start3A] : memref<16x160x125xi32, #tpu.memory_space<hbm>> -> memref<1x40x125xi32, #tpu.memory_space<hbm>>
          %dma_start3A_28 = tpu.memref_squeeze %dma_start3A_27 : memref<1x40x125xi32, #tpu.memory_space<hbm>> -> memref<40x125xi32, #tpu.memory_space<hbm>>
          %dma_start3A_29 = arith.constant 0 : i32
          %dma_start3A_30 = tpu.memref_slice %arg3[%arg1, %mul3A_20, %dma_start3A_29] : memref<16x160x125xi32, #tpu.memory_space<hbm>> -> memref<1x40x125xi32, #tpu.memory_space<hbm>>
          %dma_start3A_31 = tpu.memref_squeeze %dma_start3A_30 : memref<1x40x125xi32, #tpu.memory_space<hbm>> -> memref<40x125xi32, #tpu.memory_space<hbm>>
          tpu.enqueue_dma source(%dma_start3A_31 : memref<40x125xi32, #tpu.memory_space<hbm>>) target(%arg7 : memref<40x125xi32, #tpu.memory_space<vmem>>) target_semaphore(%run_scoped3A : memref<!tpu.dma_semaphore, #tpu.memory_space<semaphore_mem>>)
          %dma_wait3A = arith.constant 0 : i32
          %dma_wait3A_32 = tpu.memref_slice %arg3[%arg1, %mul3A_20, %dma_wait3A] : memref<16x160x125xi32, #tpu.memory_space<hbm>> -> memref<1x40x125xi32, #tpu.memory_space<hbm>>
          %dma_wait3A_33 = tpu.memref_squeeze %dma_wait3A_32 : memref<1x40x125xi32, #tpu.memory_space<hbm>> -> memref<40x125xi32, #tpu.memory_space<hbm>>
          %dma_wait3A_34 = arith.constant 0 : i32
          %dma_wait3A_35 = tpu.memref_slice %arg3[%arg1, %mul3A_20, %dma_wait3A_34] : memref<16x160x125xi32, #tpu.memory_space<hbm>> -> memref<1x40x125xi32, #tpu.memory_space<hbm>>
          %dma_wait3A_36 = tpu.memref_squeeze %dma_wait3A_35 : memref<1x40x125xi32, #tpu.memory_space<hbm>> -> memref<40x125xi32, #tpu.memory_space<hbm>>
          tpu.wait_dma2 semaphore(%run_scoped3A : memref<!tpu.dma_semaphore, #tpu.memory_space<semaphore_mem>>) src(%dma_wait3A_36 : memref<40x125xi32, #tpu.memory_space<hbm>>) dst(%arg7 : memref<40x125xi32, #tpu.memory_space<vmem>>)
          tpu.yield
        }) : () -> ()
        %scan3A_21 = arith.constant 0 : i32
        %scan3A_22 = arith.constant 0 : i32
        %scan3A_23 = arith.constant 40 : i32
        %scan3A_24 = arith.addi %scan3A_22, %scan3A_23 : i32
        %scan3A_25 = arith.constant 1 : i32
        scf.for %scan3A_27 = %scan3A_22 to %scan3A_24 step %scan3A_25  : i32 {
          "tpu.region"() ({
            %run_scoped3A = tpu.sem_alloc : memref<!tpu.dma_semaphore, #tpu.memory_space<semaphore_mem>>
            %dma_start3A = arith.constant 0 : i32
            %dma_start3A_28 = tpu.memref_slice %arg7[%scan3A_27, %dma_start3A] : memref<40x125xi32, #tpu.memory_space<vmem>> -> memref<1x125xi32, #tpu.memory_space<vmem>>
            %dma_start3A_29 = tpu.memref_squeeze %dma_start3A_28 : memref<1x125xi32, #tpu.memory_space<vmem>> -> memref<125xi32, #tpu.memory_space<vmem>>
            %dma_start3A_30 = arith.constant 0 : i32
            %dma_start3A_31 = arith.constant 0 : i32
            %dma_start3A_32 = tpu.memref_slice %arg9[%dma_start3A_30, %dma_start3A_31] : memref<10112x128xf32, #tpu.memory_space<vmem_shared>> -> memref<10112x128xf32, #tpu.memory_space<vmem_shared>>
            tpu.enqueue_indirect_dma source(%arg8 : memref<125x128xf32, #tpu.memory_space<vmem>>) target(%dma_start3A_32 : memref<10112x128xf32, #tpu.memory_space<vmem_shared>>) offsets(%dma_start3A_29 : memref<125xi32, #tpu.memory_space<vmem>>) semaphore(%run_scoped3A : memref<!tpu.dma_semaphore, #tpu.memory_space<semaphore_mem>>) {add = true}
            %dma_wait3A = arith.constant 0 : i32
            %dma_wait3A_33 = tpu.memref_slice %arg7[%scan3A_27, %dma_wait3A] : memref<40x125xi32, #tpu.memory_space<vmem>> -> memref<1x125xi32, #tpu.memory_space<vmem>>
            %dma_wait3A_34 = tpu.memref_squeeze %dma_wait3A_33 : memref<1x125xi32, #tpu.memory_space<vmem>> -> memref<125xi32, #tpu.memory_space<vmem>>
            %dma_wait3A_35 = arith.constant 0 : i32
            %dma_wait3A_36 = arith.constant 0 : i32
            %dma_wait3A_37 = tpu.memref_slice %arg9[%dma_wait3A_35, %dma_wait3A_36] : memref<10112x128xf32, #tpu.memory_space<vmem_shared>> -> memref<10112x128xf32, #tpu.memory_space<vmem_shared>>
            tpu.wait_indirect_dma semaphore(%run_scoped3A : memref<!tpu.dma_semaphore, #tpu.memory_space<semaphore_mem>>) src(%arg8 : memref<125x128xf32, #tpu.memory_space<vmem>>) dst(%dma_wait3A_37 : memref<10112x128xf32, #tpu.memory_space<vmem_shared>>)
            tpu.yield
          }) : () -> ()
        }
        %scan3A_26 = arith.constant 40 : i32
      }
      %scan3A_17 = arith.constant 4 : i32
    } else {
    }
    %eq3A_3 = arith.constant 1 : i32
    %eq3A_4 = arith.cmpi eq, %arg0, %eq3A_3 : i32
    %convert_element_type3A_5 = arith.extui %eq3A_4 : i1 to i32
    %cond3A_6 = arith.constant 0 : i32
    %cond3A_7 = arith.cmpi ne, %convert_element_type3A_5, %cond3A_6 : i32
    scf.if %cond3A_7 {
      %scan3A = arith.constant 0 : i32
      %scan3A_13 = arith.constant 0 : i32
      %scan3A_14 = arith.constant 4 : i32
      %scan3A_15 = arith.addi %scan3A_13, %scan3A_14 : i32
      %scan3A_16 = arith.constant 1 : i32
      scf.for %scan3A_18 = %scan3A_13 to %scan3A_15 step %scan3A_16  : i32 {
        %mul3A_19 = arith.constant 40 : i32
        %mul3A_20 = arith.muli %scan3A_18, %mul3A_19 : i32
        "tpu.region"() ({
          %run_scoped3A = tpu.sem_alloc : memref<!tpu.dma_semaphore, #tpu.memory_space<semaphore_mem>>
          %dma_start3A = arith.constant 0 : i32
          %dma_start3A_27 = tpu.memref_slice %arg4[%arg1, %mul3A_20, %dma_start3A] : memref<16x160x125xi32, #tpu.memory_space<hbm>> -> memref<1x40x125xi32, #tpu.memory_space<hbm>>
          %dma_start3A_28 = tpu.memref_squeeze %dma_start3A_27 : memref<1x40x125xi32, #tpu.memory_space<hbm>> -> memref<40x125xi32, #tpu.memory_space<hbm>>
          %dma_start3A_29 = arith.constant 0 : i32
          %dma_start3A_30 = tpu.memref_slice %arg4[%arg1, %mul3A_20, %dma_start3A_29] : memref<16x160x125xi32, #tpu.memory_space<hbm>> -> memref<1x40x125xi32, #tpu.memory_space<hbm>>
          %dma_start3A_31 = tpu.memref_squeeze %dma_start3A_30 : memref<1x40x125xi32, #tpu.memory_space<hbm>> -> memref<40x125xi32, #tpu.memory_space<hbm>>
          tpu.enqueue_dma source(%dma_start3A_31 : memref<40x125xi32, #tpu.memory_space<hbm>>) target(%arg7 : memref<40x125xi32, #tpu.memory_space<vmem>>) target_semaphore(%run_scoped3A : memref<!tpu.dma_semaphore, #tpu.memory_space<semaphore_mem>>)
          %dma_wait3A = arith.constant 0 : i32
          %dma_wait3A_32 = tpu.memref_slice %arg4[%arg1, %mul3A_20, %dma_wait3A] : memref<16x160x125xi32, #tpu.memory_space<hbm>> -> memref<1x40x125xi32, #tpu.memory_space<hbm>>
          %dma_wait3A_33 = tpu.memref_squeeze %dma_wait3A_32 : memref<1x40x125xi32, #tpu.memory_space<hbm>> -> memref<40x125xi32, #tpu.memory_space<hbm>>
          %dma_wait3A_34 = arith.constant 0 : i32
          %dma_wait3A_35 = tpu.memref_slice %arg4[%arg1, %mul3A_20, %dma_wait3A_34] : memref<16x160x125xi32, #tpu.memory_space<hbm>> -> memref<1x40x125xi32, #tpu.memory_space<hbm>>
          %dma_wait3A_36 = tpu.memref_squeeze %dma_wait3A_35 : memref<1x40x125xi32, #tpu.memory_space<hbm>> -> memref<40x125xi32, #tpu.memory_space<hbm>>
          tpu.wait_dma2 semaphore(%run_scoped3A : memref<!tpu.dma_semaphore, #tpu.memory_space<semaphore_mem>>) src(%dma_wait3A_36 : memref<40x125xi32, #tpu.memory_space<hbm>>) dst(%arg7 : memref<40x125xi32, #tpu.memory_space<vmem>>)
          tpu.yield
        }) : () -> ()
        %scan3A_21 = arith.constant 0 : i32
        %scan3A_22 = arith.constant 0 : i32
        %scan3A_23 = arith.constant 40 : i32
        %scan3A_24 = arith.addi %scan3A_22, %scan3A_23 : i32
        %scan3A_25 = arith.constant 1 : i32
        scf.for %scan3A_27 = %scan3A_22 to %scan3A_24 step %scan3A_25  : i32 {
          "tpu.region"() ({
            %run_scoped3A = tpu.sem_alloc : memref<!tpu.dma_semaphore, #tpu.memory_space<semaphore_mem>>
            %dma_start3A = arith.constant 0 : i32
            %dma_start3A_28 = tpu.memref_slice %arg7[%scan3A_27, %dma_start3A] : memref<40x125xi32, #tpu.memory_space<vmem>> -> memref<1x125xi32, #tpu.memory_space<vmem>>
            %dma_start3A_29 = tpu.memref_squeeze %dma_start3A_28 : memref<1x125xi32, #tpu.memory_space<vmem>> -> memref<125xi32, #tpu.memory_space<vmem>>
            %dma_start3A_30 = arith.constant 0 : i32
            %dma_start3A_31 = arith.constant 0 : i32
            %dma_start3A_32 = tpu.memref_slice %arg9[%dma_start3A_30, %dma_start3A_31] : memref<10112x128xf32, #tpu.memory_space<vmem_shared>> -> memref<10112x128xf32, #tpu.memory_space<vmem_shared>>
            tpu.enqueue_indirect_dma source(%arg8 : memref<125x128xf32, #tpu.memory_space<vmem>>) target(%dma_start3A_32 : memref<10112x128xf32, #tpu.memory_space<vmem_shared>>) offsets(%dma_start3A_29 : memref<125xi32, #tpu.memory_space<vmem>>) semaphore(%run_scoped3A : memref<!tpu.dma_semaphore, #tpu.memory_space<semaphore_mem>>) {add = true}
            %dma_wait3A = arith.constant 0 : i32
            %dma_wait3A_33 = tpu.memref_slice %arg7[%scan3A_27, %dma_wait3A] : memref<40x125xi32, #tpu.memory_space<vmem>> -> memref<1x125xi32, #tpu.memory_space<vmem>>
            %dma_wait3A_34 = tpu.memref_squeeze %dma_wait3A_33 : memref<1x125xi32, #tpu.memory_space<vmem>> -> memref<125xi32, #tpu.memory_space<vmem>>
            %dma_wait3A_35 = arith.constant 0 : i32
            %dma_wait3A_36 = arith.constant 0 : i32
            %dma_wait3A_37 = tpu.memref_slice %arg9[%dma_wait3A_35, %dma_wait3A_36] : memref<10112x128xf32, #tpu.memory_space<vmem_shared>> -> memref<10112x128xf32, #tpu.memory_space<vmem_shared>>
            tpu.wait_indirect_dma semaphore(%run_scoped3A : memref<!tpu.dma_semaphore, #tpu.memory_space<semaphore_mem>>) src(%arg8 : memref<125x128xf32, #tpu.memory_space<vmem>>) dst(%dma_wait3A_37 : memref<10112x128xf32, #tpu.memory_space<vmem_shared>>)
            tpu.yield
          }) : () -> ()
        }
        %scan3A_26 = arith.constant 40 : i32
      }
      %scan3A_17 = arith.constant 4 : i32
    } else {
    }
    %barrier3A_8 = arith.constant 0 : index
    tpu.barrier barrier_id(%barrier3A_8)
    %mul3A_9 = arith.constant 632 : i32
    %mul3A_10 = arith.muli %arg1, %mul3A_9 : i32
    %mul3A_11 = arith.constant 632 : i32
    %mul3A_12 = arith.muli %arg1, %mul3A_11 : i32
    "tpu.region"() ({
      %run_scoped3A = tpu.sem_alloc : memref<!tpu.dma_semaphore, #tpu.memory_space<semaphore_mem>>
      %dma_start3A = arith.constant 0 : i32
      %dma_start3A_13 = tpu.memref_slice %arg6[%arg0, %mul3A_12, %dma_start3A] : memref<2x10112x128xf32, #tpu.memory_space<hbm>> -> memref<1x632x128xf32, #tpu.memory_space<hbm>>
      %dma_start3A_14 = tpu.memref_squeeze %dma_start3A_13 : memref<1x632x128xf32, #tpu.memory_space<hbm>> -> memref<632x128xf32, #tpu.memory_space<hbm>>
      %dma_start3A_15 = arith.constant 0 : i32
      %dma_start3A_16 = tpu.memref_slice %arg9[%mul3A_10, %dma_start3A_15] : memref<10112x128xf32, #tpu.memory_space<vmem_shared>> -> memref<632x128xf32, #tpu.memory_space<vmem_shared>>
      tpu.enqueue_dma source(%dma_start3A_16 : memref<632x128xf32, #tpu.memory_space<vmem_shared>>) target(%dma_start3A_14 : memref<632x128xf32, #tpu.memory_space<hbm>>) target_semaphore(%run_scoped3A : memref<!tpu.dma_semaphore, #tpu.memory_space<semaphore_mem>>)
      %dma_wait3A = arith.constant 0 : i32
      %dma_wait3A_17 = tpu.memref_slice %arg6[%arg0, %mul3A_12, %dma_wait3A] : memref<2x10112x128xf32, #tpu.memory_space<hbm>> -> memref<1x632x128xf32, #tpu.memory_space<hbm>>
      %dma_wait3A_18 = tpu.memref_squeeze %dma_wait3A_17 : memref<1x632x128xf32, #tpu.memory_space<hbm>> -> memref<632x128xf32, #tpu.memory_space<hbm>>
      %dma_wait3A_19 = arith.constant 0 : i32
      %dma_wait3A_20 = tpu.memref_slice %arg9[%mul3A_10, %dma_wait3A_19] : memref<10112x128xf32, #tpu.memory_space<vmem_shared>> -> memref<632x128xf32, #tpu.memory_space<vmem_shared>>
      tpu.wait_dma2 semaphore(%run_scoped3A : memref<!tpu.dma_semaphore, #tpu.memory_space<semaphore_mem>>) src(%dma_wait3A_20 : memref<632x128xf32, #tpu.memory_space<vmem_shared>>) dst(%dma_wait3A_18 : memref<632x128xf32, #tpu.memory_space<hbm>>)
      tpu.yield
    }) : () -> ()
    return
  }
}

#map = affine_map<(d0, d1) -> (0, 0)>
#map1 = affine_map<(d0, d1) -> (0, 0, 0)>
module attributes {stable_mosaic.version = 14 : i64} {
  func.func @body(%arg0: i32, %arg1: i32, %arg2: memref<10000x128xf32, #tpu.memory_space<hbm>>, %arg3: memref<10000x128xf32, #tpu.memory_space<hbm>>, %arg4: memref<16x160x125xi32, #tpu.memory_space<hbm>>, %arg5: memref<16x160x125xi32, #tpu.memory_space<hbm>>, %arg6: memref<16x160x125xi32, #tpu.memory_space<hbm>>, %arg7: memref<16x160x125xi32, #tpu.memory_space<hbm>>, %arg8: memref<632x128xf32, #tpu.memory_space<hbm>>, %arg9: memref<2x10112x128xf32, #tpu.memory_space<hbm>>, %arg10: memref<40x125xi32, #tpu.memory_space<vmem>>, %arg11: memref<40x125xi32, #tpu.memory_space<vmem>>, %arg12: memref<2x125x128xf32, #tpu.memory_space<vmem>>, %arg13: memref<10112x128xf32, #tpu.memory_space<vmem_shared>>, %arg14: memref<!tpu.dma_semaphore, #tpu.memory_space<semaphore_mem>>, %arg15: memref<!tpu.dma_semaphore, #tpu.memory_space<semaphore_mem>>) attributes {dimension_semantics = [#tpu.dimension_semantics<core_parallel>, #tpu.dimension_semantics<subcore_parallel>], iteration_bounds = array<i64: 2, 16>, scalar_prefetch = 0 : i64, scratch_operands = 6 : i64, tpu.core_type = #tpu.core_type<sc_vector_subcore>, window_params = [{transform_indices = #map}, {transform_indices = #map}, {transform_indices = #map1}, {transform_indices = #map1}, {transform_indices = #map1}, {transform_indices = #map1}, {transform_indices = #map}, {transform_indices = #map1}]} {
    %mul3A = arith.constant 632 : i32
    %mul3A_0 = arith.muli %arg1, %mul3A : i32
    "tpu.region"() ({
      %run_scoped3A = tpu.sem_alloc : memref<!tpu.dma_semaphore, #tpu.memory_space<semaphore_mem>>
      %dma_start3A = arith.constant 0 : i32
      %dma_start3A_13 = tpu.memref_slice %arg13[%mul3A_0, %dma_start3A] : memref<10112x128xf32, #tpu.memory_space<vmem_shared>> -> memref<632x128xf32, #tpu.memory_space<vmem_shared>>
      tpu.enqueue_dma source(%arg8 : memref<632x128xf32, #tpu.memory_space<hbm>>) target(%dma_start3A_13 : memref<632x128xf32, #tpu.memory_space<vmem_shared>>) target_semaphore(%run_scoped3A : memref<!tpu.dma_semaphore, #tpu.memory_space<semaphore_mem>>)
      %dma_wait3A = arith.constant 0 : i32
      %dma_wait3A_14 = tpu.memref_slice %arg13[%mul3A_0, %dma_wait3A] : memref<10112x128xf32, #tpu.memory_space<vmem_shared>> -> memref<632x128xf32, #tpu.memory_space<vmem_shared>>
      tpu.wait_dma2 semaphore(%run_scoped3A : memref<!tpu.dma_semaphore, #tpu.memory_space<semaphore_mem>>) src(%arg8 : memref<632x128xf32, #tpu.memory_space<hbm>>) dst(%dma_wait3A_14 : memref<632x128xf32, #tpu.memory_space<vmem_shared>>)
      tpu.yield
    }) : () -> ()
    %barrier3A = arith.constant 0 : index
    tpu.barrier barrier_id(%barrier3A)
    %eq3A = arith.constant 0 : i32
    %eq3A_1 = arith.cmpi eq, %arg0, %eq3A : i32
    %convert_element_type3A = arith.extui %eq3A_1 : i1 to i32
    %cond3A = arith.constant 0 : i32
    %cond3A_2 = arith.cmpi ne, %convert_element_type3A, %cond3A : i32
    scf.if %cond3A_2 {
      %scan3A = arith.constant 0 : i32
      %scan3A_13 = arith.constant 0 : i32
      %scan3A_14 = arith.constant 4 : i32
      %scan3A_15 = arith.addi %scan3A_13, %scan3A_14 : i32
      %scan3A_16 = arith.constant 1 : i32
      scf.for %scan3A_18 = %scan3A_13 to %scan3A_15 step %scan3A_16  : i32 {
        %mul3A_19 = arith.constant 40 : i32
        %mul3A_20 = arith.muli %scan3A_18, %mul3A_19 : i32
        "tpu.region"() ({
          %run_scoped3A = tpu.sem_alloc : memref<!tpu.dma_semaphore, #tpu.memory_space<semaphore_mem>>
          %dma_start3A_40 = arith.constant 0 : i32
          %dma_start3A_41 = tpu.memref_slice %arg4[%arg1, %mul3A_20, %dma_start3A_40] : memref<16x160x125xi32, #tpu.memory_space<hbm>> -> memref<1x40x125xi32, #tpu.memory_space<hbm>>
          %dma_start3A_42 = tpu.memref_squeeze %dma_start3A_41 : memref<1x40x125xi32, #tpu.memory_space<hbm>> -> memref<40x125xi32, #tpu.memory_space<hbm>>
          %dma_start3A_43 = arith.constant 0 : i32
          %dma_start3A_44 = tpu.memref_slice %arg4[%arg1, %mul3A_20, %dma_start3A_43] : memref<16x160x125xi32, #tpu.memory_space<hbm>> -> memref<1x40x125xi32, #tpu.memory_space<hbm>>
          %dma_start3A_45 = tpu.memref_squeeze %dma_start3A_44 : memref<1x40x125xi32, #tpu.memory_space<hbm>> -> memref<40x125xi32, #tpu.memory_space<hbm>>
          tpu.enqueue_dma source(%dma_start3A_45 : memref<40x125xi32, #tpu.memory_space<hbm>>) target(%arg11 : memref<40x125xi32, #tpu.memory_space<vmem>>) target_semaphore(%run_scoped3A : memref<!tpu.dma_semaphore, #tpu.memory_space<semaphore_mem>>)
          %dma_wait3A = arith.constant 0 : i32
          %dma_wait3A_46 = tpu.memref_slice %arg4[%arg1, %mul3A_20, %dma_wait3A] : memref<16x160x125xi32, #tpu.memory_space<hbm>> -> memref<1x40x125xi32, #tpu.memory_space<hbm>>
          %dma_wait3A_47 = tpu.memref_squeeze %dma_wait3A_46 : memref<1x40x125xi32, #tpu.memory_space<hbm>> -> memref<40x125xi32, #tpu.memory_space<hbm>>
          %dma_wait3A_48 = arith.constant 0 : i32
          %dma_wait3A_49 = tpu.memref_slice %arg4[%arg1, %mul3A_20, %dma_wait3A_48] : memref<16x160x125xi32, #tpu.memory_space<hbm>> -> memref<1x40x125xi32, #tpu.memory_space<hbm>>
          %dma_wait3A_50 = tpu.memref_squeeze %dma_wait3A_49 : memref<1x40x125xi32, #tpu.memory_space<hbm>> -> memref<40x125xi32, #tpu.memory_space<hbm>>
          tpu.wait_dma2 semaphore(%run_scoped3A : memref<!tpu.dma_semaphore, #tpu.memory_space<semaphore_mem>>) src(%dma_wait3A_50 : memref<40x125xi32, #tpu.memory_space<hbm>>) dst(%arg11 : memref<40x125xi32, #tpu.memory_space<vmem>>)
          tpu.yield
        }) : () -> ()
        %mul3A_21 = arith.constant 40 : i32
        %mul3A_22 = arith.muli %scan3A_18, %mul3A_21 : i32
        "tpu.region"() ({
          %run_scoped3A = tpu.sem_alloc : memref<!tpu.dma_semaphore, #tpu.memory_space<semaphore_mem>>
          %dma_start3A_40 = arith.constant 0 : i32
          %dma_start3A_41 = tpu.memref_slice %arg6[%arg1, %mul3A_22, %dma_start3A_40] : memref<16x160x125xi32, #tpu.memory_space<hbm>> -> memref<1x40x125xi32, #tpu.memory_space<hbm>>
          %dma_start3A_42 = tpu.memref_squeeze %dma_start3A_41 : memref<1x40x125xi32, #tpu.memory_space<hbm>> -> memref<40x125xi32, #tpu.memory_space<hbm>>
          %dma_start3A_43 = arith.constant 0 : i32
          %dma_start3A_44 = tpu.memref_slice %arg6[%arg1, %mul3A_22, %dma_start3A_43] : memref<16x160x125xi32, #tpu.memory_space<hbm>> -> memref<1x40x125xi32, #tpu.memory_space<hbm>>
          %dma_start3A_45 = tpu.memref_squeeze %dma_start3A_44 : memref<1x40x125xi32, #tpu.memory_space<hbm>> -> memref<40x125xi32, #tpu.memory_space<hbm>>
          tpu.enqueue_dma source(%dma_start3A_45 : memref<40x125xi32, #tpu.memory_space<hbm>>) target(%arg10 : memref<40x125xi32, #tpu.memory_space<vmem>>) target_semaphore(%run_scoped3A : memref<!tpu.dma_semaphore, #tpu.memory_space<semaphore_mem>>)
          %dma_wait3A = arith.constant 0 : i32
          %dma_wait3A_46 = tpu.memref_slice %arg6[%arg1, %mul3A_22, %dma_wait3A] : memref<16x160x125xi32, #tpu.memory_space<hbm>> -> memref<1x40x125xi32, #tpu.memory_space<hbm>>
          %dma_wait3A_47 = tpu.memref_squeeze %dma_wait3A_46 : memref<1x40x125xi32, #tpu.memory_space<hbm>> -> memref<40x125xi32, #tpu.memory_space<hbm>>
          %dma_wait3A_48 = arith.constant 0 : i32
          %dma_wait3A_49 = tpu.memref_slice %arg6[%arg1, %mul3A_22, %dma_wait3A_48] : memref<16x160x125xi32, #tpu.memory_space<hbm>> -> memref<1x40x125xi32, #tpu.memory_space<hbm>>
          %dma_wait3A_50 = tpu.memref_squeeze %dma_wait3A_49 : memref<1x40x125xi32, #tpu.memory_space<hbm>> -> memref<40x125xi32, #tpu.memory_space<hbm>>
          tpu.wait_dma2 semaphore(%run_scoped3A : memref<!tpu.dma_semaphore, #tpu.memory_space<semaphore_mem>>) src(%dma_wait3A_50 : memref<40x125xi32, #tpu.memory_space<hbm>>) dst(%arg10 : memref<40x125xi32, #tpu.memory_space<vmem>>)
          tpu.yield
        }) : () -> ()
        %dma_start3A = arith.constant 0 : i32
        %dma_start3A_23 = arith.constant 0 : i32
        %dma_start3A_24 = arith.constant 0 : i32
        %dma_start3A_25 = arith.constant 0 : i32
        %dma_start3A_26 = tpu.memref_slice %arg12[%dma_start3A_23, %dma_start3A_24, %dma_start3A_25] : memref<2x125x128xf32, #tpu.memory_space<vmem>> -> memref<1x125x128xf32, #tpu.memory_space<vmem>>
        %dma_start3A_27 = tpu.memref_squeeze %dma_start3A_26 : memref<1x125x128xf32, #tpu.memory_space<vmem>> -> memref<125x128xf32, #tpu.memory_space<vmem>>
        %dma_start3A_28 = arith.constant 0 : i32
        %dma_start3A_29 = tpu.memref_slice %arg10[%dma_start3A, %dma_start3A_28] : memref<40x125xi32, #tpu.memory_space<vmem>> -> memref<1x125xi32, #tpu.memory_space<vmem>>
        %dma_start3A_30 = tpu.memref_squeeze %dma_start3A_29 : memref<1x125xi32, #tpu.memory_space<vmem>> -> memref<125xi32, #tpu.memory_space<vmem>>
        %dma_start3A_31 = arith.constant 0 : i32
        %dma_start3A_32 = arith.constant 0 : i32
        %dma_start3A_33 = tpu.memref_slice %arg2[%dma_start3A_31, %dma_start3A_32] : memref<10000x128xf32, #tpu.memory_space<hbm>> -> memref<10000x128xf32, #tpu.memory_space<hbm>>
        tpu.enqueue_indirect_dma source(%dma_start3A_33 : memref<10000x128xf32, #tpu.memory_space<hbm>>) target(%dma_start3A_27 : memref<125x128xf32, #tpu.memory_space<vmem>>) offsets(%dma_start3A_30 : memref<125xi32, #tpu.memory_space<vmem>>) semaphore(%arg14 : memref<!tpu.dma_semaphore, #tpu.memory_space<semaphore_mem>>)
        %scan3A_34 = arith.constant 0 : i32
        %scan3A_35 = arith.constant 0 : i32
        %scan3A_36 = arith.constant 20 : i32
        %scan3A_37 = arith.addi %scan3A_35, %scan3A_36 : i32
        %scan3A_38 = arith.constant 1 : i32
        scf.for %scan3A_40 = %scan3A_35 to %scan3A_37 step %scan3A_38  : i32 {
          %mul3A_41 = arith.constant 2 : i32
          %mul3A_42 = arith.muli %mul3A_41, %scan3A_40 : i32
          %dma_wait3A = arith.constant 0 : i32
          %dma_wait3A_43 = arith.constant 0 : i32
          %dma_wait3A_44 = arith.constant 0 : i32
          %dma_wait3A_45 = tpu.memref_slice %arg12[%dma_wait3A, %dma_wait3A_43, %dma_wait3A_44] : memref<2x125x128xf32, #tpu.memory_space<vmem>> -> memref<1x125x128xf32, #tpu.memory_space<vmem>>
          %dma_wait3A_46 = tpu.memref_squeeze %dma_wait3A_45 : memref<1x125x128xf32, #tpu.memory_space<vmem>> -> memref<125x128xf32, #tpu.memory_space<vmem>>
          %dma_wait3A_47 = arith.constant 0 : i32
          %dma_wait3A_48 = tpu.memref_slice %arg10[%mul3A_42, %dma_wait3A_47] : memref<40x125xi32, #tpu.memory_space<vmem>> -> memref<1x125xi32, #tpu.memory_space<vmem>>
          %dma_wait3A_49 = tpu.memref_squeeze %dma_wait3A_48 : memref<1x125xi32, #tpu.memory_space<vmem>> -> memref<125xi32, #tpu.memory_space<vmem>>
          %dma_wait3A_50 = arith.constant 0 : i32
          %dma_wait3A_51 = arith.constant 0 : i32
          %dma_wait3A_52 = tpu.memref_slice %arg2[%dma_wait3A_50, %dma_wait3A_51] : memref<10000x128xf32, #tpu.memory_space<hbm>> -> memref<10000x128xf32, #tpu.memory_space<hbm>>
          tpu.wait_indirect_dma semaphore(%arg14 : memref<!tpu.dma_semaphore, #tpu.memory_space<semaphore_mem>>) src(%dma_wait3A_52 : memref<10000x128xf32, #tpu.memory_space<hbm>>) dst(%dma_wait3A_46 : memref<125x128xf32, #tpu.memory_space<vmem>>)
          %add3A = arith.constant 1 : i32
          %add3A_53 = arith.addi %mul3A_42, %add3A : i32
          %dma_start3A_54 = arith.constant 1 : i32
          %dma_start3A_55 = arith.constant 0 : i32
          %dma_start3A_56 = arith.constant 0 : i32
          %dma_start3A_57 = tpu.memref_slice %arg12[%dma_start3A_54, %dma_start3A_55, %dma_start3A_56] : memref<2x125x128xf32, #tpu.memory_space<vmem>> -> memref<1x125x128xf32, #tpu.memory_space<vmem>>
          %dma_start3A_58 = tpu.memref_squeeze %dma_start3A_57 : memref<1x125x128xf32, #tpu.memory_space<vmem>> -> memref<125x128xf32, #tpu.memory_space<vmem>>
          %dma_start3A_59 = arith.constant 0 : i32
          %dma_start3A_60 = tpu.memref_slice %arg10[%add3A_53, %dma_start3A_59] : memref<40x125xi32, #tpu.memory_space<vmem>> -> memref<1x125xi32, #tpu.memory_space<vmem>>
          %dma_start3A_61 = tpu.memref_squeeze %dma_start3A_60 : memref<1x125xi32, #tpu.memory_space<vmem>> -> memref<125xi32, #tpu.memory_space<vmem>>
          %dma_start3A_62 = arith.constant 0 : i32
          %dma_start3A_63 = arith.constant 0 : i32
          %dma_start3A_64 = tpu.memref_slice %arg2[%dma_start3A_62, %dma_start3A_63] : memref<10000x128xf32, #tpu.memory_space<hbm>> -> memref<10000x128xf32, #tpu.memory_space<hbm>>
          tpu.enqueue_indirect_dma source(%dma_start3A_64 : memref<10000x128xf32, #tpu.memory_space<hbm>>) target(%dma_start3A_58 : memref<125x128xf32, #tpu.memory_space<vmem>>) offsets(%dma_start3A_61 : memref<125xi32, #tpu.memory_space<vmem>>) semaphore(%arg15 : memref<!tpu.dma_semaphore, #tpu.memory_space<semaphore_mem>>)
          %run_scoped3A = arith.constant 0 : i32
          "tpu.region"() ({
            %run_scoped3A_85 = tpu.sem_alloc : memref<!tpu.dma_semaphore, #tpu.memory_space<semaphore_mem>>
            %dma_start3A_86 = arith.constant 0 : i32
            %dma_start3A_87 = arith.constant 0 : i32
            %dma_start3A_88 = tpu.memref_slice %arg12[%run_scoped3A, %dma_start3A_86, %dma_start3A_87] : memref<2x125x128xf32, #tpu.memory_space<vmem>> -> memref<1x125x128xf32, #tpu.memory_space<vmem>>
            %dma_start3A_89 = tpu.memref_squeeze %dma_start3A_88 : memref<1x125x128xf32, #tpu.memory_space<vmem>> -> memref<125x128xf32, #tpu.memory_space<vmem>>
            %dma_start3A_90 = arith.constant 0 : i32
            %dma_start3A_91 = tpu.memref_slice %arg11[%mul3A_42, %dma_start3A_90] : memref<40x125xi32, #tpu.memory_space<vmem>> -> memref<1x125xi32, #tpu.memory_space<vmem>>
            %dma_start3A_92 = tpu.memref_squeeze %dma_start3A_91 : memref<1x125xi32, #tpu.memory_space<vmem>> -> memref<125xi32, #tpu.memory_space<vmem>>
            %dma_start3A_93 = arith.constant 0 : i32
            %dma_start3A_94 = arith.constant 0 : i32
            %dma_start3A_95 = tpu.memref_slice %arg13[%dma_start3A_93, %dma_start3A_94] : memref<10112x128xf32, #tpu.memory_space<vmem_shared>> -> memref<10112x128xf32, #tpu.memory_space<vmem_shared>>
            tpu.enqueue_indirect_dma source(%dma_start3A_89 : memref<125x128xf32, #tpu.memory_space<vmem>>) target(%dma_start3A_95 : memref<10112x128xf32, #tpu.memory_space<vmem_shared>>) offsets(%dma_start3A_92 : memref<125xi32, #tpu.memory_space<vmem>>) semaphore(%run_scoped3A_85 : memref<!tpu.dma_semaphore, #tpu.memory_space<semaphore_mem>>) {add = true}
            %dma_wait3A_96 = arith.constant 0 : i32
            %dma_wait3A_97 = arith.constant 0 : i32
            %dma_wait3A_98 = tpu.memref_slice %arg12[%run_scoped3A, %dma_wait3A_96, %dma_wait3A_97] : memref<2x125x128xf32, #tpu.memory_space<vmem>> -> memref<1x125x128xf32, #tpu.memory_space<vmem>>
            %dma_wait3A_99 = tpu.memref_squeeze %dma_wait3A_98 : memref<1x125x128xf32, #tpu.memory_space<vmem>> -> memref<125x128xf32, #tpu.memory_space<vmem>>
            %dma_wait3A_100 = arith.constant 0 : i32
            %dma_wait3A_101 = tpu.memref_slice %arg11[%mul3A_42, %dma_wait3A_100] : memref<40x125xi32, #tpu.memory_space<vmem>> -> memref<1x125xi32, #tpu.memory_space<vmem>>
            %dma_wait3A_102 = tpu.memref_squeeze %dma_wait3A_101 : memref<1x125xi32, #tpu.memory_space<vmem>> -> memref<125xi32, #tpu.memory_space<vmem>>
            %dma_wait3A_103 = arith.constant 0 : i32
            %dma_wait3A_104 = arith.constant 0 : i32
            %dma_wait3A_105 = tpu.memref_slice %arg13[%dma_wait3A_103, %dma_wait3A_104] : memref<10112x128xf32, #tpu.memory_space<vmem_shared>> -> memref<10112x128xf32, #tpu.memory_space<vmem_shared>>
            tpu.wait_indirect_dma semaphore(%run_scoped3A_85 : memref<!tpu.dma_semaphore, #tpu.memory_space<semaphore_mem>>) src(%dma_wait3A_99 : memref<125x128xf32, #tpu.memory_space<vmem>>) dst(%dma_wait3A_105 : memref<10112x128xf32, #tpu.memory_space<vmem_shared>>)
            tpu.yield
          }) : () -> ()
          %add3A_65 = arith.constant 1 : i32
          %add3A_66 = arith.addi %mul3A_42, %add3A_65 : i32
          %dma_wait3A_67 = arith.constant 1 : i32
          %dma_wait3A_68 = arith.constant 0 : i32
          %dma_wait3A_69 = arith.constant 0 : i32
          %dma_wait3A_70 = tpu.memref_slice %arg12[%dma_wait3A_67, %dma_wait3A_68, %dma_wait3A_69] : memref<2x125x128xf32, #tpu.memory_space<vmem>> -> memref<1x125x128xf32, #tpu.memory_space<vmem>>
          %dma_wait3A_71 = tpu.memref_squeeze %dma_wait3A_70 : memref<1x125x128xf32, #tpu.memory_space<vmem>> -> memref<125x128xf32, #tpu.memory_space<vmem>>
          %dma_wait3A_72 = arith.constant 0 : i32
          %dma_wait3A_73 = tpu.memref_slice %arg10[%add3A_66, %dma_wait3A_72] : memref<40x125xi32, #tpu.memory_space<vmem>> -> memref<1x125xi32, #tpu.memory_space<vmem>>
          %dma_wait3A_74 = tpu.memref_squeeze %dma_wait3A_73 : memref<1x125xi32, #tpu.memory_space<vmem>> -> memref<125xi32, #tpu.memory_space<vmem>>
          %dma_wait3A_75 = arith.constant 0 : i32
          %dma_wait3A_76 = arith.constant 0 : i32
          %dma_wait3A_77 = tpu.memref_slice %arg2[%dma_wait3A_75, %dma_wait3A_76] : memref<10000x128xf32, #tpu.memory_space<hbm>> -> memref<10000x128xf32, #tpu.memory_space<hbm>>
          tpu.wait_indirect_dma semaphore(%arg15 : memref<!tpu.dma_semaphore, #tpu.memory_space<semaphore_mem>>) src(%dma_wait3A_77 : memref<10000x128xf32, #tpu.memory_space<hbm>>) dst(%dma_wait3A_71 : memref<125x128xf32, #tpu.memory_space<vmem>>)
          %lt3A = arith.constant 19 : i32
          %lt3A_78 = arith.cmpi slt, %scan3A_40, %lt3A : i32
          %convert_element_type3A_79 = arith.extui %lt3A_78 : i1 to i32
          %cond3A_80 = arith.constant 0 : i32
          %cond3A_81 = arith.cmpi ne, %convert_element_type3A_79, %cond3A_80 : i32
          scf.if %cond3A_81 {
            %add3A_85 = arith.constant 2 : i32
            %add3A_86 = arith.addi %mul3A_42, %add3A_85 : i32
            %dma_start3A_87 = arith.constant 0 : i32
            %dma_start3A_88 = arith.constant 0 : i32
            %dma_start3A_89 = arith.constant 0 : i32
            %dma_start3A_90 = tpu.memref_slice %arg12[%dma_start3A_87, %dma_start3A_88, %dma_start3A_89] : memref<2x125x128xf32, #tpu.memory_space<vmem>> -> memref<1x125x128xf32, #tpu.memory_space<vmem>>
            %dma_start3A_91 = tpu.memref_squeeze %dma_start3A_90 : memref<1x125x128xf32, #tpu.memory_space<vmem>> -> memref<125x128xf32, #tpu.memory_space<vmem>>
            %dma_start3A_92 = arith.constant 0 : i32
            %dma_start3A_93 = tpu.memref_slice %arg10[%add3A_86, %dma_start3A_92] : memref<40x125xi32, #tpu.memory_space<vmem>> -> memref<1x125xi32, #tpu.memory_space<vmem>>
            %dma_start3A_94 = tpu.memref_squeeze %dma_start3A_93 : memref<1x125xi32, #tpu.memory_space<vmem>> -> memref<125xi32, #tpu.memory_space<vmem>>
            %dma_start3A_95 = arith.constant 0 : i32
            %dma_start3A_96 = arith.constant 0 : i32
            %dma_start3A_97 = tpu.memref_slice %arg2[%dma_start3A_95, %dma_start3A_96] : memref<10000x128xf32, #tpu.memory_space<hbm>> -> memref<10000x128xf32, #tpu.memory_space<hbm>>
            tpu.enqueue_indirect_dma source(%dma_start3A_97 : memref<10000x128xf32, #tpu.memory_space<hbm>>) target(%dma_start3A_91 : memref<125x128xf32, #tpu.memory_space<vmem>>) offsets(%dma_start3A_94 : memref<125xi32, #tpu.memory_space<vmem>>) semaphore(%arg14 : memref<!tpu.dma_semaphore, #tpu.memory_space<semaphore_mem>>)
          } else {
          }
          %add3A_82 = arith.constant 1 : i32
          %add3A_83 = arith.addi %mul3A_42, %add3A_82 : i32
          %run_scoped3A_84 = arith.constant 1 : i32
          "tpu.region"() ({
            %run_scoped3A_85 = tpu.sem_alloc : memref<!tpu.dma_semaphore, #tpu.memory_space<semaphore_mem>>
            %dma_start3A_86 = arith.constant 0 : i32
            %dma_start3A_87 = arith.constant 0 : i32
            %dma_start3A_88 = tpu.memref_slice %arg12[%run_scoped3A_84, %dma_start3A_86, %dma_start3A_87] : memref<2x125x128xf32, #tpu.memory_space<vmem>> -> memref<1x125x128xf32, #tpu.memory_space<vmem>>
            %dma_start3A_89 = tpu.memref_squeeze %dma_start3A_88 : memref<1x125x128xf32, #tpu.memory_space<vmem>> -> memref<125x128xf32, #tpu.memory_space<vmem>>
            %dma_start3A_90 = arith.constant 0 : i32
            %dma_start3A_91 = tpu.memref_slice %arg11[%add3A_83, %dma_start3A_90] : memref<40x125xi32, #tpu.memory_space<vmem>> -> memref<1x125xi32, #tpu.memory_space<vmem>>
            %dma_start3A_92 = tpu.memref_squeeze %dma_start3A_91 : memref<1x125xi32, #tpu.memory_space<vmem>> -> memref<125xi32, #tpu.memory_space<vmem>>
            %dma_start3A_93 = arith.constant 0 : i32
            %dma_start3A_94 = arith.constant 0 : i32
            %dma_start3A_95 = tpu.memref_slice %arg13[%dma_start3A_93, %dma_start3A_94] : memref<10112x128xf32, #tpu.memory_space<vmem_shared>> -> memref<10112x128xf32, #tpu.memory_space<vmem_shared>>
            tpu.enqueue_indirect_dma source(%dma_start3A_89 : memref<125x128xf32, #tpu.memory_space<vmem>>) target(%dma_start3A_95 : memref<10112x128xf32, #tpu.memory_space<vmem_shared>>) offsets(%dma_start3A_92 : memref<125xi32, #tpu.memory_space<vmem>>) semaphore(%run_scoped3A_85 : memref<!tpu.dma_semaphore, #tpu.memory_space<semaphore_mem>>) {add = true}
            %dma_wait3A_96 = arith.constant 0 : i32
            %dma_wait3A_97 = arith.constant 0 : i32
            %dma_wait3A_98 = tpu.memref_slice %arg12[%run_scoped3A_84, %dma_wait3A_96, %dma_wait3A_97] : memref<2x125x128xf32, #tpu.memory_space<vmem>> -> memref<1x125x128xf32, #tpu.memory_space<vmem>>
            %dma_wait3A_99 = tpu.memref_squeeze %dma_wait3A_98 : memref<1x125x128xf32, #tpu.memory_space<vmem>> -> memref<125x128xf32, #tpu.memory_space<vmem>>
            %dma_wait3A_100 = arith.constant 0 : i32
            %dma_wait3A_101 = tpu.memref_slice %arg11[%add3A_83, %dma_wait3A_100] : memref<40x125xi32, #tpu.memory_space<vmem>> -> memref<1x125xi32, #tpu.memory_space<vmem>>
            %dma_wait3A_102 = tpu.memref_squeeze %dma_wait3A_101 : memref<1x125xi32, #tpu.memory_space<vmem>> -> memref<125xi32, #tpu.memory_space<vmem>>
            %dma_wait3A_103 = arith.constant 0 : i32
            %dma_wait3A_104 = arith.constant 0 : i32
            %dma_wait3A_105 = tpu.memref_slice %arg13[%dma_wait3A_103, %dma_wait3A_104] : memref<10112x128xf32, #tpu.memory_space<vmem_shared>> -> memref<10112x128xf32, #tpu.memory_space<vmem_shared>>
            tpu.wait_indirect_dma semaphore(%run_scoped3A_85 : memref<!tpu.dma_semaphore, #tpu.memory_space<semaphore_mem>>) src(%dma_wait3A_99 : memref<125x128xf32, #tpu.memory_space<vmem>>) dst(%dma_wait3A_105 : memref<10112x128xf32, #tpu.memory_space<vmem_shared>>)
            tpu.yield
          }) : () -> ()
        }
        %scan3A_39 = arith.constant 20 : i32
      }
      %scan3A_17 = arith.constant 4 : i32
    } else {
    }
    %eq3A_3 = arith.constant 1 : i32
    %eq3A_4 = arith.cmpi eq, %arg0, %eq3A_3 : i32
    %convert_element_type3A_5 = arith.extui %eq3A_4 : i1 to i32
    %cond3A_6 = arith.constant 0 : i32
    %cond3A_7 = arith.cmpi ne, %convert_element_type3A_5, %cond3A_6 : i32
    scf.if %cond3A_7 {
      %scan3A = arith.constant 0 : i32
      %scan3A_13 = arith.constant 0 : i32
      %scan3A_14 = arith.constant 4 : i32
      %scan3A_15 = arith.addi %scan3A_13, %scan3A_14 : i32
      %scan3A_16 = arith.constant 1 : i32
      scf.for %scan3A_18 = %scan3A_13 to %scan3A_15 step %scan3A_16  : i32 {
        %mul3A_19 = arith.constant 40 : i32
        %mul3A_20 = arith.muli %scan3A_18, %mul3A_19 : i32
        "tpu.region"() ({
          %run_scoped3A = tpu.sem_alloc : memref<!tpu.dma_semaphore, #tpu.memory_space<semaphore_mem>>
          %dma_start3A_40 = arith.constant 0 : i32
          %dma_start3A_41 = tpu.memref_slice %arg5[%arg1, %mul3A_20, %dma_start3A_40] : memref<16x160x125xi32, #tpu.memory_space<hbm>> -> memref<1x40x125xi32, #tpu.memory_space<hbm>>
          %dma_start3A_42 = tpu.memref_squeeze %dma_start3A_41 : memref<1x40x125xi32, #tpu.memory_space<hbm>> -> memref<40x125xi32, #tpu.memory_space<hbm>>
          %dma_start3A_43 = arith.constant 0 : i32
          %dma_start3A_44 = tpu.memref_slice %arg5[%arg1, %mul3A_20, %dma_start3A_43] : memref<16x160x125xi32, #tpu.memory_space<hbm>> -> memref<1x40x125xi32, #tpu.memory_space<hbm>>
          %dma_start3A_45 = tpu.memref_squeeze %dma_start3A_44 : memref<1x40x125xi32, #tpu.memory_space<hbm>> -> memref<40x125xi32, #tpu.memory_space<hbm>>
          tpu.enqueue_dma source(%dma_start3A_45 : memref<40x125xi32, #tpu.memory_space<hbm>>) target(%arg11 : memref<40x125xi32, #tpu.memory_space<vmem>>) target_semaphore(%run_scoped3A : memref<!tpu.dma_semaphore, #tpu.memory_space<semaphore_mem>>)
          %dma_wait3A = arith.constant 0 : i32
          %dma_wait3A_46 = tpu.memref_slice %arg5[%arg1, %mul3A_20, %dma_wait3A] : memref<16x160x125xi32, #tpu.memory_space<hbm>> -> memref<1x40x125xi32, #tpu.memory_space<hbm>>
          %dma_wait3A_47 = tpu.memref_squeeze %dma_wait3A_46 : memref<1x40x125xi32, #tpu.memory_space<hbm>> -> memref<40x125xi32, #tpu.memory_space<hbm>>
          %dma_wait3A_48 = arith.constant 0 : i32
          %dma_wait3A_49 = tpu.memref_slice %arg5[%arg1, %mul3A_20, %dma_wait3A_48] : memref<16x160x125xi32, #tpu.memory_space<hbm>> -> memref<1x40x125xi32, #tpu.memory_space<hbm>>
          %dma_wait3A_50 = tpu.memref_squeeze %dma_wait3A_49 : memref<1x40x125xi32, #tpu.memory_space<hbm>> -> memref<40x125xi32, #tpu.memory_space<hbm>>
          tpu.wait_dma2 semaphore(%run_scoped3A : memref<!tpu.dma_semaphore, #tpu.memory_space<semaphore_mem>>) src(%dma_wait3A_50 : memref<40x125xi32, #tpu.memory_space<hbm>>) dst(%arg11 : memref<40x125xi32, #tpu.memory_space<vmem>>)
          tpu.yield
        }) : () -> ()
        %mul3A_21 = arith.constant 40 : i32
        %mul3A_22 = arith.muli %scan3A_18, %mul3A_21 : i32
        "tpu.region"() ({
          %run_scoped3A = tpu.sem_alloc : memref<!tpu.dma_semaphore, #tpu.memory_space<semaphore_mem>>
          %dma_start3A_40 = arith.constant 0 : i32
          %dma_start3A_41 = tpu.memref_slice %arg7[%arg1, %mul3A_22, %dma_start3A_40] : memref<16x160x125xi32, #tpu.memory_space<hbm>> -> memref<1x40x125xi32, #tpu.memory_space<hbm>>
          %dma_start3A_42 = tpu.memref_squeeze %dma_start3A_41 : memref<1x40x125xi32, #tpu.memory_space<hbm>> -> memref<40x125xi32, #tpu.memory_space<hbm>>
          %dma_start3A_43 = arith.constant 0 : i32
          %dma_start3A_44 = tpu.memref_slice %arg7[%arg1, %mul3A_22, %dma_start3A_43] : memref<16x160x125xi32, #tpu.memory_space<hbm>> -> memref<1x40x125xi32, #tpu.memory_space<hbm>>
          %dma_start3A_45 = tpu.memref_squeeze %dma_start3A_44 : memref<1x40x125xi32, #tpu.memory_space<hbm>> -> memref<40x125xi32, #tpu.memory_space<hbm>>
          tpu.enqueue_dma source(%dma_start3A_45 : memref<40x125xi32, #tpu.memory_space<hbm>>) target(%arg10 : memref<40x125xi32, #tpu.memory_space<vmem>>) target_semaphore(%run_scoped3A : memref<!tpu.dma_semaphore, #tpu.memory_space<semaphore_mem>>)
          %dma_wait3A = arith.constant 0 : i32
          %dma_wait3A_46 = tpu.memref_slice %arg7[%arg1, %mul3A_22, %dma_wait3A] : memref<16x160x125xi32, #tpu.memory_space<hbm>> -> memref<1x40x125xi32, #tpu.memory_space<hbm>>
          %dma_wait3A_47 = tpu.memref_squeeze %dma_wait3A_46 : memref<1x40x125xi32, #tpu.memory_space<hbm>> -> memref<40x125xi32, #tpu.memory_space<hbm>>
          %dma_wait3A_48 = arith.constant 0 : i32
          %dma_wait3A_49 = tpu.memref_slice %arg7[%arg1, %mul3A_22, %dma_wait3A_48] : memref<16x160x125xi32, #tpu.memory_space<hbm>> -> memref<1x40x125xi32, #tpu.memory_space<hbm>>
          %dma_wait3A_50 = tpu.memref_squeeze %dma_wait3A_49 : memref<1x40x125xi32, #tpu.memory_space<hbm>> -> memref<40x125xi32, #tpu.memory_space<hbm>>
          tpu.wait_dma2 semaphore(%run_scoped3A : memref<!tpu.dma_semaphore, #tpu.memory_space<semaphore_mem>>) src(%dma_wait3A_50 : memref<40x125xi32, #tpu.memory_space<hbm>>) dst(%arg10 : memref<40x125xi32, #tpu.memory_space<vmem>>)
          tpu.yield
        }) : () -> ()
        %dma_start3A = arith.constant 0 : i32
        %dma_start3A_23 = arith.constant 0 : i32
        %dma_start3A_24 = arith.constant 0 : i32
        %dma_start3A_25 = arith.constant 0 : i32
        %dma_start3A_26 = tpu.memref_slice %arg12[%dma_start3A_23, %dma_start3A_24, %dma_start3A_25] : memref<2x125x128xf32, #tpu.memory_space<vmem>> -> memref<1x125x128xf32, #tpu.memory_space<vmem>>
        %dma_start3A_27 = tpu.memref_squeeze %dma_start3A_26 : memref<1x125x128xf32, #tpu.memory_space<vmem>> -> memref<125x128xf32, #tpu.memory_space<vmem>>
        %dma_start3A_28 = arith.constant 0 : i32
        %dma_start3A_29 = tpu.memref_slice %arg10[%dma_start3A, %dma_start3A_28] : memref<40x125xi32, #tpu.memory_space<vmem>> -> memref<1x125xi32, #tpu.memory_space<vmem>>
        %dma_start3A_30 = tpu.memref_squeeze %dma_start3A_29 : memref<1x125xi32, #tpu.memory_space<vmem>> -> memref<125xi32, #tpu.memory_space<vmem>>
        %dma_start3A_31 = arith.constant 0 : i32
        %dma_start3A_32 = arith.constant 0 : i32
        %dma_start3A_33 = tpu.memref_slice %arg3[%dma_start3A_31, %dma_start3A_32] : memref<10000x128xf32, #tpu.memory_space<hbm>> -> memref<10000x128xf32, #tpu.memory_space<hbm>>
        tpu.enqueue_indirect_dma source(%dma_start3A_33 : memref<10000x128xf32, #tpu.memory_space<hbm>>) target(%dma_start3A_27 : memref<125x128xf32, #tpu.memory_space<vmem>>) offsets(%dma_start3A_30 : memref<125xi32, #tpu.memory_space<vmem>>) semaphore(%arg14 : memref<!tpu.dma_semaphore, #tpu.memory_space<semaphore_mem>>)
        %scan3A_34 = arith.constant 0 : i32
        %scan3A_35 = arith.constant 0 : i32
        %scan3A_36 = arith.constant 20 : i32
        %scan3A_37 = arith.addi %scan3A_35, %scan3A_36 : i32
        %scan3A_38 = arith.constant 1 : i32
        scf.for %scan3A_40 = %scan3A_35 to %scan3A_37 step %scan3A_38  : i32 {
          %mul3A_41 = arith.constant 2 : i32
          %mul3A_42 = arith.muli %mul3A_41, %scan3A_40 : i32
          %dma_wait3A = arith.constant 0 : i32
          %dma_wait3A_43 = arith.constant 0 : i32
          %dma_wait3A_44 = arith.constant 0 : i32
          %dma_wait3A_45 = tpu.memref_slice %arg12[%dma_wait3A, %dma_wait3A_43, %dma_wait3A_44] : memref<2x125x128xf32, #tpu.memory_space<vmem>> -> memref<1x125x128xf32, #tpu.memory_space<vmem>>
          %dma_wait3A_46 = tpu.memref_squeeze %dma_wait3A_45 : memref<1x125x128xf32, #tpu.memory_space<vmem>> -> memref<125x128xf32, #tpu.memory_space<vmem>>
          %dma_wait3A_47 = arith.constant 0 : i32
          %dma_wait3A_48 = tpu.memref_slice %arg10[%mul3A_42, %dma_wait3A_47] : memref<40x125xi32, #tpu.memory_space<vmem>> -> memref<1x125xi32, #tpu.memory_space<vmem>>
          %dma_wait3A_49 = tpu.memref_squeeze %dma_wait3A_48 : memref<1x125xi32, #tpu.memory_space<vmem>> -> memref<125xi32, #tpu.memory_space<vmem>>
          %dma_wait3A_50 = arith.constant 0 : i32
          %dma_wait3A_51 = arith.constant 0 : i32
          %dma_wait3A_52 = tpu.memref_slice %arg3[%dma_wait3A_50, %dma_wait3A_51] : memref<10000x128xf32, #tpu.memory_space<hbm>> -> memref<10000x128xf32, #tpu.memory_space<hbm>>
          tpu.wait_indirect_dma semaphore(%arg14 : memref<!tpu.dma_semaphore, #tpu.memory_space<semaphore_mem>>) src(%dma_wait3A_52 : memref<10000x128xf32, #tpu.memory_space<hbm>>) dst(%dma_wait3A_46 : memref<125x128xf32, #tpu.memory_space<vmem>>)
          %add3A = arith.constant 1 : i32
          %add3A_53 = arith.addi %mul3A_42, %add3A : i32
          %dma_start3A_54 = arith.constant 1 : i32
          %dma_start3A_55 = arith.constant 0 : i32
          %dma_start3A_56 = arith.constant 0 : i32
          %dma_start3A_57 = tpu.memref_slice %arg12[%dma_start3A_54, %dma_start3A_55, %dma_start3A_56] : memref<2x125x128xf32, #tpu.memory_space<vmem>> -> memref<1x125x128xf32, #tpu.memory_space<vmem>>
          %dma_start3A_58 = tpu.memref_squeeze %dma_start3A_57 : memref<1x125x128xf32, #tpu.memory_space<vmem>> -> memref<125x128xf32, #tpu.memory_space<vmem>>
          %dma_start3A_59 = arith.constant 0 : i32
          %dma_start3A_60 = tpu.memref_slice %arg10[%add3A_53, %dma_start3A_59] : memref<40x125xi32, #tpu.memory_space<vmem>> -> memref<1x125xi32, #tpu.memory_space<vmem>>
          %dma_start3A_61 = tpu.memref_squeeze %dma_start3A_60 : memref<1x125xi32, #tpu.memory_space<vmem>> -> memref<125xi32, #tpu.memory_space<vmem>>
          %dma_start3A_62 = arith.constant 0 : i32
          %dma_start3A_63 = arith.constant 0 : i32
          %dma_start3A_64 = tpu.memref_slice %arg3[%dma_start3A_62, %dma_start3A_63] : memref<10000x128xf32, #tpu.memory_space<hbm>> -> memref<10000x128xf32, #tpu.memory_space<hbm>>
          tpu.enqueue_indirect_dma source(%dma_start3A_64 : memref<10000x128xf32, #tpu.memory_space<hbm>>) target(%dma_start3A_58 : memref<125x128xf32, #tpu.memory_space<vmem>>) offsets(%dma_start3A_61 : memref<125xi32, #tpu.memory_space<vmem>>) semaphore(%arg15 : memref<!tpu.dma_semaphore, #tpu.memory_space<semaphore_mem>>)
          %run_scoped3A = arith.constant 0 : i32
          "tpu.region"() ({
            %run_scoped3A_85 = tpu.sem_alloc : memref<!tpu.dma_semaphore, #tpu.memory_space<semaphore_mem>>
            %dma_start3A_86 = arith.constant 0 : i32
            %dma_start3A_87 = arith.constant 0 : i32
            %dma_start3A_88 = tpu.memref_slice %arg12[%run_scoped3A, %dma_start3A_86, %dma_start3A_87] : memref<2x125x128xf32, #tpu.memory_space<vmem>> -> memref<1x125x128xf32, #tpu.memory_space<vmem>>
            %dma_start3A_89 = tpu.memref_squeeze %dma_start3A_88 : memref<1x125x128xf32, #tpu.memory_space<vmem>> -> memref<125x128xf32, #tpu.memory_space<vmem>>
            %dma_start3A_90 = arith.constant 0 : i32
            %dma_start3A_91 = tpu.memref_slice %arg11[%mul3A_42, %dma_start3A_90] : memref<40x125xi32, #tpu.memory_space<vmem>> -> memref<1x125xi32, #tpu.memory_space<vmem>>
            %dma_start3A_92 = tpu.memref_squeeze %dma_start3A_91 : memref<1x125xi32, #tpu.memory_space<vmem>> -> memref<125xi32, #tpu.memory_space<vmem>>
            %dma_start3A_93 = arith.constant 0 : i32
            %dma_start3A_94 = arith.constant 0 : i32
            %dma_start3A_95 = tpu.memref_slice %arg13[%dma_start3A_93, %dma_start3A_94] : memref<10112x128xf32, #tpu.memory_space<vmem_shared>> -> memref<10112x128xf32, #tpu.memory_space<vmem_shared>>
            tpu.enqueue_indirect_dma source(%dma_start3A_89 : memref<125x128xf32, #tpu.memory_space<vmem>>) target(%dma_start3A_95 : memref<10112x128xf32, #tpu.memory_space<vmem_shared>>) offsets(%dma_start3A_92 : memref<125xi32, #tpu.memory_space<vmem>>) semaphore(%run_scoped3A_85 : memref<!tpu.dma_semaphore, #tpu.memory_space<semaphore_mem>>) {add = true}
            %dma_wait3A_96 = arith.constant 0 : i32
            %dma_wait3A_97 = arith.constant 0 : i32
            %dma_wait3A_98 = tpu.memref_slice %arg12[%run_scoped3A, %dma_wait3A_96, %dma_wait3A_97] : memref<2x125x128xf32, #tpu.memory_space<vmem>> -> memref<1x125x128xf32, #tpu.memory_space<vmem>>
            %dma_wait3A_99 = tpu.memref_squeeze %dma_wait3A_98 : memref<1x125x128xf32, #tpu.memory_space<vmem>> -> memref<125x128xf32, #tpu.memory_space<vmem>>
            %dma_wait3A_100 = arith.constant 0 : i32
            %dma_wait3A_101 = tpu.memref_slice %arg11[%mul3A_42, %dma_wait3A_100] : memref<40x125xi32, #tpu.memory_space<vmem>> -> memref<1x125xi32, #tpu.memory_space<vmem>>
            %dma_wait3A_102 = tpu.memref_squeeze %dma_wait3A_101 : memref<1x125xi32, #tpu.memory_space<vmem>> -> memref<125xi32, #tpu.memory_space<vmem>>
            %dma_wait3A_103 = arith.constant 0 : i32
            %dma_wait3A_104 = arith.constant 0 : i32
            %dma_wait3A_105 = tpu.memref_slice %arg13[%dma_wait3A_103, %dma_wait3A_104] : memref<10112x128xf32, #tpu.memory_space<vmem_shared>> -> memref<10112x128xf32, #tpu.memory_space<vmem_shared>>
            tpu.wait_indirect_dma semaphore(%run_scoped3A_85 : memref<!tpu.dma_semaphore, #tpu.memory_space<semaphore_mem>>) src(%dma_wait3A_99 : memref<125x128xf32, #tpu.memory_space<vmem>>) dst(%dma_wait3A_105 : memref<10112x128xf32, #tpu.memory_space<vmem_shared>>)
            tpu.yield
          }) : () -> ()
          %add3A_65 = arith.constant 1 : i32
          %add3A_66 = arith.addi %mul3A_42, %add3A_65 : i32
          %dma_wait3A_67 = arith.constant 1 : i32
          %dma_wait3A_68 = arith.constant 0 : i32
          %dma_wait3A_69 = arith.constant 0 : i32
          %dma_wait3A_70 = tpu.memref_slice %arg12[%dma_wait3A_67, %dma_wait3A_68, %dma_wait3A_69] : memref<2x125x128xf32, #tpu.memory_space<vmem>> -> memref<1x125x128xf32, #tpu.memory_space<vmem>>
          %dma_wait3A_71 = tpu.memref_squeeze %dma_wait3A_70 : memref<1x125x128xf32, #tpu.memory_space<vmem>> -> memref<125x128xf32, #tpu.memory_space<vmem>>
          %dma_wait3A_72 = arith.constant 0 : i32
          %dma_wait3A_73 = tpu.memref_slice %arg10[%add3A_66, %dma_wait3A_72] : memref<40x125xi32, #tpu.memory_space<vmem>> -> memref<1x125xi32, #tpu.memory_space<vmem>>
          %dma_wait3A_74 = tpu.memref_squeeze %dma_wait3A_73 : memref<1x125xi32, #tpu.memory_space<vmem>> -> memref<125xi32, #tpu.memory_space<vmem>>
          %dma_wait3A_75 = arith.constant 0 : i32
          %dma_wait3A_76 = arith.constant 0 : i32
          %dma_wait3A_77 = tpu.memref_slice %arg3[%dma_wait3A_75, %dma_wait3A_76] : memref<10000x128xf32, #tpu.memory_space<hbm>> -> memref<10000x128xf32, #tpu.memory_space<hbm>>
          tpu.wait_indirect_dma semaphore(%arg15 : memref<!tpu.dma_semaphore, #tpu.memory_space<semaphore_mem>>) src(%dma_wait3A_77 : memref<10000x128xf32, #tpu.memory_space<hbm>>) dst(%dma_wait3A_71 : memref<125x128xf32, #tpu.memory_space<vmem>>)
          %lt3A = arith.constant 19 : i32
          %lt3A_78 = arith.cmpi slt, %scan3A_40, %lt3A : i32
          %convert_element_type3A_79 = arith.extui %lt3A_78 : i1 to i32
          %cond3A_80 = arith.constant 0 : i32
          %cond3A_81 = arith.cmpi ne, %convert_element_type3A_79, %cond3A_80 : i32
          scf.if %cond3A_81 {
            %add3A_85 = arith.constant 2 : i32
            %add3A_86 = arith.addi %mul3A_42, %add3A_85 : i32
            %dma_start3A_87 = arith.constant 0 : i32
            %dma_start3A_88 = arith.constant 0 : i32
            %dma_start3A_89 = arith.constant 0 : i32
            %dma_start3A_90 = tpu.memref_slice %arg12[%dma_start3A_87, %dma_start3A_88, %dma_start3A_89] : memref<2x125x128xf32, #tpu.memory_space<vmem>> -> memref<1x125x128xf32, #tpu.memory_space<vmem>>
            %dma_start3A_91 = tpu.memref_squeeze %dma_start3A_90 : memref<1x125x128xf32, #tpu.memory_space<vmem>> -> memref<125x128xf32, #tpu.memory_space<vmem>>
            %dma_start3A_92 = arith.constant 0 : i32
            %dma_start3A_93 = tpu.memref_slice %arg10[%add3A_86, %dma_start3A_92] : memref<40x125xi32, #tpu.memory_space<vmem>> -> memref<1x125xi32, #tpu.memory_space<vmem>>
            %dma_start3A_94 = tpu.memref_squeeze %dma_start3A_93 : memref<1x125xi32, #tpu.memory_space<vmem>> -> memref<125xi32, #tpu.memory_space<vmem>>
            %dma_start3A_95 = arith.constant 0 : i32
            %dma_start3A_96 = arith.constant 0 : i32
            %dma_start3A_97 = tpu.memref_slice %arg3[%dma_start3A_95, %dma_start3A_96] : memref<10000x128xf32, #tpu.memory_space<hbm>> -> memref<10000x128xf32, #tpu.memory_space<hbm>>
            tpu.enqueue_indirect_dma source(%dma_start3A_97 : memref<10000x128xf32, #tpu.memory_space<hbm>>) target(%dma_start3A_91 : memref<125x128xf32, #tpu.memory_space<vmem>>) offsets(%dma_start3A_94 : memref<125xi32, #tpu.memory_space<vmem>>) semaphore(%arg14 : memref<!tpu.dma_semaphore, #tpu.memory_space<semaphore_mem>>)
          } else {
          }
          %add3A_82 = arith.constant 1 : i32
          %add3A_83 = arith.addi %mul3A_42, %add3A_82 : i32
          %run_scoped3A_84 = arith.constant 1 : i32
          "tpu.region"() ({
            %run_scoped3A_85 = tpu.sem_alloc : memref<!tpu.dma_semaphore, #tpu.memory_space<semaphore_mem>>
            %dma_start3A_86 = arith.constant 0 : i32
            %dma_start3A_87 = arith.constant 0 : i32
            %dma_start3A_88 = tpu.memref_slice %arg12[%run_scoped3A_84, %dma_start3A_86, %dma_start3A_87] : memref<2x125x128xf32, #tpu.memory_space<vmem>> -> memref<1x125x128xf32, #tpu.memory_space<vmem>>
            %dma_start3A_89 = tpu.memref_squeeze %dma_start3A_88 : memref<1x125x128xf32, #tpu.memory_space<vmem>> -> memref<125x128xf32, #tpu.memory_space<vmem>>
            %dma_start3A_90 = arith.constant 0 : i32
            %dma_start3A_91 = tpu.memref_slice %arg11[%add3A_83, %dma_start3A_90] : memref<40x125xi32, #tpu.memory_space<vmem>> -> memref<1x125xi32, #tpu.memory_space<vmem>>
            %dma_start3A_92 = tpu.memref_squeeze %dma_start3A_91 : memref<1x125xi32, #tpu.memory_space<vmem>> -> memref<125xi32, #tpu.memory_space<vmem>>
            %dma_start3A_93 = arith.constant 0 : i32
            %dma_start3A_94 = arith.constant 0 : i32
            %dma_start3A_95 = tpu.memref_slice %arg13[%dma_start3A_93, %dma_start3A_94] : memref<10112x128xf32, #tpu.memory_space<vmem_shared>> -> memref<10112x128xf32, #tpu.memory_space<vmem_shared>>
            tpu.enqueue_indirect_dma source(%dma_start3A_89 : memref<125x128xf32, #tpu.memory_space<vmem>>) target(%dma_start3A_95 : memref<10112x128xf32, #tpu.memory_space<vmem_shared>>) offsets(%dma_start3A_92 : memref<125xi32, #tpu.memory_space<vmem>>) semaphore(%run_scoped3A_85 : memref<!tpu.dma_semaphore, #tpu.memory_space<semaphore_mem>>) {add = true}
            %dma_wait3A_96 = arith.constant 0 : i32
            %dma_wait3A_97 = arith.constant 0 : i32
            %dma_wait3A_98 = tpu.memref_slice %arg12[%run_scoped3A_84, %dma_wait3A_96, %dma_wait3A_97] : memref<2x125x128xf32, #tpu.memory_space<vmem>> -> memref<1x125x128xf32, #tpu.memory_space<vmem>>
            %dma_wait3A_99 = tpu.memref_squeeze %dma_wait3A_98 : memref<1x125x128xf32, #tpu.memory_space<vmem>> -> memref<125x128xf32, #tpu.memory_space<vmem>>
            %dma_wait3A_100 = arith.constant 0 : i32
            %dma_wait3A_101 = tpu.memref_slice %arg11[%add3A_83, %dma_wait3A_100] : memref<40x125xi32, #tpu.memory_space<vmem>> -> memref<1x125xi32, #tpu.memory_space<vmem>>
            %dma_wait3A_102 = tpu.memref_squeeze %dma_wait3A_101 : memref<1x125xi32, #tpu.memory_space<vmem>> -> memref<125xi32, #tpu.memory_space<vmem>>
            %dma_wait3A_103 = arith.constant 0 : i32
            %dma_wait3A_104 = arith.constant 0 : i32
            %dma_wait3A_105 = tpu.memref_slice %arg13[%dma_wait3A_103, %dma_wait3A_104] : memref<10112x128xf32, #tpu.memory_space<vmem_shared>> -> memref<10112x128xf32, #tpu.memory_space<vmem_shared>>
            tpu.wait_indirect_dma semaphore(%run_scoped3A_85 : memref<!tpu.dma_semaphore, #tpu.memory_space<semaphore_mem>>) src(%dma_wait3A_99 : memref<125x128xf32, #tpu.memory_space<vmem>>) dst(%dma_wait3A_105 : memref<10112x128xf32, #tpu.memory_space<vmem_shared>>)
            tpu.yield
          }) : () -> ()
        }
        %scan3A_39 = arith.constant 20 : i32
      }
      %scan3A_17 = arith.constant 4 : i32
    } else {
    }
    %barrier3A_8 = arith.constant 0 : index
    tpu.barrier barrier_id(%barrier3A_8)
    %mul3A_9 = arith.constant 632 : i32
    %mul3A_10 = arith.muli %arg1, %mul3A_9 : i32
    %mul3A_11 = arith.constant 632 : i32
    %mul3A_12 = arith.muli %arg1, %mul3A_11 : i32
    "tpu.region"() ({
      %run_scoped3A = tpu.sem_alloc : memref<!tpu.dma_semaphore, #tpu.memory_space<semaphore_mem>>
      %dma_start3A = arith.constant 0 : i32
      %dma_start3A_13 = tpu.memref_slice %arg9[%arg0, %mul3A_12, %dma_start3A] : memref<2x10112x128xf32, #tpu.memory_space<hbm>> -> memref<1x632x128xf32, #tpu.memory_space<hbm>>
      %dma_start3A_14 = tpu.memref_squeeze %dma_start3A_13 : memref<1x632x128xf32, #tpu.memory_space<hbm>> -> memref<632x128xf32, #tpu.memory_space<hbm>>
      %dma_start3A_15 = arith.constant 0 : i32
      %dma_start3A_16 = tpu.memref_slice %arg13[%mul3A_10, %dma_start3A_15] : memref<10112x128xf32, #tpu.memory_space<vmem_shared>> -> memref<632x128xf32, #tpu.memory_space<vmem_shared>>
      tpu.enqueue_dma source(%dma_start3A_16 : memref<632x128xf32, #tpu.memory_space<vmem_shared>>) target(%dma_start3A_14 : memref<632x128xf32, #tpu.memory_space<hbm>>) target_semaphore(%run_scoped3A : memref<!tpu.dma_semaphore, #tpu.memory_space<semaphore_mem>>)
      %dma_wait3A = arith.constant 0 : i32
      %dma_wait3A_17 = tpu.memref_slice %arg9[%arg0, %mul3A_12, %dma_wait3A] : memref<2x10112x128xf32, #tpu.memory_space<hbm>> -> memref<1x632x128xf32, #tpu.memory_space<hbm>>
      %dma_wait3A_18 = tpu.memref_squeeze %dma_wait3A_17 : memref<1x632x128xf32, #tpu.memory_space<hbm>> -> memref<632x128xf32, #tpu.memory_space<hbm>>
      %dma_wait3A_19 = arith.constant 0 : i32
      %dma_wait3A_20 = tpu.memref_slice %arg13[%mul3A_10, %dma_wait3A_19] : memref<10112x128xf32, #tpu.memory_space<vmem_shared>> -> memref<632x128xf32, #tpu.memory_space<vmem_shared>>
      tpu.wait_dma2 semaphore(%run_scoped3A : memref<!tpu.dma_semaphore, #tpu.memory_space<semaphore_mem>>) src(%dma_wait3A_20 : memref<632x128xf32, #tpu.memory_space<vmem_shared>>) dst(%dma_wait3A_18 : memref<632x128xf32, #tpu.memory_space<hbm>>)
      tpu.yield
    }) : () -> ()
    return
  }
}

#map = affine_map<(d0, d1) -> (0, 0)>
#map1 = affine_map<(d0, d1) -> (0, 0, 0)>
module attributes {stable_mosaic.version = 14 : i64} {
  func.func @body(%arg0: i32, %arg1: i32, %arg2: memref<10000x128xf32, #tpu.memory_space<hbm>>, %arg3: memref<10000x128xf32, #tpu.memory_space<hbm>>, %arg4: memref<16x80x125xi32, #tpu.memory_space<hbm>>, %arg5: memref<16x80x125xi32, #tpu.memory_space<hbm>>, %arg6: memref<16x80x125xi32, #tpu.memory_space<hbm>>, %arg7: memref<16x80x125xi32, #tpu.memory_space<hbm>>, %arg8: memref<632x128xf32, #tpu.memory_space<hbm>>, %arg9: memref<2x10112x128xf32, #tpu.memory_space<hbm>>, %arg10: memref<40x125xi32, #tpu.memory_space<vmem>>, %arg11: memref<40x125xi32, #tpu.memory_space<vmem>>, %arg12: memref<2x125x128xf32, #tpu.memory_space<vmem>>, %arg13: memref<10112x128xf32, #tpu.memory_space<vmem_shared>>, %arg14: memref<!tpu.dma_semaphore, #tpu.memory_space<semaphore_mem>>, %arg15: memref<!tpu.dma_semaphore, #tpu.memory_space<semaphore_mem>>) attributes {dimension_semantics = [#tpu.dimension_semantics<core_parallel>, #tpu.dimension_semantics<subcore_parallel>], iteration_bounds = array<i64: 2, 16>, scalar_prefetch = 0 : i64, scratch_operands = 6 : i64, tpu.core_type = #tpu.core_type<sc_vector_subcore>, window_params = [{transform_indices = #map}, {transform_indices = #map}, {transform_indices = #map1}, {transform_indices = #map1}, {transform_indices = #map1}, {transform_indices = #map1}, {transform_indices = #map}, {transform_indices = #map1}]} {
    %mul3A = arith.constant 632 : i32
    %mul3A_0 = arith.muli %arg1, %mul3A : i32
    "tpu.region"() ({
      %run_scoped3A = tpu.sem_alloc : memref<!tpu.dma_semaphore, #tpu.memory_space<semaphore_mem>>
      %dma_start3A = arith.constant 0 : i32
      %dma_start3A_13 = tpu.memref_slice %arg13[%mul3A_0, %dma_start3A] : memref<10112x128xf32, #tpu.memory_space<vmem_shared>> -> memref<632x128xf32, #tpu.memory_space<vmem_shared>>
      tpu.enqueue_dma source(%arg8 : memref<632x128xf32, #tpu.memory_space<hbm>>) target(%dma_start3A_13 : memref<632x128xf32, #tpu.memory_space<vmem_shared>>) target_semaphore(%run_scoped3A : memref<!tpu.dma_semaphore, #tpu.memory_space<semaphore_mem>>)
      %dma_wait3A = arith.constant 0 : i32
      %dma_wait3A_14 = tpu.memref_slice %arg13[%mul3A_0, %dma_wait3A] : memref<10112x128xf32, #tpu.memory_space<vmem_shared>> -> memref<632x128xf32, #tpu.memory_space<vmem_shared>>
      tpu.wait_dma2 semaphore(%run_scoped3A : memref<!tpu.dma_semaphore, #tpu.memory_space<semaphore_mem>>) src(%arg8 : memref<632x128xf32, #tpu.memory_space<hbm>>) dst(%dma_wait3A_14 : memref<632x128xf32, #tpu.memory_space<vmem_shared>>)
      tpu.yield
    }) : () -> ()
    %barrier3A = arith.constant 0 : index
    tpu.barrier barrier_id(%barrier3A)
    %eq3A = arith.constant 0 : i32
    %eq3A_1 = arith.cmpi eq, %arg0, %eq3A : i32
    %convert_element_type3A = arith.extui %eq3A_1 : i1 to i32
    %cond3A = arith.constant 0 : i32
    %cond3A_2 = arith.cmpi ne, %convert_element_type3A, %cond3A : i32
    scf.if %cond3A_2 {
      %scan3A = arith.constant 0 : i32
      %scan3A_13 = arith.constant 0 : i32
      %scan3A_14 = arith.constant 2 : i32
      %scan3A_15 = arith.addi %scan3A_13, %scan3A_14 : i32
      %scan3A_16 = arith.constant 1 : i32
      scf.for %scan3A_18 = %scan3A_13 to %scan3A_15 step %scan3A_16  : i32 {
        %mul3A_19 = arith.constant 40 : i32
        %mul3A_20 = arith.muli %scan3A_18, %mul3A_19 : i32
        "tpu.region"() ({
          %run_scoped3A = tpu.sem_alloc : memref<!tpu.dma_semaphore, #tpu.memory_space<semaphore_mem>>
          %dma_start3A_40 = arith.constant 0 : i32
          %dma_start3A_41 = tpu.memref_slice %arg4[%arg1, %mul3A_20, %dma_start3A_40] : memref<16x80x125xi32, #tpu.memory_space<hbm>> -> memref<1x40x125xi32, #tpu.memory_space<hbm>>
          %dma_start3A_42 = tpu.memref_squeeze %dma_start3A_41 : memref<1x40x125xi32, #tpu.memory_space<hbm>> -> memref<40x125xi32, #tpu.memory_space<hbm>>
          %dma_start3A_43 = arith.constant 0 : i32
          %dma_start3A_44 = tpu.memref_slice %arg4[%arg1, %mul3A_20, %dma_start3A_43] : memref<16x80x125xi32, #tpu.memory_space<hbm>> -> memref<1x40x125xi32, #tpu.memory_space<hbm>>
          %dma_start3A_45 = tpu.memref_squeeze %dma_start3A_44 : memref<1x40x125xi32, #tpu.memory_space<hbm>> -> memref<40x125xi32, #tpu.memory_space<hbm>>
          tpu.enqueue_dma source(%dma_start3A_45 : memref<40x125xi32, #tpu.memory_space<hbm>>) target(%arg11 : memref<40x125xi32, #tpu.memory_space<vmem>>) target_semaphore(%run_scoped3A : memref<!tpu.dma_semaphore, #tpu.memory_space<semaphore_mem>>)
          %dma_wait3A = arith.constant 0 : i32
          %dma_wait3A_46 = tpu.memref_slice %arg4[%arg1, %mul3A_20, %dma_wait3A] : memref<16x80x125xi32, #tpu.memory_space<hbm>> -> memref<1x40x125xi32, #tpu.memory_space<hbm>>
          %dma_wait3A_47 = tpu.memref_squeeze %dma_wait3A_46 : memref<1x40x125xi32, #tpu.memory_space<hbm>> -> memref<40x125xi32, #tpu.memory_space<hbm>>
          %dma_wait3A_48 = arith.constant 0 : i32
          %dma_wait3A_49 = tpu.memref_slice %arg4[%arg1, %mul3A_20, %dma_wait3A_48] : memref<16x80x125xi32, #tpu.memory_space<hbm>> -> memref<1x40x125xi32, #tpu.memory_space<hbm>>
          %dma_wait3A_50 = tpu.memref_squeeze %dma_wait3A_49 : memref<1x40x125xi32, #tpu.memory_space<hbm>> -> memref<40x125xi32, #tpu.memory_space<hbm>>
          tpu.wait_dma2 semaphore(%run_scoped3A : memref<!tpu.dma_semaphore, #tpu.memory_space<semaphore_mem>>) src(%dma_wait3A_50 : memref<40x125xi32, #tpu.memory_space<hbm>>) dst(%arg11 : memref<40x125xi32, #tpu.memory_space<vmem>>)
          tpu.yield
        }) : () -> ()
        %mul3A_21 = arith.constant 40 : i32
        %mul3A_22 = arith.muli %scan3A_18, %mul3A_21 : i32
        "tpu.region"() ({
          %run_scoped3A = tpu.sem_alloc : memref<!tpu.dma_semaphore, #tpu.memory_space<semaphore_mem>>
          %dma_start3A_40 = arith.constant 0 : i32
          %dma_start3A_41 = tpu.memref_slice %arg6[%arg1, %mul3A_22, %dma_start3A_40] : memref<16x80x125xi32, #tpu.memory_space<hbm>> -> memref<1x40x125xi32, #tpu.memory_space<hbm>>
          %dma_start3A_42 = tpu.memref_squeeze %dma_start3A_41 : memref<1x40x125xi32, #tpu.memory_space<hbm>> -> memref<40x125xi32, #tpu.memory_space<hbm>>
          %dma_start3A_43 = arith.constant 0 : i32
          %dma_start3A_44 = tpu.memref_slice %arg6[%arg1, %mul3A_22, %dma_start3A_43] : memref<16x80x125xi32, #tpu.memory_space<hbm>> -> memref<1x40x125xi32, #tpu.memory_space<hbm>>
          %dma_start3A_45 = tpu.memref_squeeze %dma_start3A_44 : memref<1x40x125xi32, #tpu.memory_space<hbm>> -> memref<40x125xi32, #tpu.memory_space<hbm>>
          tpu.enqueue_dma source(%dma_start3A_45 : memref<40x125xi32, #tpu.memory_space<hbm>>) target(%arg10 : memref<40x125xi32, #tpu.memory_space<vmem>>) target_semaphore(%run_scoped3A : memref<!tpu.dma_semaphore, #tpu.memory_space<semaphore_mem>>)
          %dma_wait3A = arith.constant 0 : i32
          %dma_wait3A_46 = tpu.memref_slice %arg6[%arg1, %mul3A_22, %dma_wait3A] : memref<16x80x125xi32, #tpu.memory_space<hbm>> -> memref<1x40x125xi32, #tpu.memory_space<hbm>>
          %dma_wait3A_47 = tpu.memref_squeeze %dma_wait3A_46 : memref<1x40x125xi32, #tpu.memory_space<hbm>> -> memref<40x125xi32, #tpu.memory_space<hbm>>
          %dma_wait3A_48 = arith.constant 0 : i32
          %dma_wait3A_49 = tpu.memref_slice %arg6[%arg1, %mul3A_22, %dma_wait3A_48] : memref<16x80x125xi32, #tpu.memory_space<hbm>> -> memref<1x40x125xi32, #tpu.memory_space<hbm>>
          %dma_wait3A_50 = tpu.memref_squeeze %dma_wait3A_49 : memref<1x40x125xi32, #tpu.memory_space<hbm>> -> memref<40x125xi32, #tpu.memory_space<hbm>>
          tpu.wait_dma2 semaphore(%run_scoped3A : memref<!tpu.dma_semaphore, #tpu.memory_space<semaphore_mem>>) src(%dma_wait3A_50 : memref<40x125xi32, #tpu.memory_space<hbm>>) dst(%arg10 : memref<40x125xi32, #tpu.memory_space<vmem>>)
          tpu.yield
        }) : () -> ()
        %dma_start3A = arith.constant 0 : i32
        %dma_start3A_23 = arith.constant 0 : i32
        %dma_start3A_24 = arith.constant 0 : i32
        %dma_start3A_25 = arith.constant 0 : i32
        %dma_start3A_26 = tpu.memref_slice %arg12[%dma_start3A_23, %dma_start3A_24, %dma_start3A_25] : memref<2x125x128xf32, #tpu.memory_space<vmem>> -> memref<1x125x128xf32, #tpu.memory_space<vmem>>
        %dma_start3A_27 = tpu.memref_squeeze %dma_start3A_26 : memref<1x125x128xf32, #tpu.memory_space<vmem>> -> memref<125x128xf32, #tpu.memory_space<vmem>>
        %dma_start3A_28 = arith.constant 0 : i32
        %dma_start3A_29 = tpu.memref_slice %arg10[%dma_start3A, %dma_start3A_28] : memref<40x125xi32, #tpu.memory_space<vmem>> -> memref<1x125xi32, #tpu.memory_space<vmem>>
        %dma_start3A_30 = tpu.memref_squeeze %dma_start3A_29 : memref<1x125xi32, #tpu.memory_space<vmem>> -> memref<125xi32, #tpu.memory_space<vmem>>
        %dma_start3A_31 = arith.constant 0 : i32
        %dma_start3A_32 = arith.constant 0 : i32
        %dma_start3A_33 = tpu.memref_slice %arg2[%dma_start3A_31, %dma_start3A_32] : memref<10000x128xf32, #tpu.memory_space<hbm>> -> memref<10000x128xf32, #tpu.memory_space<hbm>>
        tpu.enqueue_indirect_dma source(%dma_start3A_33 : memref<10000x128xf32, #tpu.memory_space<hbm>>) target(%dma_start3A_27 : memref<125x128xf32, #tpu.memory_space<vmem>>) offsets(%dma_start3A_30 : memref<125xi32, #tpu.memory_space<vmem>>) semaphore(%arg14 : memref<!tpu.dma_semaphore, #tpu.memory_space<semaphore_mem>>)
        %scan3A_34 = arith.constant 0 : i32
        %scan3A_35 = arith.constant 0 : i32
        %scan3A_36 = arith.constant 20 : i32
        %scan3A_37 = arith.addi %scan3A_35, %scan3A_36 : i32
        %scan3A_38 = arith.constant 1 : i32
        scf.for %scan3A_40 = %scan3A_35 to %scan3A_37 step %scan3A_38  : i32 {
          %mul3A_41 = arith.constant 2 : i32
          %mul3A_42 = arith.muli %mul3A_41, %scan3A_40 : i32
          %dma_wait3A = arith.constant 0 : i32
          %dma_wait3A_43 = arith.constant 0 : i32
          %dma_wait3A_44 = arith.constant 0 : i32
          %dma_wait3A_45 = tpu.memref_slice %arg12[%dma_wait3A, %dma_wait3A_43, %dma_wait3A_44] : memref<2x125x128xf32, #tpu.memory_space<vmem>> -> memref<1x125x128xf32, #tpu.memory_space<vmem>>
          %dma_wait3A_46 = tpu.memref_squeeze %dma_wait3A_45 : memref<1x125x128xf32, #tpu.memory_space<vmem>> -> memref<125x128xf32, #tpu.memory_space<vmem>>
          %dma_wait3A_47 = arith.constant 0 : i32
          %dma_wait3A_48 = tpu.memref_slice %arg10[%mul3A_42, %dma_wait3A_47] : memref<40x125xi32, #tpu.memory_space<vmem>> -> memref<1x125xi32, #tpu.memory_space<vmem>>
          %dma_wait3A_49 = tpu.memref_squeeze %dma_wait3A_48 : memref<1x125xi32, #tpu.memory_space<vmem>> -> memref<125xi32, #tpu.memory_space<vmem>>
          %dma_wait3A_50 = arith.constant 0 : i32
          %dma_wait3A_51 = arith.constant 0 : i32
          %dma_wait3A_52 = tpu.memref_slice %arg2[%dma_wait3A_50, %dma_wait3A_51] : memref<10000x128xf32, #tpu.memory_space<hbm>> -> memref<10000x128xf32, #tpu.memory_space<hbm>>
          tpu.wait_indirect_dma semaphore(%arg14 : memref<!tpu.dma_semaphore, #tpu.memory_space<semaphore_mem>>) src(%dma_wait3A_52 : memref<10000x128xf32, #tpu.memory_space<hbm>>) dst(%dma_wait3A_46 : memref<125x128xf32, #tpu.memory_space<vmem>>)
          %add3A = arith.constant 1 : i32
          %add3A_53 = arith.addi %mul3A_42, %add3A : i32
          %dma_start3A_54 = arith.constant 1 : i32
          %dma_start3A_55 = arith.constant 0 : i32
          %dma_start3A_56 = arith.constant 0 : i32
          %dma_start3A_57 = tpu.memref_slice %arg12[%dma_start3A_54, %dma_start3A_55, %dma_start3A_56] : memref<2x125x128xf32, #tpu.memory_space<vmem>> -> memref<1x125x128xf32, #tpu.memory_space<vmem>>
          %dma_start3A_58 = tpu.memref_squeeze %dma_start3A_57 : memref<1x125x128xf32, #tpu.memory_space<vmem>> -> memref<125x128xf32, #tpu.memory_space<vmem>>
          %dma_start3A_59 = arith.constant 0 : i32
          %dma_start3A_60 = tpu.memref_slice %arg10[%add3A_53, %dma_start3A_59] : memref<40x125xi32, #tpu.memory_space<vmem>> -> memref<1x125xi32, #tpu.memory_space<vmem>>
          %dma_start3A_61 = tpu.memref_squeeze %dma_start3A_60 : memref<1x125xi32, #tpu.memory_space<vmem>> -> memref<125xi32, #tpu.memory_space<vmem>>
          %dma_start3A_62 = arith.constant 0 : i32
          %dma_start3A_63 = arith.constant 0 : i32
          %dma_start3A_64 = tpu.memref_slice %arg2[%dma_start3A_62, %dma_start3A_63] : memref<10000x128xf32, #tpu.memory_space<hbm>> -> memref<10000x128xf32, #tpu.memory_space<hbm>>
          tpu.enqueue_indirect_dma source(%dma_start3A_64 : memref<10000x128xf32, #tpu.memory_space<hbm>>) target(%dma_start3A_58 : memref<125x128xf32, #tpu.memory_space<vmem>>) offsets(%dma_start3A_61 : memref<125xi32, #tpu.memory_space<vmem>>) semaphore(%arg15 : memref<!tpu.dma_semaphore, #tpu.memory_space<semaphore_mem>>)
          %run_scoped3A = arith.constant 0 : i32
          "tpu.region"() ({
            %run_scoped3A_85 = tpu.sem_alloc : memref<!tpu.dma_semaphore, #tpu.memory_space<semaphore_mem>>
            %dma_start3A_86 = arith.constant 0 : i32
            %dma_start3A_87 = arith.constant 0 : i32
            %dma_start3A_88 = tpu.memref_slice %arg12[%run_scoped3A, %dma_start3A_86, %dma_start3A_87] : memref<2x125x128xf32, #tpu.memory_space<vmem>> -> memref<1x125x128xf32, #tpu.memory_space<vmem>>
            %dma_start3A_89 = tpu.memref_squeeze %dma_start3A_88 : memref<1x125x128xf32, #tpu.memory_space<vmem>> -> memref<125x128xf32, #tpu.memory_space<vmem>>
            %dma_start3A_90 = arith.constant 0 : i32
            %dma_start3A_91 = tpu.memref_slice %arg11[%mul3A_42, %dma_start3A_90] : memref<40x125xi32, #tpu.memory_space<vmem>> -> memref<1x125xi32, #tpu.memory_space<vmem>>
            %dma_start3A_92 = tpu.memref_squeeze %dma_start3A_91 : memref<1x125xi32, #tpu.memory_space<vmem>> -> memref<125xi32, #tpu.memory_space<vmem>>
            %dma_start3A_93 = arith.constant 0 : i32
            %dma_start3A_94 = arith.constant 0 : i32
            %dma_start3A_95 = tpu.memref_slice %arg13[%dma_start3A_93, %dma_start3A_94] : memref<10112x128xf32, #tpu.memory_space<vmem_shared>> -> memref<10112x128xf32, #tpu.memory_space<vmem_shared>>
            tpu.enqueue_indirect_dma source(%dma_start3A_89 : memref<125x128xf32, #tpu.memory_space<vmem>>) target(%dma_start3A_95 : memref<10112x128xf32, #tpu.memory_space<vmem_shared>>) offsets(%dma_start3A_92 : memref<125xi32, #tpu.memory_space<vmem>>) semaphore(%run_scoped3A_85 : memref<!tpu.dma_semaphore, #tpu.memory_space<semaphore_mem>>) {add = true}
            %dma_wait3A_96 = arith.constant 0 : i32
            %dma_wait3A_97 = arith.constant 0 : i32
            %dma_wait3A_98 = tpu.memref_slice %arg12[%run_scoped3A, %dma_wait3A_96, %dma_wait3A_97] : memref<2x125x128xf32, #tpu.memory_space<vmem>> -> memref<1x125x128xf32, #tpu.memory_space<vmem>>
            %dma_wait3A_99 = tpu.memref_squeeze %dma_wait3A_98 : memref<1x125x128xf32, #tpu.memory_space<vmem>> -> memref<125x128xf32, #tpu.memory_space<vmem>>
            %dma_wait3A_100 = arith.constant 0 : i32
            %dma_wait3A_101 = tpu.memref_slice %arg11[%mul3A_42, %dma_wait3A_100] : memref<40x125xi32, #tpu.memory_space<vmem>> -> memref<1x125xi32, #tpu.memory_space<vmem>>
            %dma_wait3A_102 = tpu.memref_squeeze %dma_wait3A_101 : memref<1x125xi32, #tpu.memory_space<vmem>> -> memref<125xi32, #tpu.memory_space<vmem>>
            %dma_wait3A_103 = arith.constant 0 : i32
            %dma_wait3A_104 = arith.constant 0 : i32
            %dma_wait3A_105 = tpu.memref_slice %arg13[%dma_wait3A_103, %dma_wait3A_104] : memref<10112x128xf32, #tpu.memory_space<vmem_shared>> -> memref<10112x128xf32, #tpu.memory_space<vmem_shared>>
            tpu.wait_indirect_dma semaphore(%run_scoped3A_85 : memref<!tpu.dma_semaphore, #tpu.memory_space<semaphore_mem>>) src(%dma_wait3A_99 : memref<125x128xf32, #tpu.memory_space<vmem>>) dst(%dma_wait3A_105 : memref<10112x128xf32, #tpu.memory_space<vmem_shared>>)
            tpu.yield
          }) : () -> ()
          %add3A_65 = arith.constant 1 : i32
          %add3A_66 = arith.addi %mul3A_42, %add3A_65 : i32
          %dma_wait3A_67 = arith.constant 1 : i32
          %dma_wait3A_68 = arith.constant 0 : i32
          %dma_wait3A_69 = arith.constant 0 : i32
          %dma_wait3A_70 = tpu.memref_slice %arg12[%dma_wait3A_67, %dma_wait3A_68, %dma_wait3A_69] : memref<2x125x128xf32, #tpu.memory_space<vmem>> -> memref<1x125x128xf32, #tpu.memory_space<vmem>>
          %dma_wait3A_71 = tpu.memref_squeeze %dma_wait3A_70 : memref<1x125x128xf32, #tpu.memory_space<vmem>> -> memref<125x128xf32, #tpu.memory_space<vmem>>
          %dma_wait3A_72 = arith.constant 0 : i32
          %dma_wait3A_73 = tpu.memref_slice %arg10[%add3A_66, %dma_wait3A_72] : memref<40x125xi32, #tpu.memory_space<vmem>> -> memref<1x125xi32, #tpu.memory_space<vmem>>
          %dma_wait3A_74 = tpu.memref_squeeze %dma_wait3A_73 : memref<1x125xi32, #tpu.memory_space<vmem>> -> memref<125xi32, #tpu.memory_space<vmem>>
          %dma_wait3A_75 = arith.constant 0 : i32
          %dma_wait3A_76 = arith.constant 0 : i32
          %dma_wait3A_77 = tpu.memref_slice %arg2[%dma_wait3A_75, %dma_wait3A_76] : memref<10000x128xf32, #tpu.memory_space<hbm>> -> memref<10000x128xf32, #tpu.memory_space<hbm>>
          tpu.wait_indirect_dma semaphore(%arg15 : memref<!tpu.dma_semaphore, #tpu.memory_space<semaphore_mem>>) src(%dma_wait3A_77 : memref<10000x128xf32, #tpu.memory_space<hbm>>) dst(%dma_wait3A_71 : memref<125x128xf32, #tpu.memory_space<vmem>>)
          %lt3A = arith.constant 19 : i32
          %lt3A_78 = arith.cmpi slt, %scan3A_40, %lt3A : i32
          %convert_element_type3A_79 = arith.extui %lt3A_78 : i1 to i32
          %cond3A_80 = arith.constant 0 : i32
          %cond3A_81 = arith.cmpi ne, %convert_element_type3A_79, %cond3A_80 : i32
          scf.if %cond3A_81 {
            %add3A_85 = arith.constant 2 : i32
            %add3A_86 = arith.addi %mul3A_42, %add3A_85 : i32
            %dma_start3A_87 = arith.constant 0 : i32
            %dma_start3A_88 = arith.constant 0 : i32
            %dma_start3A_89 = arith.constant 0 : i32
            %dma_start3A_90 = tpu.memref_slice %arg12[%dma_start3A_87, %dma_start3A_88, %dma_start3A_89] : memref<2x125x128xf32, #tpu.memory_space<vmem>> -> memref<1x125x128xf32, #tpu.memory_space<vmem>>
            %dma_start3A_91 = tpu.memref_squeeze %dma_start3A_90 : memref<1x125x128xf32, #tpu.memory_space<vmem>> -> memref<125x128xf32, #tpu.memory_space<vmem>>
            %dma_start3A_92 = arith.constant 0 : i32
            %dma_start3A_93 = tpu.memref_slice %arg10[%add3A_86, %dma_start3A_92] : memref<40x125xi32, #tpu.memory_space<vmem>> -> memref<1x125xi32, #tpu.memory_space<vmem>>
            %dma_start3A_94 = tpu.memref_squeeze %dma_start3A_93 : memref<1x125xi32, #tpu.memory_space<vmem>> -> memref<125xi32, #tpu.memory_space<vmem>>
            %dma_start3A_95 = arith.constant 0 : i32
            %dma_start3A_96 = arith.constant 0 : i32
            %dma_start3A_97 = tpu.memref_slice %arg2[%dma_start3A_95, %dma_start3A_96] : memref<10000x128xf32, #tpu.memory_space<hbm>> -> memref<10000x128xf32, #tpu.memory_space<hbm>>
            tpu.enqueue_indirect_dma source(%dma_start3A_97 : memref<10000x128xf32, #tpu.memory_space<hbm>>) target(%dma_start3A_91 : memref<125x128xf32, #tpu.memory_space<vmem>>) offsets(%dma_start3A_94 : memref<125xi32, #tpu.memory_space<vmem>>) semaphore(%arg14 : memref<!tpu.dma_semaphore, #tpu.memory_space<semaphore_mem>>)
          } else {
          }
          %add3A_82 = arith.constant 1 : i32
          %add3A_83 = arith.addi %mul3A_42, %add3A_82 : i32
          %run_scoped3A_84 = arith.constant 1 : i32
          "tpu.region"() ({
            %run_scoped3A_85 = tpu.sem_alloc : memref<!tpu.dma_semaphore, #tpu.memory_space<semaphore_mem>>
            %dma_start3A_86 = arith.constant 0 : i32
            %dma_start3A_87 = arith.constant 0 : i32
            %dma_start3A_88 = tpu.memref_slice %arg12[%run_scoped3A_84, %dma_start3A_86, %dma_start3A_87] : memref<2x125x128xf32, #tpu.memory_space<vmem>> -> memref<1x125x128xf32, #tpu.memory_space<vmem>>
            %dma_start3A_89 = tpu.memref_squeeze %dma_start3A_88 : memref<1x125x128xf32, #tpu.memory_space<vmem>> -> memref<125x128xf32, #tpu.memory_space<vmem>>
            %dma_start3A_90 = arith.constant 0 : i32
            %dma_start3A_91 = tpu.memref_slice %arg11[%add3A_83, %dma_start3A_90] : memref<40x125xi32, #tpu.memory_space<vmem>> -> memref<1x125xi32, #tpu.memory_space<vmem>>
            %dma_start3A_92 = tpu.memref_squeeze %dma_start3A_91 : memref<1x125xi32, #tpu.memory_space<vmem>> -> memref<125xi32, #tpu.memory_space<vmem>>
            %dma_start3A_93 = arith.constant 0 : i32
            %dma_start3A_94 = arith.constant 0 : i32
            %dma_start3A_95 = tpu.memref_slice %arg13[%dma_start3A_93, %dma_start3A_94] : memref<10112x128xf32, #tpu.memory_space<vmem_shared>> -> memref<10112x128xf32, #tpu.memory_space<vmem_shared>>
            tpu.enqueue_indirect_dma source(%dma_start3A_89 : memref<125x128xf32, #tpu.memory_space<vmem>>) target(%dma_start3A_95 : memref<10112x128xf32, #tpu.memory_space<vmem_shared>>) offsets(%dma_start3A_92 : memref<125xi32, #tpu.memory_space<vmem>>) semaphore(%run_scoped3A_85 : memref<!tpu.dma_semaphore, #tpu.memory_space<semaphore_mem>>) {add = true}
            %dma_wait3A_96 = arith.constant 0 : i32
            %dma_wait3A_97 = arith.constant 0 : i32
            %dma_wait3A_98 = tpu.memref_slice %arg12[%run_scoped3A_84, %dma_wait3A_96, %dma_wait3A_97] : memref<2x125x128xf32, #tpu.memory_space<vmem>> -> memref<1x125x128xf32, #tpu.memory_space<vmem>>
            %dma_wait3A_99 = tpu.memref_squeeze %dma_wait3A_98 : memref<1x125x128xf32, #tpu.memory_space<vmem>> -> memref<125x128xf32, #tpu.memory_space<vmem>>
            %dma_wait3A_100 = arith.constant 0 : i32
            %dma_wait3A_101 = tpu.memref_slice %arg11[%add3A_83, %dma_wait3A_100] : memref<40x125xi32, #tpu.memory_space<vmem>> -> memref<1x125xi32, #tpu.memory_space<vmem>>
            %dma_wait3A_102 = tpu.memref_squeeze %dma_wait3A_101 : memref<1x125xi32, #tpu.memory_space<vmem>> -> memref<125xi32, #tpu.memory_space<vmem>>
            %dma_wait3A_103 = arith.constant 0 : i32
            %dma_wait3A_104 = arith.constant 0 : i32
            %dma_wait3A_105 = tpu.memref_slice %arg13[%dma_wait3A_103, %dma_wait3A_104] : memref<10112x128xf32, #tpu.memory_space<vmem_shared>> -> memref<10112x128xf32, #tpu.memory_space<vmem_shared>>
            tpu.wait_indirect_dma semaphore(%run_scoped3A_85 : memref<!tpu.dma_semaphore, #tpu.memory_space<semaphore_mem>>) src(%dma_wait3A_99 : memref<125x128xf32, #tpu.memory_space<vmem>>) dst(%dma_wait3A_105 : memref<10112x128xf32, #tpu.memory_space<vmem_shared>>)
            tpu.yield
          }) : () -> ()
        }
        %scan3A_39 = arith.constant 20 : i32
      }
      %scan3A_17 = arith.constant 2 : i32
    } else {
    }
    %eq3A_3 = arith.constant 1 : i32
    %eq3A_4 = arith.cmpi eq, %arg0, %eq3A_3 : i32
    %convert_element_type3A_5 = arith.extui %eq3A_4 : i1 to i32
    %cond3A_6 = arith.constant 0 : i32
    %cond3A_7 = arith.cmpi ne, %convert_element_type3A_5, %cond3A_6 : i32
    scf.if %cond3A_7 {
      %scan3A = arith.constant 0 : i32
      %scan3A_13 = arith.constant 0 : i32
      %scan3A_14 = arith.constant 2 : i32
      %scan3A_15 = arith.addi %scan3A_13, %scan3A_14 : i32
      %scan3A_16 = arith.constant 1 : i32
      scf.for %scan3A_18 = %scan3A_13 to %scan3A_15 step %scan3A_16  : i32 {
        %mul3A_19 = arith.constant 40 : i32
        %mul3A_20 = arith.muli %scan3A_18, %mul3A_19 : i32
        "tpu.region"() ({
          %run_scoped3A = tpu.sem_alloc : memref<!tpu.dma_semaphore, #tpu.memory_space<semaphore_mem>>
          %dma_start3A_40 = arith.constant 0 : i32
          %dma_start3A_41 = tpu.memref_slice %arg5[%arg1, %mul3A_20, %dma_start3A_40] : memref<16x80x125xi32, #tpu.memory_space<hbm>> -> memref<1x40x125xi32, #tpu.memory_space<hbm>>
          %dma_start3A_42 = tpu.memref_squeeze %dma_start3A_41 : memref<1x40x125xi32, #tpu.memory_space<hbm>> -> memref<40x125xi32, #tpu.memory_space<hbm>>
          %dma_start3A_43 = arith.constant 0 : i32
          %dma_start3A_44 = tpu.memref_slice %arg5[%arg1, %mul3A_20, %dma_start3A_43] : memref<16x80x125xi32, #tpu.memory_space<hbm>> -> memref<1x40x125xi32, #tpu.memory_space<hbm>>
          %dma_start3A_45 = tpu.memref_squeeze %dma_start3A_44 : memref<1x40x125xi32, #tpu.memory_space<hbm>> -> memref<40x125xi32, #tpu.memory_space<hbm>>
          tpu.enqueue_dma source(%dma_start3A_45 : memref<40x125xi32, #tpu.memory_space<hbm>>) target(%arg11 : memref<40x125xi32, #tpu.memory_space<vmem>>) target_semaphore(%run_scoped3A : memref<!tpu.dma_semaphore, #tpu.memory_space<semaphore_mem>>)
          %dma_wait3A = arith.constant 0 : i32
          %dma_wait3A_46 = tpu.memref_slice %arg5[%arg1, %mul3A_20, %dma_wait3A] : memref<16x80x125xi32, #tpu.memory_space<hbm>> -> memref<1x40x125xi32, #tpu.memory_space<hbm>>
          %dma_wait3A_47 = tpu.memref_squeeze %dma_wait3A_46 : memref<1x40x125xi32, #tpu.memory_space<hbm>> -> memref<40x125xi32, #tpu.memory_space<hbm>>
          %dma_wait3A_48 = arith.constant 0 : i32
          %dma_wait3A_49 = tpu.memref_slice %arg5[%arg1, %mul3A_20, %dma_wait3A_48] : memref<16x80x125xi32, #tpu.memory_space<hbm>> -> memref<1x40x125xi32, #tpu.memory_space<hbm>>
          %dma_wait3A_50 = tpu.memref_squeeze %dma_wait3A_49 : memref<1x40x125xi32, #tpu.memory_space<hbm>> -> memref<40x125xi32, #tpu.memory_space<hbm>>
          tpu.wait_dma2 semaphore(%run_scoped3A : memref<!tpu.dma_semaphore, #tpu.memory_space<semaphore_mem>>) src(%dma_wait3A_50 : memref<40x125xi32, #tpu.memory_space<hbm>>) dst(%arg11 : memref<40x125xi32, #tpu.memory_space<vmem>>)
          tpu.yield
        }) : () -> ()
        %mul3A_21 = arith.constant 40 : i32
        %mul3A_22 = arith.muli %scan3A_18, %mul3A_21 : i32
        "tpu.region"() ({
          %run_scoped3A = tpu.sem_alloc : memref<!tpu.dma_semaphore, #tpu.memory_space<semaphore_mem>>
          %dma_start3A_40 = arith.constant 0 : i32
          %dma_start3A_41 = tpu.memref_slice %arg7[%arg1, %mul3A_22, %dma_start3A_40] : memref<16x80x125xi32, #tpu.memory_space<hbm>> -> memref<1x40x125xi32, #tpu.memory_space<hbm>>
          %dma_start3A_42 = tpu.memref_squeeze %dma_start3A_41 : memref<1x40x125xi32, #tpu.memory_space<hbm>> -> memref<40x125xi32, #tpu.memory_space<hbm>>
          %dma_start3A_43 = arith.constant 0 : i32
          %dma_start3A_44 = tpu.memref_slice %arg7[%arg1, %mul3A_22, %dma_start3A_43] : memref<16x80x125xi32, #tpu.memory_space<hbm>> -> memref<1x40x125xi32, #tpu.memory_space<hbm>>
          %dma_start3A_45 = tpu.memref_squeeze %dma_start3A_44 : memref<1x40x125xi32, #tpu.memory_space<hbm>> -> memref<40x125xi32, #tpu.memory_space<hbm>>
          tpu.enqueue_dma source(%dma_start3A_45 : memref<40x125xi32, #tpu.memory_space<hbm>>) target(%arg10 : memref<40x125xi32, #tpu.memory_space<vmem>>) target_semaphore(%run_scoped3A : memref<!tpu.dma_semaphore, #tpu.memory_space<semaphore_mem>>)
          %dma_wait3A = arith.constant 0 : i32
          %dma_wait3A_46 = tpu.memref_slice %arg7[%arg1, %mul3A_22, %dma_wait3A] : memref<16x80x125xi32, #tpu.memory_space<hbm>> -> memref<1x40x125xi32, #tpu.memory_space<hbm>>
          %dma_wait3A_47 = tpu.memref_squeeze %dma_wait3A_46 : memref<1x40x125xi32, #tpu.memory_space<hbm>> -> memref<40x125xi32, #tpu.memory_space<hbm>>
          %dma_wait3A_48 = arith.constant 0 : i32
          %dma_wait3A_49 = tpu.memref_slice %arg7[%arg1, %mul3A_22, %dma_wait3A_48] : memref<16x80x125xi32, #tpu.memory_space<hbm>> -> memref<1x40x125xi32, #tpu.memory_space<hbm>>
          %dma_wait3A_50 = tpu.memref_squeeze %dma_wait3A_49 : memref<1x40x125xi32, #tpu.memory_space<hbm>> -> memref<40x125xi32, #tpu.memory_space<hbm>>
          tpu.wait_dma2 semaphore(%run_scoped3A : memref<!tpu.dma_semaphore, #tpu.memory_space<semaphore_mem>>) src(%dma_wait3A_50 : memref<40x125xi32, #tpu.memory_space<hbm>>) dst(%arg10 : memref<40x125xi32, #tpu.memory_space<vmem>>)
          tpu.yield
        }) : () -> ()
        %dma_start3A = arith.constant 0 : i32
        %dma_start3A_23 = arith.constant 0 : i32
        %dma_start3A_24 = arith.constant 0 : i32
        %dma_start3A_25 = arith.constant 0 : i32
        %dma_start3A_26 = tpu.memref_slice %arg12[%dma_start3A_23, %dma_start3A_24, %dma_start3A_25] : memref<2x125x128xf32, #tpu.memory_space<vmem>> -> memref<1x125x128xf32, #tpu.memory_space<vmem>>
        %dma_start3A_27 = tpu.memref_squeeze %dma_start3A_26 : memref<1x125x128xf32, #tpu.memory_space<vmem>> -> memref<125x128xf32, #tpu.memory_space<vmem>>
        %dma_start3A_28 = arith.constant 0 : i32
        %dma_start3A_29 = tpu.memref_slice %arg10[%dma_start3A, %dma_start3A_28] : memref<40x125xi32, #tpu.memory_space<vmem>> -> memref<1x125xi32, #tpu.memory_space<vmem>>
        %dma_start3A_30 = tpu.memref_squeeze %dma_start3A_29 : memref<1x125xi32, #tpu.memory_space<vmem>> -> memref<125xi32, #tpu.memory_space<vmem>>
        %dma_start3A_31 = arith.constant 0 : i32
        %dma_start3A_32 = arith.constant 0 : i32
        %dma_start3A_33 = tpu.memref_slice %arg3[%dma_start3A_31, %dma_start3A_32] : memref<10000x128xf32, #tpu.memory_space<hbm>> -> memref<10000x128xf32, #tpu.memory_space<hbm>>
        tpu.enqueue_indirect_dma source(%dma_start3A_33 : memref<10000x128xf32, #tpu.memory_space<hbm>>) target(%dma_start3A_27 : memref<125x128xf32, #tpu.memory_space<vmem>>) offsets(%dma_start3A_30 : memref<125xi32, #tpu.memory_space<vmem>>) semaphore(%arg14 : memref<!tpu.dma_semaphore, #tpu.memory_space<semaphore_mem>>)
        %scan3A_34 = arith.constant 0 : i32
        %scan3A_35 = arith.constant 0 : i32
        %scan3A_36 = arith.constant 20 : i32
        %scan3A_37 = arith.addi %scan3A_35, %scan3A_36 : i32
        %scan3A_38 = arith.constant 1 : i32
        scf.for %scan3A_40 = %scan3A_35 to %scan3A_37 step %scan3A_38  : i32 {
          %mul3A_41 = arith.constant 2 : i32
          %mul3A_42 = arith.muli %mul3A_41, %scan3A_40 : i32
          %dma_wait3A = arith.constant 0 : i32
          %dma_wait3A_43 = arith.constant 0 : i32
          %dma_wait3A_44 = arith.constant 0 : i32
          %dma_wait3A_45 = tpu.memref_slice %arg12[%dma_wait3A, %dma_wait3A_43, %dma_wait3A_44] : memref<2x125x128xf32, #tpu.memory_space<vmem>> -> memref<1x125x128xf32, #tpu.memory_space<vmem>>
          %dma_wait3A_46 = tpu.memref_squeeze %dma_wait3A_45 : memref<1x125x128xf32, #tpu.memory_space<vmem>> -> memref<125x128xf32, #tpu.memory_space<vmem>>
          %dma_wait3A_47 = arith.constant 0 : i32
          %dma_wait3A_48 = tpu.memref_slice %arg10[%mul3A_42, %dma_wait3A_47] : memref<40x125xi32, #tpu.memory_space<vmem>> -> memref<1x125xi32, #tpu.memory_space<vmem>>
          %dma_wait3A_49 = tpu.memref_squeeze %dma_wait3A_48 : memref<1x125xi32, #tpu.memory_space<vmem>> -> memref<125xi32, #tpu.memory_space<vmem>>
          %dma_wait3A_50 = arith.constant 0 : i32
          %dma_wait3A_51 = arith.constant 0 : i32
          %dma_wait3A_52 = tpu.memref_slice %arg3[%dma_wait3A_50, %dma_wait3A_51] : memref<10000x128xf32, #tpu.memory_space<hbm>> -> memref<10000x128xf32, #tpu.memory_space<hbm>>
          tpu.wait_indirect_dma semaphore(%arg14 : memref<!tpu.dma_semaphore, #tpu.memory_space<semaphore_mem>>) src(%dma_wait3A_52 : memref<10000x128xf32, #tpu.memory_space<hbm>>) dst(%dma_wait3A_46 : memref<125x128xf32, #tpu.memory_space<vmem>>)
          %add3A = arith.constant 1 : i32
          %add3A_53 = arith.addi %mul3A_42, %add3A : i32
          %dma_start3A_54 = arith.constant 1 : i32
          %dma_start3A_55 = arith.constant 0 : i32
          %dma_start3A_56 = arith.constant 0 : i32
          %dma_start3A_57 = tpu.memref_slice %arg12[%dma_start3A_54, %dma_start3A_55, %dma_start3A_56] : memref<2x125x128xf32, #tpu.memory_space<vmem>> -> memref<1x125x128xf32, #tpu.memory_space<vmem>>
          %dma_start3A_58 = tpu.memref_squeeze %dma_start3A_57 : memref<1x125x128xf32, #tpu.memory_space<vmem>> -> memref<125x128xf32, #tpu.memory_space<vmem>>
          %dma_start3A_59 = arith.constant 0 : i32
          %dma_start3A_60 = tpu.memref_slice %arg10[%add3A_53, %dma_start3A_59] : memref<40x125xi32, #tpu.memory_space<vmem>> -> memref<1x125xi32, #tpu.memory_space<vmem>>
          %dma_start3A_61 = tpu.memref_squeeze %dma_start3A_60 : memref<1x125xi32, #tpu.memory_space<vmem>> -> memref<125xi32, #tpu.memory_space<vmem>>
          %dma_start3A_62 = arith.constant 0 : i32
          %dma_start3A_63 = arith.constant 0 : i32
          %dma_start3A_64 = tpu.memref_slice %arg3[%dma_start3A_62, %dma_start3A_63] : memref<10000x128xf32, #tpu.memory_space<hbm>> -> memref<10000x128xf32, #tpu.memory_space<hbm>>
          tpu.enqueue_indirect_dma source(%dma_start3A_64 : memref<10000x128xf32, #tpu.memory_space<hbm>>) target(%dma_start3A_58 : memref<125x128xf32, #tpu.memory_space<vmem>>) offsets(%dma_start3A_61 : memref<125xi32, #tpu.memory_space<vmem>>) semaphore(%arg15 : memref<!tpu.dma_semaphore, #tpu.memory_space<semaphore_mem>>)
          %run_scoped3A = arith.constant 0 : i32
          "tpu.region"() ({
            %run_scoped3A_85 = tpu.sem_alloc : memref<!tpu.dma_semaphore, #tpu.memory_space<semaphore_mem>>
            %dma_start3A_86 = arith.constant 0 : i32
            %dma_start3A_87 = arith.constant 0 : i32
            %dma_start3A_88 = tpu.memref_slice %arg12[%run_scoped3A, %dma_start3A_86, %dma_start3A_87] : memref<2x125x128xf32, #tpu.memory_space<vmem>> -> memref<1x125x128xf32, #tpu.memory_space<vmem>>
            %dma_start3A_89 = tpu.memref_squeeze %dma_start3A_88 : memref<1x125x128xf32, #tpu.memory_space<vmem>> -> memref<125x128xf32, #tpu.memory_space<vmem>>
            %dma_start3A_90 = arith.constant 0 : i32
            %dma_start3A_91 = tpu.memref_slice %arg11[%mul3A_42, %dma_start3A_90] : memref<40x125xi32, #tpu.memory_space<vmem>> -> memref<1x125xi32, #tpu.memory_space<vmem>>
            %dma_start3A_92 = tpu.memref_squeeze %dma_start3A_91 : memref<1x125xi32, #tpu.memory_space<vmem>> -> memref<125xi32, #tpu.memory_space<vmem>>
            %dma_start3A_93 = arith.constant 0 : i32
            %dma_start3A_94 = arith.constant 0 : i32
            %dma_start3A_95 = tpu.memref_slice %arg13[%dma_start3A_93, %dma_start3A_94] : memref<10112x128xf32, #tpu.memory_space<vmem_shared>> -> memref<10112x128xf32, #tpu.memory_space<vmem_shared>>
            tpu.enqueue_indirect_dma source(%dma_start3A_89 : memref<125x128xf32, #tpu.memory_space<vmem>>) target(%dma_start3A_95 : memref<10112x128xf32, #tpu.memory_space<vmem_shared>>) offsets(%dma_start3A_92 : memref<125xi32, #tpu.memory_space<vmem>>) semaphore(%run_scoped3A_85 : memref<!tpu.dma_semaphore, #tpu.memory_space<semaphore_mem>>) {add = true}
            %dma_wait3A_96 = arith.constant 0 : i32
            %dma_wait3A_97 = arith.constant 0 : i32
            %dma_wait3A_98 = tpu.memref_slice %arg12[%run_scoped3A, %dma_wait3A_96, %dma_wait3A_97] : memref<2x125x128xf32, #tpu.memory_space<vmem>> -> memref<1x125x128xf32, #tpu.memory_space<vmem>>
            %dma_wait3A_99 = tpu.memref_squeeze %dma_wait3A_98 : memref<1x125x128xf32, #tpu.memory_space<vmem>> -> memref<125x128xf32, #tpu.memory_space<vmem>>
            %dma_wait3A_100 = arith.constant 0 : i32
            %dma_wait3A_101 = tpu.memref_slice %arg11[%mul3A_42, %dma_wait3A_100] : memref<40x125xi32, #tpu.memory_space<vmem>> -> memref<1x125xi32, #tpu.memory_space<vmem>>
            %dma_wait3A_102 = tpu.memref_squeeze %dma_wait3A_101 : memref<1x125xi32, #tpu.memory_space<vmem>> -> memref<125xi32, #tpu.memory_space<vmem>>
            %dma_wait3A_103 = arith.constant 0 : i32
            %dma_wait3A_104 = arith.constant 0 : i32
            %dma_wait3A_105 = tpu.memref_slice %arg13[%dma_wait3A_103, %dma_wait3A_104] : memref<10112x128xf32, #tpu.memory_space<vmem_shared>> -> memref<10112x128xf32, #tpu.memory_space<vmem_shared>>
            tpu.wait_indirect_dma semaphore(%run_scoped3A_85 : memref<!tpu.dma_semaphore, #tpu.memory_space<semaphore_mem>>) src(%dma_wait3A_99 : memref<125x128xf32, #tpu.memory_space<vmem>>) dst(%dma_wait3A_105 : memref<10112x128xf32, #tpu.memory_space<vmem_shared>>)
            tpu.yield
          }) : () -> ()
          %add3A_65 = arith.constant 1 : i32
          %add3A_66 = arith.addi %mul3A_42, %add3A_65 : i32
          %dma_wait3A_67 = arith.constant 1 : i32
          %dma_wait3A_68 = arith.constant 0 : i32
          %dma_wait3A_69 = arith.constant 0 : i32
          %dma_wait3A_70 = tpu.memref_slice %arg12[%dma_wait3A_67, %dma_wait3A_68, %dma_wait3A_69] : memref<2x125x128xf32, #tpu.memory_space<vmem>> -> memref<1x125x128xf32, #tpu.memory_space<vmem>>
          %dma_wait3A_71 = tpu.memref_squeeze %dma_wait3A_70 : memref<1x125x128xf32, #tpu.memory_space<vmem>> -> memref<125x128xf32, #tpu.memory_space<vmem>>
          %dma_wait3A_72 = arith.constant 0 : i32
          %dma_wait3A_73 = tpu.memref_slice %arg10[%add3A_66, %dma_wait3A_72] : memref<40x125xi32, #tpu.memory_space<vmem>> -> memref<1x125xi32, #tpu.memory_space<vmem>>
          %dma_wait3A_74 = tpu.memref_squeeze %dma_wait3A_73 : memref<1x125xi32, #tpu.memory_space<vmem>> -> memref<125xi32, #tpu.memory_space<vmem>>
          %dma_wait3A_75 = arith.constant 0 : i32
          %dma_wait3A_76 = arith.constant 0 : i32
          %dma_wait3A_77 = tpu.memref_slice %arg3[%dma_wait3A_75, %dma_wait3A_76] : memref<10000x128xf32, #tpu.memory_space<hbm>> -> memref<10000x128xf32, #tpu.memory_space<hbm>>
          tpu.wait_indirect_dma semaphore(%arg15 : memref<!tpu.dma_semaphore, #tpu.memory_space<semaphore_mem>>) src(%dma_wait3A_77 : memref<10000x128xf32, #tpu.memory_space<hbm>>) dst(%dma_wait3A_71 : memref<125x128xf32, #tpu.memory_space<vmem>>)
          %lt3A = arith.constant 19 : i32
          %lt3A_78 = arith.cmpi slt, %scan3A_40, %lt3A : i32
          %convert_element_type3A_79 = arith.extui %lt3A_78 : i1 to i32
          %cond3A_80 = arith.constant 0 : i32
          %cond3A_81 = arith.cmpi ne, %convert_element_type3A_79, %cond3A_80 : i32
          scf.if %cond3A_81 {
            %add3A_85 = arith.constant 2 : i32
            %add3A_86 = arith.addi %mul3A_42, %add3A_85 : i32
            %dma_start3A_87 = arith.constant 0 : i32
            %dma_start3A_88 = arith.constant 0 : i32
            %dma_start3A_89 = arith.constant 0 : i32
            %dma_start3A_90 = tpu.memref_slice %arg12[%dma_start3A_87, %dma_start3A_88, %dma_start3A_89] : memref<2x125x128xf32, #tpu.memory_space<vmem>> -> memref<1x125x128xf32, #tpu.memory_space<vmem>>
            %dma_start3A_91 = tpu.memref_squeeze %dma_start3A_90 : memref<1x125x128xf32, #tpu.memory_space<vmem>> -> memref<125x128xf32, #tpu.memory_space<vmem>>
            %dma_start3A_92 = arith.constant 0 : i32
            %dma_start3A_93 = tpu.memref_slice %arg10[%add3A_86, %dma_start3A_92] : memref<40x125xi32, #tpu.memory_space<vmem>> -> memref<1x125xi32, #tpu.memory_space<vmem>>
            %dma_start3A_94 = tpu.memref_squeeze %dma_start3A_93 : memref<1x125xi32, #tpu.memory_space<vmem>> -> memref<125xi32, #tpu.memory_space<vmem>>
            %dma_start3A_95 = arith.constant 0 : i32
            %dma_start3A_96 = arith.constant 0 : i32
            %dma_start3A_97 = tpu.memref_slice %arg3[%dma_start3A_95, %dma_start3A_96] : memref<10000x128xf32, #tpu.memory_space<hbm>> -> memref<10000x128xf32, #tpu.memory_space<hbm>>
            tpu.enqueue_indirect_dma source(%dma_start3A_97 : memref<10000x128xf32, #tpu.memory_space<hbm>>) target(%dma_start3A_91 : memref<125x128xf32, #tpu.memory_space<vmem>>) offsets(%dma_start3A_94 : memref<125xi32, #tpu.memory_space<vmem>>) semaphore(%arg14 : memref<!tpu.dma_semaphore, #tpu.memory_space<semaphore_mem>>)
          } else {
          }
          %add3A_82 = arith.constant 1 : i32
          %add3A_83 = arith.addi %mul3A_42, %add3A_82 : i32
          %run_scoped3A_84 = arith.constant 1 : i32
          "tpu.region"() ({
            %run_scoped3A_85 = tpu.sem_alloc : memref<!tpu.dma_semaphore, #tpu.memory_space<semaphore_mem>>
            %dma_start3A_86 = arith.constant 0 : i32
            %dma_start3A_87 = arith.constant 0 : i32
            %dma_start3A_88 = tpu.memref_slice %arg12[%run_scoped3A_84, %dma_start3A_86, %dma_start3A_87] : memref<2x125x128xf32, #tpu.memory_space<vmem>> -> memref<1x125x128xf32, #tpu.memory_space<vmem>>
            %dma_start3A_89 = tpu.memref_squeeze %dma_start3A_88 : memref<1x125x128xf32, #tpu.memory_space<vmem>> -> memref<125x128xf32, #tpu.memory_space<vmem>>
            %dma_start3A_90 = arith.constant 0 : i32
            %dma_start3A_91 = tpu.memref_slice %arg11[%add3A_83, %dma_start3A_90] : memref<40x125xi32, #tpu.memory_space<vmem>> -> memref<1x125xi32, #tpu.memory_space<vmem>>
            %dma_start3A_92 = tpu.memref_squeeze %dma_start3A_91 : memref<1x125xi32, #tpu.memory_space<vmem>> -> memref<125xi32, #tpu.memory_space<vmem>>
            %dma_start3A_93 = arith.constant 0 : i32
            %dma_start3A_94 = arith.constant 0 : i32
            %dma_start3A_95 = tpu.memref_slice %arg13[%dma_start3A_93, %dma_start3A_94] : memref<10112x128xf32, #tpu.memory_space<vmem_shared>> -> memref<10112x128xf32, #tpu.memory_space<vmem_shared>>
            tpu.enqueue_indirect_dma source(%dma_start3A_89 : memref<125x128xf32, #tpu.memory_space<vmem>>) target(%dma_start3A_95 : memref<10112x128xf32, #tpu.memory_space<vmem_shared>>) offsets(%dma_start3A_92 : memref<125xi32, #tpu.memory_space<vmem>>) semaphore(%run_scoped3A_85 : memref<!tpu.dma_semaphore, #tpu.memory_space<semaphore_mem>>) {add = true}
            %dma_wait3A_96 = arith.constant 0 : i32
            %dma_wait3A_97 = arith.constant 0 : i32
            %dma_wait3A_98 = tpu.memref_slice %arg12[%run_scoped3A_84, %dma_wait3A_96, %dma_wait3A_97] : memref<2x125x128xf32, #tpu.memory_space<vmem>> -> memref<1x125x128xf32, #tpu.memory_space<vmem>>
            %dma_wait3A_99 = tpu.memref_squeeze %dma_wait3A_98 : memref<1x125x128xf32, #tpu.memory_space<vmem>> -> memref<125x128xf32, #tpu.memory_space<vmem>>
            %dma_wait3A_100 = arith.constant 0 : i32
            %dma_wait3A_101 = tpu.memref_slice %arg11[%add3A_83, %dma_wait3A_100] : memref<40x125xi32, #tpu.memory_space<vmem>> -> memref<1x125xi32, #tpu.memory_space<vmem>>
            %dma_wait3A_102 = tpu.memref_squeeze %dma_wait3A_101 : memref<1x125xi32, #tpu.memory_space<vmem>> -> memref<125xi32, #tpu.memory_space<vmem>>
            %dma_wait3A_103 = arith.constant 0 : i32
            %dma_wait3A_104 = arith.constant 0 : i32
            %dma_wait3A_105 = tpu.memref_slice %arg13[%dma_wait3A_103, %dma_wait3A_104] : memref<10112x128xf32, #tpu.memory_space<vmem_shared>> -> memref<10112x128xf32, #tpu.memory_space<vmem_shared>>
            tpu.wait_indirect_dma semaphore(%run_scoped3A_85 : memref<!tpu.dma_semaphore, #tpu.memory_space<semaphore_mem>>) src(%dma_wait3A_99 : memref<125x128xf32, #tpu.memory_space<vmem>>) dst(%dma_wait3A_105 : memref<10112x128xf32, #tpu.memory_space<vmem_shared>>)
            tpu.yield
          }) : () -> ()
        }
        %scan3A_39 = arith.constant 20 : i32
      }
      %scan3A_17 = arith.constant 2 : i32
    } else {
    }
    %barrier3A_8 = arith.constant 0 : index
    tpu.barrier barrier_id(%barrier3A_8)
    %mul3A_9 = arith.constant 632 : i32
    %mul3A_10 = arith.muli %arg1, %mul3A_9 : i32
    %mul3A_11 = arith.constant 632 : i32
    %mul3A_12 = arith.muli %arg1, %mul3A_11 : i32
    "tpu.region"() ({
      %run_scoped3A = tpu.sem_alloc : memref<!tpu.dma_semaphore, #tpu.memory_space<semaphore_mem>>
      %dma_start3A = arith.constant 0 : i32
      %dma_start3A_13 = tpu.memref_slice %arg9[%arg0, %mul3A_12, %dma_start3A] : memref<2x10112x128xf32, #tpu.memory_space<hbm>> -> memref<1x632x128xf32, #tpu.memory_space<hbm>>
      %dma_start3A_14 = tpu.memref_squeeze %dma_start3A_13 : memref<1x632x128xf32, #tpu.memory_space<hbm>> -> memref<632x128xf32, #tpu.memory_space<hbm>>
      %dma_start3A_15 = arith.constant 0 : i32
      %dma_start3A_16 = tpu.memref_slice %arg13[%mul3A_10, %dma_start3A_15] : memref<10112x128xf32, #tpu.memory_space<vmem_shared>> -> memref<632x128xf32, #tpu.memory_space<vmem_shared>>
      tpu.enqueue_dma source(%dma_start3A_16 : memref<632x128xf32, #tpu.memory_space<vmem_shared>>) target(%dma_start3A_14 : memref<632x128xf32, #tpu.memory_space<hbm>>) target_semaphore(%run_scoped3A : memref<!tpu.dma_semaphore, #tpu.memory_space<semaphore_mem>>)
      %dma_wait3A = arith.constant 0 : i32
      %dma_wait3A_17 = tpu.memref_slice %arg9[%arg0, %mul3A_12, %dma_wait3A] : memref<2x10112x128xf32, #tpu.memory_space<hbm>> -> memref<1x632x128xf32, #tpu.memory_space<hbm>>
      %dma_wait3A_18 = tpu.memref_squeeze %dma_wait3A_17 : memref<1x632x128xf32, #tpu.memory_space<hbm>> -> memref<632x128xf32, #tpu.memory_space<hbm>>
      %dma_wait3A_19 = arith.constant 0 : i32
      %dma_wait3A_20 = tpu.memref_slice %arg13[%mul3A_10, %dma_wait3A_19] : memref<10112x128xf32, #tpu.memory_space<vmem_shared>> -> memref<632x128xf32, #tpu.memory_space<vmem_shared>>
      tpu.wait_dma2 semaphore(%run_scoped3A : memref<!tpu.dma_semaphore, #tpu.memory_space<semaphore_mem>>) src(%dma_wait3A_20 : memref<632x128xf32, #tpu.memory_space<vmem_shared>>) dst(%dma_wait3A_18 : memref<632x128xf32, #tpu.memory_space<hbm>>)
      tpu.yield
    }) : () -> ()
    return
  }
}

#map = affine_map<(d0, d1) -> (0, 0)>
#map1 = affine_map<(d0, d1) -> (0, 0, 0)>
module attributes {stable_mosaic.version = 14 : i64} {
  func.func @body(%arg0: i32, %arg1: i32, %arg2: memref<125x128xf32, #tpu.memory_space<hbm>>, %arg3: memref<16x80x125xi32, #tpu.memory_space<hbm>>, %arg4: memref<16x80x125xi32, #tpu.memory_space<hbm>>, %arg5: memref<632x128xf32, #tpu.memory_space<hbm>>, %arg6: memref<2x10112x128xf32, #tpu.memory_space<hbm>>, %arg7: memref<40x125xi32, #tpu.memory_space<vmem>>, %arg8: memref<125x128xf32, #tpu.memory_space<vmem>>, %arg9: memref<10112x128xf32, #tpu.memory_space<vmem_shared>>) attributes {dimension_semantics = [#tpu.dimension_semantics<core_parallel>, #tpu.dimension_semantics<subcore_parallel>], iteration_bounds = array<i64: 2, 16>, scalar_prefetch = 0 : i64, scratch_operands = 3 : i64, tpu.core_type = #tpu.core_type<sc_vector_subcore>, window_params = [{transform_indices = #map}, {transform_indices = #map1}, {transform_indices = #map1}, {transform_indices = #map}, {transform_indices = #map1}]} {
    "tpu.region"() ({
      %run_scoped3A = tpu.sem_alloc : memref<!tpu.dma_semaphore, #tpu.memory_space<semaphore_mem>>
      tpu.enqueue_dma source(%arg2 : memref<125x128xf32, #tpu.memory_space<hbm>>) target(%arg8 : memref<125x128xf32, #tpu.memory_space<vmem>>) target_semaphore(%run_scoped3A : memref<!tpu.dma_semaphore, #tpu.memory_space<semaphore_mem>>)
      tpu.wait_dma2 semaphore(%run_scoped3A : memref<!tpu.dma_semaphore, #tpu.memory_space<semaphore_mem>>) src(%arg2 : memref<125x128xf32, #tpu.memory_space<hbm>>) dst(%arg8 : memref<125x128xf32, #tpu.memory_space<vmem>>)
      tpu.yield
    }) : () -> ()
    %mul3A = arith.constant 632 : i32
    %mul3A_0 = arith.muli %arg1, %mul3A : i32
    "tpu.region"() ({
      %run_scoped3A = tpu.sem_alloc : memref<!tpu.dma_semaphore, #tpu.memory_space<semaphore_mem>>
      %dma_start3A = arith.constant 0 : i32
      %dma_start3A_13 = tpu.memref_slice %arg9[%mul3A_0, %dma_start3A] : memref<10112x128xf32, #tpu.memory_space<vmem_shared>> -> memref<632x128xf32, #tpu.memory_space<vmem_shared>>
      tpu.enqueue_dma source(%arg5 : memref<632x128xf32, #tpu.memory_space<hbm>>) target(%dma_start3A_13 : memref<632x128xf32, #tpu.memory_space<vmem_shared>>) target_semaphore(%run_scoped3A : memref<!tpu.dma_semaphore, #tpu.memory_space<semaphore_mem>>)
      %dma_wait3A = arith.constant 0 : i32
      %dma_wait3A_14 = tpu.memref_slice %arg9[%mul3A_0, %dma_wait3A] : memref<10112x128xf32, #tpu.memory_space<vmem_shared>> -> memref<632x128xf32, #tpu.memory_space<vmem_shared>>
      tpu.wait_dma2 semaphore(%run_scoped3A : memref<!tpu.dma_semaphore, #tpu.memory_space<semaphore_mem>>) src(%arg5 : memref<632x128xf32, #tpu.memory_space<hbm>>) dst(%dma_wait3A_14 : memref<632x128xf32, #tpu.memory_space<vmem_shared>>)
      tpu.yield
    }) : () -> ()
    %barrier3A = arith.constant 0 : index
    tpu.barrier barrier_id(%barrier3A)
    %eq3A = arith.constant 0 : i32
    %eq3A_1 = arith.cmpi eq, %arg0, %eq3A : i32
    %convert_element_type3A = arith.extui %eq3A_1 : i1 to i32
    %cond3A = arith.constant 0 : i32
    %cond3A_2 = arith.cmpi ne, %convert_element_type3A, %cond3A : i32
    scf.if %cond3A_2 {
      %scan3A = arith.constant 0 : i32
      %scan3A_13 = arith.constant 0 : i32
      %scan3A_14 = arith.constant 2 : i32
      %scan3A_15 = arith.addi %scan3A_13, %scan3A_14 : i32
      %scan3A_16 = arith.constant 1 : i32
      scf.for %scan3A_18 = %scan3A_13 to %scan3A_15 step %scan3A_16  : i32 {
        %mul3A_19 = arith.constant 40 : i32
        %mul3A_20 = arith.muli %scan3A_18, %mul3A_19 : i32
        "tpu.region"() ({
          %run_scoped3A = tpu.sem_alloc : memref<!tpu.dma_semaphore, #tpu.memory_space<semaphore_mem>>
          %dma_start3A = arith.constant 0 : i32
          %dma_start3A_27 = tpu.memref_slice %arg3[%arg1, %mul3A_20, %dma_start3A] : memref<16x80x125xi32, #tpu.memory_space<hbm>> -> memref<1x40x125xi32, #tpu.memory_space<hbm>>
          %dma_start3A_28 = tpu.memref_squeeze %dma_start3A_27 : memref<1x40x125xi32, #tpu.memory_space<hbm>> -> memref<40x125xi32, #tpu.memory_space<hbm>>
          %dma_start3A_29 = arith.constant 0 : i32
          %dma_start3A_30 = tpu.memref_slice %arg3[%arg1, %mul3A_20, %dma_start3A_29] : memref<16x80x125xi32, #tpu.memory_space<hbm>> -> memref<1x40x125xi32, #tpu.memory_space<hbm>>
          %dma_start3A_31 = tpu.memref_squeeze %dma_start3A_30 : memref<1x40x125xi32, #tpu.memory_space<hbm>> -> memref<40x125xi32, #tpu.memory_space<hbm>>
          tpu.enqueue_dma source(%dma_start3A_31 : memref<40x125xi32, #tpu.memory_space<hbm>>) target(%arg7 : memref<40x125xi32, #tpu.memory_space<vmem>>) target_semaphore(%run_scoped3A : memref<!tpu.dma_semaphore, #tpu.memory_space<semaphore_mem>>)
          %dma_wait3A = arith.constant 0 : i32
          %dma_wait3A_32 = tpu.memref_slice %arg3[%arg1, %mul3A_20, %dma_wait3A] : memref<16x80x125xi32, #tpu.memory_space<hbm>> -> memref<1x40x125xi32, #tpu.memory_space<hbm>>
          %dma_wait3A_33 = tpu.memref_squeeze %dma_wait3A_32 : memref<1x40x125xi32, #tpu.memory_space<hbm>> -> memref<40x125xi32, #tpu.memory_space<hbm>>
          %dma_wait3A_34 = arith.constant 0 : i32
          %dma_wait3A_35 = tpu.memref_slice %arg3[%arg1, %mul3A_20, %dma_wait3A_34] : memref<16x80x125xi32, #tpu.memory_space<hbm>> -> memref<1x40x125xi32, #tpu.memory_space<hbm>>
          %dma_wait3A_36 = tpu.memref_squeeze %dma_wait3A_35 : memref<1x40x125xi32, #tpu.memory_space<hbm>> -> memref<40x125xi32, #tpu.memory_space<hbm>>
          tpu.wait_dma2 semaphore(%run_scoped3A : memref<!tpu.dma_semaphore, #tpu.memory_space<semaphore_mem>>) src(%dma_wait3A_36 : memref<40x125xi32, #tpu.memory_space<hbm>>) dst(%arg7 : memref<40x125xi32, #tpu.memory_space<vmem>>)
          tpu.yield
        }) : () -> ()
        %scan3A_21 = arith.constant 0 : i32
        %scan3A_22 = arith.constant 0 : i32
        %scan3A_23 = arith.constant 40 : i32
        %scan3A_24 = arith.addi %scan3A_22, %scan3A_23 : i32
        %scan3A_25 = arith.constant 1 : i32
        scf.for %scan3A_27 = %scan3A_22 to %scan3A_24 step %scan3A_25  : i32 {
          "tpu.region"() ({
            %run_scoped3A = tpu.sem_alloc : memref<!tpu.dma_semaphore, #tpu.memory_space<semaphore_mem>>
            %dma_start3A = arith.constant 0 : i32
            %dma_start3A_28 = tpu.memref_slice %arg7[%scan3A_27, %dma_start3A] : memref<40x125xi32, #tpu.memory_space<vmem>> -> memref<1x125xi32, #tpu.memory_space<vmem>>
            %dma_start3A_29 = tpu.memref_squeeze %dma_start3A_28 : memref<1x125xi32, #tpu.memory_space<vmem>> -> memref<125xi32, #tpu.memory_space<vmem>>
            %dma_start3A_30 = arith.constant 0 : i32
            %dma_start3A_31 = arith.constant 0 : i32
            %dma_start3A_32 = tpu.memref_slice %arg9[%dma_start3A_30, %dma_start3A_31] : memref<10112x128xf32, #tpu.memory_space<vmem_shared>> -> memref<10112x128xf32, #tpu.memory_space<vmem_shared>>
            tpu.enqueue_indirect_dma source(%arg8 : memref<125x128xf32, #tpu.memory_space<vmem>>) target(%dma_start3A_32 : memref<10112x128xf32, #tpu.memory_space<vmem_shared>>) offsets(%dma_start3A_29 : memref<125xi32, #tpu.memory_space<vmem>>) semaphore(%run_scoped3A : memref<!tpu.dma_semaphore, #tpu.memory_space<semaphore_mem>>) {add = true}
            %dma_wait3A = arith.constant 0 : i32
            %dma_wait3A_33 = tpu.memref_slice %arg7[%scan3A_27, %dma_wait3A] : memref<40x125xi32, #tpu.memory_space<vmem>> -> memref<1x125xi32, #tpu.memory_space<vmem>>
            %dma_wait3A_34 = tpu.memref_squeeze %dma_wait3A_33 : memref<1x125xi32, #tpu.memory_space<vmem>> -> memref<125xi32, #tpu.memory_space<vmem>>
            %dma_wait3A_35 = arith.constant 0 : i32
            %dma_wait3A_36 = arith.constant 0 : i32
            %dma_wait3A_37 = tpu.memref_slice %arg9[%dma_wait3A_35, %dma_wait3A_36] : memref<10112x128xf32, #tpu.memory_space<vmem_shared>> -> memref<10112x128xf32, #tpu.memory_space<vmem_shared>>
            tpu.wait_indirect_dma semaphore(%run_scoped3A : memref<!tpu.dma_semaphore, #tpu.memory_space<semaphore_mem>>) src(%arg8 : memref<125x128xf32, #tpu.memory_space<vmem>>) dst(%dma_wait3A_37 : memref<10112x128xf32, #tpu.memory_space<vmem_shared>>)
            tpu.yield
          }) : () -> ()
        }
        %scan3A_26 = arith.constant 40 : i32
      }
      %scan3A_17 = arith.constant 2 : i32
    } else {
    }
    %eq3A_3 = arith.constant 1 : i32
    %eq3A_4 = arith.cmpi eq, %arg0, %eq3A_3 : i32
    %convert_element_type3A_5 = arith.extui %eq3A_4 : i1 to i32
    %cond3A_6 = arith.constant 0 : i32
    %cond3A_7 = arith.cmpi ne, %convert_element_type3A_5, %cond3A_6 : i32
    scf.if %cond3A_7 {
      %scan3A = arith.constant 0 : i32
      %scan3A_13 = arith.constant 0 : i32
      %scan3A_14 = arith.constant 2 : i32
      %scan3A_15 = arith.addi %scan3A_13, %scan3A_14 : i32
      %scan3A_16 = arith.constant 1 : i32
      scf.for %scan3A_18 = %scan3A_13 to %scan3A_15 step %scan3A_16  : i32 {
        %mul3A_19 = arith.constant 40 : i32
        %mul3A_20 = arith.muli %scan3A_18, %mul3A_19 : i32
        "tpu.region"() ({
          %run_scoped3A = tpu.sem_alloc : memref<!tpu.dma_semaphore, #tpu.memory_space<semaphore_mem>>
          %dma_start3A = arith.constant 0 : i32
          %dma_start3A_27 = tpu.memref_slice %arg4[%arg1, %mul3A_20, %dma_start3A] : memref<16x80x125xi32, #tpu.memory_space<hbm>> -> memref<1x40x125xi32, #tpu.memory_space<hbm>>
          %dma_start3A_28 = tpu.memref_squeeze %dma_start3A_27 : memref<1x40x125xi32, #tpu.memory_space<hbm>> -> memref<40x125xi32, #tpu.memory_space<hbm>>
          %dma_start3A_29 = arith.constant 0 : i32
          %dma_start3A_30 = tpu.memref_slice %arg4[%arg1, %mul3A_20, %dma_start3A_29] : memref<16x80x125xi32, #tpu.memory_space<hbm>> -> memref<1x40x125xi32, #tpu.memory_space<hbm>>
          %dma_start3A_31 = tpu.memref_squeeze %dma_start3A_30 : memref<1x40x125xi32, #tpu.memory_space<hbm>> -> memref<40x125xi32, #tpu.memory_space<hbm>>
          tpu.enqueue_dma source(%dma_start3A_31 : memref<40x125xi32, #tpu.memory_space<hbm>>) target(%arg7 : memref<40x125xi32, #tpu.memory_space<vmem>>) target_semaphore(%run_scoped3A : memref<!tpu.dma_semaphore, #tpu.memory_space<semaphore_mem>>)
          %dma_wait3A = arith.constant 0 : i32
          %dma_wait3A_32 = tpu.memref_slice %arg4[%arg1, %mul3A_20, %dma_wait3A] : memref<16x80x125xi32, #tpu.memory_space<hbm>> -> memref<1x40x125xi32, #tpu.memory_space<hbm>>
          %dma_wait3A_33 = tpu.memref_squeeze %dma_wait3A_32 : memref<1x40x125xi32, #tpu.memory_space<hbm>> -> memref<40x125xi32, #tpu.memory_space<hbm>>
          %dma_wait3A_34 = arith.constant 0 : i32
          %dma_wait3A_35 = tpu.memref_slice %arg4[%arg1, %mul3A_20, %dma_wait3A_34] : memref<16x80x125xi32, #tpu.memory_space<hbm>> -> memref<1x40x125xi32, #tpu.memory_space<hbm>>
          %dma_wait3A_36 = tpu.memref_squeeze %dma_wait3A_35 : memref<1x40x125xi32, #tpu.memory_space<hbm>> -> memref<40x125xi32, #tpu.memory_space<hbm>>
          tpu.wait_dma2 semaphore(%run_scoped3A : memref<!tpu.dma_semaphore, #tpu.memory_space<semaphore_mem>>) src(%dma_wait3A_36 : memref<40x125xi32, #tpu.memory_space<hbm>>) dst(%arg7 : memref<40x125xi32, #tpu.memory_space<vmem>>)
          tpu.yield
        }) : () -> ()
        %scan3A_21 = arith.constant 0 : i32
        %scan3A_22 = arith.constant 0 : i32
        %scan3A_23 = arith.constant 40 : i32
        %scan3A_24 = arith.addi %scan3A_22, %scan3A_23 : i32
        %scan3A_25 = arith.constant 1 : i32
        scf.for %scan3A_27 = %scan3A_22 to %scan3A_24 step %scan3A_25  : i32 {
          "tpu.region"() ({
            %run_scoped3A = tpu.sem_alloc : memref<!tpu.dma_semaphore, #tpu.memory_space<semaphore_mem>>
            %dma_start3A = arith.constant 0 : i32
            %dma_start3A_28 = tpu.memref_slice %arg7[%scan3A_27, %dma_start3A] : memref<40x125xi32, #tpu.memory_space<vmem>> -> memref<1x125xi32, #tpu.memory_space<vmem>>
            %dma_start3A_29 = tpu.memref_squeeze %dma_start3A_28 : memref<1x125xi32, #tpu.memory_space<vmem>> -> memref<125xi32, #tpu.memory_space<vmem>>
            %dma_start3A_30 = arith.constant 0 : i32
            %dma_start3A_31 = arith.constant 0 : i32
            %dma_start3A_32 = tpu.memref_slice %arg9[%dma_start3A_30, %dma_start3A_31] : memref<10112x128xf32, #tpu.memory_space<vmem_shared>> -> memref<10112x128xf32, #tpu.memory_space<vmem_shared>>
            tpu.enqueue_indirect_dma source(%arg8 : memref<125x128xf32, #tpu.memory_space<vmem>>) target(%dma_start3A_32 : memref<10112x128xf32, #tpu.memory_space<vmem_shared>>) offsets(%dma_start3A_29 : memref<125xi32, #tpu.memory_space<vmem>>) semaphore(%run_scoped3A : memref<!tpu.dma_semaphore, #tpu.memory_space<semaphore_mem>>) {add = true}
            %dma_wait3A = arith.constant 0 : i32
            %dma_wait3A_33 = tpu.memref_slice %arg7[%scan3A_27, %dma_wait3A] : memref<40x125xi32, #tpu.memory_space<vmem>> -> memref<1x125xi32, #tpu.memory_space<vmem>>
            %dma_wait3A_34 = tpu.memref_squeeze %dma_wait3A_33 : memref<1x125xi32, #tpu.memory_space<vmem>> -> memref<125xi32, #tpu.memory_space<vmem>>
            %dma_wait3A_35 = arith.constant 0 : i32
            %dma_wait3A_36 = arith.constant 0 : i32
            %dma_wait3A_37 = tpu.memref_slice %arg9[%dma_wait3A_35, %dma_wait3A_36] : memref<10112x128xf32, #tpu.memory_space<vmem_shared>> -> memref<10112x128xf32, #tpu.memory_space<vmem_shared>>
            tpu.wait_indirect_dma semaphore(%run_scoped3A : memref<!tpu.dma_semaphore, #tpu.memory_space<semaphore_mem>>) src(%arg8 : memref<125x128xf32, #tpu.memory_space<vmem>>) dst(%dma_wait3A_37 : memref<10112x128xf32, #tpu.memory_space<vmem_shared>>)
            tpu.yield
          }) : () -> ()
        }
        %scan3A_26 = arith.constant 40 : i32
      }
      %scan3A_17 = arith.constant 2 : i32
    } else {
    }
    %barrier3A_8 = arith.constant 0 : index
    tpu.barrier barrier_id(%barrier3A_8)
    %mul3A_9 = arith.constant 632 : i32
    %mul3A_10 = arith.muli %arg1, %mul3A_9 : i32
    %mul3A_11 = arith.constant 632 : i32
    %mul3A_12 = arith.muli %arg1, %mul3A_11 : i32
    "tpu.region"() ({
      %run_scoped3A = tpu.sem_alloc : memref<!tpu.dma_semaphore, #tpu.memory_space<semaphore_mem>>
      %dma_start3A = arith.constant 0 : i32
      %dma_start3A_13 = tpu.memref_slice %arg6[%arg0, %mul3A_12, %dma_start3A] : memref<2x10112x128xf32, #tpu.memory_space<hbm>> -> memref<1x632x128xf32, #tpu.memory_space<hbm>>
      %dma_start3A_14 = tpu.memref_squeeze %dma_start3A_13 : memref<1x632x128xf32, #tpu.memory_space<hbm>> -> memref<632x128xf32, #tpu.memory_space<hbm>>
      %dma_start3A_15 = arith.constant 0 : i32
      %dma_start3A_16 = tpu.memref_slice %arg9[%mul3A_10, %dma_start3A_15] : memref<10112x128xf32, #tpu.memory_space<vmem_shared>> -> memref<632x128xf32, #tpu.memory_space<vmem_shared>>
      tpu.enqueue_dma source(%dma_start3A_16 : memref<632x128xf32, #tpu.memory_space<vmem_shared>>) target(%dma_start3A_14 : memref<632x128xf32, #tpu.memory_space<hbm>>) target_semaphore(%run_scoped3A : memref<!tpu.dma_semaphore, #tpu.memory_space<semaphore_mem>>)
      %dma_wait3A = arith.constant 0 : i32
      %dma_wait3A_17 = tpu.memref_slice %arg6[%arg0, %mul3A_12, %dma_wait3A] : memref<2x10112x128xf32, #tpu.memory_space<hbm>> -> memref<1x632x128xf32, #tpu.memory_space<hbm>>
      %dma_wait3A_18 = tpu.memref_squeeze %dma_wait3A_17 : memref<1x632x128xf32, #tpu.memory_space<hbm>> -> memref<632x128xf32, #tpu.memory_space<hbm>>
      %dma_wait3A_19 = arith.constant 0 : i32
      %dma_wait3A_20 = tpu.memref_slice %arg9[%mul3A_10, %dma_wait3A_19] : memref<10112x128xf32, #tpu.memory_space<vmem_shared>> -> memref<632x128xf32, #tpu.memory_space<vmem_shared>>
      tpu.wait_dma2 semaphore(%run_scoped3A : memref<!tpu.dma_semaphore, #tpu.memory_space<semaphore_mem>>) src(%dma_wait3A_20 : memref<632x128xf32, #tpu.memory_space<vmem_shared>>) dst(%dma_wait3A_18 : memref<632x128xf32, #tpu.memory_space<hbm>>)
      tpu.yield
    }) : () -> ()
    return
  }
}

#map = affine_map<(d0, d1) -> (0, 0)>
#map1 = affine_map<(d0, d1) -> (0, 0, 0)>
module attributes {stable_mosaic.version = 14 : i64} {
  func.func @body(%arg0: i32, %arg1: i32, %arg2: memref<10000x128xf32, #tpu.memory_space<hbm>>, %arg3: memref<10000x128xf32, #tpu.memory_space<hbm>>, %arg4: memref<16x160x125xi32, #tpu.memory_space<hbm>>, %arg5: memref<16x160x125xi32, #tpu.memory_space<hbm>>, %arg6: memref<16x160x125xi32, #tpu.memory_space<hbm>>, %arg7: memref<16x160x125xi32, #tpu.memory_space<hbm>>, %arg8: memref<632x128xf32, #tpu.memory_space<hbm>>, %arg9: memref<2x10112x128xf32, #tpu.memory_space<hbm>>, %arg10: memref<40x125xi32, #tpu.memory_space<vmem>>, %arg11: memref<40x125xi32, #tpu.memory_space<vmem>>, %arg12: memref<2x125x128xf32, #tpu.memory_space<vmem>>, %arg13: memref<10112x128xf32, #tpu.memory_space<vmem_shared>>, %arg14: memref<!tpu.dma_semaphore, #tpu.memory_space<semaphore_mem>>, %arg15: memref<!tpu.dma_semaphore, #tpu.memory_space<semaphore_mem>>) attributes {dimension_semantics = [#tpu.dimension_semantics<core_parallel>, #tpu.dimension_semantics<subcore_parallel>], iteration_bounds = array<i64: 2, 16>, scalar_prefetch = 0 : i64, scratch_operands = 6 : i64, tpu.core_type = #tpu.core_type<sc_vector_subcore>, window_params = [{transform_indices = #map}, {transform_indices = #map}, {transform_indices = #map1}, {transform_indices = #map1}, {transform_indices = #map1}, {transform_indices = #map1}, {transform_indices = #map}, {transform_indices = #map1}]} {
    %mul3A = arith.constant 632 : i32
    %mul3A_0 = arith.muli %arg1, %mul3A : i32
    "tpu.region"() ({
      %run_scoped3A = tpu.sem_alloc : memref<!tpu.dma_semaphore, #tpu.memory_space<semaphore_mem>>
      %dma_start3A = arith.constant 0 : i32
      %dma_start3A_13 = tpu.memref_slice %arg13[%mul3A_0, %dma_start3A] : memref<10112x128xf32, #tpu.memory_space<vmem_shared>> -> memref<632x128xf32, #tpu.memory_space<vmem_shared>>
      tpu.enqueue_dma source(%arg8 : memref<632x128xf32, #tpu.memory_space<hbm>>) target(%dma_start3A_13 : memref<632x128xf32, #tpu.memory_space<vmem_shared>>) target_semaphore(%run_scoped3A : memref<!tpu.dma_semaphore, #tpu.memory_space<semaphore_mem>>)
      %dma_wait3A = arith.constant 0 : i32
      %dma_wait3A_14 = tpu.memref_slice %arg13[%mul3A_0, %dma_wait3A] : memref<10112x128xf32, #tpu.memory_space<vmem_shared>> -> memref<632x128xf32, #tpu.memory_space<vmem_shared>>
      tpu.wait_dma2 semaphore(%run_scoped3A : memref<!tpu.dma_semaphore, #tpu.memory_space<semaphore_mem>>) src(%arg8 : memref<632x128xf32, #tpu.memory_space<hbm>>) dst(%dma_wait3A_14 : memref<632x128xf32, #tpu.memory_space<vmem_shared>>)
      tpu.yield
    }) : () -> ()
    %barrier3A = arith.constant 0 : index
    tpu.barrier barrier_id(%barrier3A)
    %eq3A = arith.constant 0 : i32
    %eq3A_1 = arith.cmpi eq, %arg0, %eq3A : i32
    %convert_element_type3A = arith.extui %eq3A_1 : i1 to i32
    %cond3A = arith.constant 0 : i32
    %cond3A_2 = arith.cmpi ne, %convert_element_type3A, %cond3A : i32
    scf.if %cond3A_2 {
      %scan3A = arith.constant 0 : i32
      %scan3A_13 = arith.constant 0 : i32
      %scan3A_14 = arith.constant 4 : i32
      %scan3A_15 = arith.addi %scan3A_13, %scan3A_14 : i32
      %scan3A_16 = arith.constant 1 : i32
      scf.for %scan3A_18 = %scan3A_13 to %scan3A_15 step %scan3A_16  : i32 {
        %mul3A_19 = arith.constant 40 : i32
        %mul3A_20 = arith.muli %scan3A_18, %mul3A_19 : i32
        "tpu.region"() ({
          %run_scoped3A = tpu.sem_alloc : memref<!tpu.dma_semaphore, #tpu.memory_space<semaphore_mem>>
          %dma_start3A_40 = arith.constant 0 : i32
          %dma_start3A_41 = tpu.memref_slice %arg4[%arg1, %mul3A_20, %dma_start3A_40] : memref<16x160x125xi32, #tpu.memory_space<hbm>> -> memref<1x40x125xi32, #tpu.memory_space<hbm>>
          %dma_start3A_42 = tpu.memref_squeeze %dma_start3A_41 : memref<1x40x125xi32, #tpu.memory_space<hbm>> -> memref<40x125xi32, #tpu.memory_space<hbm>>
          %dma_start3A_43 = arith.constant 0 : i32
          %dma_start3A_44 = tpu.memref_slice %arg4[%arg1, %mul3A_20, %dma_start3A_43] : memref<16x160x125xi32, #tpu.memory_space<hbm>> -> memref<1x40x125xi32, #tpu.memory_space<hbm>>
          %dma_start3A_45 = tpu.memref_squeeze %dma_start3A_44 : memref<1x40x125xi32, #tpu.memory_space<hbm>> -> memref<40x125xi32, #tpu.memory_space<hbm>>
          tpu.enqueue_dma source(%dma_start3A_45 : memref<40x125xi32, #tpu.memory_space<hbm>>) target(%arg11 : memref<40x125xi32, #tpu.memory_space<vmem>>) target_semaphore(%run_scoped3A : memref<!tpu.dma_semaphore, #tpu.memory_space<semaphore_mem>>)
          %dma_wait3A = arith.constant 0 : i32
          %dma_wait3A_46 = tpu.memref_slice %arg4[%arg1, %mul3A_20, %dma_wait3A] : memref<16x160x125xi32, #tpu.memory_space<hbm>> -> memref<1x40x125xi32, #tpu.memory_space<hbm>>
          %dma_wait3A_47 = tpu.memref_squeeze %dma_wait3A_46 : memref<1x40x125xi32, #tpu.memory_space<hbm>> -> memref<40x125xi32, #tpu.memory_space<hbm>>
          %dma_wait3A_48 = arith.constant 0 : i32
          %dma_wait3A_49 = tpu.memref_slice %arg4[%arg1, %mul3A_20, %dma_wait3A_48] : memref<16x160x125xi32, #tpu.memory_space<hbm>> -> memref<1x40x125xi32, #tpu.memory_space<hbm>>
          %dma_wait3A_50 = tpu.memref_squeeze %dma_wait3A_49 : memref<1x40x125xi32, #tpu.memory_space<hbm>> -> memref<40x125xi32, #tpu.memory_space<hbm>>
          tpu.wait_dma2 semaphore(%run_scoped3A : memref<!tpu.dma_semaphore, #tpu.memory_space<semaphore_mem>>) src(%dma_wait3A_50 : memref<40x125xi32, #tpu.memory_space<hbm>>) dst(%arg11 : memref<40x125xi32, #tpu.memory_space<vmem>>)
          tpu.yield
        }) : () -> ()
        %mul3A_21 = arith.constant 40 : i32
        %mul3A_22 = arith.muli %scan3A_18, %mul3A_21 : i32
        "tpu.region"() ({
          %run_scoped3A = tpu.sem_alloc : memref<!tpu.dma_semaphore, #tpu.memory_space<semaphore_mem>>
          %dma_start3A_40 = arith.constant 0 : i32
          %dma_start3A_41 = tpu.memref_slice %arg6[%arg1, %mul3A_22, %dma_start3A_40] : memref<16x160x125xi32, #tpu.memory_space<hbm>> -> memref<1x40x125xi32, #tpu.memory_space<hbm>>
          %dma_start3A_42 = tpu.memref_squeeze %dma_start3A_41 : memref<1x40x125xi32, #tpu.memory_space<hbm>> -> memref<40x125xi32, #tpu.memory_space<hbm>>
          %dma_start3A_43 = arith.constant 0 : i32
          %dma_start3A_44 = tpu.memref_slice %arg6[%arg1, %mul3A_22, %dma_start3A_43] : memref<16x160x125xi32, #tpu.memory_space<hbm>> -> memref<1x40x125xi32, #tpu.memory_space<hbm>>
          %dma_start3A_45 = tpu.memref_squeeze %dma_start3A_44 : memref<1x40x125xi32, #tpu.memory_space<hbm>> -> memref<40x125xi32, #tpu.memory_space<hbm>>
          tpu.enqueue_dma source(%dma_start3A_45 : memref<40x125xi32, #tpu.memory_space<hbm>>) target(%arg10 : memref<40x125xi32, #tpu.memory_space<vmem>>) target_semaphore(%run_scoped3A : memref<!tpu.dma_semaphore, #tpu.memory_space<semaphore_mem>>)
          %dma_wait3A = arith.constant 0 : i32
          %dma_wait3A_46 = tpu.memref_slice %arg6[%arg1, %mul3A_22, %dma_wait3A] : memref<16x160x125xi32, #tpu.memory_space<hbm>> -> memref<1x40x125xi32, #tpu.memory_space<hbm>>
          %dma_wait3A_47 = tpu.memref_squeeze %dma_wait3A_46 : memref<1x40x125xi32, #tpu.memory_space<hbm>> -> memref<40x125xi32, #tpu.memory_space<hbm>>
          %dma_wait3A_48 = arith.constant 0 : i32
          %dma_wait3A_49 = tpu.memref_slice %arg6[%arg1, %mul3A_22, %dma_wait3A_48] : memref<16x160x125xi32, #tpu.memory_space<hbm>> -> memref<1x40x125xi32, #tpu.memory_space<hbm>>
          %dma_wait3A_50 = tpu.memref_squeeze %dma_wait3A_49 : memref<1x40x125xi32, #tpu.memory_space<hbm>> -> memref<40x125xi32, #tpu.memory_space<hbm>>
          tpu.wait_dma2 semaphore(%run_scoped3A : memref<!tpu.dma_semaphore, #tpu.memory_space<semaphore_mem>>) src(%dma_wait3A_50 : memref<40x125xi32, #tpu.memory_space<hbm>>) dst(%arg10 : memref<40x125xi32, #tpu.memory_space<vmem>>)
          tpu.yield
        }) : () -> ()
        %dma_start3A = arith.constant 0 : i32
        %dma_start3A_23 = arith.constant 0 : i32
        %dma_start3A_24 = arith.constant 0 : i32
        %dma_start3A_25 = arith.constant 0 : i32
        %dma_start3A_26 = tpu.memref_slice %arg12[%dma_start3A_23, %dma_start3A_24, %dma_start3A_25] : memref<2x125x128xf32, #tpu.memory_space<vmem>> -> memref<1x125x128xf32, #tpu.memory_space<vmem>>
        %dma_start3A_27 = tpu.memref_squeeze %dma_start3A_26 : memref<1x125x128xf32, #tpu.memory_space<vmem>> -> memref<125x128xf32, #tpu.memory_space<vmem>>
        %dma_start3A_28 = arith.constant 0 : i32
        %dma_start3A_29 = tpu.memref_slice %arg10[%dma_start3A, %dma_start3A_28] : memref<40x125xi32, #tpu.memory_space<vmem>> -> memref<1x125xi32, #tpu.memory_space<vmem>>
        %dma_start3A_30 = tpu.memref_squeeze %dma_start3A_29 : memref<1x125xi32, #tpu.memory_space<vmem>> -> memref<125xi32, #tpu.memory_space<vmem>>
        %dma_start3A_31 = arith.constant 0 : i32
        %dma_start3A_32 = arith.constant 0 : i32
        %dma_start3A_33 = tpu.memref_slice %arg2[%dma_start3A_31, %dma_start3A_32] : memref<10000x128xf32, #tpu.memory_space<hbm>> -> memref<10000x128xf32, #tpu.memory_space<hbm>>
        tpu.enqueue_indirect_dma source(%dma_start3A_33 : memref<10000x128xf32, #tpu.memory_space<hbm>>) target(%dma_start3A_27 : memref<125x128xf32, #tpu.memory_space<vmem>>) offsets(%dma_start3A_30 : memref<125xi32, #tpu.memory_space<vmem>>) semaphore(%arg14 : memref<!tpu.dma_semaphore, #tpu.memory_space<semaphore_mem>>)
        %scan3A_34 = arith.constant 0 : i32
        %scan3A_35 = arith.constant 0 : i32
        %scan3A_36 = arith.constant 20 : i32
        %scan3A_37 = arith.addi %scan3A_35, %scan3A_36 : i32
        %scan3A_38 = arith.constant 1 : i32
        scf.for %scan3A_40 = %scan3A_35 to %scan3A_37 step %scan3A_38  : i32 {
          %mul3A_41 = arith.constant 2 : i32
          %mul3A_42 = arith.muli %mul3A_41, %scan3A_40 : i32
          %dma_wait3A = arith.constant 0 : i32
          %dma_wait3A_43 = arith.constant 0 : i32
          %dma_wait3A_44 = arith.constant 0 : i32
          %dma_wait3A_45 = tpu.memref_slice %arg12[%dma_wait3A, %dma_wait3A_43, %dma_wait3A_44] : memref<2x125x128xf32, #tpu.memory_space<vmem>> -> memref<1x125x128xf32, #tpu.memory_space<vmem>>
          %dma_wait3A_46 = tpu.memref_squeeze %dma_wait3A_45 : memref<1x125x128xf32, #tpu.memory_space<vmem>> -> memref<125x128xf32, #tpu.memory_space<vmem>>
          %dma_wait3A_47 = arith.constant 0 : i32
          %dma_wait3A_48 = tpu.memref_slice %arg10[%mul3A_42, %dma_wait3A_47] : memref<40x125xi32, #tpu.memory_space<vmem>> -> memref<1x125xi32, #tpu.memory_space<vmem>>
          %dma_wait3A_49 = tpu.memref_squeeze %dma_wait3A_48 : memref<1x125xi32, #tpu.memory_space<vmem>> -> memref<125xi32, #tpu.memory_space<vmem>>
          %dma_wait3A_50 = arith.constant 0 : i32
          %dma_wait3A_51 = arith.constant 0 : i32
          %dma_wait3A_52 = tpu.memref_slice %arg2[%dma_wait3A_50, %dma_wait3A_51] : memref<10000x128xf32, #tpu.memory_space<hbm>> -> memref<10000x128xf32, #tpu.memory_space<hbm>>
          tpu.wait_indirect_dma semaphore(%arg14 : memref<!tpu.dma_semaphore, #tpu.memory_space<semaphore_mem>>) src(%dma_wait3A_52 : memref<10000x128xf32, #tpu.memory_space<hbm>>) dst(%dma_wait3A_46 : memref<125x128xf32, #tpu.memory_space<vmem>>)
          %add3A = arith.constant 1 : i32
          %add3A_53 = arith.addi %mul3A_42, %add3A : i32
          %dma_start3A_54 = arith.constant 1 : i32
          %dma_start3A_55 = arith.constant 0 : i32
          %dma_start3A_56 = arith.constant 0 : i32
          %dma_start3A_57 = tpu.memref_slice %arg12[%dma_start3A_54, %dma_start3A_55, %dma_start3A_56] : memref<2x125x128xf32, #tpu.memory_space<vmem>> -> memref<1x125x128xf32, #tpu.memory_space<vmem>>
          %dma_start3A_58 = tpu.memref_squeeze %dma_start3A_57 : memref<1x125x128xf32, #tpu.memory_space<vmem>> -> memref<125x128xf32, #tpu.memory_space<vmem>>
          %dma_start3A_59 = arith.constant 0 : i32
          %dma_start3A_60 = tpu.memref_slice %arg10[%add3A_53, %dma_start3A_59] : memref<40x125xi32, #tpu.memory_space<vmem>> -> memref<1x125xi32, #tpu.memory_space<vmem>>
          %dma_start3A_61 = tpu.memref_squeeze %dma_start3A_60 : memref<1x125xi32, #tpu.memory_space<vmem>> -> memref<125xi32, #tpu.memory_space<vmem>>
          %dma_start3A_62 = arith.constant 0 : i32
          %dma_start3A_63 = arith.constant 0 : i32
          %dma_start3A_64 = tpu.memref_slice %arg2[%dma_start3A_62, %dma_start3A_63] : memref<10000x128xf32, #tpu.memory_space<hbm>> -> memref<10000x128xf32, #tpu.memory_space<hbm>>
          tpu.enqueue_indirect_dma source(%dma_start3A_64 : memref<10000x128xf32, #tpu.memory_space<hbm>>) target(%dma_start3A_58 : memref<125x128xf32, #tpu.memory_space<vmem>>) offsets(%dma_start3A_61 : memref<125xi32, #tpu.memory_space<vmem>>) semaphore(%arg15 : memref<!tpu.dma_semaphore, #tpu.memory_space<semaphore_mem>>)
          %run_scoped3A = arith.constant 0 : i32
          "tpu.region"() ({
            %run_scoped3A_85 = tpu.sem_alloc : memref<!tpu.dma_semaphore, #tpu.memory_space<semaphore_mem>>
            %dma_start3A_86 = arith.constant 0 : i32
            %dma_start3A_87 = arith.constant 0 : i32
            %dma_start3A_88 = tpu.memref_slice %arg12[%run_scoped3A, %dma_start3A_86, %dma_start3A_87] : memref<2x125x128xf32, #tpu.memory_space<vmem>> -> memref<1x125x128xf32, #tpu.memory_space<vmem>>
            %dma_start3A_89 = tpu.memref_squeeze %dma_start3A_88 : memref<1x125x128xf32, #tpu.memory_space<vmem>> -> memref<125x128xf32, #tpu.memory_space<vmem>>
            %dma_start3A_90 = arith.constant 0 : i32
            %dma_start3A_91 = tpu.memref_slice %arg11[%mul3A_42, %dma_start3A_90] : memref<40x125xi32, #tpu.memory_space<vmem>> -> memref<1x125xi32, #tpu.memory_space<vmem>>
            %dma_start3A_92 = tpu.memref_squeeze %dma_start3A_91 : memref<1x125xi32, #tpu.memory_space<vmem>> -> memref<125xi32, #tpu.memory_space<vmem>>
            %dma_start3A_93 = arith.constant 0 : i32
            %dma_start3A_94 = arith.constant 0 : i32
            %dma_start3A_95 = tpu.memref_slice %arg13[%dma_start3A_93, %dma_start3A_94] : memref<10112x128xf32, #tpu.memory_space<vmem_shared>> -> memref<10112x128xf32, #tpu.memory_space<vmem_shared>>
            tpu.enqueue_indirect_dma source(%dma_start3A_89 : memref<125x128xf32, #tpu.memory_space<vmem>>) target(%dma_start3A_95 : memref<10112x128xf32, #tpu.memory_space<vmem_shared>>) offsets(%dma_start3A_92 : memref<125xi32, #tpu.memory_space<vmem>>) semaphore(%run_scoped3A_85 : memref<!tpu.dma_semaphore, #tpu.memory_space<semaphore_mem>>) {add = true}
            %dma_wait3A_96 = arith.constant 0 : i32
            %dma_wait3A_97 = arith.constant 0 : i32
            %dma_wait3A_98 = tpu.memref_slice %arg12[%run_scoped3A, %dma_wait3A_96, %dma_wait3A_97] : memref<2x125x128xf32, #tpu.memory_space<vmem>> -> memref<1x125x128xf32, #tpu.memory_space<vmem>>
            %dma_wait3A_99 = tpu.memref_squeeze %dma_wait3A_98 : memref<1x125x128xf32, #tpu.memory_space<vmem>> -> memref<125x128xf32, #tpu.memory_space<vmem>>
            %dma_wait3A_100 = arith.constant 0 : i32
            %dma_wait3A_101 = tpu.memref_slice %arg11[%mul3A_42, %dma_wait3A_100] : memref<40x125xi32, #tpu.memory_space<vmem>> -> memref<1x125xi32, #tpu.memory_space<vmem>>
            %dma_wait3A_102 = tpu.memref_squeeze %dma_wait3A_101 : memref<1x125xi32, #tpu.memory_space<vmem>> -> memref<125xi32, #tpu.memory_space<vmem>>
            %dma_wait3A_103 = arith.constant 0 : i32
            %dma_wait3A_104 = arith.constant 0 : i32
            %dma_wait3A_105 = tpu.memref_slice %arg13[%dma_wait3A_103, %dma_wait3A_104] : memref<10112x128xf32, #tpu.memory_space<vmem_shared>> -> memref<10112x128xf32, #tpu.memory_space<vmem_shared>>
            tpu.wait_indirect_dma semaphore(%run_scoped3A_85 : memref<!tpu.dma_semaphore, #tpu.memory_space<semaphore_mem>>) src(%dma_wait3A_99 : memref<125x128xf32, #tpu.memory_space<vmem>>) dst(%dma_wait3A_105 : memref<10112x128xf32, #tpu.memory_space<vmem_shared>>)
            tpu.yield
          }) : () -> ()
          %add3A_65 = arith.constant 1 : i32
          %add3A_66 = arith.addi %mul3A_42, %add3A_65 : i32
          %dma_wait3A_67 = arith.constant 1 : i32
          %dma_wait3A_68 = arith.constant 0 : i32
          %dma_wait3A_69 = arith.constant 0 : i32
          %dma_wait3A_70 = tpu.memref_slice %arg12[%dma_wait3A_67, %dma_wait3A_68, %dma_wait3A_69] : memref<2x125x128xf32, #tpu.memory_space<vmem>> -> memref<1x125x128xf32, #tpu.memory_space<vmem>>
          %dma_wait3A_71 = tpu.memref_squeeze %dma_wait3A_70 : memref<1x125x128xf32, #tpu.memory_space<vmem>> -> memref<125x128xf32, #tpu.memory_space<vmem>>
          %dma_wait3A_72 = arith.constant 0 : i32
          %dma_wait3A_73 = tpu.memref_slice %arg10[%add3A_66, %dma_wait3A_72] : memref<40x125xi32, #tpu.memory_space<vmem>> -> memref<1x125xi32, #tpu.memory_space<vmem>>
          %dma_wait3A_74 = tpu.memref_squeeze %dma_wait3A_73 : memref<1x125xi32, #tpu.memory_space<vmem>> -> memref<125xi32, #tpu.memory_space<vmem>>
          %dma_wait3A_75 = arith.constant 0 : i32
          %dma_wait3A_76 = arith.constant 0 : i32
          %dma_wait3A_77 = tpu.memref_slice %arg2[%dma_wait3A_75, %dma_wait3A_76] : memref<10000x128xf32, #tpu.memory_space<hbm>> -> memref<10000x128xf32, #tpu.memory_space<hbm>>
          tpu.wait_indirect_dma semaphore(%arg15 : memref<!tpu.dma_semaphore, #tpu.memory_space<semaphore_mem>>) src(%dma_wait3A_77 : memref<10000x128xf32, #tpu.memory_space<hbm>>) dst(%dma_wait3A_71 : memref<125x128xf32, #tpu.memory_space<vmem>>)
          %lt3A = arith.constant 19 : i32
          %lt3A_78 = arith.cmpi slt, %scan3A_40, %lt3A : i32
          %convert_element_type3A_79 = arith.extui %lt3A_78 : i1 to i32
          %cond3A_80 = arith.constant 0 : i32
          %cond3A_81 = arith.cmpi ne, %convert_element_type3A_79, %cond3A_80 : i32
          scf.if %cond3A_81 {
            %add3A_85 = arith.constant 2 : i32
            %add3A_86 = arith.addi %mul3A_42, %add3A_85 : i32
            %dma_start3A_87 = arith.constant 0 : i32
            %dma_start3A_88 = arith.constant 0 : i32
            %dma_start3A_89 = arith.constant 0 : i32
            %dma_start3A_90 = tpu.memref_slice %arg12[%dma_start3A_87, %dma_start3A_88, %dma_start3A_89] : memref<2x125x128xf32, #tpu.memory_space<vmem>> -> memref<1x125x128xf32, #tpu.memory_space<vmem>>
            %dma_start3A_91 = tpu.memref_squeeze %dma_start3A_90 : memref<1x125x128xf32, #tpu.memory_space<vmem>> -> memref<125x128xf32, #tpu.memory_space<vmem>>
            %dma_start3A_92 = arith.constant 0 : i32
            %dma_start3A_93 = tpu.memref_slice %arg10[%add3A_86, %dma_start3A_92] : memref<40x125xi32, #tpu.memory_space<vmem>> -> memref<1x125xi32, #tpu.memory_space<vmem>>
            %dma_start3A_94 = tpu.memref_squeeze %dma_start3A_93 : memref<1x125xi32, #tpu.memory_space<vmem>> -> memref<125xi32, #tpu.memory_space<vmem>>
            %dma_start3A_95 = arith.constant 0 : i32
            %dma_start3A_96 = arith.constant 0 : i32
            %dma_start3A_97 = tpu.memref_slice %arg2[%dma_start3A_95, %dma_start3A_96] : memref<10000x128xf32, #tpu.memory_space<hbm>> -> memref<10000x128xf32, #tpu.memory_space<hbm>>
            tpu.enqueue_indirect_dma source(%dma_start3A_97 : memref<10000x128xf32, #tpu.memory_space<hbm>>) target(%dma_start3A_91 : memref<125x128xf32, #tpu.memory_space<vmem>>) offsets(%dma_start3A_94 : memref<125xi32, #tpu.memory_space<vmem>>) semaphore(%arg14 : memref<!tpu.dma_semaphore, #tpu.memory_space<semaphore_mem>>)
          } else {
          }
          %add3A_82 = arith.constant 1 : i32
          %add3A_83 = arith.addi %mul3A_42, %add3A_82 : i32
          %run_scoped3A_84 = arith.constant 1 : i32
          "tpu.region"() ({
            %run_scoped3A_85 = tpu.sem_alloc : memref<!tpu.dma_semaphore, #tpu.memory_space<semaphore_mem>>
            %dma_start3A_86 = arith.constant 0 : i32
            %dma_start3A_87 = arith.constant 0 : i32
            %dma_start3A_88 = tpu.memref_slice %arg12[%run_scoped3A_84, %dma_start3A_86, %dma_start3A_87] : memref<2x125x128xf32, #tpu.memory_space<vmem>> -> memref<1x125x128xf32, #tpu.memory_space<vmem>>
            %dma_start3A_89 = tpu.memref_squeeze %dma_start3A_88 : memref<1x125x128xf32, #tpu.memory_space<vmem>> -> memref<125x128xf32, #tpu.memory_space<vmem>>
            %dma_start3A_90 = arith.constant 0 : i32
            %dma_start3A_91 = tpu.memref_slice %arg11[%add3A_83, %dma_start3A_90] : memref<40x125xi32, #tpu.memory_space<vmem>> -> memref<1x125xi32, #tpu.memory_space<vmem>>
            %dma_start3A_92 = tpu.memref_squeeze %dma_start3A_91 : memref<1x125xi32, #tpu.memory_space<vmem>> -> memref<125xi32, #tpu.memory_space<vmem>>
            %dma_start3A_93 = arith.constant 0 : i32
            %dma_start3A_94 = arith.constant 0 : i32
            %dma_start3A_95 = tpu.memref_slice %arg13[%dma_start3A_93, %dma_start3A_94] : memref<10112x128xf32, #tpu.memory_space<vmem_shared>> -> memref<10112x128xf32, #tpu.memory_space<vmem_shared>>
            tpu.enqueue_indirect_dma source(%dma_start3A_89 : memref<125x128xf32, #tpu.memory_space<vmem>>) target(%dma_start3A_95 : memref<10112x128xf32, #tpu.memory_space<vmem_shared>>) offsets(%dma_start3A_92 : memref<125xi32, #tpu.memory_space<vmem>>) semaphore(%run_scoped3A_85 : memref<!tpu.dma_semaphore, #tpu.memory_space<semaphore_mem>>) {add = true}
            %dma_wait3A_96 = arith.constant 0 : i32
            %dma_wait3A_97 = arith.constant 0 : i32
            %dma_wait3A_98 = tpu.memref_slice %arg12[%run_scoped3A_84, %dma_wait3A_96, %dma_wait3A_97] : memref<2x125x128xf32, #tpu.memory_space<vmem>> -> memref<1x125x128xf32, #tpu.memory_space<vmem>>
            %dma_wait3A_99 = tpu.memref_squeeze %dma_wait3A_98 : memref<1x125x128xf32, #tpu.memory_space<vmem>> -> memref<125x128xf32, #tpu.memory_space<vmem>>
            %dma_wait3A_100 = arith.constant 0 : i32
            %dma_wait3A_101 = tpu.memref_slice %arg11[%add3A_83, %dma_wait3A_100] : memref<40x125xi32, #tpu.memory_space<vmem>> -> memref<1x125xi32, #tpu.memory_space<vmem>>
            %dma_wait3A_102 = tpu.memref_squeeze %dma_wait3A_101 : memref<1x125xi32, #tpu.memory_space<vmem>> -> memref<125xi32, #tpu.memory_space<vmem>>
            %dma_wait3A_103 = arith.constant 0 : i32
            %dma_wait3A_104 = arith.constant 0 : i32
            %dma_wait3A_105 = tpu.memref_slice %arg13[%dma_wait3A_103, %dma_wait3A_104] : memref<10112x128xf32, #tpu.memory_space<vmem_shared>> -> memref<10112x128xf32, #tpu.memory_space<vmem_shared>>
            tpu.wait_indirect_dma semaphore(%run_scoped3A_85 : memref<!tpu.dma_semaphore, #tpu.memory_space<semaphore_mem>>) src(%dma_wait3A_99 : memref<125x128xf32, #tpu.memory_space<vmem>>) dst(%dma_wait3A_105 : memref<10112x128xf32, #tpu.memory_space<vmem_shared>>)
            tpu.yield
          }) : () -> ()
        }
        %scan3A_39 = arith.constant 20 : i32
      }
      %scan3A_17 = arith.constant 4 : i32
    } else {
    }
    %eq3A_3 = arith.constant 1 : i32
    %eq3A_4 = arith.cmpi eq, %arg0, %eq3A_3 : i32
    %convert_element_type3A_5 = arith.extui %eq3A_4 : i1 to i32
    %cond3A_6 = arith.constant 0 : i32
    %cond3A_7 = arith.cmpi ne, %convert_element_type3A_5, %cond3A_6 : i32
    scf.if %cond3A_7 {
      %scan3A = arith.constant 0 : i32
      %scan3A_13 = arith.constant 0 : i32
      %scan3A_14 = arith.constant 4 : i32
      %scan3A_15 = arith.addi %scan3A_13, %scan3A_14 : i32
      %scan3A_16 = arith.constant 1 : i32
      scf.for %scan3A_18 = %scan3A_13 to %scan3A_15 step %scan3A_16  : i32 {
        %mul3A_19 = arith.constant 40 : i32
        %mul3A_20 = arith.muli %scan3A_18, %mul3A_19 : i32
        "tpu.region"() ({
          %run_scoped3A = tpu.sem_alloc : memref<!tpu.dma_semaphore, #tpu.memory_space<semaphore_mem>>
          %dma_start3A_40 = arith.constant 0 : i32
          %dma_start3A_41 = tpu.memref_slice %arg5[%arg1, %mul3A_20, %dma_start3A_40] : memref<16x160x125xi32, #tpu.memory_space<hbm>> -> memref<1x40x125xi32, #tpu.memory_space<hbm>>
          %dma_start3A_42 = tpu.memref_squeeze %dma_start3A_41 : memref<1x40x125xi32, #tpu.memory_space<hbm>> -> memref<40x125xi32, #tpu.memory_space<hbm>>
          %dma_start3A_43 = arith.constant 0 : i32
          %dma_start3A_44 = tpu.memref_slice %arg5[%arg1, %mul3A_20, %dma_start3A_43] : memref<16x160x125xi32, #tpu.memory_space<hbm>> -> memref<1x40x125xi32, #tpu.memory_space<hbm>>
          %dma_start3A_45 = tpu.memref_squeeze %dma_start3A_44 : memref<1x40x125xi32, #tpu.memory_space<hbm>> -> memref<40x125xi32, #tpu.memory_space<hbm>>
          tpu.enqueue_dma source(%dma_start3A_45 : memref<40x125xi32, #tpu.memory_space<hbm>>) target(%arg11 : memref<40x125xi32, #tpu.memory_space<vmem>>) target_semaphore(%run_scoped3A : memref<!tpu.dma_semaphore, #tpu.memory_space<semaphore_mem>>)
          %dma_wait3A = arith.constant 0 : i32
          %dma_wait3A_46 = tpu.memref_slice %arg5[%arg1, %mul3A_20, %dma_wait3A] : memref<16x160x125xi32, #tpu.memory_space<hbm>> -> memref<1x40x125xi32, #tpu.memory_space<hbm>>
          %dma_wait3A_47 = tpu.memref_squeeze %dma_wait3A_46 : memref<1x40x125xi32, #tpu.memory_space<hbm>> -> memref<40x125xi32, #tpu.memory_space<hbm>>
          %dma_wait3A_48 = arith.constant 0 : i32
          %dma_wait3A_49 = tpu.memref_slice %arg5[%arg1, %mul3A_20, %dma_wait3A_48] : memref<16x160x125xi32, #tpu.memory_space<hbm>> -> memref<1x40x125xi32, #tpu.memory_space<hbm>>
          %dma_wait3A_50 = tpu.memref_squeeze %dma_wait3A_49 : memref<1x40x125xi32, #tpu.memory_space<hbm>> -> memref<40x125xi32, #tpu.memory_space<hbm>>
          tpu.wait_dma2 semaphore(%run_scoped3A : memref<!tpu.dma_semaphore, #tpu.memory_space<semaphore_mem>>) src(%dma_wait3A_50 : memref<40x125xi32, #tpu.memory_space<hbm>>) dst(%arg11 : memref<40x125xi32, #tpu.memory_space<vmem>>)
          tpu.yield
        }) : () -> ()
        %mul3A_21 = arith.constant 40 : i32
        %mul3A_22 = arith.muli %scan3A_18, %mul3A_21 : i32
        "tpu.region"() ({
          %run_scoped3A = tpu.sem_alloc : memref<!tpu.dma_semaphore, #tpu.memory_space<semaphore_mem>>
          %dma_start3A_40 = arith.constant 0 : i32
          %dma_start3A_41 = tpu.memref_slice %arg7[%arg1, %mul3A_22, %dma_start3A_40] : memref<16x160x125xi32, #tpu.memory_space<hbm>> -> memref<1x40x125xi32, #tpu.memory_space<hbm>>
          %dma_start3A_42 = tpu.memref_squeeze %dma_start3A_41 : memref<1x40x125xi32, #tpu.memory_space<hbm>> -> memref<40x125xi32, #tpu.memory_space<hbm>>
          %dma_start3A_43 = arith.constant 0 : i32
          %dma_start3A_44 = tpu.memref_slice %arg7[%arg1, %mul3A_22, %dma_start3A_43] : memref<16x160x125xi32, #tpu.memory_space<hbm>> -> memref<1x40x125xi32, #tpu.memory_space<hbm>>
          %dma_start3A_45 = tpu.memref_squeeze %dma_start3A_44 : memref<1x40x125xi32, #tpu.memory_space<hbm>> -> memref<40x125xi32, #tpu.memory_space<hbm>>
          tpu.enqueue_dma source(%dma_start3A_45 : memref<40x125xi32, #tpu.memory_space<hbm>>) target(%arg10 : memref<40x125xi32, #tpu.memory_space<vmem>>) target_semaphore(%run_scoped3A : memref<!tpu.dma_semaphore, #tpu.memory_space<semaphore_mem>>)
          %dma_wait3A = arith.constant 0 : i32
          %dma_wait3A_46 = tpu.memref_slice %arg7[%arg1, %mul3A_22, %dma_wait3A] : memref<16x160x125xi32, #tpu.memory_space<hbm>> -> memref<1x40x125xi32, #tpu.memory_space<hbm>>
          %dma_wait3A_47 = tpu.memref_squeeze %dma_wait3A_46 : memref<1x40x125xi32, #tpu.memory_space<hbm>> -> memref<40x125xi32, #tpu.memory_space<hbm>>
          %dma_wait3A_48 = arith.constant 0 : i32
          %dma_wait3A_49 = tpu.memref_slice %arg7[%arg1, %mul3A_22, %dma_wait3A_48] : memref<16x160x125xi32, #tpu.memory_space<hbm>> -> memref<1x40x125xi32, #tpu.memory_space<hbm>>
          %dma_wait3A_50 = tpu.memref_squeeze %dma_wait3A_49 : memref<1x40x125xi32, #tpu.memory_space<hbm>> -> memref<40x125xi32, #tpu.memory_space<hbm>>
          tpu.wait_dma2 semaphore(%run_scoped3A : memref<!tpu.dma_semaphore, #tpu.memory_space<semaphore_mem>>) src(%dma_wait3A_50 : memref<40x125xi32, #tpu.memory_space<hbm>>) dst(%arg10 : memref<40x125xi32, #tpu.memory_space<vmem>>)
          tpu.yield
        }) : () -> ()
        %dma_start3A = arith.constant 0 : i32
        %dma_start3A_23 = arith.constant 0 : i32
        %dma_start3A_24 = arith.constant 0 : i32
        %dma_start3A_25 = arith.constant 0 : i32
        %dma_start3A_26 = tpu.memref_slice %arg12[%dma_start3A_23, %dma_start3A_24, %dma_start3A_25] : memref<2x125x128xf32, #tpu.memory_space<vmem>> -> memref<1x125x128xf32, #tpu.memory_space<vmem>>
        %dma_start3A_27 = tpu.memref_squeeze %dma_start3A_26 : memref<1x125x128xf32, #tpu.memory_space<vmem>> -> memref<125x128xf32, #tpu.memory_space<vmem>>
        %dma_start3A_28 = arith.constant 0 : i32
        %dma_start3A_29 = tpu.memref_slice %arg10[%dma_start3A, %dma_start3A_28] : memref<40x125xi32, #tpu.memory_space<vmem>> -> memref<1x125xi32, #tpu.memory_space<vmem>>
        %dma_start3A_30 = tpu.memref_squeeze %dma_start3A_29 : memref<1x125xi32, #tpu.memory_space<vmem>> -> memref<125xi32, #tpu.memory_space<vmem>>
        %dma_start3A_31 = arith.constant 0 : i32
        %dma_start3A_32 = arith.constant 0 : i32
        %dma_start3A_33 = tpu.memref_slice %arg3[%dma_start3A_31, %dma_start3A_32] : memref<10000x128xf32, #tpu.memory_space<hbm>> -> memref<10000x128xf32, #tpu.memory_space<hbm>>
        tpu.enqueue_indirect_dma source(%dma_start3A_33 : memref<10000x128xf32, #tpu.memory_space<hbm>>) target(%dma_start3A_27 : memref<125x128xf32, #tpu.memory_space<vmem>>) offsets(%dma_start3A_30 : memref<125xi32, #tpu.memory_space<vmem>>) semaphore(%arg14 : memref<!tpu.dma_semaphore, #tpu.memory_space<semaphore_mem>>)
        %scan3A_34 = arith.constant 0 : i32
        %scan3A_35 = arith.constant 0 : i32
        %scan3A_36 = arith.constant 20 : i32
        %scan3A_37 = arith.addi %scan3A_35, %scan3A_36 : i32
        %scan3A_38 = arith.constant 1 : i32
        scf.for %scan3A_40 = %scan3A_35 to %scan3A_37 step %scan3A_38  : i32 {
          %mul3A_41 = arith.constant 2 : i32
          %mul3A_42 = arith.muli %mul3A_41, %scan3A_40 : i32
          %dma_wait3A = arith.constant 0 : i32
          %dma_wait3A_43 = arith.constant 0 : i32
          %dma_wait3A_44 = arith.constant 0 : i32
          %dma_wait3A_45 = tpu.memref_slice %arg12[%dma_wait3A, %dma_wait3A_43, %dma_wait3A_44] : memref<2x125x128xf32, #tpu.memory_space<vmem>> -> memref<1x125x128xf32, #tpu.memory_space<vmem>>
          %dma_wait3A_46 = tpu.memref_squeeze %dma_wait3A_45 : memref<1x125x128xf32, #tpu.memory_space<vmem>> -> memref<125x128xf32, #tpu.memory_space<vmem>>
          %dma_wait3A_47 = arith.constant 0 : i32
          %dma_wait3A_48 = tpu.memref_slice %arg10[%mul3A_42, %dma_wait3A_47] : memref<40x125xi32, #tpu.memory_space<vmem>> -> memref<1x125xi32, #tpu.memory_space<vmem>>
          %dma_wait3A_49 = tpu.memref_squeeze %dma_wait3A_48 : memref<1x125xi32, #tpu.memory_space<vmem>> -> memref<125xi32, #tpu.memory_space<vmem>>
          %dma_wait3A_50 = arith.constant 0 : i32
          %dma_wait3A_51 = arith.constant 0 : i32
          %dma_wait3A_52 = tpu.memref_slice %arg3[%dma_wait3A_50, %dma_wait3A_51] : memref<10000x128xf32, #tpu.memory_space<hbm>> -> memref<10000x128xf32, #tpu.memory_space<hbm>>
          tpu.wait_indirect_dma semaphore(%arg14 : memref<!tpu.dma_semaphore, #tpu.memory_space<semaphore_mem>>) src(%dma_wait3A_52 : memref<10000x128xf32, #tpu.memory_space<hbm>>) dst(%dma_wait3A_46 : memref<125x128xf32, #tpu.memory_space<vmem>>)
          %add3A = arith.constant 1 : i32
          %add3A_53 = arith.addi %mul3A_42, %add3A : i32
          %dma_start3A_54 = arith.constant 1 : i32
          %dma_start3A_55 = arith.constant 0 : i32
          %dma_start3A_56 = arith.constant 0 : i32
          %dma_start3A_57 = tpu.memref_slice %arg12[%dma_start3A_54, %dma_start3A_55, %dma_start3A_56] : memref<2x125x128xf32, #tpu.memory_space<vmem>> -> memref<1x125x128xf32, #tpu.memory_space<vmem>>
          %dma_start3A_58 = tpu.memref_squeeze %dma_start3A_57 : memref<1x125x128xf32, #tpu.memory_space<vmem>> -> memref<125x128xf32, #tpu.memory_space<vmem>>
          %dma_start3A_59 = arith.constant 0 : i32
          %dma_start3A_60 = tpu.memref_slice %arg10[%add3A_53, %dma_start3A_59] : memref<40x125xi32, #tpu.memory_space<vmem>> -> memref<1x125xi32, #tpu.memory_space<vmem>>
          %dma_start3A_61 = tpu.memref_squeeze %dma_start3A_60 : memref<1x125xi32, #tpu.memory_space<vmem>> -> memref<125xi32, #tpu.memory_space<vmem>>
          %dma_start3A_62 = arith.constant 0 : i32
          %dma_start3A_63 = arith.constant 0 : i32
          %dma_start3A_64 = tpu.memref_slice %arg3[%dma_start3A_62, %dma_start3A_63] : memref<10000x128xf32, #tpu.memory_space<hbm>> -> memref<10000x128xf32, #tpu.memory_space<hbm>>
          tpu.enqueue_indirect_dma source(%dma_start3A_64 : memref<10000x128xf32, #tpu.memory_space<hbm>>) target(%dma_start3A_58 : memref<125x128xf32, #tpu.memory_space<vmem>>) offsets(%dma_start3A_61 : memref<125xi32, #tpu.memory_space<vmem>>) semaphore(%arg15 : memref<!tpu.dma_semaphore, #tpu.memory_space<semaphore_mem>>)
          %run_scoped3A = arith.constant 0 : i32
          "tpu.region"() ({
            %run_scoped3A_85 = tpu.sem_alloc : memref<!tpu.dma_semaphore, #tpu.memory_space<semaphore_mem>>
            %dma_start3A_86 = arith.constant 0 : i32
            %dma_start3A_87 = arith.constant 0 : i32
            %dma_start3A_88 = tpu.memref_slice %arg12[%run_scoped3A, %dma_start3A_86, %dma_start3A_87] : memref<2x125x128xf32, #tpu.memory_space<vmem>> -> memref<1x125x128xf32, #tpu.memory_space<vmem>>
            %dma_start3A_89 = tpu.memref_squeeze %dma_start3A_88 : memref<1x125x128xf32, #tpu.memory_space<vmem>> -> memref<125x128xf32, #tpu.memory_space<vmem>>
            %dma_start3A_90 = arith.constant 0 : i32
            %dma_start3A_91 = tpu.memref_slice %arg11[%mul3A_42, %dma_start3A_90] : memref<40x125xi32, #tpu.memory_space<vmem>> -> memref<1x125xi32, #tpu.memory_space<vmem>>
            %dma_start3A_92 = tpu.memref_squeeze %dma_start3A_91 : memref<1x125xi32, #tpu.memory_space<vmem>> -> memref<125xi32, #tpu.memory_space<vmem>>
            %dma_start3A_93 = arith.constant 0 : i32
            %dma_start3A_94 = arith.constant 0 : i32
            %dma_start3A_95 = tpu.memref_slice %arg13[%dma_start3A_93, %dma_start3A_94] : memref<10112x128xf32, #tpu.memory_space<vmem_shared>> -> memref<10112x128xf32, #tpu.memory_space<vmem_shared>>
            tpu.enqueue_indirect_dma source(%dma_start3A_89 : memref<125x128xf32, #tpu.memory_space<vmem>>) target(%dma_start3A_95 : memref<10112x128xf32, #tpu.memory_space<vmem_shared>>) offsets(%dma_start3A_92 : memref<125xi32, #tpu.memory_space<vmem>>) semaphore(%run_scoped3A_85 : memref<!tpu.dma_semaphore, #tpu.memory_space<semaphore_mem>>) {add = true}
            %dma_wait3A_96 = arith.constant 0 : i32
            %dma_wait3A_97 = arith.constant 0 : i32
            %dma_wait3A_98 = tpu.memref_slice %arg12[%run_scoped3A, %dma_wait3A_96, %dma_wait3A_97] : memref<2x125x128xf32, #tpu.memory_space<vmem>> -> memref<1x125x128xf32, #tpu.memory_space<vmem>>
            %dma_wait3A_99 = tpu.memref_squeeze %dma_wait3A_98 : memref<1x125x128xf32, #tpu.memory_space<vmem>> -> memref<125x128xf32, #tpu.memory_space<vmem>>
            %dma_wait3A_100 = arith.constant 0 : i32
            %dma_wait3A_101 = tpu.memref_slice %arg11[%mul3A_42, %dma_wait3A_100] : memref<40x125xi32, #tpu.memory_space<vmem>> -> memref<1x125xi32, #tpu.memory_space<vmem>>
            %dma_wait3A_102 = tpu.memref_squeeze %dma_wait3A_101 : memref<1x125xi32, #tpu.memory_space<vmem>> -> memref<125xi32, #tpu.memory_space<vmem>>
            %dma_wait3A_103 = arith.constant 0 : i32
            %dma_wait3A_104 = arith.constant 0 : i32
            %dma_wait3A_105 = tpu.memref_slice %arg13[%dma_wait3A_103, %dma_wait3A_104] : memref<10112x128xf32, #tpu.memory_space<vmem_shared>> -> memref<10112x128xf32, #tpu.memory_space<vmem_shared>>
            tpu.wait_indirect_dma semaphore(%run_scoped3A_85 : memref<!tpu.dma_semaphore, #tpu.memory_space<semaphore_mem>>) src(%dma_wait3A_99 : memref<125x128xf32, #tpu.memory_space<vmem>>) dst(%dma_wait3A_105 : memref<10112x128xf32, #tpu.memory_space<vmem_shared>>)
            tpu.yield
          }) : () -> ()
          %add3A_65 = arith.constant 1 : i32
          %add3A_66 = arith.addi %mul3A_42, %add3A_65 : i32
          %dma_wait3A_67 = arith.constant 1 : i32
          %dma_wait3A_68 = arith.constant 0 : i32
          %dma_wait3A_69 = arith.constant 0 : i32
          %dma_wait3A_70 = tpu.memref_slice %arg12[%dma_wait3A_67, %dma_wait3A_68, %dma_wait3A_69] : memref<2x125x128xf32, #tpu.memory_space<vmem>> -> memref<1x125x128xf32, #tpu.memory_space<vmem>>
          %dma_wait3A_71 = tpu.memref_squeeze %dma_wait3A_70 : memref<1x125x128xf32, #tpu.memory_space<vmem>> -> memref<125x128xf32, #tpu.memory_space<vmem>>
          %dma_wait3A_72 = arith.constant 0 : i32
          %dma_wait3A_73 = tpu.memref_slice %arg10[%add3A_66, %dma_wait3A_72] : memref<40x125xi32, #tpu.memory_space<vmem>> -> memref<1x125xi32, #tpu.memory_space<vmem>>
          %dma_wait3A_74 = tpu.memref_squeeze %dma_wait3A_73 : memref<1x125xi32, #tpu.memory_space<vmem>> -> memref<125xi32, #tpu.memory_space<vmem>>
          %dma_wait3A_75 = arith.constant 0 : i32
          %dma_wait3A_76 = arith.constant 0 : i32
          %dma_wait3A_77 = tpu.memref_slice %arg3[%dma_wait3A_75, %dma_wait3A_76] : memref<10000x128xf32, #tpu.memory_space<hbm>> -> memref<10000x128xf32, #tpu.memory_space<hbm>>
          tpu.wait_indirect_dma semaphore(%arg15 : memref<!tpu.dma_semaphore, #tpu.memory_space<semaphore_mem>>) src(%dma_wait3A_77 : memref<10000x128xf32, #tpu.memory_space<hbm>>) dst(%dma_wait3A_71 : memref<125x128xf32, #tpu.memory_space<vmem>>)
          %lt3A = arith.constant 19 : i32
          %lt3A_78 = arith.cmpi slt, %scan3A_40, %lt3A : i32
          %convert_element_type3A_79 = arith.extui %lt3A_78 : i1 to i32
          %cond3A_80 = arith.constant 0 : i32
          %cond3A_81 = arith.cmpi ne, %convert_element_type3A_79, %cond3A_80 : i32
          scf.if %cond3A_81 {
            %add3A_85 = arith.constant 2 : i32
            %add3A_86 = arith.addi %mul3A_42, %add3A_85 : i32
            %dma_start3A_87 = arith.constant 0 : i32
            %dma_start3A_88 = arith.constant 0 : i32
            %dma_start3A_89 = arith.constant 0 : i32
            %dma_start3A_90 = tpu.memref_slice %arg12[%dma_start3A_87, %dma_start3A_88, %dma_start3A_89] : memref<2x125x128xf32, #tpu.memory_space<vmem>> -> memref<1x125x128xf32, #tpu.memory_space<vmem>>
            %dma_start3A_91 = tpu.memref_squeeze %dma_start3A_90 : memref<1x125x128xf32, #tpu.memory_space<vmem>> -> memref<125x128xf32, #tpu.memory_space<vmem>>
            %dma_start3A_92 = arith.constant 0 : i32
            %dma_start3A_93 = tpu.memref_slice %arg10[%add3A_86, %dma_start3A_92] : memref<40x125xi32, #tpu.memory_space<vmem>> -> memref<1x125xi32, #tpu.memory_space<vmem>>
            %dma_start3A_94 = tpu.memref_squeeze %dma_start3A_93 : memref<1x125xi32, #tpu.memory_space<vmem>> -> memref<125xi32, #tpu.memory_space<vmem>>
            %dma_start3A_95 = arith.constant 0 : i32
            %dma_start3A_96 = arith.constant 0 : i32
            %dma_start3A_97 = tpu.memref_slice %arg3[%dma_start3A_95, %dma_start3A_96] : memref<10000x128xf32, #tpu.memory_space<hbm>> -> memref<10000x128xf32, #tpu.memory_space<hbm>>
            tpu.enqueue_indirect_dma source(%dma_start3A_97 : memref<10000x128xf32, #tpu.memory_space<hbm>>) target(%dma_start3A_91 : memref<125x128xf32, #tpu.memory_space<vmem>>) offsets(%dma_start3A_94 : memref<125xi32, #tpu.memory_space<vmem>>) semaphore(%arg14 : memref<!tpu.dma_semaphore, #tpu.memory_space<semaphore_mem>>)
          } else {
          }
          %add3A_82 = arith.constant 1 : i32
          %add3A_83 = arith.addi %mul3A_42, %add3A_82 : i32
          %run_scoped3A_84 = arith.constant 1 : i32
          "tpu.region"() ({
            %run_scoped3A_85 = tpu.sem_alloc : memref<!tpu.dma_semaphore, #tpu.memory_space<semaphore_mem>>
            %dma_start3A_86 = arith.constant 0 : i32
            %dma_start3A_87 = arith.constant 0 : i32
            %dma_start3A_88 = tpu.memref_slice %arg12[%run_scoped3A_84, %dma_start3A_86, %dma_start3A_87] : memref<2x125x128xf32, #tpu.memory_space<vmem>> -> memref<1x125x128xf32, #tpu.memory_space<vmem>>
            %dma_start3A_89 = tpu.memref_squeeze %dma_start3A_88 : memref<1x125x128xf32, #tpu.memory_space<vmem>> -> memref<125x128xf32, #tpu.memory_space<vmem>>
            %dma_start3A_90 = arith.constant 0 : i32
            %dma_start3A_91 = tpu.memref_slice %arg11[%add3A_83, %dma_start3A_90] : memref<40x125xi32, #tpu.memory_space<vmem>> -> memref<1x125xi32, #tpu.memory_space<vmem>>
            %dma_start3A_92 = tpu.memref_squeeze %dma_start3A_91 : memref<1x125xi32, #tpu.memory_space<vmem>> -> memref<125xi32, #tpu.memory_space<vmem>>
            %dma_start3A_93 = arith.constant 0 : i32
            %dma_start3A_94 = arith.constant 0 : i32
            %dma_start3A_95 = tpu.memref_slice %arg13[%dma_start3A_93, %dma_start3A_94] : memref<10112x128xf32, #tpu.memory_space<vmem_shared>> -> memref<10112x128xf32, #tpu.memory_space<vmem_shared>>
            tpu.enqueue_indirect_dma source(%dma_start3A_89 : memref<125x128xf32, #tpu.memory_space<vmem>>) target(%dma_start3A_95 : memref<10112x128xf32, #tpu.memory_space<vmem_shared>>) offsets(%dma_start3A_92 : memref<125xi32, #tpu.memory_space<vmem>>) semaphore(%run_scoped3A_85 : memref<!tpu.dma_semaphore, #tpu.memory_space<semaphore_mem>>) {add = true}
            %dma_wait3A_96 = arith.constant 0 : i32
            %dma_wait3A_97 = arith.constant 0 : i32
            %dma_wait3A_98 = tpu.memref_slice %arg12[%run_scoped3A_84, %dma_wait3A_96, %dma_wait3A_97] : memref<2x125x128xf32, #tpu.memory_space<vmem>> -> memref<1x125x128xf32, #tpu.memory_space<vmem>>
            %dma_wait3A_99 = tpu.memref_squeeze %dma_wait3A_98 : memref<1x125x128xf32, #tpu.memory_space<vmem>> -> memref<125x128xf32, #tpu.memory_space<vmem>>
            %dma_wait3A_100 = arith.constant 0 : i32
            %dma_wait3A_101 = tpu.memref_slice %arg11[%add3A_83, %dma_wait3A_100] : memref<40x125xi32, #tpu.memory_space<vmem>> -> memref<1x125xi32, #tpu.memory_space<vmem>>
            %dma_wait3A_102 = tpu.memref_squeeze %dma_wait3A_101 : memref<1x125xi32, #tpu.memory_space<vmem>> -> memref<125xi32, #tpu.memory_space<vmem>>
            %dma_wait3A_103 = arith.constant 0 : i32
            %dma_wait3A_104 = arith.constant 0 : i32
            %dma_wait3A_105 = tpu.memref_slice %arg13[%dma_wait3A_103, %dma_wait3A_104] : memref<10112x128xf32, #tpu.memory_space<vmem_shared>> -> memref<10112x128xf32, #tpu.memory_space<vmem_shared>>
            tpu.wait_indirect_dma semaphore(%run_scoped3A_85 : memref<!tpu.dma_semaphore, #tpu.memory_space<semaphore_mem>>) src(%dma_wait3A_99 : memref<125x128xf32, #tpu.memory_space<vmem>>) dst(%dma_wait3A_105 : memref<10112x128xf32, #tpu.memory_space<vmem_shared>>)
            tpu.yield
          }) : () -> ()
        }
        %scan3A_39 = arith.constant 20 : i32
      }
      %scan3A_17 = arith.constant 4 : i32
    } else {
    }
    %barrier3A_8 = arith.constant 0 : index
    tpu.barrier barrier_id(%barrier3A_8)
    %mul3A_9 = arith.constant 632 : i32
    %mul3A_10 = arith.muli %arg1, %mul3A_9 : i32
    %mul3A_11 = arith.constant 632 : i32
    %mul3A_12 = arith.muli %arg1, %mul3A_11 : i32
    "tpu.region"() ({
      %run_scoped3A = tpu.sem_alloc : memref<!tpu.dma_semaphore, #tpu.memory_space<semaphore_mem>>
      %dma_start3A = arith.constant 0 : i32
      %dma_start3A_13 = tpu.memref_slice %arg9[%arg0, %mul3A_12, %dma_start3A] : memref<2x10112x128xf32, #tpu.memory_space<hbm>> -> memref<1x632x128xf32, #tpu.memory_space<hbm>>
      %dma_start3A_14 = tpu.memref_squeeze %dma_start3A_13 : memref<1x632x128xf32, #tpu.memory_space<hbm>> -> memref<632x128xf32, #tpu.memory_space<hbm>>
      %dma_start3A_15 = arith.constant 0 : i32
      %dma_start3A_16 = tpu.memref_slice %arg13[%mul3A_10, %dma_start3A_15] : memref<10112x128xf32, #tpu.memory_space<vmem_shared>> -> memref<632x128xf32, #tpu.memory_space<vmem_shared>>
      tpu.enqueue_dma source(%dma_start3A_16 : memref<632x128xf32, #tpu.memory_space<vmem_shared>>) target(%dma_start3A_14 : memref<632x128xf32, #tpu.memory_space<hbm>>) target_semaphore(%run_scoped3A : memref<!tpu.dma_semaphore, #tpu.memory_space<semaphore_mem>>)
      %dma_wait3A = arith.constant 0 : i32
      %dma_wait3A_17 = tpu.memref_slice %arg9[%arg0, %mul3A_12, %dma_wait3A] : memref<2x10112x128xf32, #tpu.memory_space<hbm>> -> memref<1x632x128xf32, #tpu.memory_space<hbm>>
      %dma_wait3A_18 = tpu.memref_squeeze %dma_wait3A_17 : memref<1x632x128xf32, #tpu.memory_space<hbm>> -> memref<632x128xf32, #tpu.memory_space<hbm>>
      %dma_wait3A_19 = arith.constant 0 : i32
      %dma_wait3A_20 = tpu.memref_slice %arg13[%mul3A_10, %dma_wait3A_19] : memref<10112x128xf32, #tpu.memory_space<vmem_shared>> -> memref<632x128xf32, #tpu.memory_space<vmem_shared>>
      tpu.wait_dma2 semaphore(%run_scoped3A : memref<!tpu.dma_semaphore, #tpu.memory_space<semaphore_mem>>) src(%dma_wait3A_20 : memref<632x128xf32, #tpu.memory_space<vmem_shared>>) dst(%dma_wait3A_18 : memref<632x128xf32, #tpu.memory_space<hbm>>)
      tpu.yield
    }) : () -> ()
    return
  }
}

#map = affine_map<(d0, d1) -> (0, 0)>
#map1 = affine_map<(d0, d1) -> (0, 0, 0)>
module attributes {stable_mosaic.version = 14 : i64} {
  func.func @body(%arg0: i32, %arg1: i32, %arg2: memref<10000x128xf32, #tpu.memory_space<hbm>>, %arg3: memref<10000x128xf32, #tpu.memory_space<hbm>>, %arg4: memref<16x160x125xi32, #tpu.memory_space<hbm>>, %arg5: memref<16x160x125xi32, #tpu.memory_space<hbm>>, %arg6: memref<16x160x125xi32, #tpu.memory_space<hbm>>, %arg7: memref<16x160x125xi32, #tpu.memory_space<hbm>>, %arg8: memref<632x128xf32, #tpu.memory_space<hbm>>, %arg9: memref<2x10112x128xf32, #tpu.memory_space<hbm>>, %arg10: memref<40x125xi32, #tpu.memory_space<vmem>>, %arg11: memref<40x125xi32, #tpu.memory_space<vmem>>, %arg12: memref<2x125x128xf32, #tpu.memory_space<vmem>>, %arg13: memref<10112x128xf32, #tpu.memory_space<vmem_shared>>, %arg14: memref<!tpu.dma_semaphore, #tpu.memory_space<semaphore_mem>>, %arg15: memref<!tpu.dma_semaphore, #tpu.memory_space<semaphore_mem>>) attributes {dimension_semantics = [#tpu.dimension_semantics<core_parallel>, #tpu.dimension_semantics<subcore_parallel>], iteration_bounds = array<i64: 2, 16>, scalar_prefetch = 0 : i64, scratch_operands = 6 : i64, tpu.core_type = #tpu.core_type<sc_vector_subcore>, window_params = [{transform_indices = #map}, {transform_indices = #map}, {transform_indices = #map1}, {transform_indices = #map1}, {transform_indices = #map1}, {transform_indices = #map1}, {transform_indices = #map}, {transform_indices = #map1}]} {
    %mul3A = arith.constant 632 : i32
    %mul3A_0 = arith.muli %arg1, %mul3A : i32
    "tpu.region"() ({
      %run_scoped3A = tpu.sem_alloc : memref<!tpu.dma_semaphore, #tpu.memory_space<semaphore_mem>>
      %dma_start3A = arith.constant 0 : i32
      %dma_start3A_13 = tpu.memref_slice %arg13[%mul3A_0, %dma_start3A] : memref<10112x128xf32, #tpu.memory_space<vmem_shared>> -> memref<632x128xf32, #tpu.memory_space<vmem_shared>>
      tpu.enqueue_dma source(%arg8 : memref<632x128xf32, #tpu.memory_space<hbm>>) target(%dma_start3A_13 : memref<632x128xf32, #tpu.memory_space<vmem_shared>>) target_semaphore(%run_scoped3A : memref<!tpu.dma_semaphore, #tpu.memory_space<semaphore_mem>>)
      %dma_wait3A = arith.constant 0 : i32
      %dma_wait3A_14 = tpu.memref_slice %arg13[%mul3A_0, %dma_wait3A] : memref<10112x128xf32, #tpu.memory_space<vmem_shared>> -> memref<632x128xf32, #tpu.memory_space<vmem_shared>>
      tpu.wait_dma2 semaphore(%run_scoped3A : memref<!tpu.dma_semaphore, #tpu.memory_space<semaphore_mem>>) src(%arg8 : memref<632x128xf32, #tpu.memory_space<hbm>>) dst(%dma_wait3A_14 : memref<632x128xf32, #tpu.memory_space<vmem_shared>>)
      tpu.yield
    }) : () -> ()
    %barrier3A = arith.constant 0 : index
    tpu.barrier barrier_id(%barrier3A)
    %eq3A = arith.constant 0 : i32
    %eq3A_1 = arith.cmpi eq, %arg0, %eq3A : i32
    %convert_element_type3A = arith.extui %eq3A_1 : i1 to i32
    %cond3A = arith.constant 0 : i32
    %cond3A_2 = arith.cmpi ne, %convert_element_type3A, %cond3A : i32
    scf.if %cond3A_2 {
      %scan3A = arith.constant 0 : i32
      %scan3A_13 = arith.constant 0 : i32
      %scan3A_14 = arith.constant 4 : i32
      %scan3A_15 = arith.addi %scan3A_13, %scan3A_14 : i32
      %scan3A_16 = arith.constant 1 : i32
      scf.for %scan3A_18 = %scan3A_13 to %scan3A_15 step %scan3A_16  : i32 {
        %mul3A_19 = arith.constant 40 : i32
        %mul3A_20 = arith.muli %scan3A_18, %mul3A_19 : i32
        "tpu.region"() ({
          %run_scoped3A = tpu.sem_alloc : memref<!tpu.dma_semaphore, #tpu.memory_space<semaphore_mem>>
          %dma_start3A_40 = arith.constant 0 : i32
          %dma_start3A_41 = tpu.memref_slice %arg4[%arg1, %mul3A_20, %dma_start3A_40] : memref<16x160x125xi32, #tpu.memory_space<hbm>> -> memref<1x40x125xi32, #tpu.memory_space<hbm>>
          %dma_start3A_42 = tpu.memref_squeeze %dma_start3A_41 : memref<1x40x125xi32, #tpu.memory_space<hbm>> -> memref<40x125xi32, #tpu.memory_space<hbm>>
          %dma_start3A_43 = arith.constant 0 : i32
          %dma_start3A_44 = tpu.memref_slice %arg4[%arg1, %mul3A_20, %dma_start3A_43] : memref<16x160x125xi32, #tpu.memory_space<hbm>> -> memref<1x40x125xi32, #tpu.memory_space<hbm>>
          %dma_start3A_45 = tpu.memref_squeeze %dma_start3A_44 : memref<1x40x125xi32, #tpu.memory_space<hbm>> -> memref<40x125xi32, #tpu.memory_space<hbm>>
          tpu.enqueue_dma source(%dma_start3A_45 : memref<40x125xi32, #tpu.memory_space<hbm>>) target(%arg11 : memref<40x125xi32, #tpu.memory_space<vmem>>) target_semaphore(%run_scoped3A : memref<!tpu.dma_semaphore, #tpu.memory_space<semaphore_mem>>)
          %dma_wait3A = arith.constant 0 : i32
          %dma_wait3A_46 = tpu.memref_slice %arg4[%arg1, %mul3A_20, %dma_wait3A] : memref<16x160x125xi32, #tpu.memory_space<hbm>> -> memref<1x40x125xi32, #tpu.memory_space<hbm>>
          %dma_wait3A_47 = tpu.memref_squeeze %dma_wait3A_46 : memref<1x40x125xi32, #tpu.memory_space<hbm>> -> memref<40x125xi32, #tpu.memory_space<hbm>>
          %dma_wait3A_48 = arith.constant 0 : i32
          %dma_wait3A_49 = tpu.memref_slice %arg4[%arg1, %mul3A_20, %dma_wait3A_48] : memref<16x160x125xi32, #tpu.memory_space<hbm>> -> memref<1x40x125xi32, #tpu.memory_space<hbm>>
          %dma_wait3A_50 = tpu.memref_squeeze %dma_wait3A_49 : memref<1x40x125xi32, #tpu.memory_space<hbm>> -> memref<40x125xi32, #tpu.memory_space<hbm>>
          tpu.wait_dma2 semaphore(%run_scoped3A : memref<!tpu.dma_semaphore, #tpu.memory_space<semaphore_mem>>) src(%dma_wait3A_50 : memref<40x125xi32, #tpu.memory_space<hbm>>) dst(%arg11 : memref<40x125xi32, #tpu.memory_space<vmem>>)
          tpu.yield
        }) : () -> ()
        %mul3A_21 = arith.constant 40 : i32
        %mul3A_22 = arith.muli %scan3A_18, %mul3A_21 : i32
        "tpu.region"() ({
          %run_scoped3A = tpu.sem_alloc : memref<!tpu.dma_semaphore, #tpu.memory_space<semaphore_mem>>
          %dma_start3A_40 = arith.constant 0 : i32
          %dma_start3A_41 = tpu.memref_slice %arg6[%arg1, %mul3A_22, %dma_start3A_40] : memref<16x160x125xi32, #tpu.memory_space<hbm>> -> memref<1x40x125xi32, #tpu.memory_space<hbm>>
          %dma_start3A_42 = tpu.memref_squeeze %dma_start3A_41 : memref<1x40x125xi32, #tpu.memory_space<hbm>> -> memref<40x125xi32, #tpu.memory_space<hbm>>
          %dma_start3A_43 = arith.constant 0 : i32
          %dma_start3A_44 = tpu.memref_slice %arg6[%arg1, %mul3A_22, %dma_start3A_43] : memref<16x160x125xi32, #tpu.memory_space<hbm>> -> memref<1x40x125xi32, #tpu.memory_space<hbm>>
          %dma_start3A_45 = tpu.memref_squeeze %dma_start3A_44 : memref<1x40x125xi32, #tpu.memory_space<hbm>> -> memref<40x125xi32, #tpu.memory_space<hbm>>
          tpu.enqueue_dma source(%dma_start3A_45 : memref<40x125xi32, #tpu.memory_space<hbm>>) target(%arg10 : memref<40x125xi32, #tpu.memory_space<vmem>>) target_semaphore(%run_scoped3A : memref<!tpu.dma_semaphore, #tpu.memory_space<semaphore_mem>>)
          %dma_wait3A = arith.constant 0 : i32
          %dma_wait3A_46 = tpu.memref_slice %arg6[%arg1, %mul3A_22, %dma_wait3A] : memref<16x160x125xi32, #tpu.memory_space<hbm>> -> memref<1x40x125xi32, #tpu.memory_space<hbm>>
          %dma_wait3A_47 = tpu.memref_squeeze %dma_wait3A_46 : memref<1x40x125xi32, #tpu.memory_space<hbm>> -> memref<40x125xi32, #tpu.memory_space<hbm>>
          %dma_wait3A_48 = arith.constant 0 : i32
          %dma_wait3A_49 = tpu.memref_slice %arg6[%arg1, %mul3A_22, %dma_wait3A_48] : memref<16x160x125xi32, #tpu.memory_space<hbm>> -> memref<1x40x125xi32, #tpu.memory_space<hbm>>
          %dma_wait3A_50 = tpu.memref_squeeze %dma_wait3A_49 : memref<1x40x125xi32, #tpu.memory_space<hbm>> -> memref<40x125xi32, #tpu.memory_space<hbm>>
          tpu.wait_dma2 semaphore(%run_scoped3A : memref<!tpu.dma_semaphore, #tpu.memory_space<semaphore_mem>>) src(%dma_wait3A_50 : memref<40x125xi32, #tpu.memory_space<hbm>>) dst(%arg10 : memref<40x125xi32, #tpu.memory_space<vmem>>)
          tpu.yield
        }) : () -> ()
        %dma_start3A = arith.constant 0 : i32
        %dma_start3A_23 = arith.constant 0 : i32
        %dma_start3A_24 = arith.constant 0 : i32
        %dma_start3A_25 = arith.constant 0 : i32
        %dma_start3A_26 = tpu.memref_slice %arg12[%dma_start3A_23, %dma_start3A_24, %dma_start3A_25] : memref<2x125x128xf32, #tpu.memory_space<vmem>> -> memref<1x125x128xf32, #tpu.memory_space<vmem>>
        %dma_start3A_27 = tpu.memref_squeeze %dma_start3A_26 : memref<1x125x128xf32, #tpu.memory_space<vmem>> -> memref<125x128xf32, #tpu.memory_space<vmem>>
        %dma_start3A_28 = arith.constant 0 : i32
        %dma_start3A_29 = tpu.memref_slice %arg10[%dma_start3A, %dma_start3A_28] : memref<40x125xi32, #tpu.memory_space<vmem>> -> memref<1x125xi32, #tpu.memory_space<vmem>>
        %dma_start3A_30 = tpu.memref_squeeze %dma_start3A_29 : memref<1x125xi32, #tpu.memory_space<vmem>> -> memref<125xi32, #tpu.memory_space<vmem>>
        %dma_start3A_31 = arith.constant 0 : i32
        %dma_start3A_32 = arith.constant 0 : i32
        %dma_start3A_33 = tpu.memref_slice %arg2[%dma_start3A_31, %dma_start3A_32] : memref<10000x128xf32, #tpu.memory_space<hbm>> -> memref<10000x128xf32, #tpu.memory_space<hbm>>
        tpu.enqueue_indirect_dma source(%dma_start3A_33 : memref<10000x128xf32, #tpu.memory_space<hbm>>) target(%dma_start3A_27 : memref<125x128xf32, #tpu.memory_space<vmem>>) offsets(%dma_start3A_30 : memref<125xi32, #tpu.memory_space<vmem>>) semaphore(%arg14 : memref<!tpu.dma_semaphore, #tpu.memory_space<semaphore_mem>>)
        %scan3A_34 = arith.constant 0 : i32
        %scan3A_35 = arith.constant 0 : i32
        %scan3A_36 = arith.constant 20 : i32
        %scan3A_37 = arith.addi %scan3A_35, %scan3A_36 : i32
        %scan3A_38 = arith.constant 1 : i32
        scf.for %scan3A_40 = %scan3A_35 to %scan3A_37 step %scan3A_38  : i32 {
          %mul3A_41 = arith.constant 2 : i32
          %mul3A_42 = arith.muli %mul3A_41, %scan3A_40 : i32
          %dma_wait3A = arith.constant 0 : i32
          %dma_wait3A_43 = arith.constant 0 : i32
          %dma_wait3A_44 = arith.constant 0 : i32
          %dma_wait3A_45 = tpu.memref_slice %arg12[%dma_wait3A, %dma_wait3A_43, %dma_wait3A_44] : memref<2x125x128xf32, #tpu.memory_space<vmem>> -> memref<1x125x128xf32, #tpu.memory_space<vmem>>
          %dma_wait3A_46 = tpu.memref_squeeze %dma_wait3A_45 : memref<1x125x128xf32, #tpu.memory_space<vmem>> -> memref<125x128xf32, #tpu.memory_space<vmem>>
          %dma_wait3A_47 = arith.constant 0 : i32
          %dma_wait3A_48 = tpu.memref_slice %arg10[%mul3A_42, %dma_wait3A_47] : memref<40x125xi32, #tpu.memory_space<vmem>> -> memref<1x125xi32, #tpu.memory_space<vmem>>
          %dma_wait3A_49 = tpu.memref_squeeze %dma_wait3A_48 : memref<1x125xi32, #tpu.memory_space<vmem>> -> memref<125xi32, #tpu.memory_space<vmem>>
          %dma_wait3A_50 = arith.constant 0 : i32
          %dma_wait3A_51 = arith.constant 0 : i32
          %dma_wait3A_52 = tpu.memref_slice %arg2[%dma_wait3A_50, %dma_wait3A_51] : memref<10000x128xf32, #tpu.memory_space<hbm>> -> memref<10000x128xf32, #tpu.memory_space<hbm>>
          tpu.wait_indirect_dma semaphore(%arg14 : memref<!tpu.dma_semaphore, #tpu.memory_space<semaphore_mem>>) src(%dma_wait3A_52 : memref<10000x128xf32, #tpu.memory_space<hbm>>) dst(%dma_wait3A_46 : memref<125x128xf32, #tpu.memory_space<vmem>>)
          %add3A = arith.constant 1 : i32
          %add3A_53 = arith.addi %mul3A_42, %add3A : i32
          %dma_start3A_54 = arith.constant 1 : i32
          %dma_start3A_55 = arith.constant 0 : i32
          %dma_start3A_56 = arith.constant 0 : i32
          %dma_start3A_57 = tpu.memref_slice %arg12[%dma_start3A_54, %dma_start3A_55, %dma_start3A_56] : memref<2x125x128xf32, #tpu.memory_space<vmem>> -> memref<1x125x128xf32, #tpu.memory_space<vmem>>
          %dma_start3A_58 = tpu.memref_squeeze %dma_start3A_57 : memref<1x125x128xf32, #tpu.memory_space<vmem>> -> memref<125x128xf32, #tpu.memory_space<vmem>>
          %dma_start3A_59 = arith.constant 0 : i32
          %dma_start3A_60 = tpu.memref_slice %arg10[%add3A_53, %dma_start3A_59] : memref<40x125xi32, #tpu.memory_space<vmem>> -> memref<1x125xi32, #tpu.memory_space<vmem>>
          %dma_start3A_61 = tpu.memref_squeeze %dma_start3A_60 : memref<1x125xi32, #tpu.memory_space<vmem>> -> memref<125xi32, #tpu.memory_space<vmem>>
          %dma_start3A_62 = arith.constant 0 : i32
          %dma_start3A_63 = arith.constant 0 : i32
          %dma_start3A_64 = tpu.memref_slice %arg2[%dma_start3A_62, %dma_start3A_63] : memref<10000x128xf32, #tpu.memory_space<hbm>> -> memref<10000x128xf32, #tpu.memory_space<hbm>>
          tpu.enqueue_indirect_dma source(%dma_start3A_64 : memref<10000x128xf32, #tpu.memory_space<hbm>>) target(%dma_start3A_58 : memref<125x128xf32, #tpu.memory_space<vmem>>) offsets(%dma_start3A_61 : memref<125xi32, #tpu.memory_space<vmem>>) semaphore(%arg15 : memref<!tpu.dma_semaphore, #tpu.memory_space<semaphore_mem>>)
          %run_scoped3A = arith.constant 0 : i32
          "tpu.region"() ({
            %run_scoped3A_85 = tpu.sem_alloc : memref<!tpu.dma_semaphore, #tpu.memory_space<semaphore_mem>>
            %dma_start3A_86 = arith.constant 0 : i32
            %dma_start3A_87 = arith.constant 0 : i32
            %dma_start3A_88 = tpu.memref_slice %arg12[%run_scoped3A, %dma_start3A_86, %dma_start3A_87] : memref<2x125x128xf32, #tpu.memory_space<vmem>> -> memref<1x125x128xf32, #tpu.memory_space<vmem>>
            %dma_start3A_89 = tpu.memref_squeeze %dma_start3A_88 : memref<1x125x128xf32, #tpu.memory_space<vmem>> -> memref<125x128xf32, #tpu.memory_space<vmem>>
            %dma_start3A_90 = arith.constant 0 : i32
            %dma_start3A_91 = tpu.memref_slice %arg11[%mul3A_42, %dma_start3A_90] : memref<40x125xi32, #tpu.memory_space<vmem>> -> memref<1x125xi32, #tpu.memory_space<vmem>>
            %dma_start3A_92 = tpu.memref_squeeze %dma_start3A_91 : memref<1x125xi32, #tpu.memory_space<vmem>> -> memref<125xi32, #tpu.memory_space<vmem>>
            %dma_start3A_93 = arith.constant 0 : i32
            %dma_start3A_94 = arith.constant 0 : i32
            %dma_start3A_95 = tpu.memref_slice %arg13[%dma_start3A_93, %dma_start3A_94] : memref<10112x128xf32, #tpu.memory_space<vmem_shared>> -> memref<10112x128xf32, #tpu.memory_space<vmem_shared>>
            tpu.enqueue_indirect_dma source(%dma_start3A_89 : memref<125x128xf32, #tpu.memory_space<vmem>>) target(%dma_start3A_95 : memref<10112x128xf32, #tpu.memory_space<vmem_shared>>) offsets(%dma_start3A_92 : memref<125xi32, #tpu.memory_space<vmem>>) semaphore(%run_scoped3A_85 : memref<!tpu.dma_semaphore, #tpu.memory_space<semaphore_mem>>) {add = true}
            %dma_wait3A_96 = arith.constant 0 : i32
            %dma_wait3A_97 = arith.constant 0 : i32
            %dma_wait3A_98 = tpu.memref_slice %arg12[%run_scoped3A, %dma_wait3A_96, %dma_wait3A_97] : memref<2x125x128xf32, #tpu.memory_space<vmem>> -> memref<1x125x128xf32, #tpu.memory_space<vmem>>
            %dma_wait3A_99 = tpu.memref_squeeze %dma_wait3A_98 : memref<1x125x128xf32, #tpu.memory_space<vmem>> -> memref<125x128xf32, #tpu.memory_space<vmem>>
            %dma_wait3A_100 = arith.constant 0 : i32
            %dma_wait3A_101 = tpu.memref_slice %arg11[%mul3A_42, %dma_wait3A_100] : memref<40x125xi32, #tpu.memory_space<vmem>> -> memref<1x125xi32, #tpu.memory_space<vmem>>
            %dma_wait3A_102 = tpu.memref_squeeze %dma_wait3A_101 : memref<1x125xi32, #tpu.memory_space<vmem>> -> memref<125xi32, #tpu.memory_space<vmem>>
            %dma_wait3A_103 = arith.constant 0 : i32
            %dma_wait3A_104 = arith.constant 0 : i32
            %dma_wait3A_105 = tpu.memref_slice %arg13[%dma_wait3A_103, %dma_wait3A_104] : memref<10112x128xf32, #tpu.memory_space<vmem_shared>> -> memref<10112x128xf32, #tpu.memory_space<vmem_shared>>
            tpu.wait_indirect_dma semaphore(%run_scoped3A_85 : memref<!tpu.dma_semaphore, #tpu.memory_space<semaphore_mem>>) src(%dma_wait3A_99 : memref<125x128xf32, #tpu.memory_space<vmem>>) dst(%dma_wait3A_105 : memref<10112x128xf32, #tpu.memory_space<vmem_shared>>)
            tpu.yield
          }) : () -> ()
          %add3A_65 = arith.constant 1 : i32
          %add3A_66 = arith.addi %mul3A_42, %add3A_65 : i32
          %dma_wait3A_67 = arith.constant 1 : i32
          %dma_wait3A_68 = arith.constant 0 : i32
          %dma_wait3A_69 = arith.constant 0 : i32
          %dma_wait3A_70 = tpu.memref_slice %arg12[%dma_wait3A_67, %dma_wait3A_68, %dma_wait3A_69] : memref<2x125x128xf32, #tpu.memory_space<vmem>> -> memref<1x125x128xf32, #tpu.memory_space<vmem>>
          %dma_wait3A_71 = tpu.memref_squeeze %dma_wait3A_70 : memref<1x125x128xf32, #tpu.memory_space<vmem>> -> memref<125x128xf32, #tpu.memory_space<vmem>>
          %dma_wait3A_72 = arith.constant 0 : i32
          %dma_wait3A_73 = tpu.memref_slice %arg10[%add3A_66, %dma_wait3A_72] : memref<40x125xi32, #tpu.memory_space<vmem>> -> memref<1x125xi32, #tpu.memory_space<vmem>>
          %dma_wait3A_74 = tpu.memref_squeeze %dma_wait3A_73 : memref<1x125xi32, #tpu.memory_space<vmem>> -> memref<125xi32, #tpu.memory_space<vmem>>
          %dma_wait3A_75 = arith.constant 0 : i32
          %dma_wait3A_76 = arith.constant 0 : i32
          %dma_wait3A_77 = tpu.memref_slice %arg2[%dma_wait3A_75, %dma_wait3A_76] : memref<10000x128xf32, #tpu.memory_space<hbm>> -> memref<10000x128xf32, #tpu.memory_space<hbm>>
          tpu.wait_indirect_dma semaphore(%arg15 : memref<!tpu.dma_semaphore, #tpu.memory_space<semaphore_mem>>) src(%dma_wait3A_77 : memref<10000x128xf32, #tpu.memory_space<hbm>>) dst(%dma_wait3A_71 : memref<125x128xf32, #tpu.memory_space<vmem>>)
          %lt3A = arith.constant 19 : i32
          %lt3A_78 = arith.cmpi slt, %scan3A_40, %lt3A : i32
          %convert_element_type3A_79 = arith.extui %lt3A_78 : i1 to i32
          %cond3A_80 = arith.constant 0 : i32
          %cond3A_81 = arith.cmpi ne, %convert_element_type3A_79, %cond3A_80 : i32
          scf.if %cond3A_81 {
            %add3A_85 = arith.constant 2 : i32
            %add3A_86 = arith.addi %mul3A_42, %add3A_85 : i32
            %dma_start3A_87 = arith.constant 0 : i32
            %dma_start3A_88 = arith.constant 0 : i32
            %dma_start3A_89 = arith.constant 0 : i32
            %dma_start3A_90 = tpu.memref_slice %arg12[%dma_start3A_87, %dma_start3A_88, %dma_start3A_89] : memref<2x125x128xf32, #tpu.memory_space<vmem>> -> memref<1x125x128xf32, #tpu.memory_space<vmem>>
            %dma_start3A_91 = tpu.memref_squeeze %dma_start3A_90 : memref<1x125x128xf32, #tpu.memory_space<vmem>> -> memref<125x128xf32, #tpu.memory_space<vmem>>
            %dma_start3A_92 = arith.constant 0 : i32
            %dma_start3A_93 = tpu.memref_slice %arg10[%add3A_86, %dma_start3A_92] : memref<40x125xi32, #tpu.memory_space<vmem>> -> memref<1x125xi32, #tpu.memory_space<vmem>>
            %dma_start3A_94 = tpu.memref_squeeze %dma_start3A_93 : memref<1x125xi32, #tpu.memory_space<vmem>> -> memref<125xi32, #tpu.memory_space<vmem>>
            %dma_start3A_95 = arith.constant 0 : i32
            %dma_start3A_96 = arith.constant 0 : i32
            %dma_start3A_97 = tpu.memref_slice %arg2[%dma_start3A_95, %dma_start3A_96] : memref<10000x128xf32, #tpu.memory_space<hbm>> -> memref<10000x128xf32, #tpu.memory_space<hbm>>
            tpu.enqueue_indirect_dma source(%dma_start3A_97 : memref<10000x128xf32, #tpu.memory_space<hbm>>) target(%dma_start3A_91 : memref<125x128xf32, #tpu.memory_space<vmem>>) offsets(%dma_start3A_94 : memref<125xi32, #tpu.memory_space<vmem>>) semaphore(%arg14 : memref<!tpu.dma_semaphore, #tpu.memory_space<semaphore_mem>>)
          } else {
          }
          %add3A_82 = arith.constant 1 : i32
          %add3A_83 = arith.addi %mul3A_42, %add3A_82 : i32
          %run_scoped3A_84 = arith.constant 1 : i32
          "tpu.region"() ({
            %run_scoped3A_85 = tpu.sem_alloc : memref<!tpu.dma_semaphore, #tpu.memory_space<semaphore_mem>>
            %dma_start3A_86 = arith.constant 0 : i32
            %dma_start3A_87 = arith.constant 0 : i32
            %dma_start3A_88 = tpu.memref_slice %arg12[%run_scoped3A_84, %dma_start3A_86, %dma_start3A_87] : memref<2x125x128xf32, #tpu.memory_space<vmem>> -> memref<1x125x128xf32, #tpu.memory_space<vmem>>
            %dma_start3A_89 = tpu.memref_squeeze %dma_start3A_88 : memref<1x125x128xf32, #tpu.memory_space<vmem>> -> memref<125x128xf32, #tpu.memory_space<vmem>>
            %dma_start3A_90 = arith.constant 0 : i32
            %dma_start3A_91 = tpu.memref_slice %arg11[%add3A_83, %dma_start3A_90] : memref<40x125xi32, #tpu.memory_space<vmem>> -> memref<1x125xi32, #tpu.memory_space<vmem>>
            %dma_start3A_92 = tpu.memref_squeeze %dma_start3A_91 : memref<1x125xi32, #tpu.memory_space<vmem>> -> memref<125xi32, #tpu.memory_space<vmem>>
            %dma_start3A_93 = arith.constant 0 : i32
            %dma_start3A_94 = arith.constant 0 : i32
            %dma_start3A_95 = tpu.memref_slice %arg13[%dma_start3A_93, %dma_start3A_94] : memref<10112x128xf32, #tpu.memory_space<vmem_shared>> -> memref<10112x128xf32, #tpu.memory_space<vmem_shared>>
            tpu.enqueue_indirect_dma source(%dma_start3A_89 : memref<125x128xf32, #tpu.memory_space<vmem>>) target(%dma_start3A_95 : memref<10112x128xf32, #tpu.memory_space<vmem_shared>>) offsets(%dma_start3A_92 : memref<125xi32, #tpu.memory_space<vmem>>) semaphore(%run_scoped3A_85 : memref<!tpu.dma_semaphore, #tpu.memory_space<semaphore_mem>>) {add = true}
            %dma_wait3A_96 = arith.constant 0 : i32
            %dma_wait3A_97 = arith.constant 0 : i32
            %dma_wait3A_98 = tpu.memref_slice %arg12[%run_scoped3A_84, %dma_wait3A_96, %dma_wait3A_97] : memref<2x125x128xf32, #tpu.memory_space<vmem>> -> memref<1x125x128xf32, #tpu.memory_space<vmem>>
            %dma_wait3A_99 = tpu.memref_squeeze %dma_wait3A_98 : memref<1x125x128xf32, #tpu.memory_space<vmem>> -> memref<125x128xf32, #tpu.memory_space<vmem>>
            %dma_wait3A_100 = arith.constant 0 : i32
            %dma_wait3A_101 = tpu.memref_slice %arg11[%add3A_83, %dma_wait3A_100] : memref<40x125xi32, #tpu.memory_space<vmem>> -> memref<1x125xi32, #tpu.memory_space<vmem>>
            %dma_wait3A_102 = tpu.memref_squeeze %dma_wait3A_101 : memref<1x125xi32, #tpu.memory_space<vmem>> -> memref<125xi32, #tpu.memory_space<vmem>>
            %dma_wait3A_103 = arith.constant 0 : i32
            %dma_wait3A_104 = arith.constant 0 : i32
            %dma_wait3A_105 = tpu.memref_slice %arg13[%dma_wait3A_103, %dma_wait3A_104] : memref<10112x128xf32, #tpu.memory_space<vmem_shared>> -> memref<10112x128xf32, #tpu.memory_space<vmem_shared>>
            tpu.wait_indirect_dma semaphore(%run_scoped3A_85 : memref<!tpu.dma_semaphore, #tpu.memory_space<semaphore_mem>>) src(%dma_wait3A_99 : memref<125x128xf32, #tpu.memory_space<vmem>>) dst(%dma_wait3A_105 : memref<10112x128xf32, #tpu.memory_space<vmem_shared>>)
            tpu.yield
          }) : () -> ()
        }
        %scan3A_39 = arith.constant 20 : i32
      }
      %scan3A_17 = arith.constant 4 : i32
    } else {
    }
    %eq3A_3 = arith.constant 1 : i32
    %eq3A_4 = arith.cmpi eq, %arg0, %eq3A_3 : i32
    %convert_element_type3A_5 = arith.extui %eq3A_4 : i1 to i32
    %cond3A_6 = arith.constant 0 : i32
    %cond3A_7 = arith.cmpi ne, %convert_element_type3A_5, %cond3A_6 : i32
    scf.if %cond3A_7 {
      %scan3A = arith.constant 0 : i32
      %scan3A_13 = arith.constant 0 : i32
      %scan3A_14 = arith.constant 4 : i32
      %scan3A_15 = arith.addi %scan3A_13, %scan3A_14 : i32
      %scan3A_16 = arith.constant 1 : i32
      scf.for %scan3A_18 = %scan3A_13 to %scan3A_15 step %scan3A_16  : i32 {
        %mul3A_19 = arith.constant 40 : i32
        %mul3A_20 = arith.muli %scan3A_18, %mul3A_19 : i32
        "tpu.region"() ({
          %run_scoped3A = tpu.sem_alloc : memref<!tpu.dma_semaphore, #tpu.memory_space<semaphore_mem>>
          %dma_start3A_40 = arith.constant 0 : i32
          %dma_start3A_41 = tpu.memref_slice %arg5[%arg1, %mul3A_20, %dma_start3A_40] : memref<16x160x125xi32, #tpu.memory_space<hbm>> -> memref<1x40x125xi32, #tpu.memory_space<hbm>>
          %dma_start3A_42 = tpu.memref_squeeze %dma_start3A_41 : memref<1x40x125xi32, #tpu.memory_space<hbm>> -> memref<40x125xi32, #tpu.memory_space<hbm>>
          %dma_start3A_43 = arith.constant 0 : i32
          %dma_start3A_44 = tpu.memref_slice %arg5[%arg1, %mul3A_20, %dma_start3A_43] : memref<16x160x125xi32, #tpu.memory_space<hbm>> -> memref<1x40x125xi32, #tpu.memory_space<hbm>>
          %dma_start3A_45 = tpu.memref_squeeze %dma_start3A_44 : memref<1x40x125xi32, #tpu.memory_space<hbm>> -> memref<40x125xi32, #tpu.memory_space<hbm>>
          tpu.enqueue_dma source(%dma_start3A_45 : memref<40x125xi32, #tpu.memory_space<hbm>>) target(%arg11 : memref<40x125xi32, #tpu.memory_space<vmem>>) target_semaphore(%run_scoped3A : memref<!tpu.dma_semaphore, #tpu.memory_space<semaphore_mem>>)
          %dma_wait3A = arith.constant 0 : i32
          %dma_wait3A_46 = tpu.memref_slice %arg5[%arg1, %mul3A_20, %dma_wait3A] : memref<16x160x125xi32, #tpu.memory_space<hbm>> -> memref<1x40x125xi32, #tpu.memory_space<hbm>>
          %dma_wait3A_47 = tpu.memref_squeeze %dma_wait3A_46 : memref<1x40x125xi32, #tpu.memory_space<hbm>> -> memref<40x125xi32, #tpu.memory_space<hbm>>
          %dma_wait3A_48 = arith.constant 0 : i32
          %dma_wait3A_49 = tpu.memref_slice %arg5[%arg1, %mul3A_20, %dma_wait3A_48] : memref<16x160x125xi32, #tpu.memory_space<hbm>> -> memref<1x40x125xi32, #tpu.memory_space<hbm>>
          %dma_wait3A_50 = tpu.memref_squeeze %dma_wait3A_49 : memref<1x40x125xi32, #tpu.memory_space<hbm>> -> memref<40x125xi32, #tpu.memory_space<hbm>>
          tpu.wait_dma2 semaphore(%run_scoped3A : memref<!tpu.dma_semaphore, #tpu.memory_space<semaphore_mem>>) src(%dma_wait3A_50 : memref<40x125xi32, #tpu.memory_space<hbm>>) dst(%arg11 : memref<40x125xi32, #tpu.memory_space<vmem>>)
          tpu.yield
        }) : () -> ()
        %mul3A_21 = arith.constant 40 : i32
        %mul3A_22 = arith.muli %scan3A_18, %mul3A_21 : i32
        "tpu.region"() ({
          %run_scoped3A = tpu.sem_alloc : memref<!tpu.dma_semaphore, #tpu.memory_space<semaphore_mem>>
          %dma_start3A_40 = arith.constant 0 : i32
          %dma_start3A_41 = tpu.memref_slice %arg7[%arg1, %mul3A_22, %dma_start3A_40] : memref<16x160x125xi32, #tpu.memory_space<hbm>> -> memref<1x40x125xi32, #tpu.memory_space<hbm>>
          %dma_start3A_42 = tpu.memref_squeeze %dma_start3A_41 : memref<1x40x125xi32, #tpu.memory_space<hbm>> -> memref<40x125xi32, #tpu.memory_space<hbm>>
          %dma_start3A_43 = arith.constant 0 : i32
          %dma_start3A_44 = tpu.memref_slice %arg7[%arg1, %mul3A_22, %dma_start3A_43] : memref<16x160x125xi32, #tpu.memory_space<hbm>> -> memref<1x40x125xi32, #tpu.memory_space<hbm>>
          %dma_start3A_45 = tpu.memref_squeeze %dma_start3A_44 : memref<1x40x125xi32, #tpu.memory_space<hbm>> -> memref<40x125xi32, #tpu.memory_space<hbm>>
          tpu.enqueue_dma source(%dma_start3A_45 : memref<40x125xi32, #tpu.memory_space<hbm>>) target(%arg10 : memref<40x125xi32, #tpu.memory_space<vmem>>) target_semaphore(%run_scoped3A : memref<!tpu.dma_semaphore, #tpu.memory_space<semaphore_mem>>)
          %dma_wait3A = arith.constant 0 : i32
          %dma_wait3A_46 = tpu.memref_slice %arg7[%arg1, %mul3A_22, %dma_wait3A] : memref<16x160x125xi32, #tpu.memory_space<hbm>> -> memref<1x40x125xi32, #tpu.memory_space<hbm>>
          %dma_wait3A_47 = tpu.memref_squeeze %dma_wait3A_46 : memref<1x40x125xi32, #tpu.memory_space<hbm>> -> memref<40x125xi32, #tpu.memory_space<hbm>>
          %dma_wait3A_48 = arith.constant 0 : i32
          %dma_wait3A_49 = tpu.memref_slice %arg7[%arg1, %mul3A_22, %dma_wait3A_48] : memref<16x160x125xi32, #tpu.memory_space<hbm>> -> memref<1x40x125xi32, #tpu.memory_space<hbm>>
          %dma_wait3A_50 = tpu.memref_squeeze %dma_wait3A_49 : memref<1x40x125xi32, #tpu.memory_space<hbm>> -> memref<40x125xi32, #tpu.memory_space<hbm>>
          tpu.wait_dma2 semaphore(%run_scoped3A : memref<!tpu.dma_semaphore, #tpu.memory_space<semaphore_mem>>) src(%dma_wait3A_50 : memref<40x125xi32, #tpu.memory_space<hbm>>) dst(%arg10 : memref<40x125xi32, #tpu.memory_space<vmem>>)
          tpu.yield
        }) : () -> ()
        %dma_start3A = arith.constant 0 : i32
        %dma_start3A_23 = arith.constant 0 : i32
        %dma_start3A_24 = arith.constant 0 : i32
        %dma_start3A_25 = arith.constant 0 : i32
        %dma_start3A_26 = tpu.memref_slice %arg12[%dma_start3A_23, %dma_start3A_24, %dma_start3A_25] : memref<2x125x128xf32, #tpu.memory_space<vmem>> -> memref<1x125x128xf32, #tpu.memory_space<vmem>>
        %dma_start3A_27 = tpu.memref_squeeze %dma_start3A_26 : memref<1x125x128xf32, #tpu.memory_space<vmem>> -> memref<125x128xf32, #tpu.memory_space<vmem>>
        %dma_start3A_28 = arith.constant 0 : i32
        %dma_start3A_29 = tpu.memref_slice %arg10[%dma_start3A, %dma_start3A_28] : memref<40x125xi32, #tpu.memory_space<vmem>> -> memref<1x125xi32, #tpu.memory_space<vmem>>
        %dma_start3A_30 = tpu.memref_squeeze %dma_start3A_29 : memref<1x125xi32, #tpu.memory_space<vmem>> -> memref<125xi32, #tpu.memory_space<vmem>>
        %dma_start3A_31 = arith.constant 0 : i32
        %dma_start3A_32 = arith.constant 0 : i32
        %dma_start3A_33 = tpu.memref_slice %arg3[%dma_start3A_31, %dma_start3A_32] : memref<10000x128xf32, #tpu.memory_space<hbm>> -> memref<10000x128xf32, #tpu.memory_space<hbm>>
        tpu.enqueue_indirect_dma source(%dma_start3A_33 : memref<10000x128xf32, #tpu.memory_space<hbm>>) target(%dma_start3A_27 : memref<125x128xf32, #tpu.memory_space<vmem>>) offsets(%dma_start3A_30 : memref<125xi32, #tpu.memory_space<vmem>>) semaphore(%arg14 : memref<!tpu.dma_semaphore, #tpu.memory_space<semaphore_mem>>)
        %scan3A_34 = arith.constant 0 : i32
        %scan3A_35 = arith.constant 0 : i32
        %scan3A_36 = arith.constant 20 : i32
        %scan3A_37 = arith.addi %scan3A_35, %scan3A_36 : i32
        %scan3A_38 = arith.constant 1 : i32
        scf.for %scan3A_40 = %scan3A_35 to %scan3A_37 step %scan3A_38  : i32 {
          %mul3A_41 = arith.constant 2 : i32
          %mul3A_42 = arith.muli %mul3A_41, %scan3A_40 : i32
          %dma_wait3A = arith.constant 0 : i32
          %dma_wait3A_43 = arith.constant 0 : i32
          %dma_wait3A_44 = arith.constant 0 : i32
          %dma_wait3A_45 = tpu.memref_slice %arg12[%dma_wait3A, %dma_wait3A_43, %dma_wait3A_44] : memref<2x125x128xf32, #tpu.memory_space<vmem>> -> memref<1x125x128xf32, #tpu.memory_space<vmem>>
          %dma_wait3A_46 = tpu.memref_squeeze %dma_wait3A_45 : memref<1x125x128xf32, #tpu.memory_space<vmem>> -> memref<125x128xf32, #tpu.memory_space<vmem>>
          %dma_wait3A_47 = arith.constant 0 : i32
          %dma_wait3A_48 = tpu.memref_slice %arg10[%mul3A_42, %dma_wait3A_47] : memref<40x125xi32, #tpu.memory_space<vmem>> -> memref<1x125xi32, #tpu.memory_space<vmem>>
          %dma_wait3A_49 = tpu.memref_squeeze %dma_wait3A_48 : memref<1x125xi32, #tpu.memory_space<vmem>> -> memref<125xi32, #tpu.memory_space<vmem>>
          %dma_wait3A_50 = arith.constant 0 : i32
          %dma_wait3A_51 = arith.constant 0 : i32
          %dma_wait3A_52 = tpu.memref_slice %arg3[%dma_wait3A_50, %dma_wait3A_51] : memref<10000x128xf32, #tpu.memory_space<hbm>> -> memref<10000x128xf32, #tpu.memory_space<hbm>>
          tpu.wait_indirect_dma semaphore(%arg14 : memref<!tpu.dma_semaphore, #tpu.memory_space<semaphore_mem>>) src(%dma_wait3A_52 : memref<10000x128xf32, #tpu.memory_space<hbm>>) dst(%dma_wait3A_46 : memref<125x128xf32, #tpu.memory_space<vmem>>)
          %add3A = arith.constant 1 : i32
          %add3A_53 = arith.addi %mul3A_42, %add3A : i32
          %dma_start3A_54 = arith.constant 1 : i32
          %dma_start3A_55 = arith.constant 0 : i32
          %dma_start3A_56 = arith.constant 0 : i32
          %dma_start3A_57 = tpu.memref_slice %arg12[%dma_start3A_54, %dma_start3A_55, %dma_start3A_56] : memref<2x125x128xf32, #tpu.memory_space<vmem>> -> memref<1x125x128xf32, #tpu.memory_space<vmem>>
          %dma_start3A_58 = tpu.memref_squeeze %dma_start3A_57 : memref<1x125x128xf32, #tpu.memory_space<vmem>> -> memref<125x128xf32, #tpu.memory_space<vmem>>
          %dma_start3A_59 = arith.constant 0 : i32
          %dma_start3A_60 = tpu.memref_slice %arg10[%add3A_53, %dma_start3A_59] : memref<40x125xi32, #tpu.memory_space<vmem>> -> memref<1x125xi32, #tpu.memory_space<vmem>>
          %dma_start3A_61 = tpu.memref_squeeze %dma_start3A_60 : memref<1x125xi32, #tpu.memory_space<vmem>> -> memref<125xi32, #tpu.memory_space<vmem>>
          %dma_start3A_62 = arith.constant 0 : i32
          %dma_start3A_63 = arith.constant 0 : i32
          %dma_start3A_64 = tpu.memref_slice %arg3[%dma_start3A_62, %dma_start3A_63] : memref<10000x128xf32, #tpu.memory_space<hbm>> -> memref<10000x128xf32, #tpu.memory_space<hbm>>
          tpu.enqueue_indirect_dma source(%dma_start3A_64 : memref<10000x128xf32, #tpu.memory_space<hbm>>) target(%dma_start3A_58 : memref<125x128xf32, #tpu.memory_space<vmem>>) offsets(%dma_start3A_61 : memref<125xi32, #tpu.memory_space<vmem>>) semaphore(%arg15 : memref<!tpu.dma_semaphore, #tpu.memory_space<semaphore_mem>>)
          %run_scoped3A = arith.constant 0 : i32
          "tpu.region"() ({
            %run_scoped3A_85 = tpu.sem_alloc : memref<!tpu.dma_semaphore, #tpu.memory_space<semaphore_mem>>
            %dma_start3A_86 = arith.constant 0 : i32
            %dma_start3A_87 = arith.constant 0 : i32
            %dma_start3A_88 = tpu.memref_slice %arg12[%run_scoped3A, %dma_start3A_86, %dma_start3A_87] : memref<2x125x128xf32, #tpu.memory_space<vmem>> -> memref<1x125x128xf32, #tpu.memory_space<vmem>>
            %dma_start3A_89 = tpu.memref_squeeze %dma_start3A_88 : memref<1x125x128xf32, #tpu.memory_space<vmem>> -> memref<125x128xf32, #tpu.memory_space<vmem>>
            %dma_start3A_90 = arith.constant 0 : i32
            %dma_start3A_91 = tpu.memref_slice %arg11[%mul3A_42, %dma_start3A_90] : memref<40x125xi32, #tpu.memory_space<vmem>> -> memref<1x125xi32, #tpu.memory_space<vmem>>
            %dma_start3A_92 = tpu.memref_squeeze %dma_start3A_91 : memref<1x125xi32, #tpu.memory_space<vmem>> -> memref<125xi32, #tpu.memory_space<vmem>>
            %dma_start3A_93 = arith.constant 0 : i32
            %dma_start3A_94 = arith.constant 0 : i32
            %dma_start3A_95 = tpu.memref_slice %arg13[%dma_start3A_93, %dma_start3A_94] : memref<10112x128xf32, #tpu.memory_space<vmem_shared>> -> memref<10112x128xf32, #tpu.memory_space<vmem_shared>>
            tpu.enqueue_indirect_dma source(%dma_start3A_89 : memref<125x128xf32, #tpu.memory_space<vmem>>) target(%dma_start3A_95 : memref<10112x128xf32, #tpu.memory_space<vmem_shared>>) offsets(%dma_start3A_92 : memref<125xi32, #tpu.memory_space<vmem>>) semaphore(%run_scoped3A_85 : memref<!tpu.dma_semaphore, #tpu.memory_space<semaphore_mem>>) {add = true}
            %dma_wait3A_96 = arith.constant 0 : i32
            %dma_wait3A_97 = arith.constant 0 : i32
            %dma_wait3A_98 = tpu.memref_slice %arg12[%run_scoped3A, %dma_wait3A_96, %dma_wait3A_97] : memref<2x125x128xf32, #tpu.memory_space<vmem>> -> memref<1x125x128xf32, #tpu.memory_space<vmem>>
            %dma_wait3A_99 = tpu.memref_squeeze %dma_wait3A_98 : memref<1x125x128xf32, #tpu.memory_space<vmem>> -> memref<125x128xf32, #tpu.memory_space<vmem>>
            %dma_wait3A_100 = arith.constant 0 : i32
            %dma_wait3A_101 = tpu.memref_slice %arg11[%mul3A_42, %dma_wait3A_100] : memref<40x125xi32, #tpu.memory_space<vmem>> -> memref<1x125xi32, #tpu.memory_space<vmem>>
            %dma_wait3A_102 = tpu.memref_squeeze %dma_wait3A_101 : memref<1x125xi32, #tpu.memory_space<vmem>> -> memref<125xi32, #tpu.memory_space<vmem>>
            %dma_wait3A_103 = arith.constant 0 : i32
            %dma_wait3A_104 = arith.constant 0 : i32
            %dma_wait3A_105 = tpu.memref_slice %arg13[%dma_wait3A_103, %dma_wait3A_104] : memref<10112x128xf32, #tpu.memory_space<vmem_shared>> -> memref<10112x128xf32, #tpu.memory_space<vmem_shared>>
            tpu.wait_indirect_dma semaphore(%run_scoped3A_85 : memref<!tpu.dma_semaphore, #tpu.memory_space<semaphore_mem>>) src(%dma_wait3A_99 : memref<125x128xf32, #tpu.memory_space<vmem>>) dst(%dma_wait3A_105 : memref<10112x128xf32, #tpu.memory_space<vmem_shared>>)
            tpu.yield
          }) : () -> ()
          %add3A_65 = arith.constant 1 : i32
          %add3A_66 = arith.addi %mul3A_42, %add3A_65 : i32
          %dma_wait3A_67 = arith.constant 1 : i32
          %dma_wait3A_68 = arith.constant 0 : i32
          %dma_wait3A_69 = arith.constant 0 : i32
          %dma_wait3A_70 = tpu.memref_slice %arg12[%dma_wait3A_67, %dma_wait3A_68, %dma_wait3A_69] : memref<2x125x128xf32, #tpu.memory_space<vmem>> -> memref<1x125x128xf32, #tpu.memory_space<vmem>>
          %dma_wait3A_71 = tpu.memref_squeeze %dma_wait3A_70 : memref<1x125x128xf32, #tpu.memory_space<vmem>> -> memref<125x128xf32, #tpu.memory_space<vmem>>
          %dma_wait3A_72 = arith.constant 0 : i32
          %dma_wait3A_73 = tpu.memref_slice %arg10[%add3A_66, %dma_wait3A_72] : memref<40x125xi32, #tpu.memory_space<vmem>> -> memref<1x125xi32, #tpu.memory_space<vmem>>
          %dma_wait3A_74 = tpu.memref_squeeze %dma_wait3A_73 : memref<1x125xi32, #tpu.memory_space<vmem>> -> memref<125xi32, #tpu.memory_space<vmem>>
          %dma_wait3A_75 = arith.constant 0 : i32
          %dma_wait3A_76 = arith.constant 0 : i32
          %dma_wait3A_77 = tpu.memref_slice %arg3[%dma_wait3A_75, %dma_wait3A_76] : memref<10000x128xf32, #tpu.memory_space<hbm>> -> memref<10000x128xf32, #tpu.memory_space<hbm>>
          tpu.wait_indirect_dma semaphore(%arg15 : memref<!tpu.dma_semaphore, #tpu.memory_space<semaphore_mem>>) src(%dma_wait3A_77 : memref<10000x128xf32, #tpu.memory_space<hbm>>) dst(%dma_wait3A_71 : memref<125x128xf32, #tpu.memory_space<vmem>>)
          %lt3A = arith.constant 19 : i32
          %lt3A_78 = arith.cmpi slt, %scan3A_40, %lt3A : i32
          %convert_element_type3A_79 = arith.extui %lt3A_78 : i1 to i32
          %cond3A_80 = arith.constant 0 : i32
          %cond3A_81 = arith.cmpi ne, %convert_element_type3A_79, %cond3A_80 : i32
          scf.if %cond3A_81 {
            %add3A_85 = arith.constant 2 : i32
            %add3A_86 = arith.addi %mul3A_42, %add3A_85 : i32
            %dma_start3A_87 = arith.constant 0 : i32
            %dma_start3A_88 = arith.constant 0 : i32
            %dma_start3A_89 = arith.constant 0 : i32
            %dma_start3A_90 = tpu.memref_slice %arg12[%dma_start3A_87, %dma_start3A_88, %dma_start3A_89] : memref<2x125x128xf32, #tpu.memory_space<vmem>> -> memref<1x125x128xf32, #tpu.memory_space<vmem>>
            %dma_start3A_91 = tpu.memref_squeeze %dma_start3A_90 : memref<1x125x128xf32, #tpu.memory_space<vmem>> -> memref<125x128xf32, #tpu.memory_space<vmem>>
            %dma_start3A_92 = arith.constant 0 : i32
            %dma_start3A_93 = tpu.memref_slice %arg10[%add3A_86, %dma_start3A_92] : memref<40x125xi32, #tpu.memory_space<vmem>> -> memref<1x125xi32, #tpu.memory_space<vmem>>
            %dma_start3A_94 = tpu.memref_squeeze %dma_start3A_93 : memref<1x125xi32, #tpu.memory_space<vmem>> -> memref<125xi32, #tpu.memory_space<vmem>>
            %dma_start3A_95 = arith.constant 0 : i32
            %dma_start3A_96 = arith.constant 0 : i32
            %dma_start3A_97 = tpu.memref_slice %arg3[%dma_start3A_95, %dma_start3A_96] : memref<10000x128xf32, #tpu.memory_space<hbm>> -> memref<10000x128xf32, #tpu.memory_space<hbm>>
            tpu.enqueue_indirect_dma source(%dma_start3A_97 : memref<10000x128xf32, #tpu.memory_space<hbm>>) target(%dma_start3A_91 : memref<125x128xf32, #tpu.memory_space<vmem>>) offsets(%dma_start3A_94 : memref<125xi32, #tpu.memory_space<vmem>>) semaphore(%arg14 : memref<!tpu.dma_semaphore, #tpu.memory_space<semaphore_mem>>)
          } else {
          }
          %add3A_82 = arith.constant 1 : i32
          %add3A_83 = arith.addi %mul3A_42, %add3A_82 : i32
          %run_scoped3A_84 = arith.constant 1 : i32
          "tpu.region"() ({
            %run_scoped3A_85 = tpu.sem_alloc : memref<!tpu.dma_semaphore, #tpu.memory_space<semaphore_mem>>
            %dma_start3A_86 = arith.constant 0 : i32
            %dma_start3A_87 = arith.constant 0 : i32
            %dma_start3A_88 = tpu.memref_slice %arg12[%run_scoped3A_84, %dma_start3A_86, %dma_start3A_87] : memref<2x125x128xf32, #tpu.memory_space<vmem>> -> memref<1x125x128xf32, #tpu.memory_space<vmem>>
            %dma_start3A_89 = tpu.memref_squeeze %dma_start3A_88 : memref<1x125x128xf32, #tpu.memory_space<vmem>> -> memref<125x128xf32, #tpu.memory_space<vmem>>
            %dma_start3A_90 = arith.constant 0 : i32
            %dma_start3A_91 = tpu.memref_slice %arg11[%add3A_83, %dma_start3A_90] : memref<40x125xi32, #tpu.memory_space<vmem>> -> memref<1x125xi32, #tpu.memory_space<vmem>>
            %dma_start3A_92 = tpu.memref_squeeze %dma_start3A_91 : memref<1x125xi32, #tpu.memory_space<vmem>> -> memref<125xi32, #tpu.memory_space<vmem>>
            %dma_start3A_93 = arith.constant 0 : i32
            %dma_start3A_94 = arith.constant 0 : i32
            %dma_start3A_95 = tpu.memref_slice %arg13[%dma_start3A_93, %dma_start3A_94] : memref<10112x128xf32, #tpu.memory_space<vmem_shared>> -> memref<10112x128xf32, #tpu.memory_space<vmem_shared>>
            tpu.enqueue_indirect_dma source(%dma_start3A_89 : memref<125x128xf32, #tpu.memory_space<vmem>>) target(%dma_start3A_95 : memref<10112x128xf32, #tpu.memory_space<vmem_shared>>) offsets(%dma_start3A_92 : memref<125xi32, #tpu.memory_space<vmem>>) semaphore(%run_scoped3A_85 : memref<!tpu.dma_semaphore, #tpu.memory_space<semaphore_mem>>) {add = true}
            %dma_wait3A_96 = arith.constant 0 : i32
            %dma_wait3A_97 = arith.constant 0 : i32
            %dma_wait3A_98 = tpu.memref_slice %arg12[%run_scoped3A_84, %dma_wait3A_96, %dma_wait3A_97] : memref<2x125x128xf32, #tpu.memory_space<vmem>> -> memref<1x125x128xf32, #tpu.memory_space<vmem>>
            %dma_wait3A_99 = tpu.memref_squeeze %dma_wait3A_98 : memref<1x125x128xf32, #tpu.memory_space<vmem>> -> memref<125x128xf32, #tpu.memory_space<vmem>>
            %dma_wait3A_100 = arith.constant 0 : i32
            %dma_wait3A_101 = tpu.memref_slice %arg11[%add3A_83, %dma_wait3A_100] : memref<40x125xi32, #tpu.memory_space<vmem>> -> memref<1x125xi32, #tpu.memory_space<vmem>>
            %dma_wait3A_102 = tpu.memref_squeeze %dma_wait3A_101 : memref<1x125xi32, #tpu.memory_space<vmem>> -> memref<125xi32, #tpu.memory_space<vmem>>
            %dma_wait3A_103 = arith.constant 0 : i32
            %dma_wait3A_104 = arith.constant 0 : i32
            %dma_wait3A_105 = tpu.memref_slice %arg13[%dma_wait3A_103, %dma_wait3A_104] : memref<10112x128xf32, #tpu.memory_space<vmem_shared>> -> memref<10112x128xf32, #tpu.memory_space<vmem_shared>>
            tpu.wait_indirect_dma semaphore(%run_scoped3A_85 : memref<!tpu.dma_semaphore, #tpu.memory_space<semaphore_mem>>) src(%dma_wait3A_99 : memref<125x128xf32, #tpu.memory_space<vmem>>) dst(%dma_wait3A_105 : memref<10112x128xf32, #tpu.memory_space<vmem_shared>>)
            tpu.yield
          }) : () -> ()
        }
        %scan3A_39 = arith.constant 20 : i32
      }
      %scan3A_17 = arith.constant 4 : i32
    } else {
    }
    %barrier3A_8 = arith.constant 0 : index
    tpu.barrier barrier_id(%barrier3A_8)
    %mul3A_9 = arith.constant 632 : i32
    %mul3A_10 = arith.muli %arg1, %mul3A_9 : i32
    %mul3A_11 = arith.constant 632 : i32
    %mul3A_12 = arith.muli %arg1, %mul3A_11 : i32
    "tpu.region"() ({
      %run_scoped3A = tpu.sem_alloc : memref<!tpu.dma_semaphore, #tpu.memory_space<semaphore_mem>>
      %dma_start3A = arith.constant 0 : i32
      %dma_start3A_13 = tpu.memref_slice %arg9[%arg0, %mul3A_12, %dma_start3A] : memref<2x10112x128xf32, #tpu.memory_space<hbm>> -> memref<1x632x128xf32, #tpu.memory_space<hbm>>
      %dma_start3A_14 = tpu.memref_squeeze %dma_start3A_13 : memref<1x632x128xf32, #tpu.memory_space<hbm>> -> memref<632x128xf32, #tpu.memory_space<hbm>>
      %dma_start3A_15 = arith.constant 0 : i32
      %dma_start3A_16 = tpu.memref_slice %arg13[%mul3A_10, %dma_start3A_15] : memref<10112x128xf32, #tpu.memory_space<vmem_shared>> -> memref<632x128xf32, #tpu.memory_space<vmem_shared>>
      tpu.enqueue_dma source(%dma_start3A_16 : memref<632x128xf32, #tpu.memory_space<vmem_shared>>) target(%dma_start3A_14 : memref<632x128xf32, #tpu.memory_space<hbm>>) target_semaphore(%run_scoped3A : memref<!tpu.dma_semaphore, #tpu.memory_space<semaphore_mem>>)
      %dma_wait3A = arith.constant 0 : i32
      %dma_wait3A_17 = tpu.memref_slice %arg9[%arg0, %mul3A_12, %dma_wait3A] : memref<2x10112x128xf32, #tpu.memory_space<hbm>> -> memref<1x632x128xf32, #tpu.memory_space<hbm>>
      %dma_wait3A_18 = tpu.memref_squeeze %dma_wait3A_17 : memref<1x632x128xf32, #tpu.memory_space<hbm>> -> memref<632x128xf32, #tpu.memory_space<hbm>>
      %dma_wait3A_19 = arith.constant 0 : i32
      %dma_wait3A_20 = tpu.memref_slice %arg13[%mul3A_10, %dma_wait3A_19] : memref<10112x128xf32, #tpu.memory_space<vmem_shared>> -> memref<632x128xf32, #tpu.memory_space<vmem_shared>>
      tpu.wait_dma2 semaphore(%run_scoped3A : memref<!tpu.dma_semaphore, #tpu.memory_space<semaphore_mem>>) src(%dma_wait3A_20 : memref<632x128xf32, #tpu.memory_space<vmem_shared>>) dst(%dma_wait3A_18 : memref<632x128xf32, #tpu.memory_space<hbm>>)
      tpu.yield
    }) : () -> ()
    return
  }
}

#map = affine_map<(d0, d1) -> (0, 0)>
#map1 = affine_map<(d0, d1) -> (0, 0, 0)>
module attributes {stable_mosaic.version = 14 : i64} {
  func.func @body(%arg0: i32, %arg1: i32, %arg2: memref<10000x128xf32, #tpu.memory_space<hbm>>, %arg3: memref<10000x128xf32, #tpu.memory_space<hbm>>, %arg4: memref<16x160x125xi32, #tpu.memory_space<hbm>>, %arg5: memref<16x160x125xi32, #tpu.memory_space<hbm>>, %arg6: memref<16x160x125xi32, #tpu.memory_space<hbm>>, %arg7: memref<16x160x125xi32, #tpu.memory_space<hbm>>, %arg8: memref<632x128xf32, #tpu.memory_space<hbm>>, %arg9: memref<2x10112x128xf32, #tpu.memory_space<hbm>>, %arg10: memref<40x125xi32, #tpu.memory_space<vmem>>, %arg11: memref<40x125xi32, #tpu.memory_space<vmem>>, %arg12: memref<2x125x128xf32, #tpu.memory_space<vmem>>, %arg13: memref<10112x128xf32, #tpu.memory_space<vmem_shared>>, %arg14: memref<!tpu.dma_semaphore, #tpu.memory_space<semaphore_mem>>, %arg15: memref<!tpu.dma_semaphore, #tpu.memory_space<semaphore_mem>>) attributes {dimension_semantics = [#tpu.dimension_semantics<core_parallel>, #tpu.dimension_semantics<subcore_parallel>], iteration_bounds = array<i64: 2, 16>, scalar_prefetch = 0 : i64, scratch_operands = 6 : i64, tpu.core_type = #tpu.core_type<sc_vector_subcore>, window_params = [{transform_indices = #map}, {transform_indices = #map}, {transform_indices = #map1}, {transform_indices = #map1}, {transform_indices = #map1}, {transform_indices = #map1}, {transform_indices = #map}, {transform_indices = #map1}]} {
    %mul3A = arith.constant 632 : i32
    %mul3A_0 = arith.muli %arg1, %mul3A : i32
    "tpu.region"() ({
      %run_scoped3A = tpu.sem_alloc : memref<!tpu.dma_semaphore, #tpu.memory_space<semaphore_mem>>
      %dma_start3A = arith.constant 0 : i32
      %dma_start3A_13 = tpu.memref_slice %arg13[%mul3A_0, %dma_start3A] : memref<10112x128xf32, #tpu.memory_space<vmem_shared>> -> memref<632x128xf32, #tpu.memory_space<vmem_shared>>
      tpu.enqueue_dma source(%arg8 : memref<632x128xf32, #tpu.memory_space<hbm>>) target(%dma_start3A_13 : memref<632x128xf32, #tpu.memory_space<vmem_shared>>) target_semaphore(%run_scoped3A : memref<!tpu.dma_semaphore, #tpu.memory_space<semaphore_mem>>)
      %dma_wait3A = arith.constant 0 : i32
      %dma_wait3A_14 = tpu.memref_slice %arg13[%mul3A_0, %dma_wait3A] : memref<10112x128xf32, #tpu.memory_space<vmem_shared>> -> memref<632x128xf32, #tpu.memory_space<vmem_shared>>
      tpu.wait_dma2 semaphore(%run_scoped3A : memref<!tpu.dma_semaphore, #tpu.memory_space<semaphore_mem>>) src(%arg8 : memref<632x128xf32, #tpu.memory_space<hbm>>) dst(%dma_wait3A_14 : memref<632x128xf32, #tpu.memory_space<vmem_shared>>)
      tpu.yield
    }) : () -> ()
    %barrier3A = arith.constant 0 : index
    tpu.barrier barrier_id(%barrier3A)
    %eq3A = arith.constant 0 : i32
    %eq3A_1 = arith.cmpi eq, %arg0, %eq3A : i32
    %convert_element_type3A = arith.extui %eq3A_1 : i1 to i32
    %cond3A = arith.constant 0 : i32
    %cond3A_2 = arith.cmpi ne, %convert_element_type3A, %cond3A : i32
    scf.if %cond3A_2 {
      %scan3A = arith.constant 0 : i32
      %scan3A_13 = arith.constant 0 : i32
      %scan3A_14 = arith.constant 4 : i32
      %scan3A_15 = arith.addi %scan3A_13, %scan3A_14 : i32
      %scan3A_16 = arith.constant 1 : i32
      scf.for %scan3A_18 = %scan3A_13 to %scan3A_15 step %scan3A_16  : i32 {
        %mul3A_19 = arith.constant 40 : i32
        %mul3A_20 = arith.muli %scan3A_18, %mul3A_19 : i32
        "tpu.region"() ({
          %run_scoped3A = tpu.sem_alloc : memref<!tpu.dma_semaphore, #tpu.memory_space<semaphore_mem>>
          %dma_start3A_40 = arith.constant 0 : i32
          %dma_start3A_41 = tpu.memref_slice %arg4[%arg1, %mul3A_20, %dma_start3A_40] : memref<16x160x125xi32, #tpu.memory_space<hbm>> -> memref<1x40x125xi32, #tpu.memory_space<hbm>>
          %dma_start3A_42 = tpu.memref_squeeze %dma_start3A_41 : memref<1x40x125xi32, #tpu.memory_space<hbm>> -> memref<40x125xi32, #tpu.memory_space<hbm>>
          %dma_start3A_43 = arith.constant 0 : i32
          %dma_start3A_44 = tpu.memref_slice %arg4[%arg1, %mul3A_20, %dma_start3A_43] : memref<16x160x125xi32, #tpu.memory_space<hbm>> -> memref<1x40x125xi32, #tpu.memory_space<hbm>>
          %dma_start3A_45 = tpu.memref_squeeze %dma_start3A_44 : memref<1x40x125xi32, #tpu.memory_space<hbm>> -> memref<40x125xi32, #tpu.memory_space<hbm>>
          tpu.enqueue_dma source(%dma_start3A_45 : memref<40x125xi32, #tpu.memory_space<hbm>>) target(%arg11 : memref<40x125xi32, #tpu.memory_space<vmem>>) target_semaphore(%run_scoped3A : memref<!tpu.dma_semaphore, #tpu.memory_space<semaphore_mem>>)
          %dma_wait3A = arith.constant 0 : i32
          %dma_wait3A_46 = tpu.memref_slice %arg4[%arg1, %mul3A_20, %dma_wait3A] : memref<16x160x125xi32, #tpu.memory_space<hbm>> -> memref<1x40x125xi32, #tpu.memory_space<hbm>>
          %dma_wait3A_47 = tpu.memref_squeeze %dma_wait3A_46 : memref<1x40x125xi32, #tpu.memory_space<hbm>> -> memref<40x125xi32, #tpu.memory_space<hbm>>
          %dma_wait3A_48 = arith.constant 0 : i32
          %dma_wait3A_49 = tpu.memref_slice %arg4[%arg1, %mul3A_20, %dma_wait3A_48] : memref<16x160x125xi32, #tpu.memory_space<hbm>> -> memref<1x40x125xi32, #tpu.memory_space<hbm>>
          %dma_wait3A_50 = tpu.memref_squeeze %dma_wait3A_49 : memref<1x40x125xi32, #tpu.memory_space<hbm>> -> memref<40x125xi32, #tpu.memory_space<hbm>>
          tpu.wait_dma2 semaphore(%run_scoped3A : memref<!tpu.dma_semaphore, #tpu.memory_space<semaphore_mem>>) src(%dma_wait3A_50 : memref<40x125xi32, #tpu.memory_space<hbm>>) dst(%arg11 : memref<40x125xi32, #tpu.memory_space<vmem>>)
          tpu.yield
        }) : () -> ()
        %mul3A_21 = arith.constant 40 : i32
        %mul3A_22 = arith.muli %scan3A_18, %mul3A_21 : i32
        "tpu.region"() ({
          %run_scoped3A = tpu.sem_alloc : memref<!tpu.dma_semaphore, #tpu.memory_space<semaphore_mem>>
          %dma_start3A_40 = arith.constant 0 : i32
          %dma_start3A_41 = tpu.memref_slice %arg6[%arg1, %mul3A_22, %dma_start3A_40] : memref<16x160x125xi32, #tpu.memory_space<hbm>> -> memref<1x40x125xi32, #tpu.memory_space<hbm>>
          %dma_start3A_42 = tpu.memref_squeeze %dma_start3A_41 : memref<1x40x125xi32, #tpu.memory_space<hbm>> -> memref<40x125xi32, #tpu.memory_space<hbm>>
          %dma_start3A_43 = arith.constant 0 : i32
          %dma_start3A_44 = tpu.memref_slice %arg6[%arg1, %mul3A_22, %dma_start3A_43] : memref<16x160x125xi32, #tpu.memory_space<hbm>> -> memref<1x40x125xi32, #tpu.memory_space<hbm>>
          %dma_start3A_45 = tpu.memref_squeeze %dma_start3A_44 : memref<1x40x125xi32, #tpu.memory_space<hbm>> -> memref<40x125xi32, #tpu.memory_space<hbm>>
          tpu.enqueue_dma source(%dma_start3A_45 : memref<40x125xi32, #tpu.memory_space<hbm>>) target(%arg10 : memref<40x125xi32, #tpu.memory_space<vmem>>) target_semaphore(%run_scoped3A : memref<!tpu.dma_semaphore, #tpu.memory_space<semaphore_mem>>)
          %dma_wait3A = arith.constant 0 : i32
          %dma_wait3A_46 = tpu.memref_slice %arg6[%arg1, %mul3A_22, %dma_wait3A] : memref<16x160x125xi32, #tpu.memory_space<hbm>> -> memref<1x40x125xi32, #tpu.memory_space<hbm>>
          %dma_wait3A_47 = tpu.memref_squeeze %dma_wait3A_46 : memref<1x40x125xi32, #tpu.memory_space<hbm>> -> memref<40x125xi32, #tpu.memory_space<hbm>>
          %dma_wait3A_48 = arith.constant 0 : i32
          %dma_wait3A_49 = tpu.memref_slice %arg6[%arg1, %mul3A_22, %dma_wait3A_48] : memref<16x160x125xi32, #tpu.memory_space<hbm>> -> memref<1x40x125xi32, #tpu.memory_space<hbm>>
          %dma_wait3A_50 = tpu.memref_squeeze %dma_wait3A_49 : memref<1x40x125xi32, #tpu.memory_space<hbm>> -> memref<40x125xi32, #tpu.memory_space<hbm>>
          tpu.wait_dma2 semaphore(%run_scoped3A : memref<!tpu.dma_semaphore, #tpu.memory_space<semaphore_mem>>) src(%dma_wait3A_50 : memref<40x125xi32, #tpu.memory_space<hbm>>) dst(%arg10 : memref<40x125xi32, #tpu.memory_space<vmem>>)
          tpu.yield
        }) : () -> ()
        %dma_start3A = arith.constant 0 : i32
        %dma_start3A_23 = arith.constant 0 : i32
        %dma_start3A_24 = arith.constant 0 : i32
        %dma_start3A_25 = arith.constant 0 : i32
        %dma_start3A_26 = tpu.memref_slice %arg12[%dma_start3A_23, %dma_start3A_24, %dma_start3A_25] : memref<2x125x128xf32, #tpu.memory_space<vmem>> -> memref<1x125x128xf32, #tpu.memory_space<vmem>>
        %dma_start3A_27 = tpu.memref_squeeze %dma_start3A_26 : memref<1x125x128xf32, #tpu.memory_space<vmem>> -> memref<125x128xf32, #tpu.memory_space<vmem>>
        %dma_start3A_28 = arith.constant 0 : i32
        %dma_start3A_29 = tpu.memref_slice %arg10[%dma_start3A, %dma_start3A_28] : memref<40x125xi32, #tpu.memory_space<vmem>> -> memref<1x125xi32, #tpu.memory_space<vmem>>
        %dma_start3A_30 = tpu.memref_squeeze %dma_start3A_29 : memref<1x125xi32, #tpu.memory_space<vmem>> -> memref<125xi32, #tpu.memory_space<vmem>>
        %dma_start3A_31 = arith.constant 0 : i32
        %dma_start3A_32 = arith.constant 0 : i32
        %dma_start3A_33 = tpu.memref_slice %arg2[%dma_start3A_31, %dma_start3A_32] : memref<10000x128xf32, #tpu.memory_space<hbm>> -> memref<10000x128xf32, #tpu.memory_space<hbm>>
        tpu.enqueue_indirect_dma source(%dma_start3A_33 : memref<10000x128xf32, #tpu.memory_space<hbm>>) target(%dma_start3A_27 : memref<125x128xf32, #tpu.memory_space<vmem>>) offsets(%dma_start3A_30 : memref<125xi32, #tpu.memory_space<vmem>>) semaphore(%arg14 : memref<!tpu.dma_semaphore, #tpu.memory_space<semaphore_mem>>)
        %scan3A_34 = arith.constant 0 : i32
        %scan3A_35 = arith.constant 0 : i32
        %scan3A_36 = arith.constant 20 : i32
        %scan3A_37 = arith.addi %scan3A_35, %scan3A_36 : i32
        %scan3A_38 = arith.constant 1 : i32
        scf.for %scan3A_40 = %scan3A_35 to %scan3A_37 step %scan3A_38  : i32 {
          %mul3A_41 = arith.constant 2 : i32
          %mul3A_42 = arith.muli %mul3A_41, %scan3A_40 : i32
          %dma_wait3A = arith.constant 0 : i32
          %dma_wait3A_43 = arith.constant 0 : i32
          %dma_wait3A_44 = arith.constant 0 : i32
          %dma_wait3A_45 = tpu.memref_slice %arg12[%dma_wait3A, %dma_wait3A_43, %dma_wait3A_44] : memref<2x125x128xf32, #tpu.memory_space<vmem>> -> memref<1x125x128xf32, #tpu.memory_space<vmem>>
          %dma_wait3A_46 = tpu.memref_squeeze %dma_wait3A_45 : memref<1x125x128xf32, #tpu.memory_space<vmem>> -> memref<125x128xf32, #tpu.memory_space<vmem>>
          %dma_wait3A_47 = arith.constant 0 : i32
          %dma_wait3A_48 = tpu.memref_slice %arg10[%mul3A_42, %dma_wait3A_47] : memref<40x125xi32, #tpu.memory_space<vmem>> -> memref<1x125xi32, #tpu.memory_space<vmem>>
          %dma_wait3A_49 = tpu.memref_squeeze %dma_wait3A_48 : memref<1x125xi32, #tpu.memory_space<vmem>> -> memref<125xi32, #tpu.memory_space<vmem>>
          %dma_wait3A_50 = arith.constant 0 : i32
          %dma_wait3A_51 = arith.constant 0 : i32
          %dma_wait3A_52 = tpu.memref_slice %arg2[%dma_wait3A_50, %dma_wait3A_51] : memref<10000x128xf32, #tpu.memory_space<hbm>> -> memref<10000x128xf32, #tpu.memory_space<hbm>>
          tpu.wait_indirect_dma semaphore(%arg14 : memref<!tpu.dma_semaphore, #tpu.memory_space<semaphore_mem>>) src(%dma_wait3A_52 : memref<10000x128xf32, #tpu.memory_space<hbm>>) dst(%dma_wait3A_46 : memref<125x128xf32, #tpu.memory_space<vmem>>)
          %add3A = arith.constant 1 : i32
          %add3A_53 = arith.addi %mul3A_42, %add3A : i32
          %dma_start3A_54 = arith.constant 1 : i32
          %dma_start3A_55 = arith.constant 0 : i32
          %dma_start3A_56 = arith.constant 0 : i32
          %dma_start3A_57 = tpu.memref_slice %arg12[%dma_start3A_54, %dma_start3A_55, %dma_start3A_56] : memref<2x125x128xf32, #tpu.memory_space<vmem>> -> memref<1x125x128xf32, #tpu.memory_space<vmem>>
          %dma_start3A_58 = tpu.memref_squeeze %dma_start3A_57 : memref<1x125x128xf32, #tpu.memory_space<vmem>> -> memref<125x128xf32, #tpu.memory_space<vmem>>
          %dma_start3A_59 = arith.constant 0 : i32
          %dma_start3A_60 = tpu.memref_slice %arg10[%add3A_53, %dma_start3A_59] : memref<40x125xi32, #tpu.memory_space<vmem>> -> memref<1x125xi32, #tpu.memory_space<vmem>>
          %dma_start3A_61 = tpu.memref_squeeze %dma_start3A_60 : memref<1x125xi32, #tpu.memory_space<vmem>> -> memref<125xi32, #tpu.memory_space<vmem>>
          %dma_start3A_62 = arith.constant 0 : i32
          %dma_start3A_63 = arith.constant 0 : i32
          %dma_start3A_64 = tpu.memref_slice %arg2[%dma_start3A_62, %dma_start3A_63] : memref<10000x128xf32, #tpu.memory_space<hbm>> -> memref<10000x128xf32, #tpu.memory_space<hbm>>
          tpu.enqueue_indirect_dma source(%dma_start3A_64 : memref<10000x128xf32, #tpu.memory_space<hbm>>) target(%dma_start3A_58 : memref<125x128xf32, #tpu.memory_space<vmem>>) offsets(%dma_start3A_61 : memref<125xi32, #tpu.memory_space<vmem>>) semaphore(%arg15 : memref<!tpu.dma_semaphore, #tpu.memory_space<semaphore_mem>>)
          %run_scoped3A = arith.constant 0 : i32
          "tpu.region"() ({
            %run_scoped3A_85 = tpu.sem_alloc : memref<!tpu.dma_semaphore, #tpu.memory_space<semaphore_mem>>
            %dma_start3A_86 = arith.constant 0 : i32
            %dma_start3A_87 = arith.constant 0 : i32
            %dma_start3A_88 = tpu.memref_slice %arg12[%run_scoped3A, %dma_start3A_86, %dma_start3A_87] : memref<2x125x128xf32, #tpu.memory_space<vmem>> -> memref<1x125x128xf32, #tpu.memory_space<vmem>>
            %dma_start3A_89 = tpu.memref_squeeze %dma_start3A_88 : memref<1x125x128xf32, #tpu.memory_space<vmem>> -> memref<125x128xf32, #tpu.memory_space<vmem>>
            %dma_start3A_90 = arith.constant 0 : i32
            %dma_start3A_91 = tpu.memref_slice %arg11[%mul3A_42, %dma_start3A_90] : memref<40x125xi32, #tpu.memory_space<vmem>> -> memref<1x125xi32, #tpu.memory_space<vmem>>
            %dma_start3A_92 = tpu.memref_squeeze %dma_start3A_91 : memref<1x125xi32, #tpu.memory_space<vmem>> -> memref<125xi32, #tpu.memory_space<vmem>>
            %dma_start3A_93 = arith.constant 0 : i32
            %dma_start3A_94 = arith.constant 0 : i32
            %dma_start3A_95 = tpu.memref_slice %arg13[%dma_start3A_93, %dma_start3A_94] : memref<10112x128xf32, #tpu.memory_space<vmem_shared>> -> memref<10112x128xf32, #tpu.memory_space<vmem_shared>>
            tpu.enqueue_indirect_dma source(%dma_start3A_89 : memref<125x128xf32, #tpu.memory_space<vmem>>) target(%dma_start3A_95 : memref<10112x128xf32, #tpu.memory_space<vmem_shared>>) offsets(%dma_start3A_92 : memref<125xi32, #tpu.memory_space<vmem>>) semaphore(%run_scoped3A_85 : memref<!tpu.dma_semaphore, #tpu.memory_space<semaphore_mem>>) {add = true}
            %dma_wait3A_96 = arith.constant 0 : i32
            %dma_wait3A_97 = arith.constant 0 : i32
            %dma_wait3A_98 = tpu.memref_slice %arg12[%run_scoped3A, %dma_wait3A_96, %dma_wait3A_97] : memref<2x125x128xf32, #tpu.memory_space<vmem>> -> memref<1x125x128xf32, #tpu.memory_space<vmem>>
            %dma_wait3A_99 = tpu.memref_squeeze %dma_wait3A_98 : memref<1x125x128xf32, #tpu.memory_space<vmem>> -> memref<125x128xf32, #tpu.memory_space<vmem>>
            %dma_wait3A_100 = arith.constant 0 : i32
            %dma_wait3A_101 = tpu.memref_slice %arg11[%mul3A_42, %dma_wait3A_100] : memref<40x125xi32, #tpu.memory_space<vmem>> -> memref<1x125xi32, #tpu.memory_space<vmem>>
            %dma_wait3A_102 = tpu.memref_squeeze %dma_wait3A_101 : memref<1x125xi32, #tpu.memory_space<vmem>> -> memref<125xi32, #tpu.memory_space<vmem>>
            %dma_wait3A_103 = arith.constant 0 : i32
            %dma_wait3A_104 = arith.constant 0 : i32
            %dma_wait3A_105 = tpu.memref_slice %arg13[%dma_wait3A_103, %dma_wait3A_104] : memref<10112x128xf32, #tpu.memory_space<vmem_shared>> -> memref<10112x128xf32, #tpu.memory_space<vmem_shared>>
            tpu.wait_indirect_dma semaphore(%run_scoped3A_85 : memref<!tpu.dma_semaphore, #tpu.memory_space<semaphore_mem>>) src(%dma_wait3A_99 : memref<125x128xf32, #tpu.memory_space<vmem>>) dst(%dma_wait3A_105 : memref<10112x128xf32, #tpu.memory_space<vmem_shared>>)
            tpu.yield
          }) : () -> ()
          %add3A_65 = arith.constant 1 : i32
          %add3A_66 = arith.addi %mul3A_42, %add3A_65 : i32
          %dma_wait3A_67 = arith.constant 1 : i32
          %dma_wait3A_68 = arith.constant 0 : i32
          %dma_wait3A_69 = arith.constant 0 : i32
          %dma_wait3A_70 = tpu.memref_slice %arg12[%dma_wait3A_67, %dma_wait3A_68, %dma_wait3A_69] : memref<2x125x128xf32, #tpu.memory_space<vmem>> -> memref<1x125x128xf32, #tpu.memory_space<vmem>>
          %dma_wait3A_71 = tpu.memref_squeeze %dma_wait3A_70 : memref<1x125x128xf32, #tpu.memory_space<vmem>> -> memref<125x128xf32, #tpu.memory_space<vmem>>
          %dma_wait3A_72 = arith.constant 0 : i32
          %dma_wait3A_73 = tpu.memref_slice %arg10[%add3A_66, %dma_wait3A_72] : memref<40x125xi32, #tpu.memory_space<vmem>> -> memref<1x125xi32, #tpu.memory_space<vmem>>
          %dma_wait3A_74 = tpu.memref_squeeze %dma_wait3A_73 : memref<1x125xi32, #tpu.memory_space<vmem>> -> memref<125xi32, #tpu.memory_space<vmem>>
          %dma_wait3A_75 = arith.constant 0 : i32
          %dma_wait3A_76 = arith.constant 0 : i32
          %dma_wait3A_77 = tpu.memref_slice %arg2[%dma_wait3A_75, %dma_wait3A_76] : memref<10000x128xf32, #tpu.memory_space<hbm>> -> memref<10000x128xf32, #tpu.memory_space<hbm>>
          tpu.wait_indirect_dma semaphore(%arg15 : memref<!tpu.dma_semaphore, #tpu.memory_space<semaphore_mem>>) src(%dma_wait3A_77 : memref<10000x128xf32, #tpu.memory_space<hbm>>) dst(%dma_wait3A_71 : memref<125x128xf32, #tpu.memory_space<vmem>>)
          %lt3A = arith.constant 19 : i32
          %lt3A_78 = arith.cmpi slt, %scan3A_40, %lt3A : i32
          %convert_element_type3A_79 = arith.extui %lt3A_78 : i1 to i32
          %cond3A_80 = arith.constant 0 : i32
          %cond3A_81 = arith.cmpi ne, %convert_element_type3A_79, %cond3A_80 : i32
          scf.if %cond3A_81 {
            %add3A_85 = arith.constant 2 : i32
            %add3A_86 = arith.addi %mul3A_42, %add3A_85 : i32
            %dma_start3A_87 = arith.constant 0 : i32
            %dma_start3A_88 = arith.constant 0 : i32
            %dma_start3A_89 = arith.constant 0 : i32
            %dma_start3A_90 = tpu.memref_slice %arg12[%dma_start3A_87, %dma_start3A_88, %dma_start3A_89] : memref<2x125x128xf32, #tpu.memory_space<vmem>> -> memref<1x125x128xf32, #tpu.memory_space<vmem>>
            %dma_start3A_91 = tpu.memref_squeeze %dma_start3A_90 : memref<1x125x128xf32, #tpu.memory_space<vmem>> -> memref<125x128xf32, #tpu.memory_space<vmem>>
            %dma_start3A_92 = arith.constant 0 : i32
            %dma_start3A_93 = tpu.memref_slice %arg10[%add3A_86, %dma_start3A_92] : memref<40x125xi32, #tpu.memory_space<vmem>> -> memref<1x125xi32, #tpu.memory_space<vmem>>
            %dma_start3A_94 = tpu.memref_squeeze %dma_start3A_93 : memref<1x125xi32, #tpu.memory_space<vmem>> -> memref<125xi32, #tpu.memory_space<vmem>>
            %dma_start3A_95 = arith.constant 0 : i32
            %dma_start3A_96 = arith.constant 0 : i32
            %dma_start3A_97 = tpu.memref_slice %arg2[%dma_start3A_95, %dma_start3A_96] : memref<10000x128xf32, #tpu.memory_space<hbm>> -> memref<10000x128xf32, #tpu.memory_space<hbm>>
            tpu.enqueue_indirect_dma source(%dma_start3A_97 : memref<10000x128xf32, #tpu.memory_space<hbm>>) target(%dma_start3A_91 : memref<125x128xf32, #tpu.memory_space<vmem>>) offsets(%dma_start3A_94 : memref<125xi32, #tpu.memory_space<vmem>>) semaphore(%arg14 : memref<!tpu.dma_semaphore, #tpu.memory_space<semaphore_mem>>)
          } else {
          }
          %add3A_82 = arith.constant 1 : i32
          %add3A_83 = arith.addi %mul3A_42, %add3A_82 : i32
          %run_scoped3A_84 = arith.constant 1 : i32
          "tpu.region"() ({
            %run_scoped3A_85 = tpu.sem_alloc : memref<!tpu.dma_semaphore, #tpu.memory_space<semaphore_mem>>
            %dma_start3A_86 = arith.constant 0 : i32
            %dma_start3A_87 = arith.constant 0 : i32
            %dma_start3A_88 = tpu.memref_slice %arg12[%run_scoped3A_84, %dma_start3A_86, %dma_start3A_87] : memref<2x125x128xf32, #tpu.memory_space<vmem>> -> memref<1x125x128xf32, #tpu.memory_space<vmem>>
            %dma_start3A_89 = tpu.memref_squeeze %dma_start3A_88 : memref<1x125x128xf32, #tpu.memory_space<vmem>> -> memref<125x128xf32, #tpu.memory_space<vmem>>
            %dma_start3A_90 = arith.constant 0 : i32
            %dma_start3A_91 = tpu.memref_slice %arg11[%add3A_83, %dma_start3A_90] : memref<40x125xi32, #tpu.memory_space<vmem>> -> memref<1x125xi32, #tpu.memory_space<vmem>>
            %dma_start3A_92 = tpu.memref_squeeze %dma_start3A_91 : memref<1x125xi32, #tpu.memory_space<vmem>> -> memref<125xi32, #tpu.memory_space<vmem>>
            %dma_start3A_93 = arith.constant 0 : i32
            %dma_start3A_94 = arith.constant 0 : i32
            %dma_start3A_95 = tpu.memref_slice %arg13[%dma_start3A_93, %dma_start3A_94] : memref<10112x128xf32, #tpu.memory_space<vmem_shared>> -> memref<10112x128xf32, #tpu.memory_space<vmem_shared>>
            tpu.enqueue_indirect_dma source(%dma_start3A_89 : memref<125x128xf32, #tpu.memory_space<vmem>>) target(%dma_start3A_95 : memref<10112x128xf32, #tpu.memory_space<vmem_shared>>) offsets(%dma_start3A_92 : memref<125xi32, #tpu.memory_space<vmem>>) semaphore(%run_scoped3A_85 : memref<!tpu.dma_semaphore, #tpu.memory_space<semaphore_mem>>) {add = true}
            %dma_wait3A_96 = arith.constant 0 : i32
            %dma_wait3A_97 = arith.constant 0 : i32
            %dma_wait3A_98 = tpu.memref_slice %arg12[%run_scoped3A_84, %dma_wait3A_96, %dma_wait3A_97] : memref<2x125x128xf32, #tpu.memory_space<vmem>> -> memref<1x125x128xf32, #tpu.memory_space<vmem>>
            %dma_wait3A_99 = tpu.memref_squeeze %dma_wait3A_98 : memref<1x125x128xf32, #tpu.memory_space<vmem>> -> memref<125x128xf32, #tpu.memory_space<vmem>>
            %dma_wait3A_100 = arith.constant 0 : i32
            %dma_wait3A_101 = tpu.memref_slice %arg11[%add3A_83, %dma_wait3A_100] : memref<40x125xi32, #tpu.memory_space<vmem>> -> memref<1x125xi32, #tpu.memory_space<vmem>>
            %dma_wait3A_102 = tpu.memref_squeeze %dma_wait3A_101 : memref<1x125xi32, #tpu.memory_space<vmem>> -> memref<125xi32, #tpu.memory_space<vmem>>
            %dma_wait3A_103 = arith.constant 0 : i32
            %dma_wait3A_104 = arith.constant 0 : i32
            %dma_wait3A_105 = tpu.memref_slice %arg13[%dma_wait3A_103, %dma_wait3A_104] : memref<10112x128xf32, #tpu.memory_space<vmem_shared>> -> memref<10112x128xf32, #tpu.memory_space<vmem_shared>>
            tpu.wait_indirect_dma semaphore(%run_scoped3A_85 : memref<!tpu.dma_semaphore, #tpu.memory_space<semaphore_mem>>) src(%dma_wait3A_99 : memref<125x128xf32, #tpu.memory_space<vmem>>) dst(%dma_wait3A_105 : memref<10112x128xf32, #tpu.memory_space<vmem_shared>>)
            tpu.yield
          }) : () -> ()
        }
        %scan3A_39 = arith.constant 20 : i32
      }
      %scan3A_17 = arith.constant 4 : i32
    } else {
    }
    %eq3A_3 = arith.constant 1 : i32
    %eq3A_4 = arith.cmpi eq, %arg0, %eq3A_3 : i32
    %convert_element_type3A_5 = arith.extui %eq3A_4 : i1 to i32
    %cond3A_6 = arith.constant 0 : i32
    %cond3A_7 = arith.cmpi ne, %convert_element_type3A_5, %cond3A_6 : i32
    scf.if %cond3A_7 {
      %scan3A = arith.constant 0 : i32
      %scan3A_13 = arith.constant 0 : i32
      %scan3A_14 = arith.constant 4 : i32
      %scan3A_15 = arith.addi %scan3A_13, %scan3A_14 : i32
      %scan3A_16 = arith.constant 1 : i32
      scf.for %scan3A_18 = %scan3A_13 to %scan3A_15 step %scan3A_16  : i32 {
        %mul3A_19 = arith.constant 40 : i32
        %mul3A_20 = arith.muli %scan3A_18, %mul3A_19 : i32
        "tpu.region"() ({
          %run_scoped3A = tpu.sem_alloc : memref<!tpu.dma_semaphore, #tpu.memory_space<semaphore_mem>>
          %dma_start3A_40 = arith.constant 0 : i32
          %dma_start3A_41 = tpu.memref_slice %arg5[%arg1, %mul3A_20, %dma_start3A_40] : memref<16x160x125xi32, #tpu.memory_space<hbm>> -> memref<1x40x125xi32, #tpu.memory_space<hbm>>
          %dma_start3A_42 = tpu.memref_squeeze %dma_start3A_41 : memref<1x40x125xi32, #tpu.memory_space<hbm>> -> memref<40x125xi32, #tpu.memory_space<hbm>>
          %dma_start3A_43 = arith.constant 0 : i32
          %dma_start3A_44 = tpu.memref_slice %arg5[%arg1, %mul3A_20, %dma_start3A_43] : memref<16x160x125xi32, #tpu.memory_space<hbm>> -> memref<1x40x125xi32, #tpu.memory_space<hbm>>
          %dma_start3A_45 = tpu.memref_squeeze %dma_start3A_44 : memref<1x40x125xi32, #tpu.memory_space<hbm>> -> memref<40x125xi32, #tpu.memory_space<hbm>>
          tpu.enqueue_dma source(%dma_start3A_45 : memref<40x125xi32, #tpu.memory_space<hbm>>) target(%arg11 : memref<40x125xi32, #tpu.memory_space<vmem>>) target_semaphore(%run_scoped3A : memref<!tpu.dma_semaphore, #tpu.memory_space<semaphore_mem>>)
          %dma_wait3A = arith.constant 0 : i32
          %dma_wait3A_46 = tpu.memref_slice %arg5[%arg1, %mul3A_20, %dma_wait3A] : memref<16x160x125xi32, #tpu.memory_space<hbm>> -> memref<1x40x125xi32, #tpu.memory_space<hbm>>
          %dma_wait3A_47 = tpu.memref_squeeze %dma_wait3A_46 : memref<1x40x125xi32, #tpu.memory_space<hbm>> -> memref<40x125xi32, #tpu.memory_space<hbm>>
          %dma_wait3A_48 = arith.constant 0 : i32
          %dma_wait3A_49 = tpu.memref_slice %arg5[%arg1, %mul3A_20, %dma_wait3A_48] : memref<16x160x125xi32, #tpu.memory_space<hbm>> -> memref<1x40x125xi32, #tpu.memory_space<hbm>>
          %dma_wait3A_50 = tpu.memref_squeeze %dma_wait3A_49 : memref<1x40x125xi32, #tpu.memory_space<hbm>> -> memref<40x125xi32, #tpu.memory_space<hbm>>
          tpu.wait_dma2 semaphore(%run_scoped3A : memref<!tpu.dma_semaphore, #tpu.memory_space<semaphore_mem>>) src(%dma_wait3A_50 : memref<40x125xi32, #tpu.memory_space<hbm>>) dst(%arg11 : memref<40x125xi32, #tpu.memory_space<vmem>>)
          tpu.yield
        }) : () -> ()
        %mul3A_21 = arith.constant 40 : i32
        %mul3A_22 = arith.muli %scan3A_18, %mul3A_21 : i32
        "tpu.region"() ({
          %run_scoped3A = tpu.sem_alloc : memref<!tpu.dma_semaphore, #tpu.memory_space<semaphore_mem>>
          %dma_start3A_40 = arith.constant 0 : i32
          %dma_start3A_41 = tpu.memref_slice %arg7[%arg1, %mul3A_22, %dma_start3A_40] : memref<16x160x125xi32, #tpu.memory_space<hbm>> -> memref<1x40x125xi32, #tpu.memory_space<hbm>>
          %dma_start3A_42 = tpu.memref_squeeze %dma_start3A_41 : memref<1x40x125xi32, #tpu.memory_space<hbm>> -> memref<40x125xi32, #tpu.memory_space<hbm>>
          %dma_start3A_43 = arith.constant 0 : i32
          %dma_start3A_44 = tpu.memref_slice %arg7[%arg1, %mul3A_22, %dma_start3A_43] : memref<16x160x125xi32, #tpu.memory_space<hbm>> -> memref<1x40x125xi32, #tpu.memory_space<hbm>>
          %dma_start3A_45 = tpu.memref_squeeze %dma_start3A_44 : memref<1x40x125xi32, #tpu.memory_space<hbm>> -> memref<40x125xi32, #tpu.memory_space<hbm>>
          tpu.enqueue_dma source(%dma_start3A_45 : memref<40x125xi32, #tpu.memory_space<hbm>>) target(%arg10 : memref<40x125xi32, #tpu.memory_space<vmem>>) target_semaphore(%run_scoped3A : memref<!tpu.dma_semaphore, #tpu.memory_space<semaphore_mem>>)
          %dma_wait3A = arith.constant 0 : i32
          %dma_wait3A_46 = tpu.memref_slice %arg7[%arg1, %mul3A_22, %dma_wait3A] : memref<16x160x125xi32, #tpu.memory_space<hbm>> -> memref<1x40x125xi32, #tpu.memory_space<hbm>>
          %dma_wait3A_47 = tpu.memref_squeeze %dma_wait3A_46 : memref<1x40x125xi32, #tpu.memory_space<hbm>> -> memref<40x125xi32, #tpu.memory_space<hbm>>
          %dma_wait3A_48 = arith.constant 0 : i32
          %dma_wait3A_49 = tpu.memref_slice %arg7[%arg1, %mul3A_22, %dma_wait3A_48] : memref<16x160x125xi32, #tpu.memory_space<hbm>> -> memref<1x40x125xi32, #tpu.memory_space<hbm>>
          %dma_wait3A_50 = tpu.memref_squeeze %dma_wait3A_49 : memref<1x40x125xi32, #tpu.memory_space<hbm>> -> memref<40x125xi32, #tpu.memory_space<hbm>>
          tpu.wait_dma2 semaphore(%run_scoped3A : memref<!tpu.dma_semaphore, #tpu.memory_space<semaphore_mem>>) src(%dma_wait3A_50 : memref<40x125xi32, #tpu.memory_space<hbm>>) dst(%arg10 : memref<40x125xi32, #tpu.memory_space<vmem>>)
          tpu.yield
        }) : () -> ()
        %dma_start3A = arith.constant 0 : i32
        %dma_start3A_23 = arith.constant 0 : i32
        %dma_start3A_24 = arith.constant 0 : i32
        %dma_start3A_25 = arith.constant 0 : i32
        %dma_start3A_26 = tpu.memref_slice %arg12[%dma_start3A_23, %dma_start3A_24, %dma_start3A_25] : memref<2x125x128xf32, #tpu.memory_space<vmem>> -> memref<1x125x128xf32, #tpu.memory_space<vmem>>
        %dma_start3A_27 = tpu.memref_squeeze %dma_start3A_26 : memref<1x125x128xf32, #tpu.memory_space<vmem>> -> memref<125x128xf32, #tpu.memory_space<vmem>>
        %dma_start3A_28 = arith.constant 0 : i32
        %dma_start3A_29 = tpu.memref_slice %arg10[%dma_start3A, %dma_start3A_28] : memref<40x125xi32, #tpu.memory_space<vmem>> -> memref<1x125xi32, #tpu.memory_space<vmem>>
        %dma_start3A_30 = tpu.memref_squeeze %dma_start3A_29 : memref<1x125xi32, #tpu.memory_space<vmem>> -> memref<125xi32, #tpu.memory_space<vmem>>
        %dma_start3A_31 = arith.constant 0 : i32
        %dma_start3A_32 = arith.constant 0 : i32
        %dma_start3A_33 = tpu.memref_slice %arg3[%dma_start3A_31, %dma_start3A_32] : memref<10000x128xf32, #tpu.memory_space<hbm>> -> memref<10000x128xf32, #tpu.memory_space<hbm>>
        tpu.enqueue_indirect_dma source(%dma_start3A_33 : memref<10000x128xf32, #tpu.memory_space<hbm>>) target(%dma_start3A_27 : memref<125x128xf32, #tpu.memory_space<vmem>>) offsets(%dma_start3A_30 : memref<125xi32, #tpu.memory_space<vmem>>) semaphore(%arg14 : memref<!tpu.dma_semaphore, #tpu.memory_space<semaphore_mem>>)
        %scan3A_34 = arith.constant 0 : i32
        %scan3A_35 = arith.constant 0 : i32
        %scan3A_36 = arith.constant 20 : i32
        %scan3A_37 = arith.addi %scan3A_35, %scan3A_36 : i32
        %scan3A_38 = arith.constant 1 : i32
        scf.for %scan3A_40 = %scan3A_35 to %scan3A_37 step %scan3A_38  : i32 {
          %mul3A_41 = arith.constant 2 : i32
          %mul3A_42 = arith.muli %mul3A_41, %scan3A_40 : i32
          %dma_wait3A = arith.constant 0 : i32
          %dma_wait3A_43 = arith.constant 0 : i32
          %dma_wait3A_44 = arith.constant 0 : i32
          %dma_wait3A_45 = tpu.memref_slice %arg12[%dma_wait3A, %dma_wait3A_43, %dma_wait3A_44] : memref<2x125x128xf32, #tpu.memory_space<vmem>> -> memref<1x125x128xf32, #tpu.memory_space<vmem>>
          %dma_wait3A_46 = tpu.memref_squeeze %dma_wait3A_45 : memref<1x125x128xf32, #tpu.memory_space<vmem>> -> memref<125x128xf32, #tpu.memory_space<vmem>>
          %dma_wait3A_47 = arith.constant 0 : i32
          %dma_wait3A_48 = tpu.memref_slice %arg10[%mul3A_42, %dma_wait3A_47] : memref<40x125xi32, #tpu.memory_space<vmem>> -> memref<1x125xi32, #tpu.memory_space<vmem>>
          %dma_wait3A_49 = tpu.memref_squeeze %dma_wait3A_48 : memref<1x125xi32, #tpu.memory_space<vmem>> -> memref<125xi32, #tpu.memory_space<vmem>>
          %dma_wait3A_50 = arith.constant 0 : i32
          %dma_wait3A_51 = arith.constant 0 : i32
          %dma_wait3A_52 = tpu.memref_slice %arg3[%dma_wait3A_50, %dma_wait3A_51] : memref<10000x128xf32, #tpu.memory_space<hbm>> -> memref<10000x128xf32, #tpu.memory_space<hbm>>
          tpu.wait_indirect_dma semaphore(%arg14 : memref<!tpu.dma_semaphore, #tpu.memory_space<semaphore_mem>>) src(%dma_wait3A_52 : memref<10000x128xf32, #tpu.memory_space<hbm>>) dst(%dma_wait3A_46 : memref<125x128xf32, #tpu.memory_space<vmem>>)
          %add3A = arith.constant 1 : i32
          %add3A_53 = arith.addi %mul3A_42, %add3A : i32
          %dma_start3A_54 = arith.constant 1 : i32
          %dma_start3A_55 = arith.constant 0 : i32
          %dma_start3A_56 = arith.constant 0 : i32
          %dma_start3A_57 = tpu.memref_slice %arg12[%dma_start3A_54, %dma_start3A_55, %dma_start3A_56] : memref<2x125x128xf32, #tpu.memory_space<vmem>> -> memref<1x125x128xf32, #tpu.memory_space<vmem>>
          %dma_start3A_58 = tpu.memref_squeeze %dma_start3A_57 : memref<1x125x128xf32, #tpu.memory_space<vmem>> -> memref<125x128xf32, #tpu.memory_space<vmem>>
          %dma_start3A_59 = arith.constant 0 : i32
          %dma_start3A_60 = tpu.memref_slice %arg10[%add3A_53, %dma_start3A_59] : memref<40x125xi32, #tpu.memory_space<vmem>> -> memref<1x125xi32, #tpu.memory_space<vmem>>
          %dma_start3A_61 = tpu.memref_squeeze %dma_start3A_60 : memref<1x125xi32, #tpu.memory_space<vmem>> -> memref<125xi32, #tpu.memory_space<vmem>>
          %dma_start3A_62 = arith.constant 0 : i32
          %dma_start3A_63 = arith.constant 0 : i32
          %dma_start3A_64 = tpu.memref_slice %arg3[%dma_start3A_62, %dma_start3A_63] : memref<10000x128xf32, #tpu.memory_space<hbm>> -> memref<10000x128xf32, #tpu.memory_space<hbm>>
          tpu.enqueue_indirect_dma source(%dma_start3A_64 : memref<10000x128xf32, #tpu.memory_space<hbm>>) target(%dma_start3A_58 : memref<125x128xf32, #tpu.memory_space<vmem>>) offsets(%dma_start3A_61 : memref<125xi32, #tpu.memory_space<vmem>>) semaphore(%arg15 : memref<!tpu.dma_semaphore, #tpu.memory_space<semaphore_mem>>)
          %run_scoped3A = arith.constant 0 : i32
          "tpu.region"() ({
            %run_scoped3A_85 = tpu.sem_alloc : memref<!tpu.dma_semaphore, #tpu.memory_space<semaphore_mem>>
            %dma_start3A_86 = arith.constant 0 : i32
            %dma_start3A_87 = arith.constant 0 : i32
            %dma_start3A_88 = tpu.memref_slice %arg12[%run_scoped3A, %dma_start3A_86, %dma_start3A_87] : memref<2x125x128xf32, #tpu.memory_space<vmem>> -> memref<1x125x128xf32, #tpu.memory_space<vmem>>
            %dma_start3A_89 = tpu.memref_squeeze %dma_start3A_88 : memref<1x125x128xf32, #tpu.memory_space<vmem>> -> memref<125x128xf32, #tpu.memory_space<vmem>>
            %dma_start3A_90 = arith.constant 0 : i32
            %dma_start3A_91 = tpu.memref_slice %arg11[%mul3A_42, %dma_start3A_90] : memref<40x125xi32, #tpu.memory_space<vmem>> -> memref<1x125xi32, #tpu.memory_space<vmem>>
            %dma_start3A_92 = tpu.memref_squeeze %dma_start3A_91 : memref<1x125xi32, #tpu.memory_space<vmem>> -> memref<125xi32, #tpu.memory_space<vmem>>
            %dma_start3A_93 = arith.constant 0 : i32
            %dma_start3A_94 = arith.constant 0 : i32
            %dma_start3A_95 = tpu.memref_slice %arg13[%dma_start3A_93, %dma_start3A_94] : memref<10112x128xf32, #tpu.memory_space<vmem_shared>> -> memref<10112x128xf32, #tpu.memory_space<vmem_shared>>
            tpu.enqueue_indirect_dma source(%dma_start3A_89 : memref<125x128xf32, #tpu.memory_space<vmem>>) target(%dma_start3A_95 : memref<10112x128xf32, #tpu.memory_space<vmem_shared>>) offsets(%dma_start3A_92 : memref<125xi32, #tpu.memory_space<vmem>>) semaphore(%run_scoped3A_85 : memref<!tpu.dma_semaphore, #tpu.memory_space<semaphore_mem>>) {add = true}
            %dma_wait3A_96 = arith.constant 0 : i32
            %dma_wait3A_97 = arith.constant 0 : i32
            %dma_wait3A_98 = tpu.memref_slice %arg12[%run_scoped3A, %dma_wait3A_96, %dma_wait3A_97] : memref<2x125x128xf32, #tpu.memory_space<vmem>> -> memref<1x125x128xf32, #tpu.memory_space<vmem>>
            %dma_wait3A_99 = tpu.memref_squeeze %dma_wait3A_98 : memref<1x125x128xf32, #tpu.memory_space<vmem>> -> memref<125x128xf32, #tpu.memory_space<vmem>>
            %dma_wait3A_100 = arith.constant 0 : i32
            %dma_wait3A_101 = tpu.memref_slice %arg11[%mul3A_42, %dma_wait3A_100] : memref<40x125xi32, #tpu.memory_space<vmem>> -> memref<1x125xi32, #tpu.memory_space<vmem>>
            %dma_wait3A_102 = tpu.memref_squeeze %dma_wait3A_101 : memref<1x125xi32, #tpu.memory_space<vmem>> -> memref<125xi32, #tpu.memory_space<vmem>>
            %dma_wait3A_103 = arith.constant 0 : i32
            %dma_wait3A_104 = arith.constant 0 : i32
            %dma_wait3A_105 = tpu.memref_slice %arg13[%dma_wait3A_103, %dma_wait3A_104] : memref<10112x128xf32, #tpu.memory_space<vmem_shared>> -> memref<10112x128xf32, #tpu.memory_space<vmem_shared>>
            tpu.wait_indirect_dma semaphore(%run_scoped3A_85 : memref<!tpu.dma_semaphore, #tpu.memory_space<semaphore_mem>>) src(%dma_wait3A_99 : memref<125x128xf32, #tpu.memory_space<vmem>>) dst(%dma_wait3A_105 : memref<10112x128xf32, #tpu.memory_space<vmem_shared>>)
            tpu.yield
          }) : () -> ()
          %add3A_65 = arith.constant 1 : i32
          %add3A_66 = arith.addi %mul3A_42, %add3A_65 : i32
          %dma_wait3A_67 = arith.constant 1 : i32
          %dma_wait3A_68 = arith.constant 0 : i32
          %dma_wait3A_69 = arith.constant 0 : i32
          %dma_wait3A_70 = tpu.memref_slice %arg12[%dma_wait3A_67, %dma_wait3A_68, %dma_wait3A_69] : memref<2x125x128xf32, #tpu.memory_space<vmem>> -> memref<1x125x128xf32, #tpu.memory_space<vmem>>
          %dma_wait3A_71 = tpu.memref_squeeze %dma_wait3A_70 : memref<1x125x128xf32, #tpu.memory_space<vmem>> -> memref<125x128xf32, #tpu.memory_space<vmem>>
          %dma_wait3A_72 = arith.constant 0 : i32
          %dma_wait3A_73 = tpu.memref_slice %arg10[%add3A_66, %dma_wait3A_72] : memref<40x125xi32, #tpu.memory_space<vmem>> -> memref<1x125xi32, #tpu.memory_space<vmem>>
          %dma_wait3A_74 = tpu.memref_squeeze %dma_wait3A_73 : memref<1x125xi32, #tpu.memory_space<vmem>> -> memref<125xi32, #tpu.memory_space<vmem>>
          %dma_wait3A_75 = arith.constant 0 : i32
          %dma_wait3A_76 = arith.constant 0 : i32
          %dma_wait3A_77 = tpu.memref_slice %arg3[%dma_wait3A_75, %dma_wait3A_76] : memref<10000x128xf32, #tpu.memory_space<hbm>> -> memref<10000x128xf32, #tpu.memory_space<hbm>>
          tpu.wait_indirect_dma semaphore(%arg15 : memref<!tpu.dma_semaphore, #tpu.memory_space<semaphore_mem>>) src(%dma_wait3A_77 : memref<10000x128xf32, #tpu.memory_space<hbm>>) dst(%dma_wait3A_71 : memref<125x128xf32, #tpu.memory_space<vmem>>)
          %lt3A = arith.constant 19 : i32
          %lt3A_78 = arith.cmpi slt, %scan3A_40, %lt3A : i32
          %convert_element_type3A_79 = arith.extui %lt3A_78 : i1 to i32
          %cond3A_80 = arith.constant 0 : i32
          %cond3A_81 = arith.cmpi ne, %convert_element_type3A_79, %cond3A_80 : i32
          scf.if %cond3A_81 {
            %add3A_85 = arith.constant 2 : i32
            %add3A_86 = arith.addi %mul3A_42, %add3A_85 : i32
            %dma_start3A_87 = arith.constant 0 : i32
            %dma_start3A_88 = arith.constant 0 : i32
            %dma_start3A_89 = arith.constant 0 : i32
            %dma_start3A_90 = tpu.memref_slice %arg12[%dma_start3A_87, %dma_start3A_88, %dma_start3A_89] : memref<2x125x128xf32, #tpu.memory_space<vmem>> -> memref<1x125x128xf32, #tpu.memory_space<vmem>>
            %dma_start3A_91 = tpu.memref_squeeze %dma_start3A_90 : memref<1x125x128xf32, #tpu.memory_space<vmem>> -> memref<125x128xf32, #tpu.memory_space<vmem>>
            %dma_start3A_92 = arith.constant 0 : i32
            %dma_start3A_93 = tpu.memref_slice %arg10[%add3A_86, %dma_start3A_92] : memref<40x125xi32, #tpu.memory_space<vmem>> -> memref<1x125xi32, #tpu.memory_space<vmem>>
            %dma_start3A_94 = tpu.memref_squeeze %dma_start3A_93 : memref<1x125xi32, #tpu.memory_space<vmem>> -> memref<125xi32, #tpu.memory_space<vmem>>
            %dma_start3A_95 = arith.constant 0 : i32
            %dma_start3A_96 = arith.constant 0 : i32
            %dma_start3A_97 = tpu.memref_slice %arg3[%dma_start3A_95, %dma_start3A_96] : memref<10000x128xf32, #tpu.memory_space<hbm>> -> memref<10000x128xf32, #tpu.memory_space<hbm>>
            tpu.enqueue_indirect_dma source(%dma_start3A_97 : memref<10000x128xf32, #tpu.memory_space<hbm>>) target(%dma_start3A_91 : memref<125x128xf32, #tpu.memory_space<vmem>>) offsets(%dma_start3A_94 : memref<125xi32, #tpu.memory_space<vmem>>) semaphore(%arg14 : memref<!tpu.dma_semaphore, #tpu.memory_space<semaphore_mem>>)
          } else {
          }
          %add3A_82 = arith.constant 1 : i32
          %add3A_83 = arith.addi %mul3A_42, %add3A_82 : i32
          %run_scoped3A_84 = arith.constant 1 : i32
          "tpu.region"() ({
            %run_scoped3A_85 = tpu.sem_alloc : memref<!tpu.dma_semaphore, #tpu.memory_space<semaphore_mem>>
            %dma_start3A_86 = arith.constant 0 : i32
            %dma_start3A_87 = arith.constant 0 : i32
            %dma_start3A_88 = tpu.memref_slice %arg12[%run_scoped3A_84, %dma_start3A_86, %dma_start3A_87] : memref<2x125x128xf32, #tpu.memory_space<vmem>> -> memref<1x125x128xf32, #tpu.memory_space<vmem>>
            %dma_start3A_89 = tpu.memref_squeeze %dma_start3A_88 : memref<1x125x128xf32, #tpu.memory_space<vmem>> -> memref<125x128xf32, #tpu.memory_space<vmem>>
            %dma_start3A_90 = arith.constant 0 : i32
            %dma_start3A_91 = tpu.memref_slice %arg11[%add3A_83, %dma_start3A_90] : memref<40x125xi32, #tpu.memory_space<vmem>> -> memref<1x125xi32, #tpu.memory_space<vmem>>
            %dma_start3A_92 = tpu.memref_squeeze %dma_start3A_91 : memref<1x125xi32, #tpu.memory_space<vmem>> -> memref<125xi32, #tpu.memory_space<vmem>>
            %dma_start3A_93 = arith.constant 0 : i32
            %dma_start3A_94 = arith.constant 0 : i32
            %dma_start3A_95 = tpu.memref_slice %arg13[%dma_start3A_93, %dma_start3A_94] : memref<10112x128xf32, #tpu.memory_space<vmem_shared>> -> memref<10112x128xf32, #tpu.memory_space<vmem_shared>>
            tpu.enqueue_indirect_dma source(%dma_start3A_89 : memref<125x128xf32, #tpu.memory_space<vmem>>) target(%dma_start3A_95 : memref<10112x128xf32, #tpu.memory_space<vmem_shared>>) offsets(%dma_start3A_92 : memref<125xi32, #tpu.memory_space<vmem>>) semaphore(%run_scoped3A_85 : memref<!tpu.dma_semaphore, #tpu.memory_space<semaphore_mem>>) {add = true}
            %dma_wait3A_96 = arith.constant 0 : i32
            %dma_wait3A_97 = arith.constant 0 : i32
            %dma_wait3A_98 = tpu.memref_slice %arg12[%run_scoped3A_84, %dma_wait3A_96, %dma_wait3A_97] : memref<2x125x128xf32, #tpu.memory_space<vmem>> -> memref<1x125x128xf32, #tpu.memory_space<vmem>>
            %dma_wait3A_99 = tpu.memref_squeeze %dma_wait3A_98 : memref<1x125x128xf32, #tpu.memory_space<vmem>> -> memref<125x128xf32, #tpu.memory_space<vmem>>
            %dma_wait3A_100 = arith.constant 0 : i32
            %dma_wait3A_101 = tpu.memref_slice %arg11[%add3A_83, %dma_wait3A_100] : memref<40x125xi32, #tpu.memory_space<vmem>> -> memref<1x125xi32, #tpu.memory_space<vmem>>
            %dma_wait3A_102 = tpu.memref_squeeze %dma_wait3A_101 : memref<1x125xi32, #tpu.memory_space<vmem>> -> memref<125xi32, #tpu.memory_space<vmem>>
            %dma_wait3A_103 = arith.constant 0 : i32
            %dma_wait3A_104 = arith.constant 0 : i32
            %dma_wait3A_105 = tpu.memref_slice %arg13[%dma_wait3A_103, %dma_wait3A_104] : memref<10112x128xf32, #tpu.memory_space<vmem_shared>> -> memref<10112x128xf32, #tpu.memory_space<vmem_shared>>
            tpu.wait_indirect_dma semaphore(%run_scoped3A_85 : memref<!tpu.dma_semaphore, #tpu.memory_space<semaphore_mem>>) src(%dma_wait3A_99 : memref<125x128xf32, #tpu.memory_space<vmem>>) dst(%dma_wait3A_105 : memref<10112x128xf32, #tpu.memory_space<vmem_shared>>)
            tpu.yield
          }) : () -> ()
        }
        %scan3A_39 = arith.constant 20 : i32
      }
      %scan3A_17 = arith.constant 4 : i32
    } else {
    }
    %barrier3A_8 = arith.constant 0 : index
    tpu.barrier barrier_id(%barrier3A_8)
    %mul3A_9 = arith.constant 632 : i32
    %mul3A_10 = arith.muli %arg1, %mul3A_9 : i32
    %mul3A_11 = arith.constant 632 : i32
    %mul3A_12 = arith.muli %arg1, %mul3A_11 : i32
    "tpu.region"() ({
      %run_scoped3A = tpu.sem_alloc : memref<!tpu.dma_semaphore, #tpu.memory_space<semaphore_mem>>
      %dma_start3A = arith.constant 0 : i32
      %dma_start3A_13 = tpu.memref_slice %arg9[%arg0, %mul3A_12, %dma_start3A] : memref<2x10112x128xf32, #tpu.memory_space<hbm>> -> memref<1x632x128xf32, #tpu.memory_space<hbm>>
      %dma_start3A_14 = tpu.memref_squeeze %dma_start3A_13 : memref<1x632x128xf32, #tpu.memory_space<hbm>> -> memref<632x128xf32, #tpu.memory_space<hbm>>
      %dma_start3A_15 = arith.constant 0 : i32
      %dma_start3A_16 = tpu.memref_slice %arg13[%mul3A_10, %dma_start3A_15] : memref<10112x128xf32, #tpu.memory_space<vmem_shared>> -> memref<632x128xf32, #tpu.memory_space<vmem_shared>>
      tpu.enqueue_dma source(%dma_start3A_16 : memref<632x128xf32, #tpu.memory_space<vmem_shared>>) target(%dma_start3A_14 : memref<632x128xf32, #tpu.memory_space<hbm>>) target_semaphore(%run_scoped3A : memref<!tpu.dma_semaphore, #tpu.memory_space<semaphore_mem>>)
      %dma_wait3A = arith.constant 0 : i32
      %dma_wait3A_17 = tpu.memref_slice %arg9[%arg0, %mul3A_12, %dma_wait3A] : memref<2x10112x128xf32, #tpu.memory_space<hbm>> -> memref<1x632x128xf32, #tpu.memory_space<hbm>>
      %dma_wait3A_18 = tpu.memref_squeeze %dma_wait3A_17 : memref<1x632x128xf32, #tpu.memory_space<hbm>> -> memref<632x128xf32, #tpu.memory_space<hbm>>
      %dma_wait3A_19 = arith.constant 0 : i32
      %dma_wait3A_20 = tpu.memref_slice %arg13[%mul3A_10, %dma_wait3A_19] : memref<10112x128xf32, #tpu.memory_space<vmem_shared>> -> memref<632x128xf32, #tpu.memory_space<vmem_shared>>
      tpu.wait_dma2 semaphore(%run_scoped3A : memref<!tpu.dma_semaphore, #tpu.memory_space<semaphore_mem>>) src(%dma_wait3A_20 : memref<632x128xf32, #tpu.memory_space<vmem_shared>>) dst(%dma_wait3A_18 : memref<632x128xf32, #tpu.memory_space<hbm>>)
      tpu.yield
    }) : () -> ()
    return
  }
}

module attributes {stable_mosaic.version = 14 : i64} {
  func.func @_embed_body(%arg0: i32, %arg1: memref<1x1x1000xi32, #tpu.memory_space<vmem>>, %arg2: memref<1x1x1000xi32, #tpu.memory_space<vmem>>, %arg3: memref<16x128xf32, #tpu.memory_space<vmem>>, %arg4: memref<16x128xf32, #tpu.memory_space<vmem>>, %arg5: memref<1000x128xf32, #tpu.memory_space<vmem>>) attributes {dimension_semantics = [#tpu.dimension_semantics<arbitrary>], iteration_bounds = array<i64: 10>, scalar_prefetch = 0 : i64, scratch_operands = 0 : i64, tpu.core_type = #tpu.core_type<tc>, window_params = [{transform_indices = @transform_0, window_bounds = array<i64: 1, 1, 1000>}, {transform_indices = @transform_1, window_bounds = array<i64: 1, 1, 1000>}, {pipeline_mode = #tpu.pipeline_mode<synchronous>, transform_indices = @transform_2, window_bounds = array<i64: 16, 128>}, {pipeline_mode = #tpu.pipeline_mode<synchronous>, transform_indices = @transform_3, window_bounds = array<i64: 16, 128>}, {transform_indices = @transform_4, window_bounds = array<i64: 1000, 128>}]} {
    %get3A = arith.constant 0 : index
    %get3A_0 = arith.constant 0 : index
    %get3A_1 = arith.constant 0 : index
    %get3A_2 = vector.load %arg1[%get3A, %get3A_0, %get3A_1] : memref<1x1x1000xi32, #tpu.memory_space<vmem>>, vector<1x1x1000xi32>
    %get3A_3 = vector.shape_cast %get3A_2 : vector<1x1x1000xi32> to vector<1x1000xi32>
    %get3A_4 = arith.constant 0 : index
    %get3A_5 = arith.constant 0 : index
    %get3A_6 = arith.constant 0 : index
    %get3A_7 = vector.load %arg2[%get3A_4, %get3A_5, %get3A_6] : memref<1x1x1000xi32, #tpu.memory_space<vmem>>, vector<1x1x1000xi32>
    %get3A_8 = vector.shape_cast %get3A_7 : vector<1x1x1000xi32> to vector<1x1000xi32>
    %iota3A = tpu.iota {dimensions = array<i32: 0>} : vector<16x1000xi32>
    %eq3A = vector.broadcast %get3A_3 : vector<1x1000xi32> to vector<16x1000xi32>
    %eq3A_9 = arith.cmpi eq, %iota3A, %eq3A : vector<16x1000xi32>
    %convert_element_type3A = arith.extui %eq3A_9 : vector<16x1000xi1> to vector<16x1000xi32>
    %convert_element_type3A_10 = arith.sitofp %convert_element_type3A : vector<16x1000xi32> to vector<16x1000xf32>
    %iota3A_11 = tpu.iota {dimensions = array<i32: 0>} : vector<16x1000xi32>
    %eq3A_12 = vector.broadcast %get3A_8 : vector<1x1000xi32> to vector<16x1000xi32>
    %eq3A_13 = arith.cmpi eq, %iota3A_11, %eq3A_12 : vector<16x1000xi32>
    %convert_element_type3A_14 = arith.extui %eq3A_13 : vector<16x1000xi1> to vector<16x1000xi32>
    %convert_element_type3A_15 = arith.sitofp %convert_element_type3A_14 : vector<16x1000xi32> to vector<16x1000xf32>
    %get3A_16 = arith.constant 0 : index
    %get3A_17 = arith.constant 0 : index
    %get3A_18 = vector.load %arg3[%get3A_16, %get3A_17] : memref<16x128xf32, #tpu.memory_space<vmem>>, vector<16x128xf32>
    %dot_general3A = arith.constant dense<0.000000e+00> : vector<1000x128xf32>
    %dot_general3A_19 = tpu.matmul %convert_element_type3A_10, %get3A_18, %dot_general3A {dimension_numbers = #tpu.dot_dimension_numbers<[0], [0], [1], [1], [0, 1, 1, 1], [], []>, transpose_lhs_hint = false} : vector<16x1000xf32>, vector<16x128xf32>, vector<1000x128xf32> -> vector<1000x128xf32>
    %get3A_20 = arith.constant 0 : index
    %get3A_21 = arith.constant 0 : index
    %get3A_22 = vector.load %arg4[%get3A_20, %get3A_21] : memref<16x128xf32, #tpu.memory_space<vmem>>, vector<16x128xf32>
    %dot_general3A_23 = arith.constant dense<0.000000e+00> : vector<1000x128xf32>
    %dot_general3A_24 = tpu.matmul %convert_element_type3A_15, %get3A_22, %dot_general3A_23 {dimension_numbers = #tpu.dot_dimension_numbers<[0], [0], [1], [1], [0, 1, 1, 1], [], []>, transpose_lhs_hint = false} : vector<16x1000xf32>, vector<16x128xf32>, vector<1000x128xf32> -> vector<1000x128xf32>
    %add3A = arith.addf %dot_general3A_19, %dot_general3A_24 : vector<1000x128xf32>
    %swap3A = arith.constant 0 : index
    %swap3A_25 = arith.constant 0 : index
    %swap3A_26 = vector.load %arg5[%swap3A, %swap3A_25] : memref<1000x128xf32, #tpu.memory_space<vmem>>, vector<1000x128xf32>
    tpu.vector_store %arg5[%swap3A, %swap3A_25], %add3A {strides = array<i32>} : memref<1000x128xf32, #tpu.memory_space<vmem>>, vector<1000x128xf32>,
    return
  }
  func.func @transform_0(%arg0: i32) -> (i32, i32, i32) {
    %c0_i32 = arith.constant 0 : i32
    %c0_i32_0 = arith.constant 0 : i32
    %c0_i32_1 = arith.constant 0 : i32
    return %arg0, %c0_i32, %c0_i32_0 : i32, i32, i32
  }
  func.func @transform_1(%arg0: i32) -> (i32, i32, i32) {
    %c0_i32 = arith.constant 0 : i32
    %c0_i32_0 = arith.constant 0 : i32
    %c0_i32_1 = arith.constant 0 : i32
    return %arg0, %c0_i32, %c0_i32_0 : i32, i32, i32
  }
  func.func @transform_2(%arg0: i32) -> (i32, i32) {
    %c0_i32 = arith.constant 0 : i32
    %c0_i32_0 = arith.constant 0 : i32
    %c0_i32_1 = arith.constant 0 : i32
    return %c0_i32, %c0_i32_0 : i32, i32
  }
  func.func @transform_3(%arg0: i32) -> (i32, i32) {
    %c0_i32 = arith.constant 0 : i32
    %c0_i32_0 = arith.constant 0 : i32
    %c0_i32_1 = arith.constant 0 : i32
    return %c0_i32, %c0_i32_0 : i32, i32
  }
  func.func @transform_4(%arg0: i32) -> (i32, i32) {
    %c0_i32 = arith.constant 0 : i32
    %c0_i32_0 = arith.constant 0 : i32
    return %arg0, %c0_i32 : i32, i32
  }
}

module attributes {stable_mosaic.version = 14 : i64} {
  func.func @_layer1_body(%arg0: i32, %arg1: memref<1000x128xf32, #tpu.memory_space<vmem>>, %arg2: memref<2x1000x128xf32, #tpu.memory_space<vmem>>, %arg3: memref<2x1000x128xf32, #tpu.memory_space<vmem>>, %arg4: memref<1000x8xf32, #tpu.memory_space<vmem>>, %arg5: memref<640x256xf32, #tpu.memory_space<vmem>>, %arg6: memref<1x256xf32, #tpu.memory_space<vmem>>, %arg7: memref<1000x128xf32, #tpu.memory_space<vmem>>, %arg8: memref<1000x128xf32, #tpu.memory_space<vmem>>) attributes {dimension_semantics = [#tpu.dimension_semantics<arbitrary>], iteration_bounds = array<i64: 10>, scalar_prefetch = 0 : i64, scratch_operands = 0 : i64, tpu.core_type = #tpu.core_type<tc>, window_params = [{transform_indices = @transform_0, window_bounds = array<i64: 1000, 128>}, {transform_indices = @transform_1, window_bounds = array<i64: 2, 1000, 128>}, {transform_indices = @transform_2, window_bounds = array<i64: 2, 1000, 128>}, {transform_indices = @transform_3, window_bounds = array<i64: 1000, 8>}, {pipeline_mode = #tpu.pipeline_mode<synchronous>, transform_indices = @transform_4, window_bounds = array<i64: 640, 256>}, {pipeline_mode = #tpu.pipeline_mode<synchronous>, transform_indices = @transform_5, window_bounds = array<i64: 1, 256>}, {transform_indices = @transform_6, window_bounds = array<i64: 1000, 128>}, {transform_indices = @transform_7, window_bounds = array<i64: 1000, 128>}]} {
    %get3A = arith.constant 0 : index
    %get3A_0 = arith.constant 0 : index
    %get3A_1 = vector.load %arg4[%get3A, %get3A_0] : memref<1000x8xf32, #tpu.memory_space<vmem>>, vector<1000x8xf32>
    %max3A = arith.constant 1.000000e+00 : f32
    %max3A_2 = vector.broadcast %max3A : f32 to vector<1000x8xf32>
    %max3A_3 = arith.maximumf %get3A_1, %max3A_2 : vector<1000x8xf32>
    %div3A = arith.constant 1.000000e+00 : f32
    %div3A_4 = vector.broadcast %div3A : f32 to vector<1000x8xf32>
    %div3A_5 = arith.divf %div3A_4, %max3A_3 : vector<1000x8xf32>
    %get3A_6 = arith.constant 0 : index
    %get3A_7 = arith.constant 0 : index
    %get3A_8 = vector.load %arg1[%get3A_6, %get3A_7] : memref<1000x128xf32, #tpu.memory_space<vmem>>, vector<1000x128xf32>
    %get3A_9 = arith.constant 0 : index
    %get3A_10 = arith.constant 0 : index
    %get3A_11 = arith.constant 0 : index
    %get3A_12 = vector.load %arg2[%get3A_9, %get3A_10, %get3A_11] : memref<2x1000x128xf32, #tpu.memory_space<vmem>>, vector<1x1000x128xf32>
    %get3A_13 = vector.shape_cast %get3A_12 : vector<1x1000x128xf32> to vector<1000x128xf32>
    %slice3A = vector.extract_strided_slice %div3A_5 {offsets = [0, 0], sizes = [1000, 1], strides = [1, 1]} : vector<1000x8xf32> to vector<1000x1xf32>
    %mul3A = vector.broadcast %slice3A : vector<1000x1xf32> to vector<1000x128xf32>
    %mul3A_14 = arith.mulf %get3A_13, %mul3A : vector<1000x128xf32>
    %get3A_15 = arith.constant 1 : index
    %get3A_16 = arith.constant 0 : index
    %get3A_17 = arith.constant 0 : index
    %get3A_18 = vector.load %arg2[%get3A_15, %get3A_16, %get3A_17] : memref<2x1000x128xf32, #tpu.memory_space<vmem>>, vector<1x1000x128xf32>
    %get3A_19 = vector.shape_cast %get3A_18 : vector<1x1000x128xf32> to vector<1000x128xf32>
    %slice3A_20 = vector.extract_strided_slice %div3A_5 {offsets = [0, 1], sizes = [1000, 1], strides = [1, 1]} : vector<1000x8xf32> to vector<1000x1xf32>
    %mul3A_21 = vector.broadcast %slice3A_20 : vector<1000x1xf32> to vector<1000x128xf32>
    %mul3A_22 = arith.mulf %get3A_19, %mul3A_21 : vector<1000x128xf32>
    %get3A_23 = arith.constant 0 : index
    %get3A_24 = arith.constant 0 : index
    %get3A_25 = arith.constant 0 : index
    %get3A_26 = vector.load %arg3[%get3A_23, %get3A_24, %get3A_25] : memref<2x1000x128xf32, #tpu.memory_space<vmem>>, vector<1x1000x128xf32>
    %get3A_27 = vector.shape_cast %get3A_26 : vector<1x1000x128xf32> to vector<1000x128xf32>
    %slice3A_28 = vector.extract_strided_slice %div3A_5 {offsets = [0, 2], sizes = [1000, 1], strides = [1, 1]} : vector<1000x8xf32> to vector<1000x1xf32>
    %mul3A_29 = vector.broadcast %slice3A_28 : vector<1000x1xf32> to vector<1000x128xf32>
    %mul3A_30 = arith.mulf %get3A_27, %mul3A_29 : vector<1000x128xf32>
    %get3A_31 = arith.constant 1 : index
    %get3A_32 = arith.constant 0 : index
    %get3A_33 = arith.constant 0 : index
    %get3A_34 = vector.load %arg3[%get3A_31, %get3A_32, %get3A_33] : memref<2x1000x128xf32, #tpu.memory_space<vmem>>, vector<1x1000x128xf32>
    %get3A_35 = vector.shape_cast %get3A_34 : vector<1x1000x128xf32> to vector<1000x128xf32>
    %slice3A_36 = vector.extract_strided_slice %div3A_5 {offsets = [0, 3], sizes = [1000, 1], strides = [1, 1]} : vector<1000x8xf32> to vector<1000x1xf32>
    %mul3A_37 = vector.broadcast %slice3A_36 : vector<1000x1xf32> to vector<1000x128xf32>
    %mul3A_38 = arith.mulf %get3A_35, %mul3A_37 : vector<1000x128xf32>
    %concatenate3A = tpu.concatenate %get3A_8, %mul3A_14, %mul3A_22, %mul3A_30, %mul3A_38 in 1 : vector<1000x128xf32>, vector<1000x128xf32>, vector<1000x128xf32>, vector<1000x128xf32>, vector<1000x128xf32> -> vector<1000x640xf32>
    %get3A_39 = arith.constant 0 : index
    %get3A_40 = arith.constant 0 : index
    %get3A_41 = vector.load %arg5[%get3A_39, %get3A_40] : memref<640x256xf32, #tpu.memory_space<vmem>>, vector<640x256xf32>
    %dot_general3A = arith.constant dense<0.000000e+00> : vector<1000x256xf32>
    %dot_general3A_42 = tpu.matmul %concatenate3A, %get3A_41, %dot_general3A {dimension_numbers = #tpu.dot_dimension_numbers<[1], [0], [0], [1], [0, 0, 1, 1], [], []>, transpose_lhs_hint = false} : vector<1000x640xf32>, vector<640x256xf32>, vector<1000x256xf32> -> vector<1000x256xf32>
    %get3A_43 = arith.constant 0 : index
    %get3A_44 = arith.constant 0 : index
    %get3A_45 = vector.load %arg6[%get3A_43, %get3A_44] : memref<1x256xf32, #tpu.memory_space<vmem>>, vector<1x256xf32>
    %add3A = vector.broadcast %get3A_45 : vector<1x256xf32> to vector<1000x256xf32>
    %add3A_46 = arith.addf %dot_general3A_42, %add3A : vector<1000x256xf32>
    %max3A_47 = arith.constant 0.000000e+00 : f32
    %max3A_48 = vector.broadcast %max3A_47 : f32 to vector<1000x256xf32>
    %max3A_49 = arith.maximumf %add3A_46, %max3A_48 : vector<1000x256xf32>
    %slice3A_50 = vector.extract_strided_slice %max3A_49 {offsets = [0, 0], sizes = [1000, 128], strides = [1, 1]} : vector<1000x256xf32> to vector<1000x128xf32>
    %swap3A = arith.constant 0 : index
    %swap3A_51 = arith.constant 0 : index
    %swap3A_52 = vector.load %arg7[%swap3A, %swap3A_51] : memref<1000x128xf32, #tpu.memory_space<vmem>>, vector<1000x128xf32>
    tpu.vector_store %arg7[%swap3A, %swap3A_51], %slice3A_50 {strides = array<i32>} : memref<1000x128xf32, #tpu.memory_space<vmem>>, vector<1000x128xf32>,
    %slice3A_53 = vector.extract_strided_slice %max3A_49 {offsets = [0, 128], sizes = [1000, 128], strides = [1, 1]} : vector<1000x256xf32> to vector<1000x128xf32>
    %swap3A_54 = arith.constant 0 : index
    %swap3A_55 = arith.constant 0 : index
    %swap3A_56 = vector.load %arg8[%swap3A_54, %swap3A_55] : memref<1000x128xf32, #tpu.memory_space<vmem>>, vector<1000x128xf32>
    tpu.vector_store %arg8[%swap3A_54, %swap3A_55], %slice3A_53 {strides = array<i32>} : memref<1000x128xf32, #tpu.memory_space<vmem>>, vector<1000x128xf32>,
    return
  }
  func.func @transform_0(%arg0: i32) -> (i32, i32) {
    %c0_i32 = arith.constant 0 : i32
    %c0_i32_0 = arith.constant 0 : i32
    return %arg0, %c0_i32 : i32, i32
  }
  func.func @transform_1(%arg0: i32) -> (i32, i32, i32) {
    %c0_i32 = arith.constant 0 : i32
    %c0_i32_0 = arith.constant 0 : i32
    %c0_i32_1 = arith.constant 0 : i32
    return %c0_i32, %arg0, %c0_i32_0 : i32, i32, i32
  }
  func.func @transform_2(%arg0: i32) -> (i32, i32, i32) {
    %c0_i32 = arith.constant 0 : i32
    %c0_i32_0 = arith.constant 0 : i32
    %c0_i32_1 = arith.constant 0 : i32
    return %c0_i32, %arg0, %c0_i32_0 : i32, i32, i32
  }
  func.func @transform_3(%arg0: i32) -> (i32, i32) {
    %c0_i32 = arith.constant 0 : i32
    %c0_i32_0 = arith.constant 0 : i32
    return %arg0, %c0_i32 : i32, i32
  }
  func.func @transform_4(%arg0: i32) -> (i32, i32) {
    %c0_i32 = arith.constant 0 : i32
    %c0_i32_0 = arith.constant 0 : i32
    %c0_i32_1 = arith.constant 0 : i32
    return %c0_i32, %c0_i32_0 : i32, i32
  }
  func.func @transform_5(%arg0: i32) -> (i32, i32) {
    %c0_i32 = arith.constant 0 : i32
    %c0_i32_0 = arith.constant 0 : i32
    %c0_i32_1 = arith.constant 0 : i32
    return %c0_i32, %c0_i32_0 : i32, i32
  }
  func.func @transform_6(%arg0: i32) -> (i32, i32) {
    %c0_i32 = arith.constant 0 : i32
    %c0_i32_0 = arith.constant 0 : i32
    return %arg0, %c0_i32 : i32, i32
  }
  func.func @transform_7(%arg0: i32) -> (i32, i32) {
    %c0_i32 = arith.constant 0 : i32
    %c0_i32_0 = arith.constant 0 : i32
    return %arg0, %c0_i32 : i32, i32
  }
}

module attributes {stable_mosaic.version = 14 : i64} {
  func.func @_layer2_pool_body(%arg0: i32, %arg1: memref<1000x128xf32, #tpu.memory_space<vmem>>, %arg2: memref<1000x128xf32, #tpu.memory_space<vmem>>, %arg3: memref<2x1000x128xf32, #tpu.memory_space<vmem>>, %arg4: memref<2x1000x128xf32, #tpu.memory_space<vmem>>, %arg5: memref<2x1000x128xf32, #tpu.memory_space<vmem>>, %arg6: memref<1000x8xf32, #tpu.memory_space<vmem>>, %arg7: memref<1024x256xf32, #tpu.memory_space<vmem>>, %arg8: memref<1x256xf32, #tpu.memory_space<vmem>>, %arg9: memref<1x1x1000xi32, #tpu.memory_space<vmem>>, %arg10: memref<256x10xf32, #tpu.memory_space<vmem>>, %arg11: memref<1x10xf32, #tpu.memory_space<vmem>>, %arg12: memref<64x10xf32, #tpu.memory_space<vmem>>, %arg13: memref<64x256xf32, #tpu.memory_space<vmem>>, %arg14: memref<64x128xf32, #tpu.memory_space<vmem>>) attributes {dimension_semantics = [#tpu.dimension_semantics<arbitrary>], iteration_bounds = array<i64: 10>, scalar_prefetch = 0 : i64, scratch_operands = 2 : i64, tpu.core_type = #tpu.core_type<tc>, window_params = [{transform_indices = @transform_0, window_bounds = array<i64: 1000, 128>}, {transform_indices = @transform_1, window_bounds = array<i64: 1000, 128>}, {transform_indices = @transform_2, window_bounds = array<i64: 2, 1000, 128>}, {transform_indices = @transform_3, window_bounds = array<i64: 2, 1000, 128>}, {transform_indices = @transform_4, window_bounds = array<i64: 2, 1000, 128>}, {transform_indices = @transform_5, window_bounds = array<i64: 1000, 8>}, {pipeline_mode = #tpu.pipeline_mode<synchronous>, transform_indices = @transform_6, window_bounds = array<i64: 1024, 256>}, {pipeline_mode = #tpu.pipeline_mode<synchronous>, transform_indices = @transform_7, window_bounds = array<i64: 1, 256>}, {transform_indices = @transform_8, window_bounds = array<i64: 1, 1, 1000>}, {pipeline_mode = #tpu.pipeline_mode<synchronous>, transform_indices = @transform_9, window_bounds = array<i64: 256, 10>}, {pipeline_mode = #tpu.pipeline_mode<synchronous>, transform_indices = @transform_10, window_bounds = array<i64: 1, 10>}, {pipeline_mode = #tpu.pipeline_mode<synchronous>, transform_indices = @transform_11, window_bounds = array<i64: 64, 10>}]} {
    %eq3A = arith.constant 0 : i32
    %eq3A_0 = arith.cmpi eq, %arg0, %eq3A : i32
    %convert_element_type3A = arith.extui %eq3A_0 : i1 to i32
    %cond3A = arith.constant 0 : i32
    %cond3A_1 = arith.cmpi ne, %convert_element_type3A, %cond3A : i32
    scf.if %cond3A_1 {
      %broadcast_in_dim3A_103 = arith.constant 0.000000e+00 : f32
      %broadcast_in_dim3A_104 = vector.broadcast %broadcast_in_dim3A_103 : f32 to vector<64x256xf32>
      %swap3A_105 = arith.constant 0 : index
      %swap3A_106 = arith.constant 0 : index
      %swap3A_107 = vector.load %arg13[%swap3A_105, %swap3A_106] : memref<64x256xf32, #tpu.memory_space<vmem>>, vector<64x256xf32>
      tpu.vector_store %arg13[%swap3A_105, %swap3A_106], %broadcast_in_dim3A_104 {strides = array<i32>} : memref<64x256xf32, #tpu.memory_space<vmem>>, vector<64x256xf32>,
      %broadcast_in_dim3A_108 = arith.constant 0.000000e+00 : f32
      %broadcast_in_dim3A_109 = vector.broadcast %broadcast_in_dim3A_108 : f32 to vector<64x128xf32>
      %swap3A_110 = arith.constant 0 : index
      %swap3A_111 = arith.constant 0 : index
      %swap3A_112 = vector.load %arg14[%swap3A_110, %swap3A_111] : memref<64x128xf32, #tpu.memory_space<vmem>>, vector<64x128xf32>
      tpu.vector_store %arg14[%swap3A_110, %swap3A_111], %broadcast_in_dim3A_109 {strides = array<i32>} : memref<64x128xf32, #tpu.memory_space<vmem>>, vector<64x128xf32>,
    } else {
    }
    %get3A = arith.constant 0 : index
    %get3A_2 = arith.constant 0 : index
    %get3A_3 = vector.load %arg6[%get3A, %get3A_2] : memref<1000x8xf32, #tpu.memory_space<vmem>>, vector<1000x8xf32>
    %max3A = arith.constant 1.000000e+00 : f32
    %max3A_4 = vector.broadcast %max3A : f32 to vector<1000x8xf32>
    %max3A_5 = arith.maximumf %get3A_3, %max3A_4 : vector<1000x8xf32>
    %div3A = arith.constant 1.000000e+00 : f32
    %div3A_6 = vector.broadcast %div3A : f32 to vector<1000x8xf32>
    %div3A_7 = arith.divf %div3A_6, %max3A_5 : vector<1000x8xf32>
    %get3A_8 = arith.constant 0 : index
    %get3A_9 = arith.constant 0 : index
    %get3A_10 = vector.load %arg1[%get3A_8, %get3A_9] : memref<1000x128xf32, #tpu.memory_space<vmem>>, vector<1000x128xf32>
    %get3A_11 = arith.constant 0 : index
    %get3A_12 = arith.constant 0 : index
    %get3A_13 = vector.load %arg2[%get3A_11, %get3A_12] : memref<1000x128xf32, #tpu.memory_space<vmem>>, vector<1000x128xf32>
    %get3A_14 = arith.constant 0 : index
    %get3A_15 = arith.constant 0 : index
    %get3A_16 = arith.constant 0 : index
    %get3A_17 = vector.load %arg3[%get3A_14, %get3A_15, %get3A_16] : memref<2x1000x128xf32, #tpu.memory_space<vmem>>, vector<1x1000x128xf32>
    %get3A_18 = vector.shape_cast %get3A_17 : vector<1x1000x128xf32> to vector<1000x128xf32>
    %slice3A = vector.extract_strided_slice %div3A_7 {offsets = [0, 0], sizes = [1000, 1], strides = [1, 1]} : vector<1000x8xf32> to vector<1000x1xf32>
    %mul3A = vector.broadcast %slice3A : vector<1000x1xf32> to vector<1000x128xf32>
    %mul3A_19 = arith.mulf %get3A_18, %mul3A : vector<1000x128xf32>
    %get3A_20 = arith.constant 1 : index
    %get3A_21 = arith.constant 0 : index
    %get3A_22 = arith.constant 0 : index
    %get3A_23 = vector.load %arg4[%get3A_20, %get3A_21, %get3A_22] : memref<2x1000x128xf32, #tpu.memory_space<vmem>>, vector<1x1000x128xf32>
    %get3A_24 = vector.shape_cast %get3A_23 : vector<1x1000x128xf32> to vector<1000x128xf32>
    %slice3A_25 = vector.extract_strided_slice %div3A_7 {offsets = [0, 0], sizes = [1000, 1], strides = [1, 1]} : vector<1000x8xf32> to vector<1000x1xf32>
    %mul3A_26 = vector.broadcast %slice3A_25 : vector<1000x1xf32> to vector<1000x128xf32>
    %mul3A_27 = arith.mulf %get3A_24, %mul3A_26 : vector<1000x128xf32>
    %get3A_28 = arith.constant 1 : index
    %get3A_29 = arith.constant 0 : index
    %get3A_30 = arith.constant 0 : index
    %get3A_31 = vector.load %arg3[%get3A_28, %get3A_29, %get3A_30] : memref<2x1000x128xf32, #tpu.memory_space<vmem>>, vector<1x1000x128xf32>
    %get3A_32 = vector.shape_cast %get3A_31 : vector<1x1000x128xf32> to vector<1000x128xf32>
    %slice3A_33 = vector.extract_strided_slice %div3A_7 {offsets = [0, 1], sizes = [1000, 1], strides = [1, 1]} : vector<1000x8xf32> to vector<1000x1xf32>
    %mul3A_34 = vector.broadcast %slice3A_33 : vector<1000x1xf32> to vector<1000x128xf32>
    %mul3A_35 = arith.mulf %get3A_32, %mul3A_34 : vector<1000x128xf32>
    %get3A_36 = arith.constant 0 : index
    %get3A_37 = arith.constant 0 : index
    %get3A_38 = arith.constant 0 : index
    %get3A_39 = vector.load %arg5[%get3A_36, %get3A_37, %get3A_38] : memref<2x1000x128xf32, #tpu.memory_space<vmem>>, vector<1x1000x128xf32>
    %get3A_40 = vector.shape_cast %get3A_39 : vector<1x1000x128xf32> to vector<1000x128xf32>
    %slice3A_41 = vector.extract_strided_slice %div3A_7 {offsets = [0, 1], sizes = [1000, 1], strides = [1, 1]} : vector<1000x8xf32> to vector<1000x1xf32>
    %mul3A_42 = vector.broadcast %slice3A_41 : vector<1000x1xf32> to vector<1000x128xf32>
    %mul3A_43 = arith.mulf %get3A_40, %mul3A_42 : vector<1000x128xf32>
    %get3A_44 = arith.constant 0 : index
    %get3A_45 = arith.constant 0 : index
    %get3A_46 = arith.constant 0 : index
    %get3A_47 = vector.load %arg4[%get3A_44, %get3A_45, %get3A_46] : memref<2x1000x128xf32, #tpu.memory_space<vmem>>, vector<1x1000x128xf32>
    %get3A_48 = vector.shape_cast %get3A_47 : vector<1x1000x128xf32> to vector<1000x128xf32>
    %slice3A_49 = vector.extract_strided_slice %div3A_7 {offsets = [0, 2], sizes = [1000, 1], strides = [1, 1]} : vector<1000x8xf32> to vector<1000x1xf32>
    %mul3A_50 = vector.broadcast %slice3A_49 : vector<1000x1xf32> to vector<1000x128xf32>
    %mul3A_51 = arith.mulf %get3A_48, %mul3A_50 : vector<1000x128xf32>
    %get3A_52 = arith.constant 1 : index
    %get3A_53 = arith.constant 0 : index
    %get3A_54 = arith.constant 0 : index
    %get3A_55 = vector.load %arg5[%get3A_52, %get3A_53, %get3A_54] : memref<2x1000x128xf32, #tpu.memory_space<vmem>>, vector<1x1000x128xf32>
    %get3A_56 = vector.shape_cast %get3A_55 : vector<1x1000x128xf32> to vector<1000x128xf32>
    %slice3A_57 = vector.extract_strided_slice %div3A_7 {offsets = [0, 2], sizes = [1000, 1], strides = [1, 1]} : vector<1000x8xf32> to vector<1000x1xf32>
    %mul3A_58 = vector.broadcast %slice3A_57 : vector<1000x1xf32> to vector<1000x128xf32>
    %mul3A_59 = arith.mulf %get3A_56, %mul3A_58 : vector<1000x128xf32>
    %concatenate3A = tpu.concatenate %get3A_10, %get3A_13, %mul3A_19, %mul3A_27, %mul3A_35, %mul3A_43, %mul3A_51, %mul3A_59 in 1 : vector<1000x128xf32>, vector<1000x128xf32>, vector<1000x128xf32>, vector<1000x128xf32>, vector<1000x128xf32>, vector<1000x128xf32>, vector<1000x128xf32>, vector<1000x128xf32> -> vector<1000x1024xf32>
    %get3A_60 = arith.constant 0 : index
    %get3A_61 = arith.constant 0 : index
    %get3A_62 = vector.load %arg7[%get3A_60, %get3A_61] : memref<1024x256xf32, #tpu.memory_space<vmem>>, vector<1024x256xf32>
    %dot_general3A = arith.constant dense<0.000000e+00> : vector<1000x256xf32>
    %dot_general3A_63 = tpu.matmul %concatenate3A, %get3A_62, %dot_general3A {dimension_numbers = #tpu.dot_dimension_numbers<[1], [0], [0], [1], [0, 0, 1, 1], [], []>, transpose_lhs_hint = false} : vector<1000x1024xf32>, vector<1024x256xf32>, vector<1000x256xf32> -> vector<1000x256xf32>
    %get3A_64 = arith.constant 0 : index
    %get3A_65 = arith.constant 0 : index
    %get3A_66 = vector.load %arg8[%get3A_64, %get3A_65] : memref<1x256xf32, #tpu.memory_space<vmem>>, vector<1x256xf32>
    %add3A = vector.broadcast %get3A_66 : vector<1x256xf32> to vector<1000x256xf32>
    %add3A_67 = arith.addf %dot_general3A_63, %add3A : vector<1000x256xf32>
    %max3A_68 = arith.constant 0.000000e+00 : f32
    %max3A_69 = vector.broadcast %max3A_68 : f32 to vector<1000x256xf32>
    %max3A_70 = arith.maximumf %add3A_67, %max3A_69 : vector<1000x256xf32>
    %iota3A = tpu.iota {dimensions = array<i32: 0>} : vector<64x1000xi32>
    %get3A_71 = arith.constant 0 : index
    %get3A_72 = arith.constant 0 : index
    %get3A_73 = arith.constant 0 : index
    %get3A_74 = vector.load %arg9[%get3A_71, %get3A_72, %get3A_73] : memref<1x1x1000xi32, #tpu.memory_space<vmem>>, vector<1x1x1000xi32>
    %get3A_75 = vector.shape_cast %get3A_74 : vector<1x1x1000xi32> to vector<1x1000xi32>
    %eq3A_76 = vector.broadcast %get3A_75 : vector<1x1000xi32> to vector<64x1000xi32>
    %eq3A_77 = arith.cmpi eq, %iota3A, %eq3A_76 : vector<64x1000xi32>
    %convert_element_type3A_78 = arith.extui %eq3A_77 : vector<64x1000xi1> to vector<64x1000xi32>
    %convert_element_type3A_79 = arith.sitofp %convert_element_type3A_78 : vector<64x1000xi32> to vector<64x1000xf32>
    %get3A_80 = arith.constant 0 : index
    %get3A_81 = arith.constant 0 : index
    %get3A_82 = vector.load %arg13[%get3A_80, %get3A_81] : memref<64x256xf32, #tpu.memory_space<vmem>>, vector<64x256xf32>
    %dot_general3A_83 = arith.constant dense<0.000000e+00> : vector<64x256xf32>
    %dot_general3A_84 = tpu.matmul %convert_element_type3A_79, %max3A_70, %dot_general3A_83 {dimension_numbers = #tpu.dot_dimension_numbers<[1], [0], [0], [1], [0, 0, 1, 1], [], []>, transpose_lhs_hint = false} : vector<64x1000xf32>, vector<1000x256xf32>, vector<64x256xf32> -> vector<64x256xf32>
    %add3A_85 = arith.addf %get3A_82, %dot_general3A_84 : vector<64x256xf32>
    %swap3A = arith.constant 0 : index
    %swap3A_86 = arith.constant 0 : index
    %swap3A_87 = vector.load %arg13[%swap3A, %swap3A_86] : memref<64x256xf32, #tpu.memory_space<vmem>>, vector<64x256xf32>
    tpu.vector_store %arg13[%swap3A, %swap3A_86], %add3A_85 {strides = array<i32>} : memref<64x256xf32, #tpu.memory_space<vmem>>, vector<64x256xf32>,
    %get3A_88 = arith.constant 0 : index
    %get3A_89 = arith.constant 0 : index
    %get3A_90 = vector.load %arg14[%get3A_88, %get3A_89] : memref<64x128xf32, #tpu.memory_space<vmem>>, vector<64x128xf32>
    %reduce_sum3A = arith.constant dense<0.000000e+00> : vector<64xf32>
    %reduce_sum3A_91 = vector.multi_reduction <add>, %convert_element_type3A_79, %reduce_sum3A [1] : vector<64x1000xf32> to vector<64xf32>
    %broadcast_in_dim3A = vector.shape_cast %reduce_sum3A_91 : vector<64xf32> to vector<64x1xf32>
    %broadcast_in_dim3A_92 = vector.shape_cast %broadcast_in_dim3A : vector<64x1xf32> to vector<64x1xf32>
    %broadcast_in_dim3A_93 = vector.broadcast %broadcast_in_dim3A_92 : vector<64x1xf32> to vector<64x128xf32>
    %add3A_94 = arith.addf %get3A_90, %broadcast_in_dim3A_93 : vector<64x128xf32>
    %swap3A_95 = arith.constant 0 : index
    %swap3A_96 = arith.constant 0 : index
    %swap3A_97 = vector.load %arg14[%swap3A_95, %swap3A_96] : memref<64x128xf32, #tpu.memory_space<vmem>>, vector<64x128xf32>
    tpu.vector_store %arg14[%swap3A_95, %swap3A_96], %add3A_94 {strides = array<i32>} : memref<64x128xf32, #tpu.memory_space<vmem>>, vector<64x128xf32>,
    %eq3A_98 = arith.constant 9 : i32
    %eq3A_99 = arith.cmpi eq, %arg0, %eq3A_98 : i32
    %convert_element_type3A_100 = arith.extui %eq3A_99 : i1 to i32
    %cond3A_101 = arith.constant 0 : i32
    %cond3A_102 = arith.cmpi ne, %convert_element_type3A_100, %cond3A_101 : i32
    scf.if %cond3A_102 {
      %get3A_103 = arith.constant 0 : index
      %get3A_104 = arith.constant 0 : index
      %get3A_105 = vector.load %arg13[%get3A_103, %get3A_104] : memref<64x256xf32, #tpu.memory_space<vmem>>, vector<64x256xf32>
      %get3A_106 = arith.constant 0 : index
      %get3A_107 = arith.constant 0 : index
      %get3A_108 = vector.load %arg14[%get3A_106, %get3A_107] : memref<64x128xf32, #tpu.memory_space<vmem>>, vector<64x128xf32>
      %slice3A_109 = vector.extract_strided_slice %get3A_108 {offsets = [0, 0], sizes = [64, 1], strides = [1, 1]} : vector<64x128xf32> to vector<64x1xf32>
      %max3A_110 = arith.constant 1.000000e+00 : f32
      %max3A_111 = vector.broadcast %max3A_110 : f32 to vector<64x1xf32>
      %max3A_112 = arith.maximumf %slice3A_109, %max3A_111 : vector<64x1xf32>
      %div3A_113 = vector.broadcast %max3A_112 : vector<64x1xf32> to vector<64x256xf32>
      %div3A_114 = arith.divf %get3A_105, %div3A_113 : vector<64x256xf32>
      %get3A_115 = arith.constant 0 : index
      %get3A_116 = arith.constant 0 : index
      %get3A_117 = vector.load %arg10[%get3A_115, %get3A_116] : memref<256x10xf32, #tpu.memory_space<vmem>>, vector<256x10xf32>
      %dot_general3A_118 = arith.constant dense<0.000000e+00> : vector<64x10xf32>
      %dot_general3A_119 = tpu.matmul %div3A_114, %get3A_117, %dot_general3A_118 {dimension_numbers = #tpu.dot_dimension_numbers<[1], [0], [0], [1], [0, 0, 1, 1], [], []>, transpose_lhs_hint = false} : vector<64x256xf32>, vector<256x10xf32>, vector<64x10xf32> -> vector<64x10xf32>
      %get3A_120 = arith.constant 0 : index
      %get3A_121 = arith.constant 0 : index
      %get3A_122 = vector.load %arg11[%get3A_120, %get3A_121] : memref<1x10xf32, #tpu.memory_space<vmem>>, vector<1x10xf32>
      %add3A_123 = vector.broadcast %get3A_122 : vector<1x10xf32> to vector<64x10xf32>
      %add3A_124 = arith.addf %dot_general3A_119, %add3A_123 : vector<64x10xf32>
      %swap3A_125 = arith.constant 0 : index
      %swap3A_126 = arith.constant 0 : index
      %swap3A_127 = vector.load %arg12[%swap3A_125, %swap3A_126] : memref<64x10xf32, #tpu.memory_space<vmem>>, vector<64x10xf32>
      tpu.vector_store %arg12[%swap3A_125, %swap3A_126], %add3A_124 {strides = array<i32>} : memref<64x10xf32, #tpu.memory_space<vmem>>, vector<64x10xf32>,
    } else {
    }
    return
  }
  func.func @transform_0(%arg0: i32) -> (i32, i32) {
    %c0_i32 = arith.constant 0 : i32
    %c0_i32_0 = arith.constant 0 : i32
    return %arg0, %c0_i32 : i32, i32
  }
  func.func @transform_1(%arg0: i32) -> (i32, i32) {
    %c0_i32 = arith.constant 0 : i32
    %c0_i32_0 = arith.constant 0 : i32
    return %arg0, %c0_i32 : i32, i32
  }
  func.func @transform_2(%arg0: i32) -> (i32, i32, i32) {
    %c0_i32 = arith.constant 0 : i32
    %c0_i32_0 = arith.constant 0 : i32
    %c0_i32_1 = arith.constant 0 : i32
    return %c0_i32, %arg0, %c0_i32_0 : i32, i32, i32
  }
  func.func @transform_3(%arg0: i32) -> (i32, i32, i32) {
    %c0_i32 = arith.constant 0 : i32
    %c0_i32_0 = arith.constant 0 : i32
    %c0_i32_1 = arith.constant 0 : i32
    return %c0_i32, %arg0, %c0_i32_0 : i32, i32, i32
  }
  func.func @transform_4(%arg0: i32) -> (i32, i32, i32) {
    %c0_i32 = arith.constant 0 : i32
    %c0_i32_0 = arith.constant 0 : i32
    %c0_i32_1 = arith.constant 0 : i32
    return %c0_i32, %arg0, %c0_i32_0 : i32, i32, i32
  }
  func.func @transform_5(%arg0: i32) -> (i32, i32) {
    %c0_i32 = arith.constant 0 : i32
    %c0_i32_0 = arith.constant 0 : i32
    return %arg0, %c0_i32 : i32, i32
  }
  func.func @transform_6(%arg0: i32) -> (i32, i32) {
    %c0_i32 = arith.constant 0 : i32
    %c0_i32_0 = arith.constant 0 : i32
    %c0_i32_1 = arith.constant 0 : i32
    return %c0_i32, %c0_i32_0 : i32, i32
  }
  func.func @transform_7(%arg0: i32) -> (i32, i32) {
    %c0_i32 = arith.constant 0 : i32
    %c0_i32_0 = arith.constant 0 : i32
    %c0_i32_1 = arith.constant 0 : i32
    return %c0_i32, %c0_i32_0 : i32, i32
  }
  func.func @transform_8(%arg0: i32) -> (i32, i32, i32) {
    %c0_i32 = arith.constant 0 : i32
    %c0_i32_0 = arith.constant 0 : i32
    %c0_i32_1 = arith.constant 0 : i32
    return %arg0, %c0_i32, %c0_i32_0 : i32, i32, i32
  }
  func.func @transform_9(%arg0: i32) -> (i32, i32) {
    %c0_i32 = arith.constant 0 : i32
    %c0_i32_0 = arith.constant 0 : i32
    %c0_i32_1 = arith.constant 0 : i32
    return %c0_i32, %c0_i32_0 : i32, i32
  }
  func.func @transform_10(%arg0: i32) -> (i32, i32) {
    %c0_i32 = arith.constant 0 : i32
    %c0_i32_0 = arith.constant 0 : i32
    %c0_i32_1 = arith.constant 0 : i32
    return %c0_i32, %c0_i32_0 : i32, i32
  }
  func.func @transform_11(%arg0: i32) -> (i32, i32) {
    %c0_i32 = arith.constant 0 : i32
    %c0_i32_0 = arith.constant 0 : i32
    %c0_i32_1 = arith.constant 0 : i32
    return %c0_i32, %c0_i32_0 : i32, i32
  }
}

</mosaic_0001>

<sc_bundles>
// kernel: kernel.12.cloned.1.call-start
scs
__scs_entry_jumppad:
0x0: {  	(pc) =	sbr.rel $0x88, $3  }
0x1: {  	(tag) =	ssettag $0x0;
	lr =	simm.s32 $0x1  }
0x2: {  	[smem:$0x3F93] =	sst lr;
	_ =	strace $0xD0000000  }
0x3: {  	_ = 	snop  }
0x4: {  	_ = 	snop  }
0x5: {  	_ = 	snop  }
0x6: {  	_ = 	snop  }
0x7: {  	_ = 	snop  }
__scs_overlays_trampoline_lowered:
0x8: {  	[smem:$0x3FA2] =	sst s0  }
0x9: {  	[smem:$0x3FA3] =	sst s1  }
0xa: {  	[smem:$0x3FA4] =	sst s2  }
0xb: {  	[smem:$0x3FA5] =	sst s3  }
0xc: {  	[smem:$0x3FA6] =	sst s4  }
0xd: {  	[smem:$0x3FA7] =	sst s5  }
0xe: {  	[smem:$0x3FA8] =	sst s6  }
0xf: {  	[smem:$0x3FA9] =	sst s7  }
0x10: {  	[smem:$0x3FAA] =	sst s8  }
0x11: {  	[smem:$0x3FAB] =	sst s9;
	s0 =	simm.s32 @!p0 $0x0  }
0x12: {  	s1 =	sld [smem:$0x3F91];
	s0 =	simm.s32 @p0 $0x1  }
0x13: {  	[smem:$0x3FAC] =	sst s0;
	s0 =	simm.s32 @!p1 $0x0  }
0x14: {  	s2 =	sld [smem:$0x3F90];
	s0 =	simm.s32 @p1 $0x1  }
0x15: {  	[smem:$0x3FAD] =	sst s0;
	s0 =	simm.s32 @!p2 $0x0  }
0x16: {  	s3 =	sld [smem:$0x3FDB];
	s0 =	simm.s32 @p2 $0x1  }
0x17: {  	s4 =	simm.s32 $0x1BF5;
	[smem:$0x3FAF] =	sst s0  }
0x18: {  	s0 =	sld [smem:$0x3F92];
	_ =	swait.ge [sflag:s4], $0x0  }
0x19: {  	s7 =	sld [smem:$0x3F93]  }
0x1a: {  	s8 =	sadd.s32 $0xFFFFE003, lr  }
0x1b: {  	s9 =	sadd.s32 $0xFFFFFEF7, lr;
	s5 =	simm.s32 $0xFFFFFFFF;
	p2 =	slt.u32 s8, $0xFFFFF086  }
0x1c: {  	p1 =	slt.u32 s9, $0xF7A;
	s5 =	simm.s32 @!p2 $0x0  }
0x1d: {  	s5 =	simm.s32 @p1 $0x1;
	p0 =	seq.s32 s7, s2  }
0x1e: {  	s7 =	smul.u32 @!p0 $0xF7A, s2;
	p2 =	seq.s32 @!p0 s5, $0x0  }
0x1f: {  	s9 =	smul.u32 $0xF7A, s1;
	s8 =	simm.s32 @!p0 $0x1BF5;
	p2 =	por !p2, p0  }
0x20: {  	[sflag:s8] =	ssyncset.s32 @!p0 $0xFFFFF086;
	s6 =	sadd.s32 @!p0 s3, s7;
	s7 =	simm.s32 @!p0 $0x108  }
0x21: {  	s3 =	sadd.s32 s3, s9;
	s6 =	sadd.s32 @!p0 $0x88, s6;
	s7 =	simm.s32 @p2 $0x1082  }
0x22: {  	[simem:s7], [sflag:s8] =	dma.local @!p0 [hbm:s6], $0xF7A  }
0x23: {  	s9 =	sor.u32 $0xD0000000, s2;
	s6 =	simm.s32 $0x108;
	_ =	swait.ge @!p0 [sflag:s8], $0x0  }
0x24: {  	s3 =	sadd.s32 $0x88, s3;
	s6 =	simm.s32 @!p1 $0x1082;
	[sflag:s4] =	ssyncset.s32 $0xFFFFF086  }
0x25: {  	[simem:s6], [sflag:s4] =	dma.local [hbm:s3], $0xF7A  }
0x26: {  	[smem:$0x3F93] =	sst s1;
	(tag) =	ssettag s2;
	_ =	strace s9  }
0x27: {  	s1 =	sld [smem:$0x3FA3]  }
0x28: {  	s2 =	sld [smem:$0x3FA4]  }
0x29: {  	s4 =	sld [smem:$0x3FA6]  }
0x2a: {  	p0 =	seq.s32 s5, $0x0;
	s5 =	sld [smem:$0x3FA7]  }
0x2b: {  	s6 =	sld [smem:$0x3FA8]  }
0x2c: {  	s7 =	sld [smem:$0x3FA9]  }
0x2d: {  	s3 =	simm.s32 $0x108;
	s8 =	sld [smem:$0x3FAA]  }
0x2e: {  	s3 =	simm.s32 @!p0 $0x1082;
	s9 =	sld [smem:$0x3FAB]  }
0x2f: {  	lr =	sadd.s32 s0, s3;
	s0 =	sld [smem:$0x3FA2]  }
0x30: {  	s3 =	sld [smem:$0x3FA5]  }
0x31: {  	[smem:$0x3FAE] =	sst s10  }
0x32: {  	s10 =	sld [smem:$0x3FAC];
	_ =	sdelay $0x3  }
0x33: {  	p0 =	seq.s32 s10, $0x1;
	s10 =	sld [smem:$0x3FAE];
	_ =	sdelay $0x3  }
0x34: {  	[smem:$0x3FAE] =	sst s10  }
0x35: {  	s10 =	sld [smem:$0x3FAD];
	_ =	sdelay $0x3  }
0x36: {  	p1 =	seq.s32 s10, $0x1;
	s10 =	sld [smem:$0x3FAE];
	_ =	sdelay $0x3  }
0x37: {  	[smem:$0x3FAE] =	sst s10  }
0x38: {  	s10 =	sld [smem:$0x3FAF]  }
0x39: {  	_ = 	snop;
	(pc) =	sbr.ind lr, $3  }
0x3a: {  	_ = 	snop  }
0x3b: {  	_ = 	snop  }
0x3c: {  	p2 =	seq.s32 s10, $0x1;
	s10 =	sld [smem:$0x3FAE]  }
0x3d: {  	_ =	shalt  }
0x3e: {  	_ =	shalt  }
0x3f: {  	_ =	shalt  }
0x40: {  	_ =	shalt  }
0x41: {  	_ =	shalt  }
0x42: {  	_ =	shalt  }
0x43: {  	_ =	shalt  }
0x44: {  	_ =	shalt  }
0x45: {  	_ =	shalt  }
0x46: {  	_ =	shalt  }
0x47: {  	_ =	shalt  }
0x48: {  	_ =	shalt  }
0x49: {  	_ =	shalt  }
0x4a: {  	_ =	shalt  }
0x4b: {  	_ =	shalt  }
0x4c: {  	_ =	shalt  }
0x4d: {  	_ =	shalt  }
0x4e: {  	_ =	shalt  }
0x4f: {  	_ =	shalt  }
0x50: {  	_ =	shalt  }
0x51: {  	_ =	shalt  }
0x52: {  	_ =	shalt  }
0x53: {  	_ =	shalt  }
0x54: {  	_ =	shalt  }
0x55: {  	_ =	shalt  }
0x56: {  	_ =	shalt  }
0x57: {  	_ =	shalt  }
0x58: {  	_ =	shalt  }
0x59: {  	_ =	shalt  }
0x5a: {  	_ =	shalt  }
0x5b: {  	_ =	shalt  }
0x5c: {  	_ =	shalt  }
0x5d: {  	_ =	shalt  }
0x5e: {  	_ =	shalt  }
0x5f: {  	_ =	shalt  }
0x60: {  	_ =	shalt  }
0x61: {  	_ =	shalt  }
0x62: {  	_ =	shalt  }
0x63: {  	_ =	shalt  }
0x64: {  	_ =	shalt  }
0x65: {  	_ =	shalt  }
0x66: {  	_ =	shalt  }
0x67: {  	_ =	shalt  }
0x68: {  	_ =	shalt  }
0x69: {  	_ =	shalt  }
0x6a: {  	_ =	shalt  }
0x6b: {  	_ =	shalt  }
0x6c: {  	_ =	shalt  }
0x6d: {  	_ =	shalt  }
0x6e: {  	_ =	shalt  }
0x6f: {  	_ =	shalt  }
0x70: {  	_ =	shalt  }
0x71: {  	_ =	shalt  }
0x72: {  	_ =	shalt  }
0x73: {  	_ =	shalt  }
0x74: {  	_ =	shalt  }
0x75: {  	_ =	shalt  }
0x76: {  	_ =	shalt  }
0x77: {  	_ =	shalt  }
0x78: {  	_ =	shalt  }
0x79: {  	_ =	shalt  }
0x7a: {  	_ =	shalt  }
0x7b: {  	_ =	shalt  }
0x7c: {  	_ =	shalt  }
0x7d: {  	_ =	shalt  }
0x7e: {  	_ =	shalt  }
0x7f: {  	_ =	shalt  }
0x80: {  	_ =	shalt  }
0x81: {  	_ =	shalt  }
0x82: {  	_ =	shalt  }
0x83: {  	_ =	shalt  }
0x84: {  	_ =	shalt  }
0x85: {  	_ =	shalt  }
0x86: {  	_ =	shalt  }
0x87: {  	_ =	shalt  }
.Lfunc_end0:
.L_simem_size_0:
called_computation_lowered:
.L_overlay_start_0:
0x88: {  	s2 =	sld [smem:$0x3FD9]  }
0x89: {  	s3 =	sld [smem:$0x3FFE];
	_ =	sdelay $0x1  }
0x8a: {  	s1 =	srdreg.scid  }
0x8b: {  	s0 =	sand.u32 $0x1, s1  }
0x8c: {  	s16 =	sshll.u32 s0, $0xA;
	s2 =	sadd.s32 s3, s2  }
0x8d: {  	s2 =	sadd.s32 s2, s16  }
0x8e: {  	[smem:$0x3FBA] =	sst s2  }
0x8f: {  	_ = 	snop  }
0x90: {  	(tm) =	ssettm $0x1  }
0x91: {  	s17 =	sld [smem:$0x3FFB];
	_ =	sdelay $0x3  }
0x92: {  	_ =	strace s17  }
0x93: {  	s2 =	sld [smem:$0x3FFC];
	_ =	sdelay $0x3  }
0x94: {  	_ =	strace s2  }
0x95: {  	s2 =	sld [smem:$0x3FFD];
	_ =	sdelay $0x3  }
0x96: {  	_ =	strace s2  }
0x97: {  	_ =	strace $0x8FFFFFFF  }
0x98: {  	s18 =	sld [smem:$0x3FDB];
	_ =	sdelay $0x1  }
0x99: {  	s19 =	simm.s32 $_scs_section_size  }
0x9a: {  	s4 =	simm.s32 $_size__tile_overlayer_lowered;
	s5 =	simm.s32 $_tile_overlayer_lowered  }
0x9b: {  	s22 =	simm.s32 $0x1BFF;
	s21 =	sshll.u32 s5, $0x1;
	s2 =	sadd.s32 s19, s18  }
0x9c: {  	s6 =	simm.s32 $0x0;
	s20 =	sshll.u32 s4, $0x1;
	s4 =	sadd.s32 s21, s2  }
0x9d: {  	[timem:s6], [sflag:s22] =	dma.local [hbm:s4], s20  }
0x9e: {  	_ =	swait.ge [sflag:s22], s20  }
0x9f: {  	s3 =	ssub.s32 $0x0, s20;
	[sflag:s22] =	ssyncset.done $0x0  }
0xa0: {  	[sflag:s22] =	ssyncadd.s32 s3;
	_ =	sdelay $0x1  }
0xa1: {  	s23 =	simm.s32 $0x1B8B  }
0xa2: {  	_ =	swait.ge [sflag:s23], $0x1  }
0xa3: {  	[sflag:s23] =	ssyncset.done $0x0  }
0xa4: {  	s25 =	simm.s32 $0x1B8E;
	s24 =	sld [smem:$0x3FFE];
	[sflag:s23] =	ssyncadd.s32 $0xFFFFFFFF  }
0xa5: {  	s26 =	simm.s32 $execute0_lowered;
	[smem:$0x3FD2] =	sst s25  }
0xa6: {  	s4 =	sshll.u32 s26, $0x1;
	_ =	strace $0x80000046;
	[dreg:$0x1] =	wrdreg $0xFFFFFFFF  }
0xa7: {  	s28 =	simm.s32 $_size_execute0_lowered;
	s2 =	sadd.s32 s2, s4;
	[dreg:$0x0] =	wrdreg $0x0  }
0xa8: {  	s4 =	sshll.u32 s28, $0x1;
	[dreg:$0x2] =	wrdreg s2  }
0xa9: {  	[dreg:$0x3] =	wrdreg s4  }
0xaa: {  	[dreg:$0x4] =	wrdreg $0xC0  }
0xab: {  	_ =	task [dreg:s6], $0x5FFFF  }
0xac: {  	[dreg:$0x1] =	wrdreg $0xFFFFFFFF  }
0xad: {  	[dreg:$0x0] =	wrdreg $0x60  }
0xae: {  	[dreg:$0x2] =	wrdreg s24  }
0xaf: {  	[dreg:$0x3] =	wrdreg $0x54000  }
0xb0: {  	[dreg:$0x4] =	wrdreg $0x9  }
0xb1: {  	_ =	task.clear_ibuf [dreg:s6], $0x5FFFF;
	_ =	strace $0x90000046  }
0xb2: {  	s29 =	simm.s32 $0x9;
	_ =	strace $0x80000048  }
0xb3: {  	_ =	swait.ge [sflag:s29], $0x1  }
0xb4: {  	[sflag:s29] =	ssyncadd.s32 $0xFFFFFFFF  }
0xb5: {  	_ =	strace $0x90000048  }
0xb6: {  	_ =	sfence  }
0xb7: {  	s30 =	sld [smem:$0x0];
	_ =	sdelay $0x2  }
0xb8: {  	s31 =	sshll.u32 s1, $0xD;
	s1 =	sshrl.u32 s1, $0x2  }
0xb9: {  	s3 =	sand.u32 $0x4000, s31;
	s1 =	sadd.s32 s1, s30  }
0xba: {  	s0 =	sor.u32 s3, s0;
	s1 =	sshll.u32 s1, $0x11  }
0xbb: {  	s0 =	sor.u32 s1, s0  }
0xbc: {  	s0 =	sadd.s32 $0x8F2B, s0  }
0xbd: {  	[sflag:s0] =	ssyncadd.remote.s32 $0x1  }
0xbe: {  	_ =	sfence.sel $0xFFFF  }
0xbf: {  	[dreg:$0x0] =	wrdreg $0xFFFFFFFF;
	(pc) =	sbr.abs _section_cstart, $3  }
0xc0: {  	[dreg:$0x1] =	wrdreg $0xFFFFFFFF  }
0xc1: {  	_ =	task.clear_ibuf [dreg:s6], $0x2FFFF;
	_ =	strace $0x9FFFFFFF  }
0xc2: {  	(tm) =	ssettm $0x7FFFFFFF  }
0xc3: {  	_ =	shalt  }
tec
execute0_lowered:
.L_overlay_start_1:
0x0: {  	(tag) =	ssettag $0x1  }
0x1: {  	s6 =	rddreg [dreg:$0x0]  }
0x2: {  	s1 =	rddreg [dreg:$0x1];
	s2 =	srdreg.scid  }
0x3: {  	s0 =	rddreg [dreg:$0x2];
	s3 =	simm.s32 $0x0;
	s17 =	simm.s32 $0x1  }
0x4: {  	s20 =	simm.s32 $0x7D;
	s7 =	sand.u32 $0x1, s2;
	s2 =	stileid.u32  }
0x5: {  	s21 =	simm.s32 $0x0;
	[smem:$0x7FF] =	sst s3;
	s5 =	smul.u32 $0x13C000, s7  }
0x6: {  	s4 =	sadd.s32 $0x23C00, s6;
	s11 =	sadd.s32 $0x17400, s6;
	s8 =	smul.u32 $0x13C00, s2  }
0x7: {  	s15 =	sadd.s32 $0xD400, s6;
	_ =	strace $0x80000047;
	s9 =	smul.u32 $0x4F000, s2  }
0x8: {  	s31 =	ssub.s32 $0x2, s7;
	s12 =	smul.u32 $0x5000, s2;
	s18 =	sshll.u32 s2, $0x6  }
0x9: {  	p0 =	seq.s32 s7, $0x1;
	s10 =	sshrl.u32 s31, $0x1;
	s18 =	sor.u32 $0x1C01, s18  }
0xa: {  	s5 =	sadd.s32 s8, s5;
	s9 =	sshrl.u32 s9, $0x2;
	s12 =	sshrl.u32 s12, $0x3  }
0xb: {  	s8 =	sshrl.u32 s5, $0x3;
	s5 =	sadd.s32 $0x21400, s6;
	s19 =	sadd.s32 s9, s1  }
0xc: {  	s13 =	sadd.s32 $0x280, s12;
	s14 =	sadd.s32 $0x500, s12;
	s16 =	sadd.s32 $0x780, s12  }
.Ltmp0:
0xd: {  	s6 =	sadd.s32 s8, s6;
	s8 =	ssub.s32 s31, s10;
	(pc) =	sbr.rel .LBB2_1-.Ltmp0, $4  }
0xe: {  	s9 =	sadd.s32 s11, s13;
	s10 =	sadd.s32 s11, s14;
	s13 =	sadd.s32 s15, s13  }
0xf: {  	s14 =	sadd.s32 s15, s14;
	s19 =	sshrl.u32 s19, $0x3;
	s6 =	sadd.s32 $0x24400, s6  }
0x10: {  	s7 =	smax.u32 s8, $0x1;
	s8 =	sadd.s32 s11, s12;
	s11 =	sadd.s32 s11, s16  }
0x11: {  	s12 =	sadd.s32 s15, s12;
	s15 =	sadd.s32 s15, s16;
	s16 =	simm.s32 $0x1400  }
.LBB2_19:
0x12: {  	[sflag:s17] =	ssyncadd.s32 $0xFFFFC180  }
.LBB2_20:
0x13: {  	s21 =	sadd.s32 $0x1, s21  }
0x14: {  	p1 =	sne.s32 s21, s7  }
.Ltmp1:
0x15: {  	[bflag:$0x0] =	sbarrier.arrive $0xFFFF;
	(pc) =	sbr.rel @!p1 .LBB2_21-.Ltmp1, $4  }
0x16: {  	[hbm:s6], [sflag:s18] =	dma.local [spmem:s19], $0x2780  }
0x17: {  	_ =	swait.ge [sflag:s17], $0x2780  }
0x18: {  	[sflag:s17] =	ssyncset.done $0x0  }
0x19: {  	[sflag:s17] =	ssyncadd.s32 $0xFFFFD880  }
.LBB2_1:
0x1a: {  	[tilespmem:s16], [sflag:$0x1] =	stream.linear.gather [hbm4b:s4+s3], $0x3E80, $0x38;
	[tilespmem:$0x19000] =	vst v63  }
0x1b: {  	_ =	swait.ge [sflag:s17], $0x3E80  }
0x1c: {  	[sflag:s17] =	ssyncset.done $0x0  }
0x1d: {  	[sflag:s17] =	ssyncadd.s32 $0xFFFFC180  }
0x1e: {  	[spmem:s19], [sflag:s18] =	dma.local [hbm:s5], $0x2780  }
.Ltmp2:
0x1f: {  	_ =	swait.ge [sflag:s17], $0x2780;
	(pc) =	sbr.rel @!p0 .LBB2_2-.Ltmp2, $4  }
0x20: {  	[sflag:s17] =	ssyncset.done $0x0  }
0x21: {  	[sflag:s17] =	ssyncadd.s32 $0xFFFFD880  }
0x22: {  	[bflag:$0x0] =	sbarrier.arrive $0xFFFF  }
0x23: {  	s22 =	simm.s32 $0x0  }
0x24: {  	[tilespmem:s22], [sflag:$0x1] =	stream.linear.gather [hbm4b:s12+s22], $0x1400, $0x38;
	[tilespmem:$0x19000] =	vst v63  }
0x25: {  	_ =	swait.ge [sflag:s17], $0x1400  }
0x26: {  	[sflag:s17] =	ssyncset.done $0x0  }
0x27: {  	s31 =	simm.s32 $0x0;
	[sflag:s17] =	ssyncadd.s32 $0xFFFFEC00  }
0x28: {  	[spmem:s1] =	stream.indirect.scatter.add.f32 [tilespmem:s16], [sflag:$0x1], $0x80, s31, s20, $0xb8;
	[tilespmem:$0x19000] =	vst v63  }
0x29: {  	_ =	swait.ge [sflag:s17], $0x3E80  }
0x2a: {  	s22 =	simm.s32 $0x200;
	[sflag:s17] =	ssyncset.done $0x0  }
.LBB2_12:
0x2b: {  	s23 =	sshra.s32 s22, $0x2;
	[sflag:s17] =	ssyncadd.s32 $0xFFFFC180;
	p1 =	sne.s32 s22, $0x4E00  }
0x2c: {  	[spmem:s1] =	stream.indirect.scatter.add.f32 [tilespmem:s16], [sflag:$0x1], $0x80, s23, s20, $0xb8;
	[tilespmem:$0x19000] =	vst v63  }
.Ltmp3:
0x2d: {  	_ = 	snop;
	(pc) =	sbr.rel @p1 .LBB2_12-.Ltmp3, $4  }
0x2e: {  	_ = 	snop  }
0x2f: {  	s22 =	sadd.s32 $0x200, s22  }
0x30: {  	_ =	swait.ge [sflag:s17], $0x3E80  }
0x31: {  	[sflag:s17] =	ssyncset.done $0x0  }
0x32: {  	[sflag:s17] =	ssyncadd.s32 $0xFFFFC180;
	s22 =	simm.s32 $0x0  }
0x33: {  	[tilespmem:s22], [sflag:$0x1] =	stream.linear.gather [hbm4b:s13+s22], $0x1400, $0x38;
	[tilespmem:$0x19000] =	vst v63  }
0x34: {  	_ =	swait.ge [sflag:s17], $0x1400  }
0x35: {  	[sflag:s17] =	ssyncset.done $0x0  }
0x36: {  	s31 =	simm.s32 $0x0;
	[sflag:s17] =	ssyncadd.s32 $0xFFFFEC00  }
0x37: {  	[spmem:s1] =	stream.indirect.scatter.add.f32 [tilespmem:s16], [sflag:$0x1], $0x80, s31, s20, $0xb8;
	[tilespmem:$0x19000] =	vst v63  }
0x38: {  	_ =	swait.ge [sflag:s17], $0x3E80  }
0x39: {  	s22 =	simm.s32 $0x200;
	[sflag:s17] =	ssyncset.done $0x0  }
.LBB2_14:
0x3a: {  	s23 =	sshra.s32 s22, $0x2;
	[sflag:s17] =	ssyncadd.s32 $0xFFFFC180;
	p1 =	sne.s32 s22, $0x4E00  }
0x3b: {  	[spmem:s1] =	stream.indirect.scatter.add.f32 [tilespmem:s16], [sflag:$0x1], $0x80, s23, s20, $0xb8;
	[tilespmem:$0x19000] =	vst v63  }
.Ltmp4:
0x3c: {  	_ = 	snop;
	(pc) =	sbr.rel @p1 .LBB2_14-.Ltmp4, $4  }
0x3d: {  	_ = 	snop  }
0x3e: {  	s22 =	sadd.s32 $0x200, s22  }
0x3f: {  	_ =	swait.ge [sflag:s17], $0x3E80  }
0x40: {  	[sflag:s17] =	ssyncset.done $0x0  }
0x41: {  	[sflag:s17] =	ssyncadd.s32 $0xFFFFC180;
	s22 =	simm.s32 $0x0  }
0x42: {  	[tilespmem:s22], [sflag:$0x1] =	stream.linear.gather [hbm4b:s14+s22], $0x1400, $0x38;
	[tilespmem:$0x19000] =	vst v63  }
0x43: {  	_ =	swait.ge [sflag:s17], $0x1400  }
0x44: {  	[sflag:s17] =	ssyncset.done $0x0  }
0x45: {  	s31 =	simm.s32 $0x0;
	[sflag:s17] =	ssyncadd.s32 $0xFFFFEC00  }
0x46: {  	[spmem:s1] =	stream.indirect.scatter.add.f32 [tilespmem:s16], [sflag:$0x1], $0x80, s31, s20, $0xb8;
	[tilespmem:$0x19000] =	vst v63  }
0x47: {  	_ =	swait.ge [sflag:s17], $0x3E80  }
0x48: {  	s22 =	simm.s32 $0x200;
	[sflag:s17] =	ssyncset.done $0x0  }
.LBB2_16:
0x49: {  	s23 =	sshra.s32 s22, $0x2;
	[sflag:s17] =	ssyncadd.s32 $0xFFFFC180;
	p1 =	sne.s32 s22, $0x4E00  }
0x4a: {  	[spmem:s1] =	stream.indirect.scatter.add.f32 [tilespmem:s16], [sflag:$0x1], $0x80, s23, s20, $0xb8;
	[tilespmem:$0x19000] =	vst v63  }
.Ltmp5:
0x4b: {  	_ = 	snop;
	(pc) =	sbr.rel @p1 .LBB2_16-.Ltmp5, $4  }
0x4c: {  	_ = 	snop  }
0x4d: {  	s22 =	sadd.s32 $0x200, s22  }
0x4e: {  	_ =	swait.ge [sflag:s17], $0x3E80  }
0x4f: {  	[sflag:s17] =	ssyncset.done $0x0  }
0x50: {  	[sflag:s17] =	ssyncadd.s32 $0xFFFFC180;
	s22 =	simm.s32 $0x0  }
0x51: {  	[tilespmem:s22], [sflag:$0x1] =	stream.linear.gather [hbm4b:s15+s22], $0x1400, $0x38;
	[tilespmem:$0x19000] =	vst v63  }
0x52: {  	_ =	swait.ge [sflag:s17], $0x1400  }
0x53: {  	[sflag:s17] =	ssyncset.done $0x0  }
0x54: {  	s31 =	simm.s32 $0x0;
	[sflag:s17] =	ssyncadd.s32 $0xFFFFEC00  }
0x55: {  	[spmem:s1] =	stream.indirect.scatter.add.f32 [tilespmem:s16], [sflag:$0x1], $0x80, s31, s20, $0xb8;
	[tilespmem:$0x19000] =	vst v63  }
0x56: {  	_ =	swait.ge [sflag:s17], $0x3E80  }
0x57: {  	s22 =	simm.s32 $0x200;
	[sflag:s17] =	ssyncset.done $0x0  }
.LBB2_18:
0x58: {  	s23 =	sshra.s32 s22, $0x2;
	[sflag:s17] =	ssyncadd.s32 $0xFFFFC180;
	p1 =	sne.s32 s22, $0x4E00  }
0x59: {  	[spmem:s1] =	stream.indirect.scatter.add.f32 [tilespmem:s16], [sflag:$0x1], $0x80, s23, s20, $0xb8;
	[tilespmem:$0x19000] =	vst v63  }
.Ltmp6:
0x5a: {  	_ = 	snop;
	(pc) =	sbr.rel @p1 .LBB2_18-.Ltmp6, $4  }
0x5b: {  	_ = 	snop  }
0x5c: {  	s22 =	sadd.s32 $0x200, s22  }
0x5d: {  	_ =	swait.ge [sflag:s17], $0x3E80  }
0x5e: {  	[sflag:s17] =	ssyncset.done $0x0  }
.Ltmp7:
0x5f: {  	_ = 	snop;
	(pc) =	sbr.rel .LBB2_19-.Ltmp7, $1  }
0x60: {  	_ =	sdelay $0x3  }
.LBB2_2:
0x61: {  	[tilespmem:s22], [sflag:$0x1] =	stream.linear.gather [hbm4b:s8+s22], $0x1400, $0x38;
	[tilespmem:$0x19000] =	vst v63  }
0x62: {  	_ =	swait.ge [sflag:s17], $0x1400  }
0x63: {  	[sflag:s17] =	ssyncset.done $0x0  }
0x64: {  	s31 =	simm.s32 $0x0;
	[sflag:s17] =	ssyncadd.s32 $0xFFFFEC00  }
0x65: {  	[spmem:s1] =	stream.indirect.scatter.add.f32 [tilespmem:s16], [sflag:$0x1], $0x80, s31, s20, $0xb8;
	[tilespmem:$0x19000] =	vst v63  }
0x66: {  	_ =	swait.ge [sflag:s17], $0x3E80  }
0x67: {  	s22 =	simm.s32 $0x200;
	[sflag:s17] =	ssyncset.done $0x0  }
.LBB2_3:
0x68: {  	s23 =	sshra.s32 s22, $0x2;
	[sflag:s17] =	ssyncadd.s32 $0xFFFFC180;
	p1 =	sne.s32 s22, $0x4E00  }
0x69: {  	[spmem:s1] =	stream.indirect.scatter.add.f32 [tilespmem:s16], [sflag:$0x1], $0x80, s23, s20, $0xb8;
	[tilespmem:$0x19000] =	vst v63  }
.Ltmp8:
0x6a: {  	_ = 	snop;
	(pc) =	sbr.rel @p1 .LBB2_3-.Ltmp8, $4  }
0x6b: {  	_ = 	snop  }
0x6c: {  	s22 =	sadd.s32 $0x200, s22  }
0x6d: {  	_ =	swait.ge [sflag:s17], $0x3E80  }
0x6e: {  	[sflag:s17] =	ssyncset.done $0x0  }
0x6f: {  	[sflag:s17] =	ssyncadd.s32 $0xFFFFC180;
	s22 =	simm.s32 $0x0  }
0x70: {  	[tilespmem:s22], [sflag:$0x1] =	stream.linear.gather [hbm4b:s9+s22], $0x1400, $0x38;
	[tilespmem:$0x19000] =	vst v63  }
0x71: {  	_ =	swait.ge [sflag:s17], $0x1400  }
0x72: {  	[sflag:s17] =	ssyncset.done $0x0  }
0x73: {  	s31 =	simm.s32 $0x0;
	[sflag:s17] =	ssyncadd.s32 $0xFFFFEC00  }
0x74: {  	[spmem:s1] =	stream.indirect.scatter.add.f32 [tilespmem:s16], [sflag:$0x1], $0x80, s31, s20, $0xb8;
	[tilespmem:$0x19000] =	vst v63  }
0x75: {  	_ =	swait.ge [sflag:s17], $0x3E80  }
0x76: {  	s22 =	simm.s32 $0x200;
	[sflag:s17] =	ssyncset.done $0x0  }
.LBB2_5:
0x77: {  	s23 =	sshra.s32 s22, $0x2;
	[sflag:s17] =	ssyncadd.s32 $0xFFFFC180;
	p1 =	sne.s32 s22, $0x4E00  }
0x78: {  	[spmem:s1] =	stream.indirect.scatter.add.f32 [tilespmem:s16], [sflag:$0x1], $0x80, s23, s20, $0xb8;
	[tilespmem:$0x19000] =	vst v63  }
.Ltmp9:
0x79: {  	_ = 	snop;
	(pc) =	sbr.rel @p1 .LBB2_5-.Ltmp9, $4  }
0x7a: {  	_ = 	snop  }
0x7b: {  	s22 =	sadd.s32 $0x200, s22  }
0x7c: {  	_ =	swait.ge [sflag:s17], $0x3E80  }
0x7d: {  	[sflag:s17] =	ssyncset.done $0x0  }
0x7e: {  	[sflag:s17] =	ssyncadd.s32 $0xFFFFC180;
	s22 =	simm.s32 $0x0  }
0x7f: {  	[tilespmem:s22], [sflag:$0x1] =	stream.linear.gather [hbm4b:s10+s22], $0x1400, $0x38;
	[tilespmem:$0x19000] =	vst v63  }
0x80: {  	_ =	swait.ge [sflag:s17], $0x1400  }
0x81: {  	[sflag:s17] =	ssyncset.done $0x0  }
0x82: {  	s31 =	simm.s32 $0x0;
	[sflag:s17] =	ssyncadd.s32 $0xFFFFEC00  }
0x83: {  	[spmem:s1] =	stream.indirect.scatter.add.f32 [tilespmem:s16], [sflag:$0x1], $0x80, s31, s20, $0xb8;
	[tilespmem:$0x19000] =	vst v63  }
0x84: {  	_ =	swait.ge [sflag:s17], $0x3E80  }
0x85: {  	s22 =	simm.s32 $0x200;
	[sflag:s17] =	ssyncset.done $0x0  }
.LBB2_7:
0x86: {  	s23 =	sshra.s32 s22, $0x2;
	[sflag:s17] =	ssyncadd.s32 $0xFFFFC180;
	p1 =	sne.s32 s22, $0x4E00  }
0x87: {  	[spmem:s1] =	stream.indirect.scatter.add.f32 [tilespmem:s16], [sflag:$0x1], $0x80, s23, s20, $0xb8;
	[tilespmem:$0x19000] =	vst v63  }
.Ltmp10:
0x88: {  	_ = 	snop;
	(pc) =	sbr.rel @p1 .LBB2_7-.Ltmp10, $4  }
0x89: {  	_ = 	snop  }
0x8a: {  	s22 =	sadd.s32 $0x200, s22  }
0x8b: {  	_ =	swait.ge [sflag:s17], $0x3E80  }
0x8c: {  	[sflag:s17] =	ssyncset.done $0x0  }
0x8d: {  	[sflag:s17] =	ssyncadd.s32 $0xFFFFC180;
	s22 =	simm.s32 $0x0  }
0x8e: {  	[tilespmem:s22], [sflag:$0x1] =	stream.linear.gather [hbm4b:s11+s22], $0x1400, $0x38;
	[tilespmem:$0x19000] =	vst v63  }
0x8f: {  	_ =	swait.ge [sflag:s17], $0x1400  }
0x90: {  	[sflag:s17] =	ssyncset.done $0x0  }
0x91: {  	s31 =	simm.s32 $0x0;
	[sflag:s17] =	ssyncadd.s32 $0xFFFFEC00  }
0x92: {  	[spmem:s1] =	stream.indirect.scatter.add.f32 [tilespmem:s16], [sflag:$0x1], $0x80, s31, s20, $0xb8;
	[tilespmem:$0x19000] =	vst v63  }
0x93: {  	_ =	swait.ge [sflag:s17], $0x3E80  }
0x94: {  	s22 =	simm.s32 $0x200;
	[sflag:s17] =	ssyncset.done $0x0  }
.LBB2_9:
0x95: {  	s23 =	sshra.s32 s22, $0x2;
	[sflag:s17] =	ssyncadd.s32 $0xFFFFC180;
	p1 =	seq.s32 s22, $0x4E00  }
0x96: {  	[spmem:s1] =	stream.indirect.scatter.add.f32 [tilespmem:s16], [sflag:$0x1], $0x80, s23, s20, $0xb8;
	[tilespmem:$0x19000] =	vst v63  }
.Ltmp11:
0x97: {  	_ = 	snop;
	(pc) =	sbr.rel @!p1 .LBB2_9-.Ltmp11, $4  }
0x98: {  	_ = 	snop  }
0x99: {  	s22 =	sadd.s32 $0x200, s22  }
0x9a: {  	_ =	swait.ge [sflag:s17], $0x3E80  }
0x9b: {  	[sflag:s17] =	ssyncset.done $0x0  }
.Ltmp12:
0x9c: {  	(pc) =	sbr.rel .LBB2_20-.Ltmp12, $2  }
0x9d: {  	_ =	sdelay $0x2  }
0x9e: {  	[sflag:s17] =	ssyncadd.s32 $0xFFFFC180  }
.LBB2_21:
0x9f: {  	_ =	sfence.sel $0x180000  }
0xa0: {  	[bflag:$0x0] =	sbarrier.arrive $0xFFFF  }
0xa1: {  	p0 =	sne.s32 s2, $0x0;
	_ =	strace $0x90000047  }
0xa2: {  	s0 =	sadd.s32 @!p0 $0x100000, s0;
	[bflag:$0x2] =	sbarrier.arrive $0xFFFF  }
0xa3: {  	[sflag:s0] =	ssyncadd.tile.s32 @!p0 $0x1;
	_ =	shalt  }
.Lfunc_end2:
_tile_overlayer_lowered:
.L_overlay_start_2:
0xa4: {  	(tag) =	ssettag $0x2  }
0xa5: {  	s0 =	rddreg [dreg:$0x0];
	s2 =	stileid.u32  }
0xa6: {  	s1 =	rddreg [dreg:$0x1];
	p0 =	sne.s32 s2, $0x0  }
0xa7: {  	s3 =	rddreg [dreg:$0x2];
	[bflag:$0x3] =	sbarrier.arrive $0xFFFF;
	s2 =	simm.s32 @!p0 $0x1C01  }
0xa8: {  	[timem:s3], [sflag:s2] =	dma.local @!p0 [hbm:s0], s1  }
0xa9: {  	s0 =	simm.s32 @!p0 $0x1  }
0xaa: {  	_ =	swait.ge @!p0 [sflag:s0], s1  }
0xab: {  	s1 =	ssub.s32 @!p0 $0x0, s1;
	[sflag:s0] =	ssyncset.done @!p0 $0x0  }
0xac: {  	[sflag:s0] =	ssyncadd.s32 @!p0 s1  }
0xad: {  	[bflag:$0x3] =	sbarrier.arrive $0xFFFF  }
0xae: {  	_ =	shalt  }

// kernel: kernel.15.cloned.1.call-start
scs
__scs_entry_jumppad:
0x0: {  	(pc) =	sbr.rel $0x88, $3  }
0x1: {  	(tag) =	ssettag $0x0;
	lr =	simm.s32 $0x1  }
0x2: {  	[smem:$0x3F93] =	sst lr;
	_ =	strace $0xD0000000  }
0x3: {  	_ = 	snop  }
0x4: {  	_ = 	snop  }
0x5: {  	_ = 	snop  }
0x6: {  	_ = 	snop  }
0x7: {  	_ = 	snop  }
__scs_overlays_trampoline_lowered:
0x8: {  	[smem:$0x3FA2] =	sst s0  }
0x9: {  	[smem:$0x3FA3] =	sst s1  }
0xa: {  	[smem:$0x3FA4] =	sst s2  }
0xb: {  	[smem:$0x3FA5] =	sst s3  }
0xc: {  	[smem:$0x3FA6] =	sst s4  }
0xd: {  	[smem:$0x3FA7] =	sst s5  }
0xe: {  	[smem:$0x3FA8] =	sst s6  }
0xf: {  	[smem:$0x3FA9] =	sst s7  }
0x10: {  	[smem:$0x3FAA] =	sst s8  }
0x11: {  	[smem:$0x3FAB] =	sst s9;
	s0 =	simm.s32 @!p0 $0x0  }
0x12: {  	s1 =	sld [smem:$0x3F91];
	s0 =	simm.s32 @p0 $0x1  }
0x13: {  	[smem:$0x3FAC] =	sst s0;
	s0 =	simm.s32 @!p1 $0x0  }
0x14: {  	s2 =	sld [smem:$0x3F90];
	s0 =	simm.s32 @p1 $0x1  }
0x15: {  	[smem:$0x3FAD] =	sst s0;
	s0 =	simm.s32 @!p2 $0x0  }
0x16: {  	s3 =	sld [smem:$0x3FDB];
	s0 =	simm.s32 @p2 $0x1  }
0x17: {  	s4 =	simm.s32 $0x1BF5;
	[smem:$0x3FAF] =	sst s0  }
0x18: {  	s0 =	sld [smem:$0x3F92];
	_ =	swait.ge [sflag:s4], $0x0  }
0x19: {  	s7 =	sld [smem:$0x3F93]  }
0x1a: {  	s8 =	sadd.s32 $0xFFFFE003, lr  }
0x1b: {  	s9 =	sadd.s32 $0xFFFFFEF7, lr;
	s5 =	simm.s32 $0xFFFFFFFF;
	p2 =	slt.u32 s8, $0xFFFFF086  }
0x1c: {  	p1 =	slt.u32 s9, $0xF7A;
	s5 =	simm.s32 @!p2 $0x0  }
0x1d: {  	s5 =	simm.s32 @p1 $0x1;
	p0 =	seq.s32 s7, s2  }
0x1e: {  	s7 =	smul.u32 @!p0 $0xF7A, s2;
	p2 =	seq.s32 @!p0 s5, $0x0  }
0x1f: {  	s9 =	smul.u32 $0xF7A, s1;
	s8 =	simm.s32 @!p0 $0x1BF5;
	p2 =	por !p2, p0  }
0x20: {  	[sflag:s8] =	ssyncset.s32 @!p0 $0xFFFFF086;
	s6 =	sadd.s32 @!p0 s3, s7;
	s7 =	simm.s32 @!p0 $0x108  }
0x21: {  	s3 =	sadd.s32 s3, s9;
	s6 =	sadd.s32 @!p0 $0x88, s6;
	s7 =	simm.s32 @p2 $0x1082  }
0x22: {  	[simem:s7], [sflag:s8] =	dma.local @!p0 [hbm:s6], $0xF7A  }
0x23: {  	s9 =	sor.u32 $0xD0000000, s2;
	s6 =	simm.s32 $0x108;
	_ =	swait.ge @!p0 [sflag:s8], $0x0  }
0x24: {  	s3 =	sadd.s32 $0x88, s3;
	s6 =	simm.s32 @!p1 $0x1082;
	[sflag:s4] =	ssyncset.s32 $0xFFFFF086  }
0x25: {  	[simem:s6], [sflag:s4] =	dma.local [hbm:s3], $0xF7A  }
0x26: {  	[smem:$0x3F93] =	sst s1;
	(tag) =	ssettag s2;
	_ =	strace s9  }
0x27: {  	s1 =	sld [smem:$0x3FA3]  }
0x28: {  	s2 =	sld [smem:$0x3FA4]  }
0x29: {  	s4 =	sld [smem:$0x3FA6]  }
0x2a: {  	p0 =	seq.s32 s5, $0x0;
	s5 =	sld [smem:$0x3FA7]  }
0x2b: {  	s6 =	sld [smem:$0x3FA8]  }
0x2c: {  	s7 =	sld [smem:$0x3FA9]  }
0x2d: {  	s3 =	simm.s32 $0x108;
	s8 =	sld [smem:$0x3FAA]  }
0x2e: {  	s3 =	simm.s32 @!p0 $0x1082;
	s9 =	sld [smem:$0x3FAB]  }
0x2f: {  	lr =	sadd.s32 s0, s3;
	s0 =	sld [smem:$0x3FA2]  }
0x30: {  	s3 =	sld [smem:$0x3FA5]  }
0x31: {  	[smem:$0x3FAE] =	sst s10  }
0x32: {  	s10 =	sld [smem:$0x3FAC];
	_ =	sdelay $0x3  }
0x33: {  	p0 =	seq.s32 s10, $0x1;
	s10 =	sld [smem:$0x3FAE];
	_ =	sdelay $0x3  }
0x34: {  	[smem:$0x3FAE] =	sst s10  }
0x35: {  	s10 =	sld [smem:$0x3FAD];
	_ =	sdelay $0x3  }
0x36: {  	p1 =	seq.s32 s10, $0x1;
	s10 =	sld [smem:$0x3FAE];
	_ =	sdelay $0x3  }
0x37: {  	[smem:$0x3FAE] =	sst s10  }
0x38: {  	s10 =	sld [smem:$0x3FAF]  }
0x39: {  	_ = 	snop;
	(pc) =	sbr.ind lr, $3  }
0x3a: {  	_ = 	snop  }
0x3b: {  	_ = 	snop  }
0x3c: {  	p2 =	seq.s32 s10, $0x1;
	s10 =	sld [smem:$0x3FAE]  }
0x3d: {  	_ =	shalt  }
0x3e: {  	_ =	shalt  }
0x3f: {  	_ =	shalt  }
0x40: {  	_ =	shalt  }
0x41: {  	_ =	shalt  }
0x42: {  	_ =	shalt  }
0x43: {  	_ =	shalt  }
0x44: {  	_ =	shalt  }
0x45: {  	_ =	shalt  }
0x46: {  	_ =	shalt  }
0x47: {  	_ =	shalt  }
0x48: {  	_ =	shalt  }
0x49: {  	_ =	shalt  }
0x4a: {  	_ =	shalt  }
0x4b: {  	_ =	shalt  }
0x4c: {  	_ =	shalt  }
0x4d: {  	_ =	shalt  }
0x4e: {  	_ =	shalt  }
0x4f: {  	_ =	shalt  }
0x50: {  	_ =	shalt  }
0x51: {  	_ =	shalt  }
0x52: {  	_ =	shalt  }
0x53: {  	_ =	shalt  }
0x54: {  	_ =	shalt  }
0x55: {  	_ =	shalt  }
0x56: {  	_ =	shalt  }
0x57: {  	_ =	shalt  }
0x58: {  	_ =	shalt  }
0x59: {  	_ =	shalt  }
0x5a: {  	_ =	shalt  }
0x5b: {  	_ =	shalt  }
0x5c: {  	_ =	shalt  }
0x5d: {  	_ =	shalt  }
0x5e: {  	_ =	shalt  }
0x5f: {  	_ =	shalt  }
0x60: {  	_ =	shalt  }
0x61: {  	_ =	shalt  }
0x62: {  	_ =	shalt  }
0x63: {  	_ =	shalt  }
0x64: {  	_ =	shalt  }
0x65: {  	_ =	shalt  }
0x66: {  	_ =	shalt  }
0x67: {  	_ =	shalt  }
0x68: {  	_ =	shalt  }
0x69: {  	_ =	shalt  }
0x6a: {  	_ =	shalt  }
0x6b: {  	_ =	shalt  }
0x6c: {  	_ =	shalt  }
0x6d: {  	_ =	shalt  }
0x6e: {  	_ =	shalt  }
0x6f: {  	_ =	shalt  }
0x70: {  	_ =	shalt  }
0x71: {  	_ =	shalt  }
0x72: {  	_ =	shalt  }
0x73: {  	_ =	shalt  }
0x74: {  	_ =	shalt  }
0x75: {  	_ =	shalt  }
0x76: {  	_ =	shalt  }
0x77: {  	_ =	shalt  }
0x78: {  	_ =	shalt  }
0x79: {  	_ =	shalt  }
0x7a: {  	_ =	shalt  }
0x7b: {  	_ =	shalt  }
0x7c: {  	_ =	shalt  }
0x7d: {  	_ =	shalt  }
0x7e: {  	_ =	shalt  }
0x7f: {  	_ =	shalt  }
0x80: {  	_ =	shalt  }
0x81: {  	_ =	shalt  }
0x82: {  	_ =	shalt  }
0x83: {  	_ =	shalt  }
0x84: {  	_ =	shalt  }
0x85: {  	_ =	shalt  }
0x86: {  	_ =	shalt  }
0x87: {  	_ =	shalt  }
.Lfunc_end0:
.L_simem_size_0:
called_computation.1_lowered:
.L_overlay_start_0:
0x88: {  	s2 =	sld [smem:$0x3FD9]  }
0x89: {  	s3 =	sld [smem:$0x3FFE];
	_ =	sdelay $0x1  }
0x8a: {  	s1 =	srdreg.scid  }
0x8b: {  	s0 =	sand.u32 $0x1, s1  }
0x8c: {  	s17 =	sshll.u32 s0, $0xA;
	s2 =	sadd.s32 s3, s2  }
0x8d: {  	s2 =	sadd.s32 s2, s17  }
0x8e: {  	[smem:$0x3FBA] =	sst s2  }
0x8f: {  	_ = 	snop  }
0x90: {  	(tm) =	ssettm $0x1  }
0x91: {  	s18 =	sld [smem:$0x3FFB];
	_ =	sdelay $0x3  }
0x92: {  	_ =	strace s18  }
0x93: {  	s2 =	sld [smem:$0x3FFC];
	_ =	sdelay $0x3  }
0x94: {  	_ =	strace s2  }
0x95: {  	s2 =	sld [smem:$0x3FFD];
	_ =	sdelay $0x3  }
0x96: {  	_ =	strace s2  }
0x97: {  	_ =	strace $0x8FFFFFFF  }
0x98: {  	s19 =	sld [smem:$0x3FDB];
	_ =	sdelay $0x1  }
0x99: {  	s20 =	simm.s32 $_scs_section_size  }
0x9a: {  	s4 =	simm.s32 $_size__tile_overlayer_lowered;
	s5 =	simm.s32 $_tile_overlayer_lowered  }
0x9b: {  	s6 =	simm.s32 $0x1BFF;
	s21 =	sshll.u32 s5, $0x1;
	s3 =	sadd.s32 s20, s19  }
0x9c: {  	s22 =	simm.s32 $0x0;
	s4 =	sshll.u32 s4, $0x1;
	s5 =	sadd.s32 s21, s3  }
0x9d: {  	[timem:s22], [sflag:s6] =	dma.local [hbm:s5], s4  }
0x9e: {  	_ =	swait.ge [sflag:s6], s4  }
0x9f: {  	s4 =	ssub.s32 $0x0, s4;
	[sflag:s6] =	ssyncset.done $0x0  }
0xa0: {  	[sflag:s6] =	ssyncadd.s32 s4;
	_ =	sdelay $0x1  }
0xa1: {  	s23 =	simm.s32 $0x1B8B  }
0xa2: {  	_ =	swait.ge [sflag:s23], $0x1  }
0xa3: {  	[sflag:s23] =	ssyncset.done $0x0  }
0xa4: {  	[sflag:s23] =	ssyncadd.s32 $0xFFFFFFFF  }
0xa5: {  	s4 =	sld [smem:$0x0]  }
0xa6: {  	s5 =	sand.u32 $0xFFFFFFFE, s1  }
0xa7: {  	p0 =	sne.s32 s1, s5  }
0xa8: {  	s5 =	sshll.u32 @p0 s5, $0xE  }
0xa9: {  	s5 =	sadd.s32 @p0 $0x11B8D, s5;
	s6 =	sshll.u32 @p0 s4, $0x11  }
0xaa: {  	s5 =	sor.u32 @p0 s6, s5  }
0xab: {  	[sflag:s5] =	ssyncadd.remote.s32 @p0 $0x1;
	_ =	sdelay $0x1  }
0xac: {  	s5 =	simm.s32 @p0 $0x1B8D  }
0xad: {  	_ =	swait.eq @p0 [sflag:s5], $0x1  }
0xae: {  	[sflag:s5] =	ssyncadd.s32 @p0 $0xFFFFFFFF  }
0xaf: {  	s6 =	sshll.u32 @!p0 s1, $0xE  }
0xb0: {  	s6 =	sor.u32 @!p0 $0x4000, s6;
	s5 =	simm.s32 @!p0 $0x1B8D  }
0xb1: {  	s4 =	sshll.u32 @!p0 s4, $0x11;
	s6 =	sadd.s32 @!p0 $0x11B8D, s6;
	_ =	swait.eq @!p0 [sflag:s5], $0x1  }
0xb2: {  	s4 =	sor.u32 @!p0 s4, s6;
	[sflag:s5] =	ssyncadd.s32 @!p0 $0xFFFFFFFF  }
0xb3: {  	s25 =	simm.s32 $0x1B8E;
	s24 =	sld [smem:$0x3FFE];
	[sflag:s4] =	ssyncadd.remote.s32 @!p0 $0x1  }
0xb4: {  	s26 =	simm.s32 $execute0_lowered;
	[smem:$0x3FD2] =	sst s25  }
0xb5: {  	s5 =	sshll.u32 s26, $0x1;
	_ =	strace $0x80000049;
	[dreg:$0x1] =	wrdreg $0xFFFFFFFF  }
0xb6: {  	s28 =	simm.s32 $_size_execute0_lowered;
	s3 =	sadd.s32 s3, s5;
	[dreg:$0x0] =	wrdreg $0x0  }
0xb7: {  	s5 =	sshll.u32 s28, $0x1;
	[dreg:$0x2] =	wrdreg s3  }
0xb8: {  	[dreg:$0x3] =	wrdreg s5  }
0xb9: {  	[dreg:$0x4] =	wrdreg $0xC0  }
0xba: {  	_ =	task [dreg:s22], $0x5FFFF  }
0xbb: {  	[dreg:$0x1] =	wrdreg $0xFFFFFFFF  }
0xbc: {  	[dreg:$0x0] =	wrdreg $0x60  }
0xbd: {  	[dreg:$0x2] =	wrdreg s24  }
0xbe: {  	[dreg:$0x3] =	wrdreg $0x54000  }
0xbf: {  	[dreg:$0x4] =	wrdreg $0xA  }
0xc0: {  	_ =	task.clear_ibuf [dreg:s22], $0x5FFFF;
	_ =	strace $0x90000049  }
0xc1: {  	s29 =	simm.s32 $0xA;
	_ =	strace $0x8000004B  }
0xc2: {  	_ =	swait.ge [sflag:s29], $0x1  }
0xc3: {  	[sflag:s29] =	ssyncadd.s32 $0xFFFFFFFF  }
0xc4: {  	_ =	strace $0x9000004B  }
0xc5: {  	_ =	sfence  }
0xc6: {  	s30 =	sld [smem:$0x0];
	_ =	sdelay $0x2  }
0xc7: {  	s31 =	sshll.u32 s1, $0xD;
	s1 =	sshrl.u32 s1, $0x2  }
0xc8: {  	s4 =	sand.u32 $0x4000, s31;
	s1 =	sadd.s32 s1, s30  }
0xc9: {  	s0 =	sor.u32 s4, s0;
	s1 =	sshll.u32 s1, $0x11  }
0xca: {  	s0 =	sor.u32 s1, s0  }
0xcb: {  	s0 =	sadd.s32 $0x8F2B, s0  }
0xcc: {  	[sflag:s0] =	ssyncadd.remote.s32 $0x1  }
0xcd: {  	_ =	sfence.sel $0xFFFF  }
0xce: {  	[dreg:$0x0] =	wrdreg $0xFFFFFFFF;
	(pc) =	sbr.abs _section_cstart, $3  }
0xcf: {  	[dreg:$0x1] =	wrdreg $0xFFFFFFFF  }
0xd0: {  	_ =	task.clear_ibuf [dreg:s22], $0x2FFFF;
	_ =	strace $0x9FFFFFFF  }
0xd1: {  	(tm) =	ssettm $0x7FFFFFFF  }
tec
execute0_lowered:
.L_overlay_start_1:
0x0: {  	(tag) =	ssettag $0x1  }
0x1: {  	s6 =	rddreg [dreg:$0x0]  }
0x2: {  	s1 =	rddreg [dreg:$0x1]  }
0x3: {  	s0 =	rddreg [dreg:$0x2]  }
0x4: {  	s3 =	simm.s32 $0x0;
	s2 =	srdreg.scid;
	s16 =	simm.s32 $0x7D  }
0x5: {  	s17 =	simm.s32 $0x0;
	[smem:$0x7FF] =	sst s3;
	s7 =	sand.u32 $0x1, s2  }
0x6: {  	s2 =	stileid.u32;
	s4 =	sadd.s32 $0x23C00, s6;
	s8 =	smul.u32 $0x13C000, s7  }
0x7: {  	s10 =	sadd.s32 $0x78400, s6;
	s11 =	sadd.s32 $0x73400, s6;
	s9 =	smul.u32 $0x13C00, s2  }
0x8: {  	s5 =	sadd.s32 $0x21400, s6;
	_ =	strace $0x8000004A;
	s29 =	smul.u32 $0x4F000, s2  }
0x9: {  	s12 =	ssub.s32 $0x2, s7;
	s13 =	smul.u32 $0x2800, s2;
	s14 =	sshll.u32 s2, $0x6  }
0xa: {  	p0 =	seq.s32 s7, $0x1;
	s30 =	sshrl.u32 s12, $0x1;
	s14 =	sor.u32 $0x1C01, s14  }
0xb: {  	s8 =	sadd.s32 s9, s8;
	s9 =	sshrl.u32 s29, $0x2;
	s31 =	sshrl.u32 s13, $0x3  }
.Ltmp0:
0xc: {  	s8 =	sshrl.u32 s8, $0x3;
	s15 =	sadd.s32 s9, s1;
	(pc) =	sbr.rel .LBB2_1-.Ltmp0, $4  }
0xd: {  	s13 =	sadd.s32 $0x280, s31;
	s6 =	sadd.s32 s8, s6;
	s8 =	ssub.s32 s12, s30  }
0xe: {  	s9 =	sadd.s32 s10, s13;
	s12 =	simm.s32 $0x1400;
	s15 =	sshrl.u32 s15, $0x3  }
0xf: {  	s6 =	sadd.s32 $0x82400, s6;
	s7 =	smax.u32 s8, $0x1;
	s8 =	sadd.s32 s10, s31  }
0x10: {  	s10 =	sadd.s32 s11, s31;
	s11 =	sadd.s32 s11, s13;
	s13 =	simm.s32 $0x1  }
.LBB2_11:
0x11: {  	[sflag:s13] =	ssyncadd.s32 $0xFFFFC180  }
.LBB2_12:
0x12: {  	s17 =	sadd.s32 $0x1, s17  }
0x13: {  	p1 =	sne.s32 s17, s7  }
.Ltmp1:
0x14: {  	[bflag:$0x0] =	sbarrier.arrive $0xFFFF;
	(pc) =	sbr.rel @!p1 .LBB2_13-.Ltmp1, $4  }
0x15: {  	[hbm:s6], [sflag:s14] =	dma.local [spmem:s15], $0x2780  }
0x16: {  	_ =	swait.ge [sflag:s13], $0x2780  }
0x17: {  	[sflag:s13] =	ssyncset.done $0x0  }
0x18: {  	[sflag:s13] =	ssyncadd.s32 $0xFFFFD880  }
.LBB2_1:
0x19: {  	[tilespmem:s12], [sflag:$0x1] =	stream.linear.gather [hbm4b:s4+s3], $0x3E80, $0x38;
	[tilespmem:$0x19000] =	vst v63  }
0x1a: {  	_ =	swait.ge [sflag:s13], $0x3E80  }
0x1b: {  	[sflag:s13] =	ssyncset.done $0x0  }
0x1c: {  	[sflag:s13] =	ssyncadd.s32 $0xFFFFC180  }
0x1d: {  	[spmem:s15], [sflag:s14] =	dma.local [hbm:s5], $0x2780  }
.Ltmp2:
0x1e: {  	_ =	swait.ge [sflag:s13], $0x2780;
	(pc) =	sbr.rel @!p0 .LBB2_2-.Ltmp2, $4  }
0x1f: {  	[sflag:s13] =	ssyncset.done $0x0  }
0x20: {  	[sflag:s13] =	ssyncadd.s32 $0xFFFFD880  }
0x21: {  	[bflag:$0x0] =	sbarrier.arrive $0xFFFF  }
0x22: {  	s18 =	simm.s32 $0x0  }
0x23: {  	[tilespmem:s18], [sflag:$0x1] =	stream.linear.gather [hbm4b:s10+s18], $0x1400, $0x38;
	[tilespmem:$0x19000] =	vst v63  }
0x24: {  	_ =	swait.ge [sflag:s13], $0x1400  }
0x25: {  	[sflag:s13] =	ssyncset.done $0x0  }
0x26: {  	s31 =	simm.s32 $0x0;
	[sflag:s13] =	ssyncadd.s32 $0xFFFFEC00  }
0x27: {  	[spmem:s1] =	stream.indirect.scatter.add.f32 [tilespmem:s12], [sflag:$0x1], $0x80, s31, s16, $0xb8;
	[tilespmem:$0x19000] =	vst v63  }
0x28: {  	_ =	swait.ge [sflag:s13], $0x3E80  }
0x29: {  	s18 =	simm.s32 $0x200;
	[sflag:s13] =	ssyncset.done $0x0  }
.LBB2_8:
0x2a: {  	s19 =	sshra.s32 s18, $0x2;
	[sflag:s13] =	ssyncadd.s32 $0xFFFFC180;
	p1 =	sne.s32 s18, $0x4E00  }
0x2b: {  	[spmem:s1] =	stream.indirect.scatter.add.f32 [tilespmem:s12], [sflag:$0x1], $0x80, s19, s16, $0xb8;
	[tilespmem:$0x19000] =	vst v63  }
.Ltmp3:
0x2c: {  	_ = 	snop;
	(pc) =	sbr.rel @p1 .LBB2_8-.Ltmp3, $4  }
0x2d: {  	_ = 	snop  }
0x2e: {  	s18 =	sadd.s32 $0x200, s18  }
0x2f: {  	_ =	swait.ge [sflag:s13], $0x3E80  }
0x30: {  	[sflag:s13] =	ssyncset.done $0x0  }
0x31: {  	[sflag:s13] =	ssyncadd.s32 $0xFFFFC180;
	s18 =	simm.s32 $0x0  }
0x32: {  	[tilespmem:s18], [sflag:$0x1] =	stream.linear.gather [hbm4b:s11+s18], $0x1400, $0x38;
	[tilespmem:$0x19000] =	vst v63  }
0x33: {  	_ =	swait.ge [sflag:s13], $0x1400  }
0x34: {  	[sflag:s13] =	ssyncset.done $0x0  }
0x35: {  	s31 =	simm.s32 $0x0;
	[sflag:s13] =	ssyncadd.s32 $0xFFFFEC00  }
0x36: {  	[spmem:s1] =	stream.indirect.scatter.add.f32 [tilespmem:s12], [sflag:$0x1], $0x80, s31, s16, $0xb8;
	[tilespmem:$0x19000] =	vst v63  }
0x37: {  	_ =	swait.ge [sflag:s13], $0x3E80  }
0x38: {  	s18 =	simm.s32 $0x200;
	[sflag:s13] =	ssyncset.done $0x0  }
.LBB2_10:
0x39: {  	s19 =	sshra.s32 s18, $0x2;
	[sflag:s13] =	ssyncadd.s32 $0xFFFFC180;
	p1 =	sne.s32 s18, $0x4E00  }
0x3a: {  	[spmem:s1] =	stream.indirect.scatter.add.f32 [tilespmem:s12], [sflag:$0x1], $0x80, s19, s16, $0xb8;
	[tilespmem:$0x19000] =	vst v63  }
.Ltmp4:
0x3b: {  	_ = 	snop;
	(pc) =	sbr.rel @p1 .LBB2_10-.Ltmp4, $4  }
0x3c: {  	_ = 	snop  }
0x3d: {  	s18 =	sadd.s32 $0x200, s18  }
0x3e: {  	_ =	swait.ge [sflag:s13], $0x3E80  }
0x3f: {  	[sflag:s13] =	ssyncset.done $0x0  }
.Ltmp5:
0x40: {  	_ = 	snop;
	(pc) =	sbr.rel .LBB2_11-.Ltmp5, $1  }
0x41: {  	_ =	sdelay $0x3  }
.LBB2_2:
0x42: {  	[tilespmem:s18], [sflag:$0x1] =	stream.linear.gather [hbm4b:s8+s18], $0x1400, $0x38;
	[tilespmem:$0x19000] =	vst v63  }
0x43: {  	_ =	swait.ge [sflag:s13], $0x1400  }
0x44: {  	[sflag:s13] =	ssyncset.done $0x0  }
0x45: {  	s31 =	simm.s32 $0x0;
	[sflag:s13] =	ssyncadd.s32 $0xFFFFEC00  }
0x46: {  	[spmem:s1] =	stream.indirect.scatter.add.f32 [tilespmem:s12], [sflag:$0x1], $0x80, s31, s16, $0xb8;
	[tilespmem:$0x19000] =	vst v63  }
0x47: {  	_ =	swait.ge [sflag:s13], $0x3E80  }
0x48: {  	s18 =	simm.s32 $0x200;
	[sflag:s13] =	ssyncset.done $0x0  }
.LBB2_3:
0x49: {  	s19 =	sshra.s32 s18, $0x2;
	[sflag:s13] =	ssyncadd.s32 $0xFFFFC180;
	p1 =	sne.s32 s18, $0x4E00  }
0x4a: {  	[spmem:s1] =	stream.indirect.scatter.add.f32 [tilespmem:s12], [sflag:$0x1], $0x80, s19, s16, $0xb8;
	[tilespmem:$0x19000] =	vst v63  }
.Ltmp6:
0x4b: {  	_ = 	snop;
	(pc) =	sbr.rel @p1 .LBB2_3-.Ltmp6, $4  }
0x4c: {  	_ = 	snop  }
0x4d: {  	s18 =	sadd.s32 $0x200, s18  }
0x4e: {  	_ =	swait.ge [sflag:s13], $0x3E80  }
0x4f: {  	[sflag:s13] =	ssyncset.done $0x0  }
0x50: {  	[sflag:s13] =	ssyncadd.s32 $0xFFFFC180;
	s18 =	simm.s32 $0x0  }
0x51: {  	[tilespmem:s18], [sflag:$0x1] =	stream.linear.gather [hbm4b:s9+s18], $0x1400, $0x38;
	[tilespmem:$0x19000] =	vst v63  }
0x52: {  	_ =	swait.ge [sflag:s13], $0x1400  }
0x53: {  	[sflag:s13] =	ssyncset.done $0x0  }
0x54: {  	s31 =	simm.s32 $0x0;
	[sflag:s13] =	ssyncadd.s32 $0xFFFFEC00  }
0x55: {  	[spmem:s1] =	stream.indirect.scatter.add.f32 [tilespmem:s12], [sflag:$0x1], $0x80, s31, s16, $0xb8;
	[tilespmem:$0x19000] =	vst v63  }
0x56: {  	_ =	swait.ge [sflag:s13], $0x3E80  }
0x57: {  	s18 =	simm.s32 $0x200;
	[sflag:s13] =	ssyncset.done $0x0  }
.LBB2_5:
0x58: {  	s19 =	sshra.s32 s18, $0x2;
	[sflag:s13] =	ssyncadd.s32 $0xFFFFC180;
	p1 =	seq.s32 s18, $0x4E00  }
0x59: {  	[spmem:s1] =	stream.indirect.scatter.add.f32 [tilespmem:s12], [sflag:$0x1], $0x80, s19, s16, $0xb8;
	[tilespmem:$0x19000] =	vst v63  }
.Ltmp7:
0x5a: {  	_ = 	snop;
	(pc) =	sbr.rel @!p1 .LBB2_5-.Ltmp7, $4  }
0x5b: {  	_ = 	snop  }
0x5c: {  	s18 =	sadd.s32 $0x200, s18  }
0x5d: {  	_ =	swait.ge [sflag:s13], $0x3E80  }
0x5e: {  	[sflag:s13] =	ssyncset.done $0x0  }
.Ltmp8:
0x5f: {  	(pc) =	sbr.rel .LBB2_12-.Ltmp8, $2  }
0x60: {  	_ =	sdelay $0x2  }
0x61: {  	[sflag:s13] =	ssyncadd.s32 $0xFFFFC180  }
.LBB2_13:
0x62: {  	_ =	sfence.sel $0x180000  }
0x63: {  	[bflag:$0x0] =	sbarrier.arrive $0xFFFF  }
0x64: {  	p0 =	sne.s32 s2, $0x0;
	_ =	strace $0x9000004A  }
0x65: {  	s0 =	sadd.s32 @!p0 $0x100000, s0;
	[bflag:$0x2] =	sbarrier.arrive $0xFFFF  }
0x66: {  	[sflag:s0] =	ssyncadd.tile.s32 @!p0 $0x1;
	_ =	shalt  }
.Lfunc_end2:
_tile_overlayer_lowered:
.L_overlay_start_2:
0x67: {  	(tag) =	ssettag $0x2  }
0x68: {  	s0 =	rddreg [dreg:$0x0];
	s2 =	stileid.u32  }
0x69: {  	s1 =	rddreg [dreg:$0x1];
	p0 =	sne.s32 s2, $0x0  }
0x6a: {  	s3 =	rddreg [dreg:$0x2];
	[bflag:$0x3] =	sbarrier.arrive $0xFFFF;
	s2 =	simm.s32 @!p0 $0x1C01  }
0x6b: {  	[timem:s3], [sflag:s2] =	dma.local @!p0 [hbm:s0], s1  }
0x6c: {  	s0 =	simm.s32 @!p0 $0x1  }
0x6d: {  	_ =	swait.ge @!p0 [sflag:s0], s1  }
0x6e: {  	s1 =	ssub.s32 @!p0 $0x0, s1;
	[sflag:s0] =	ssyncset.done @!p0 $0x0  }
0x6f: {  	[sflag:s0] =	ssyncadd.s32 @!p0 s1  }
0x70: {  	[bflag:$0x3] =	sbarrier.arrive $0xFFFF  }
0x71: {  	_ =	shalt  }

// kernel: kernel.18.cloned.1.call-start
scs
__scs_entry_jumppad:
0x0: {  	(pc) =	sbr.rel $0x88, $3  }
0x1: {  	(tag) =	ssettag $0x0;
	lr =	simm.s32 $0x1  }
0x2: {  	[smem:$0x3F93] =	sst lr;
	_ =	strace $0xD0000000  }
0x3: {  	_ = 	snop  }
0x4: {  	_ = 	snop  }
0x5: {  	_ = 	snop  }
0x6: {  	_ = 	snop  }
0x7: {  	_ = 	snop  }
__scs_overlays_trampoline_lowered:
0x8: {  	[smem:$0x3FA2] =	sst s0  }
0x9: {  	[smem:$0x3FA3] =	sst s1  }
0xa: {  	[smem:$0x3FA4] =	sst s2  }
0xb: {  	[smem:$0x3FA5] =	sst s3  }
0xc: {  	[smem:$0x3FA6] =	sst s4  }
0xd: {  	[smem:$0x3FA7] =	sst s5  }
0xe: {  	[smem:$0x3FA8] =	sst s6  }
0xf: {  	[smem:$0x3FA9] =	sst s7  }
0x10: {  	[smem:$0x3FAA] =	sst s8  }
0x11: {  	[smem:$0x3FAB] =	sst s9;
	s0 =	simm.s32 @!p0 $0x0  }
0x12: {  	s1 =	sld [smem:$0x3F91];
	s0 =	simm.s32 @p0 $0x1  }
0x13: {  	[smem:$0x3FAC] =	sst s0;
	s0 =	simm.s32 @!p1 $0x0  }
0x14: {  	s2 =	sld [smem:$0x3F90];
	s0 =	simm.s32 @p1 $0x1  }
0x15: {  	[smem:$0x3FAD] =	sst s0;
	s0 =	simm.s32 @!p2 $0x0  }
0x16: {  	s3 =	sld [smem:$0x3FDB];
	s0 =	simm.s32 @p2 $0x1  }
0x17: {  	s4 =	simm.s32 $0x1BF5;
	[smem:$0x3FAF] =	sst s0  }
0x18: {  	s0 =	sld [smem:$0x3F92];
	_ =	swait.ge [sflag:s4], $0x0  }
0x19: {  	s7 =	sld [smem:$0x3F93]  }
0x1a: {  	s8 =	sadd.s32 $0xFFFFE003, lr  }
0x1b: {  	s9 =	sadd.s32 $0xFFFFFEF7, lr;
	s5 =	simm.s32 $0xFFFFFFFF;
	p2 =	slt.u32 s8, $0xFFFFF086  }
0x1c: {  	p1 =	slt.u32 s9, $0xF7A;
	s5 =	simm.s32 @!p2 $0x0  }
0x1d: {  	s5 =	simm.s32 @p1 $0x1;
	p0 =	seq.s32 s7, s2  }
0x1e: {  	s7 =	smul.u32 @!p0 $0xF7A, s2;
	p2 =	seq.s32 @!p0 s5, $0x0  }
0x1f: {  	s9 =	smul.u32 $0xF7A, s1;
	s8 =	simm.s32 @!p0 $0x1BF5;
	p2 =	por !p2, p0  }
0x20: {  	[sflag:s8] =	ssyncset.s32 @!p0 $0xFFFFF086;
	s6 =	sadd.s32 @!p0 s3, s7;
	s7 =	simm.s32 @!p0 $0x108  }
0x21: {  	s3 =	sadd.s32 s3, s9;
	s6 =	sadd.s32 @!p0 $0x88, s6;
	s7 =	simm.s32 @p2 $0x1082  }
0x22: {  	[simem:s7], [sflag:s8] =	dma.local @!p0 [hbm:s6], $0xF7A  }
0x23: {  	s9 =	sor.u32 $0xD0000000, s2;
	s6 =	simm.s32 $0x108;
	_ =	swait.ge @!p0 [sflag:s8], $0x0  }
0x24: {  	s3 =	sadd.s32 $0x88, s3;
	s6 =	simm.s32 @!p1 $0x1082;
	[sflag:s4] =	ssyncset.s32 $0xFFFFF086  }
0x25: {  	[simem:s6], [sflag:s4] =	dma.local [hbm:s3], $0xF7A  }
0x26: {  	[smem:$0x3F93] =	sst s1;
	(tag) =	ssettag s2;
	_ =	strace s9  }
0x27: {  	s1 =	sld [smem:$0x3FA3]  }
0x28: {  	s2 =	sld [smem:$0x3FA4]  }
0x29: {  	s4 =	sld [smem:$0x3FA6]  }
0x2a: {  	p0 =	seq.s32 s5, $0x0;
	s5 =	sld [smem:$0x3FA7]  }
0x2b: {  	s6 =	sld [smem:$0x3FA8]  }
0x2c: {  	s7 =	sld [smem:$0x3FA9]  }
0x2d: {  	s3 =	simm.s32 $0x108;
	s8 =	sld [smem:$0x3FAA]  }
0x2e: {  	s3 =	simm.s32 @!p0 $0x1082;
	s9 =	sld [smem:$0x3FAB]  }
0x2f: {  	lr =	sadd.s32 s0, s3;
	s0 =	sld [smem:$0x3FA2]  }
0x30: {  	s3 =	sld [smem:$0x3FA5]  }
0x31: {  	[smem:$0x3FAE] =	sst s10  }
0x32: {  	s10 =	sld [smem:$0x3FAC];
	_ =	sdelay $0x3  }
0x33: {  	p0 =	seq.s32 s10, $0x1;
	s10 =	sld [smem:$0x3FAE];
	_ =	sdelay $0x3  }
0x34: {  	[smem:$0x3FAE] =	sst s10  }
0x35: {  	s10 =	sld [smem:$0x3FAD];
	_ =	sdelay $0x3  }
0x36: {  	p1 =	seq.s32 s10, $0x1;
	s10 =	sld [smem:$0x3FAE];
	_ =	sdelay $0x3  }
0x37: {  	[smem:$0x3FAE] =	sst s10  }
0x38: {  	s10 =	sld [smem:$0x3FAF]  }
0x39: {  	_ = 	snop;
	(pc) =	sbr.ind lr, $3  }
0x3a: {  	_ = 	snop  }
0x3b: {  	_ = 	snop  }
0x3c: {  	p2 =	seq.s32 s10, $0x1;
	s10 =	sld [smem:$0x3FAE]  }
0x3d: {  	_ =	shalt  }
0x3e: {  	_ =	shalt  }
0x3f: {  	_ =	shalt  }
0x40: {  	_ =	shalt  }
0x41: {  	_ =	shalt  }
0x42: {  	_ =	shalt  }
0x43: {  	_ =	shalt  }
0x44: {  	_ =	shalt  }
0x45: {  	_ =	shalt  }
0x46: {  	_ =	shalt  }
0x47: {  	_ =	shalt  }
0x48: {  	_ =	shalt  }
0x49: {  	_ =	shalt  }
0x4a: {  	_ =	shalt  }
0x4b: {  	_ =	shalt  }
0x4c: {  	_ =	shalt  }
0x4d: {  	_ =	shalt  }
0x4e: {  	_ =	shalt  }
0x4f: {  	_ =	shalt  }
0x50: {  	_ =	shalt  }
0x51: {  	_ =	shalt  }
0x52: {  	_ =	shalt  }
0x53: {  	_ =	shalt  }
0x54: {  	_ =	shalt  }
0x55: {  	_ =	shalt  }
0x56: {  	_ =	shalt  }
0x57: {  	_ =	shalt  }
0x58: {  	_ =	shalt  }
0x59: {  	_ =	shalt  }
0x5a: {  	_ =	shalt  }
0x5b: {  	_ =	shalt  }
0x5c: {  	_ =	shalt  }
0x5d: {  	_ =	shalt  }
0x5e: {  	_ =	shalt  }
0x5f: {  	_ =	shalt  }
0x60: {  	_ =	shalt  }
0x61: {  	_ =	shalt  }
0x62: {  	_ =	shalt  }
0x63: {  	_ =	shalt  }
0x64: {  	_ =	shalt  }
0x65: {  	_ =	shalt  }
0x66: {  	_ =	shalt  }
0x67: {  	_ =	shalt  }
0x68: {  	_ =	shalt  }
0x69: {  	_ =	shalt  }
0x6a: {  	_ =	shalt  }
0x6b: {  	_ =	shalt  }
0x6c: {  	_ =	shalt  }
0x6d: {  	_ =	shalt  }
0x6e: {  	_ =	shalt  }
0x6f: {  	_ =	shalt  }
0x70: {  	_ =	shalt  }
0x71: {  	_ =	shalt  }
0x72: {  	_ =	shalt  }
0x73: {  	_ =	shalt  }
0x74: {  	_ =	shalt  }
0x75: {  	_ =	shalt  }
0x76: {  	_ =	shalt  }
0x77: {  	_ =	shalt  }
0x78: {  	_ =	shalt  }
0x79: {  	_ =	shalt  }
0x7a: {  	_ =	shalt  }
0x7b: {  	_ =	shalt  }
0x7c: {  	_ =	shalt  }
0x7d: {  	_ =	shalt  }
0x7e: {  	_ =	shalt  }
0x7f: {  	_ =	shalt  }
0x80: {  	_ =	shalt  }
0x81: {  	_ =	shalt  }
0x82: {  	_ =	shalt  }
0x83: {  	_ =	shalt  }
0x84: {  	_ =	shalt  }
0x85: {  	_ =	shalt  }
0x86: {  	_ =	shalt  }
0x87: {  	_ =	shalt  }
.Lfunc_end0:
.L_simem_size_0:
called_computation.2_lowered:
.L_overlay_start_0:
0x88: {  	s2 =	sld [smem:$0x3FD9]  }
0x89: {  	s3 =	sld [smem:$0x3FFE];
	_ =	sdelay $0x1  }
0x8a: {  	s1 =	srdreg.scid  }
0x8b: {  	s0 =	sand.u32 $0x1, s1  }
0x8c: {  	s17 =	sshll.u32 s0, $0xA;
	s2 =	sadd.s32 s3, s2  }
0x8d: {  	s2 =	sadd.s32 s2, s17  }
0x8e: {  	[smem:$0x3FBA] =	sst s2  }
0x8f: {  	_ = 	snop  }
0x90: {  	(tm) =	ssettm $0x1  }
0x91: {  	s18 =	sld [smem:$0x3FFB];
	_ =	sdelay $0x3  }
0x92: {  	_ =	strace s18  }
0x93: {  	s2 =	sld [smem:$0x3FFC];
	_ =	sdelay $0x3  }
0x94: {  	_ =	strace s2  }
0x95: {  	s2 =	sld [smem:$0x3FFD];
	_ =	sdelay $0x3  }
0x96: {  	_ =	strace s2  }
0x97: {  	_ =	strace $0x8FFFFFFF  }
0x98: {  	s19 =	sld [smem:$0x3FDB];
	_ =	sdelay $0x1  }
0x99: {  	s20 =	simm.s32 $_scs_section_size  }
0x9a: {  	s4 =	simm.s32 $_size__tile_overlayer_lowered;
	s5 =	simm.s32 $_tile_overlayer_lowered  }
0x9b: {  	s6 =	simm.s32 $0x1BFF;
	s21 =	sshll.u32 s5, $0x1;
	s3 =	sadd.s32 s20, s19  }
0x9c: {  	s22 =	simm.s32 $0x0;
	s4 =	sshll.u32 s4, $0x1;
	s5 =	sadd.s32 s21, s3  }
0x9d: {  	[timem:s22], [sflag:s6] =	dma.local [hbm:s5], s4  }
0x9e: {  	_ =	swait.ge [sflag:s6], s4  }
0x9f: {  	s4 =	ssub.s32 $0x0, s4;
	[sflag:s6] =	ssyncset.done $0x0  }
0xa0: {  	[sflag:s6] =	ssyncadd.s32 s4;
	_ =	sdelay $0x1  }
0xa1: {  	s23 =	simm.s32 $0x1B8B  }
0xa2: {  	_ =	swait.ge [sflag:s23], $0x1  }
0xa3: {  	[sflag:s23] =	ssyncset.done $0x0  }
0xa4: {  	[sflag:s23] =	ssyncadd.s32 $0xFFFFFFFF  }
0xa5: {  	s4 =	sld [smem:$0x0]  }
0xa6: {  	s5 =	sand.u32 $0xFFFFFFFE, s1  }
0xa7: {  	p0 =	sne.s32 s1, s5  }
0xa8: {  	s5 =	sshll.u32 @p0 s5, $0xE  }
0xa9: {  	s5 =	sadd.s32 @p0 $0x11B8D, s5;
	s6 =	sshll.u32 @p0 s4, $0x11  }
0xaa: {  	s5 =	sor.u32 @p0 s6, s5  }
0xab: {  	[sflag:s5] =	ssyncadd.remote.s32 @p0 $0x1;
	_ =	sdelay $0x1  }
0xac: {  	s5 =	simm.s32 @p0 $0x1B8D  }
0xad: {  	_ =	swait.eq @p0 [sflag:s5], $0x1  }
0xae: {  	[sflag:s5] =	ssyncadd.s32 @p0 $0xFFFFFFFF  }
0xaf: {  	s6 =	sshll.u32 @!p0 s1, $0xE  }
0xb0: {  	s6 =	sor.u32 @!p0 $0x4000, s6;
	s5 =	simm.s32 @!p0 $0x1B8D  }
0xb1: {  	s4 =	sshll.u32 @!p0 s4, $0x11;
	s6 =	sadd.s32 @!p0 $0x11B8D, s6;
	_ =	swait.eq @!p0 [sflag:s5], $0x1  }
0xb2: {  	s4 =	sor.u32 @!p0 s4, s6;
	[sflag:s5] =	ssyncadd.s32 @!p0 $0xFFFFFFFF  }
0xb3: {  	s25 =	simm.s32 $0x1B8E;
	s24 =	sld [smem:$0x3FFE];
	[sflag:s4] =	ssyncadd.remote.s32 @!p0 $0x1  }
0xb4: {  	s26 =	simm.s32 $execute0_lowered;
	[smem:$0x3FD2] =	sst s25  }
0xb5: {  	s5 =	sshll.u32 s26, $0x1;
	_ =	strace $0x8000004C;
	[dreg:$0x1] =	wrdreg $0xFFFFFFFF  }
0xb6: {  	s28 =	simm.s32 $_size_execute0_lowered;
	s3 =	sadd.s32 s3, s5;
	[dreg:$0x0] =	wrdreg $0x0  }
0xb7: {  	s5 =	sshll.u32 s28, $0x1;
	[dreg:$0x2] =	wrdreg s3  }
0xb8: {  	[dreg:$0x3] =	wrdreg s5  }
0xb9: {  	[dreg:$0x4] =	wrdreg $0xC0  }
0xba: {  	_ =	task [dreg:s22], $0x5FFFF  }
0xbb: {  	[dreg:$0x1] =	wrdreg $0xFFFFFFFF  }
0xbc: {  	[dreg:$0x0] =	wrdreg $0x60  }
0xbd: {  	[dreg:$0x2] =	wrdreg s24  }
0xbe: {  	[dreg:$0x3] =	wrdreg $0xA8000  }
0xbf: {  	[dreg:$0x4] =	wrdreg $0xB  }
0xc0: {  	_ =	task.clear_ibuf [dreg:s22], $0x5FFFF;
	_ =	strace $0x9000004C  }
0xc1: {  	s29 =	simm.s32 $0xB;
	_ =	strace $0x8000004E  }
0xc2: {  	_ =	swait.ge [sflag:s29], $0x1  }
0xc3: {  	[sflag:s29] =	ssyncadd.s32 $0xFFFFFFFF  }
0xc4: {  	_ =	strace $0x9000004E  }
0xc5: {  	_ =	sfence  }
0xc6: {  	s30 =	sld [smem:$0x0];
	_ =	sdelay $0x2  }
0xc7: {  	s31 =	sshll.u32 s1, $0xD;
	s1 =	sshrl.u32 s1, $0x2  }
0xc8: {  	s4 =	sand.u32 $0x4000, s31;
	s1 =	sadd.s32 s1, s30  }
0xc9: {  	s0 =	sor.u32 s4, s0;
	s1 =	sshll.u32 s1, $0x11  }
0xca: {  	s0 =	sor.u32 s1, s0  }
0xcb: {  	s0 =	sadd.s32 $0x8F2B, s0  }
0xcc: {  	[sflag:s0] =	ssyncadd.remote.s32 $0x1  }
0xcd: {  	_ =	sfence.sel $0xFFFF  }
0xce: {  	[dreg:$0x0] =	wrdreg $0xFFFFFFFF;
	(pc) =	sbr.abs _section_cstart, $3  }
0xcf: {  	[dreg:$0x1] =	wrdreg $0xFFFFFFFF  }
0xd0: {  	_ =	task.clear_ibuf [dreg:s22], $0x2FFFF;
	_ =	strace $0x9FFFFFFF  }
0xd1: {  	(tm) =	ssettm $0x7FFFFFFF  }
tec
execute0_lowered:
.L_overlay_start_1:
0x0: {  	(tag) =	ssettag $0x1  }
0x1: {  	s9 =	rddreg [dreg:$0x0]  }
0x2: {  	s1 =	rddreg [dreg:$0x1]  }
0x3: {  	s2 =	srdreg.scid;
	s0 =	rddreg [dreg:$0x2]  }
0x4: {  	s3 =	simm.s32 $0x0;
	s16 =	simm.s32 $0x7D;
	s17 =	simm.s32 $0x2800  }
0x5: {  	s18 =	simm.s32 $0x1;
	s19 =	simm.s32 $0x6800;
	s20 =	simm.s32 $0x2  }
0x6: {  	s21 =	simm.s32 $0x1380;
	s22 =	simm.s32 $0x2700;
	s23 =	simm.s32 $0x2780  }
0x7: {  	s10 =	sand.u32 $0x1, s2;
	s2 =	stileid.u32;
	[smem:$0x7FF] =	sst s3  }
0x8: {  	s4 =	sadd.s32 $0xDB400, s9;
	s5 =	sadd.s32 $0x17400, s9;
	s7 =	smul.u32 $0x13C000, s10  }
0x9: {  	s6 =	sadd.s32 $0xD400, s9;
	s8 =	smul.u32 $0x13C00, s2;
	_ =	strace $0x8000004D  }
0xa: {  	s12 =	smul.u32 $0x4F000, s2;
	s31 =	ssub.s32 $0x2, s10;
	s14 =	sshll.u32 s2, $0x6  }
0xb: {  	p0 =	seq.s32 s10, $0x1;
	s10 =	smul.u32 $0x5000, s2;
	s13 =	sshrl.u32 s31, $0x1  }
.Ltmp0:
0xc: {  	s8 =	sadd.s32 s8, s7;
	s7 =	sadd.s32 $0xD1400, s9;
	(pc) =	sbr.rel .LBB2_1-.Ltmp0, $4  }
0xd: {  	s12 =	sshrl.u32 s12, $0x2;
	s13 =	ssub.s32 s31, s13;
	s11 =	sshrl.u32 s8, $0x3  }
0xe: {  	s8 =	sadd.s32 $0x21400, s9;
	s15 =	sadd.s32 s12, s1;
	s12 =	smax.u32 s13, $0x1  }
0xf: {  	s11 =	sadd.s32 s11, s9;
	s9 =	sor.u32 $0x1C03, s14;
	s13 =	sshrl.u32 s15, $0x3  }
0x10: {  	s14 =	simm.s32 $0x3;
	s15 =	simm.s32 $0x1400;
	s11 =	sadd.s32 $0x102600, s11  }
.LBB2_8:
0x11: {  	s3 =	sadd.s32 $0x1, s3  }
0x12: {  	p1 =	sne.s32 s3, s12  }
.Ltmp1:
0x13: {  	[bflag:$0x0] =	sbarrier.arrive $0xFFFF;
	(pc) =	sbr.rel @!p1 .LBB2_9-.Ltmp1, $4  }
0x14: {  	[hbm:s11], [sflag:s9] =	dma.local [spmem:s13], $0x2780  }
0x15: {  	_ =	swait.ge [sflag:s14], $0x2780  }
0x16: {  	[sflag:s14] =	ssyncset.done $0x0  }
0x17: {  	[sflag:s14] =	ssyncadd.s32 $0xFFFFD880  }
.LBB2_1:
0x18: {  	[spmem:s13], [sflag:s9] =	dma.local [hbm:s8], $0x2780  }
.Ltmp2:
0x19: {  	_ =	swait.ge [sflag:s14], $0x2780;
	(pc) =	sbr.rel @!p0 .LBB2_2-.Ltmp2, $4  }
0x1a: {  	[sflag:s14] =	ssyncset.done $0x0  }
0x1b: {  	[sflag:s14] =	ssyncadd.s32 $0xFFFFD880  }
0x1c: {  	[bflag:$0x0] =	sbarrier.arrive $0xFFFF  }
0x1d: {  	s24 =	simm.s32 $0x0;
	s25 =	simm.s32 $0x0  }
.LBB2_5:
0x1e: {  	s24 =	smul.u32 $0x1400, s25;
	_ =	sdelay $0x1  }
0x1f: {  	s24 =	sadd.s32 s10, s24  }
0x20: {  	s24 =	sshrl.u32 s24, $0x3  }
0x21: {  	s28 =	simm.s32 $0x0;
	s26 =	sadd.s32 s6, s24  }
0x22: {  	[tilespmem:s15], [sflag:$0x3] =	stream.linear.gather [hbm4b:s26+s28], $0x1400, $0x38;
	[tilespmem:$0x1E400] =	vst v63  }
0x23: {  	_ =	swait.ge [sflag:s14], $0x1400  }
0x24: {  	[sflag:s14] =	ssyncset.done $0x0  }
0x25: {  	s24 =	sadd.s32 s7, s24;
	[sflag:s14] =	ssyncadd.s32 $0xFFFFEC00  }
0x26: {  	[tilespmem:s28], [sflag:$0x3] =	stream.linear.gather [hbm4b:s24+s28], $0x1400, $0x38;
	[tilespmem:$0x1E400] =	vst v63  }
0x27: {  	_ =	swait.ge [sflag:s14], $0x1400  }
0x28: {  	[sflag:s14] =	ssyncset.done $0x0  }
0x29: {  	[sflag:s14] =	ssyncadd.s32 $0xFFFFEC00  }
0x2a: {  	[tilespmem:s17], [sflag:$0x1] =	stream.indirect.gather [hbm4b:s4+s16], $0x80, s28, s16, $0xb8;
	[tilespmem:$0x1E400] =	vst v63  }
0x2b: {  	_ =	swait.ge [sflag:s18], $0x3E80  }
0x2c: {  	[sflag:s18] =	ssyncset.done $0x0  }
0x2d: {  	s28 =	simm.s32 $0x80;
	[sflag:s18] =	ssyncadd.s32 $0xFFFFC180  }
0x2e: {  	[tilespmem:s19], [sflag:$0x2] =	stream.indirect.gather [hbm4b:s4+s16], $0x80, s28, s16, $0xb8;
	[tilespmem:$0x1E400] =	vst v63  }
0x2f: {  	s29 =	simm.s32 $0x1400  }
0x30: {  	[spmem:s1] =	stream.indirect.scatter.add.f32 [tilespmem:s17], [sflag:$0x3], $0x80, s29, s16, $0xb8;
	[tilespmem:$0x1E400] =	vst v63  }
0x31: {  	_ =	swait.ge [sflag:s14], $0x3E80  }
0x32: {  	[sflag:s14] =	ssyncset.done $0x0  }
0x33: {  	[sflag:s14] =	ssyncadd.s32 $0xFFFFC180  }
0x34: {  	_ =	swait.ge [sflag:s20], $0x3E80  }
0x35: {  	[sflag:s20] =	ssyncset.done $0x0  }
0x36: {  	s30 =	simm.s32 $0x100;
	[sflag:s20] =	ssyncadd.s32 $0xFFFFC180  }
0x37: {  	[tilespmem:s17], [sflag:$0x1] =	stream.indirect.gather [hbm4b:s4+s16], $0x80, s30, s16, $0xb8;
	[tilespmem:$0x1E400] =	vst v63  }
0x38: {  	s31 =	simm.s32 $0x1480  }
0x39: {  	[spmem:s1] =	stream.indirect.scatter.add.f32 [tilespmem:s19], [sflag:$0x3], $0x80, s31, s16, $0xb8;
	[tilespmem:$0x1E400] =	vst v63  }
0x3a: {  	_ =	swait.ge [sflag:s14], $0x3E80  }
0x3b: {  	s24 =	simm.s32 $0x400;
	[sflag:s14] =	ssyncset.done $0x0  }
.LBB2_6:
0x3c: {  	p1 =	sne.s32 s24, $0x4800  }
0x3d: {  	[sflag:s14] =	ssyncadd.s32 $0xFFFFC180;
	s26 =	smov.u32 s24;
	s24 =	sadd.s32 $0x400, s24  }
0x3e: {  	_ = 	snop  }
0x3f: {  	_ =	swait.ge [sflag:s18], $0x3E80  }
0x40: {  	s26 =	sshra.s32 s26, $0x2;
	[sflag:s18] =	ssyncset.done $0x0  }
0x41: {  	s28 =	sadd.s32 $0x80, s26;
	[sflag:s18] =	ssyncadd.s32 $0xFFFFC180  }
0x42: {  	[tilespmem:s19], [sflag:$0x2] =	stream.indirect.gather [hbm4b:s4+s16], $0x80, s28, s16, $0xb8;
	[tilespmem:$0x1E400] =	vst v63  }
0x43: {  	s28 =	sadd.s32 $0x1400, s26  }
0x44: {  	[spmem:s1] =	stream.indirect.scatter.add.f32 [tilespmem:s17], [sflag:$0x3], $0x80, s28, s16, $0xb8;
	[tilespmem:$0x1E400] =	vst v63  }
0x45: {  	_ =	swait.ge [sflag:s14], $0x3E80  }
0x46: {  	[sflag:s14] =	ssyncset.done $0x0  }
0x47: {  	[sflag:s14] =	ssyncadd.s32 $0xFFFFC180  }
0x48: {  	_ =	swait.ge [sflag:s20], $0x3E80  }
0x49: {  	[sflag:s20] =	ssyncset.done $0x0  }
0x4a: {  	s28 =	sadd.s32 $0x100, s26;
	[sflag:s20] =	ssyncadd.s32 $0xFFFFC180  }
0x4b: {  	[tilespmem:s17], [sflag:$0x1] =	stream.indirect.gather [hbm4b:s4+s16], $0x80, s28, s16, $0xb8;
	[tilespmem:$0x1E400] =	vst v63  }
.Ltmp3:
0x4c: {  	_ = 	snop;
	(pc) =	sbr.rel @p1 .LBB2_6-.Ltmp3, $4  }
0x4d: {  	s26 =	sadd.s32 $0x1480, s26  }
0x4e: {  	[spmem:s1] =	stream.indirect.scatter.add.f32 [tilespmem:s19], [sflag:$0x3], $0x80, s26, s16, $0xb8;
	[tilespmem:$0x1E400] =	vst v63  }
0x4f: {  	_ =	swait.ge [sflag:s14], $0x3E80  }
0x50: {  	[sflag:s14] =	ssyncset.done $0x0  }
0x51: {  	[sflag:s14] =	ssyncadd.s32 $0xFFFFC180  }
0x52: {  	_ =	swait.ge [sflag:s18], $0x3E80  }
0x53: {  	[sflag:s18] =	ssyncset.done $0x0  }
0x54: {  	[sflag:s18] =	ssyncadd.s32 $0xFFFFC180  }
0x55: {  	[tilespmem:s19], [sflag:$0x2] =	stream.indirect.gather [hbm4b:s4+s16], $0x80, s21, s16, $0xb8;
	[tilespmem:$0x1E400] =	vst v63  }
0x56: {  	_ = 	snop  }
0x57: {  	[spmem:s1] =	stream.indirect.scatter.add.f32 [tilespmem:s17], [sflag:$0x3], $0x80, s22, s16, $0xb8;
	[tilespmem:$0x1E400] =	vst v63  }
0x58: {  	_ =	swait.ge [sflag:s14], $0x3E80  }
0x59: {  	[sflag:s14] =	ssyncset.done $0x0  }
0x5a: {  	[sflag:s14] =	ssyncadd.s32 $0xFFFFC180  }
0x5b: {  	_ =	swait.ge [sflag:s20], $0x3E80  }
0x5c: {  	s25 =	sadd.s32 $0x1, s25;
	[sflag:s20] =	ssyncset.done $0x0  }
0x5d: {  	p1 =	sne.s32 s25, $0x4;
	[sflag:s20] =	ssyncadd.s32 $0xFFFFC180  }
0x5e: {  	[spmem:s1] =	stream.indirect.scatter.add.f32 [tilespmem:s19], [sflag:$0x3], $0x80, s23, s16, $0xb8;
	[tilespmem:$0x1E400] =	vst v63  }
.Ltmp4:
0x5f: {  	_ = 	snop;
	(pc) =	sbr.rel @p1 .LBB2_5-.Ltmp4, $4  }
.Ltmp5:
0x60: {  	_ = 	snop;
	(pc) =	sbr.rel @!p1 .LBB2_8-.Ltmp5, $4  }
0x61: {  	_ =	swait.ge [sflag:s14], $0x3E80  }
0x62: {  	[sflag:s14] =	ssyncset.done $0x0  }
0x63: {  	[sflag:s14] =	ssyncadd.s32 $0xFFFFC180  }
0x64: {  	_ = 	snop  }
.LBB2_2:
0x65: {  	s25 =	smul.u32 $0x1400, s24;
	_ =	sdelay $0x1  }
0x66: {  	s25 =	sadd.s32 s10, s25  }
0x67: {  	s25 =	sshrl.u32 s25, $0x3  }
0x68: {  	s28 =	simm.s32 $0x0;
	s26 =	sadd.s32 s5, s25  }
0x69: {  	[tilespmem:s15], [sflag:$0x3] =	stream.linear.gather [hbm4b:s26+s28], $0x1400, $0x38;
	[tilespmem:$0x1E400] =	vst v63  }
0x6a: {  	_ =	swait.ge [sflag:s14], $0x1400  }
0x6b: {  	[sflag:s14] =	ssyncset.done $0x0  }
0x6c: {  	s25 =	sadd.s32 s7, s25;
	[sflag:s14] =	ssyncadd.s32 $0xFFFFEC00  }
0x6d: {  	[tilespmem:s28], [sflag:$0x3] =	stream.linear.gather [hbm4b:s25+s28], $0x1400, $0x38;
	[tilespmem:$0x1E400] =	vst v63  }
0x6e: {  	_ =	swait.ge [sflag:s14], $0x1400  }
0x6f: {  	[sflag:s14] =	ssyncset.done $0x0  }
0x70: {  	[sflag:s14] =	ssyncadd.s32 $0xFFFFEC00  }
0x71: {  	[tilespmem:s17], [sflag:$0x1] =	stream.indirect.gather [hbm4b:s4+s16], $0x80, s28, s16, $0xb8;
	[tilespmem:$0x1E400] =	vst v63  }
0x72: {  	_ =	swait.ge [sflag:s18], $0x3E80  }
0x73: {  	[sflag:s18] =	ssyncset.done $0x0  }
0x74: {  	s28 =	simm.s32 $0x80;
	[sflag:s18] =	ssyncadd.s32 $0xFFFFC180  }
0x75: {  	[tilespmem:s19], [sflag:$0x2] =	stream.indirect.gather [hbm4b:s4+s16], $0x80, s28, s16, $0xb8;
	[tilespmem:$0x1E400] =	vst v63  }
0x76: {  	s29 =	simm.s32 $0x1400  }
0x77: {  	[spmem:s1] =	stream.indirect.scatter.add.f32 [tilespmem:s17], [sflag:$0x3], $0x80, s29, s16, $0xb8;
	[tilespmem:$0x1E400] =	vst v63  }
0x78: {  	_ =	swait.ge [sflag:s14], $0x3E80  }
0x79: {  	[sflag:s14] =	ssyncset.done $0x0  }
0x7a: {  	[sflag:s14] =	ssyncadd.s32 $0xFFFFC180  }
0x7b: {  	_ =	swait.ge [sflag:s20], $0x3E80  }
0x7c: {  	[sflag:s20] =	ssyncset.done $0x0  }
0x7d: {  	s30 =	simm.s32 $0x100;
	[sflag:s20] =	ssyncadd.s32 $0xFFFFC180  }
0x7e: {  	[tilespmem:s17], [sflag:$0x1] =	stream.indirect.gather [hbm4b:s4+s16], $0x80, s30, s16, $0xb8;
	[tilespmem:$0x1E400] =	vst v63  }
0x7f: {  	s31 =	simm.s32 $0x1480  }
0x80: {  	[spmem:s1] =	stream.indirect.scatter.add.f32 [tilespmem:s19], [sflag:$0x3], $0x80, s31, s16, $0xb8;
	[tilespmem:$0x1E400] =	vst v63  }
0x81: {  	_ =	swait.ge [sflag:s14], $0x3E80  }
0x82: {  	s25 =	simm.s32 $0x400;
	[sflag:s14] =	ssyncset.done $0x0  }
.LBB2_3:
0x83: {  	p1 =	sne.s32 s25, $0x4800  }
0x84: {  	[sflag:s14] =	ssyncadd.s32 $0xFFFFC180;
	s26 =	smov.u32 s25;
	s25 =	sadd.s32 $0x400, s25  }
0x85: {  	_ = 	snop  }
0x86: {  	_ =	swait.ge [sflag:s18], $0x3E80  }
0x87: {  	s26 =	sshra.s32 s26, $0x2;
	[sflag:s18] =	ssyncset.done $0x0  }
0x88: {  	s28 =	sadd.s32 $0x80, s26;
	[sflag:s18] =	ssyncadd.s32 $0xFFFFC180  }
0x89: {  	[tilespmem:s19], [sflag:$0x2] =	stream.indirect.gather [hbm4b:s4+s16], $0x80, s28, s16, $0xb8;
	[tilespmem:$0x1E400] =	vst v63  }
0x8a: {  	s28 =	sadd.s32 $0x1400, s26  }
0x8b: {  	[spmem:s1] =	stream.indirect.scatter.add.f32 [tilespmem:s17], [sflag:$0x3], $0x80, s28, s16, $0xb8;
	[tilespmem:$0x1E400] =	vst v63  }
0x8c: {  	_ =	swait.ge [sflag:s14], $0x3E80  }
0x8d: {  	[sflag:s14] =	ssyncset.done $0x0  }
0x8e: {  	[sflag:s14] =	ssyncadd.s32 $0xFFFFC180  }
0x8f: {  	_ =	swait.ge [sflag:s20], $0x3E80  }
0x90: {  	[sflag:s20] =	ssyncset.done $0x0  }
0x91: {  	s28 =	sadd.s32 $0x100, s26;
	[sflag:s20] =	ssyncadd.s32 $0xFFFFC180  }
0x92: {  	[tilespmem:s17], [sflag:$0x1] =	stream.indirect.gather [hbm4b:s4+s16], $0x80, s28, s16, $0xb8;
	[tilespmem:$0x1E400] =	vst v63  }
.Ltmp6:
0x93: {  	_ = 	snop;
	(pc) =	sbr.rel @p1 .LBB2_3-.Ltmp6, $4  }
0x94: {  	s26 =	sadd.s32 $0x1480, s26  }
0x95: {  	[spmem:s1] =	stream.indirect.scatter.add.f32 [tilespmem:s19], [sflag:$0x3], $0x80, s26, s16, $0xb8;
	[tilespmem:$0x1E400] =	vst v63  }
0x96: {  	_ =	swait.ge [sflag:s14], $0x3E80  }
0x97: {  	[sflag:s14] =	ssyncset.done $0x0  }
0x98: {  	[sflag:s14] =	ssyncadd.s32 $0xFFFFC180  }
0x99: {  	_ =	swait.ge [sflag:s18], $0x3E80  }
0x9a: {  	[sflag:s18] =	ssyncset.done $0x0  }
0x9b: {  	[sflag:s18] =	ssyncadd.s32 $0xFFFFC180  }
0x9c: {  	[tilespmem:s19], [sflag:$0x2] =	stream.indirect.gather [hbm4b:s4+s16], $0x80, s21, s16, $0xb8;
	[tilespmem:$0x1E400] =	vst v63  }
0x9d: {  	_ = 	snop  }
0x9e: {  	[spmem:s1] =	stream.indirect.scatter.add.f32 [tilespmem:s17], [sflag:$0x3], $0x80, s22, s16, $0xb8;
	[tilespmem:$0x1E400] =	vst v63  }
0x9f: {  	_ =	swait.ge [sflag:s14], $0x3E80  }
0xa0: {  	[sflag:s14] =	ssyncset.done $0x0  }
0xa1: {  	[sflag:s14] =	ssyncadd.s32 $0xFFFFC180  }
0xa2: {  	_ =	swait.ge [sflag:s20], $0x3E80  }
0xa3: {  	s24 =	sadd.s32 $0x1, s24;
	[sflag:s20] =	ssyncset.done $0x0  }
0xa4: {  	p1 =	seq.s32 s24, $0x4;
	[sflag:s20] =	ssyncadd.s32 $0xFFFFC180  }
0xa5: {  	[spmem:s1] =	stream.indirect.scatter.add.f32 [tilespmem:s19], [sflag:$0x3], $0x80, s23, s16, $0xb8;
	[tilespmem:$0x1E400] =	vst v63  }
.Ltmp7:
0xa6: {  	_ = 	snop;
	(pc) =	sbr.rel @!p1 .LBB2_2-.Ltmp7, $4  }
.Ltmp8:
0xa7: {  	_ = 	snop;
	(pc) =	sbr.rel @p1 .LBB2_8-.Ltmp8, $4  }
0xa8: {  	_ =	swait.ge [sflag:s14], $0x3E80  }
0xa9: {  	[sflag:s14] =	ssyncset.done $0x0  }
0xaa: {  	[sflag:s14] =	ssyncadd.s32 $0xFFFFC180  }
0xab: {  	_ = 	snop  }
.LBB2_9:
0xac: {  	_ =	sfence.sel $0x180000  }
0xad: {  	[bflag:$0x0] =	sbarrier.arrive $0xFFFF  }
0xae: {  	p0 =	sne.s32 s2, $0x0;
	_ =	strace $0x9000004D  }
0xaf: {  	s0 =	sadd.s32 @!p0 $0x100000, s0;
	[bflag:$0x2] =	sbarrier.arrive $0xFFFF  }
0xb0: {  	[sflag:s0] =	ssyncadd.tile.s32 @!p0 $0x1;
	_ =	shalt  }
.Lfunc_end2:
_tile_overlayer_lowered:
.L_overlay_start_2:
0xb1: {  	(tag) =	ssettag $0x2  }
0xb2: {  	s0 =	rddreg [dreg:$0x0];
	s2 =	stileid.u32  }
0xb3: {  	s1 =	rddreg [dreg:$0x1];
	p0 =	sne.s32 s2, $0x0  }
0xb4: {  	s3 =	rddreg [dreg:$0x2];
	[bflag:$0x3] =	sbarrier.arrive $0xFFFF;
	s2 =	simm.s32 @!p0 $0x1C03  }
0xb5: {  	[timem:s3], [sflag:s2] =	dma.local @!p0 [hbm:s0], s1  }
0xb6: {  	s0 =	simm.s32 @!p0 $0x3  }
0xb7: {  	_ =	swait.ge @!p0 [sflag:s0], s1  }
0xb8: {  	s1 =	ssub.s32 @!p0 $0x0, s1;
	[sflag:s0] =	ssyncset.done @!p0 $0x0  }
0xb9: {  	[sflag:s0] =	ssyncadd.s32 @!p0 s1  }
0xba: {  	[bflag:$0x3] =	sbarrier.arrive $0xFFFF  }
0xbb: {  	_ =	shalt  }

// kernel: kernel.21.cloned.1.call-start
scs
__scs_entry_jumppad:
0x0: {  	(pc) =	sbr.rel $0x88, $3  }
0x1: {  	(tag) =	ssettag $0x0;
	lr =	simm.s32 $0x1  }
0x2: {  	[smem:$0x3F93] =	sst lr;
	_ =	strace $0xD0000000  }
0x3: {  	_ = 	snop  }
0x4: {  	_ = 	snop  }
0x5: {  	_ = 	snop  }
0x6: {  	_ = 	snop  }
0x7: {  	_ = 	snop  }
__scs_overlays_trampoline_lowered:
0x8: {  	[smem:$0x3FA2] =	sst s0  }
0x9: {  	[smem:$0x3FA3] =	sst s1  }
0xa: {  	[smem:$0x3FA4] =	sst s2  }
0xb: {  	[smem:$0x3FA5] =	sst s3  }
0xc: {  	[smem:$0x3FA6] =	sst s4  }
0xd: {  	[smem:$0x3FA7] =	sst s5  }
0xe: {  	[smem:$0x3FA8] =	sst s6  }
0xf: {  	[smem:$0x3FA9] =	sst s7  }
0x10: {  	[smem:$0x3FAA] =	sst s8  }
0x11: {  	[smem:$0x3FAB] =	sst s9;
	s0 =	simm.s32 @!p0 $0x0  }
0x12: {  	s1 =	sld [smem:$0x3F91];
	s0 =	simm.s32 @p0 $0x1  }
0x13: {  	[smem:$0x3FAC] =	sst s0;
	s0 =	simm.s32 @!p1 $0x0  }
0x14: {  	s2 =	sld [smem:$0x3F90];
	s0 =	simm.s32 @p1 $0x1  }
0x15: {  	[smem:$0x3FAD] =	sst s0;
	s0 =	simm.s32 @!p2 $0x0  }
0x16: {  	s3 =	sld [smem:$0x3FDB];
	s0 =	simm.s32 @p2 $0x1  }
0x17: {  	s4 =	simm.s32 $0x1BF5;
	[smem:$0x3FAF] =	sst s0  }
0x18: {  	s0 =	sld [smem:$0x3F92];
	_ =	swait.ge [sflag:s4], $0x0  }
0x19: {  	s7 =	sld [smem:$0x3F93]  }
0x1a: {  	s8 =	sadd.s32 $0xFFFFE003, lr  }
0x1b: {  	s9 =	sadd.s32 $0xFFFFFEF7, lr;
	s5 =	simm.s32 $0xFFFFFFFF;
	p2 =	slt.u32 s8, $0xFFFFF086  }
0x1c: {  	p1 =	slt.u32 s9, $0xF7A;
	s5 =	simm.s32 @!p2 $0x0  }
0x1d: {  	s5 =	simm.s32 @p1 $0x1;
	p0 =	seq.s32 s7, s2  }
0x1e: {  	s7 =	smul.u32 @!p0 $0xF7A, s2;
	p2 =	seq.s32 @!p0 s5, $0x0  }
0x1f: {  	s9 =	smul.u32 $0xF7A, s1;
	s8 =	simm.s32 @!p0 $0x1BF5;
	p2 =	por !p2, p0  }
0x20: {  	[sflag:s8] =	ssyncset.s32 @!p0 $0xFFFFF086;
	s6 =	sadd.s32 @!p0 s3, s7;
	s7 =	simm.s32 @!p0 $0x108  }
0x21: {  	s3 =	sadd.s32 s3, s9;
	s6 =	sadd.s32 @!p0 $0x88, s6;
	s7 =	simm.s32 @p2 $0x1082  }
0x22: {  	[simem:s7], [sflag:s8] =	dma.local @!p0 [hbm:s6], $0xF7A  }
0x23: {  	s9 =	sor.u32 $0xD0000000, s2;
	s6 =	simm.s32 $0x108;
	_ =	swait.ge @!p0 [sflag:s8], $0x0  }
0x24: {  	s3 =	sadd.s32 $0x88, s3;
	s6 =	simm.s32 @!p1 $0x1082;
	[sflag:s4] =	ssyncset.s32 $0xFFFFF086  }
0x25: {  	[simem:s6], [sflag:s4] =	dma.local [hbm:s3], $0xF7A  }
0x26: {  	[smem:$0x3F93] =	sst s1;
	(tag) =	ssettag s2;
	_ =	strace s9  }
0x27: {  	s1 =	sld [smem:$0x3FA3]  }
0x28: {  	s2 =	sld [smem:$0x3FA4]  }
0x29: {  	s4 =	sld [smem:$0x3FA6]  }
0x2a: {  	p0 =	seq.s32 s5, $0x0;
	s5 =	sld [smem:$0x3FA7]  }
0x2b: {  	s6 =	sld [smem:$0x3FA8]  }
0x2c: {  	s7 =	sld [smem:$0x3FA9]  }
0x2d: {  	s3 =	simm.s32 $0x108;
	s8 =	sld [smem:$0x3FAA]  }
0x2e: {  	s3 =	simm.s32 @!p0 $0x1082;
	s9 =	sld [smem:$0x3FAB]  }
0x2f: {  	lr =	sadd.s32 s0, s3;
	s0 =	sld [smem:$0x3FA2]  }
0x30: {  	s3 =	sld [smem:$0x3FA5]  }
0x31: {  	[smem:$0x3FAE] =	sst s10  }
0x32: {  	s10 =	sld [smem:$0x3FAC];
	_ =	sdelay $0x3  }
0x33: {  	p0 =	seq.s32 s10, $0x1;
	s10 =	sld [smem:$0x3FAE];
	_ =	sdelay $0x3  }
0x34: {  	[smem:$0x3FAE] =	sst s10  }
0x35: {  	s10 =	sld [smem:$0x3FAD];
	_ =	sdelay $0x3  }
0x36: {  	p1 =	seq.s32 s10, $0x1;
	s10 =	sld [smem:$0x3FAE];
	_ =	sdelay $0x3  }
0x37: {  	[smem:$0x3FAE] =	sst s10  }
0x38: {  	s10 =	sld [smem:$0x3FAF]  }
0x39: {  	_ = 	snop;
	(pc) =	sbr.ind lr, $3  }
0x3a: {  	_ = 	snop  }
0x3b: {  	_ = 	snop  }
0x3c: {  	p2 =	seq.s32 s10, $0x1;
	s10 =	sld [smem:$0x3FAE]  }
0x3d: {  	_ =	shalt  }
0x3e: {  	_ =	shalt  }
0x3f: {  	_ =	shalt  }
0x40: {  	_ =	shalt  }
0x41: {  	_ =	shalt  }
0x42: {  	_ =	shalt  }
0x43: {  	_ =	shalt  }
0x44: {  	_ =	shalt  }
0x45: {  	_ =	shalt  }
0x46: {  	_ =	shalt  }
0x47: {  	_ =	shalt  }
0x48: {  	_ =	shalt  }
0x49: {  	_ =	shalt  }
0x4a: {  	_ =	shalt  }
0x4b: {  	_ =	shalt  }
0x4c: {  	_ =	shalt  }
0x4d: {  	_ =	shalt  }
0x4e: {  	_ =	shalt  }
0x4f: {  	_ =	shalt  }
0x50: {  	_ =	shalt  }
0x51: {  	_ =	shalt  }
0x52: {  	_ =	shalt  }
0x53: {  	_ =	shalt  }
0x54: {  	_ =	shalt  }
0x55: {  	_ =	shalt  }
0x56: {  	_ =	shalt  }
0x57: {  	_ =	shalt  }
0x58: {  	_ =	shalt  }
0x59: {  	_ =	shalt  }
0x5a: {  	_ =	shalt  }
0x5b: {  	_ =	shalt  }
0x5c: {  	_ =	shalt  }
0x5d: {  	_ =	shalt  }
0x5e: {  	_ =	shalt  }
0x5f: {  	_ =	shalt  }
0x60: {  	_ =	shalt  }
0x61: {  	_ =	shalt  }
0x62: {  	_ =	shalt  }
0x63: {  	_ =	shalt  }
0x64: {  	_ =	shalt  }
0x65: {  	_ =	shalt  }
0x66: {  	_ =	shalt  }
0x67: {  	_ =	shalt  }
0x68: {  	_ =	shalt  }
0x69: {  	_ =	shalt  }
0x6a: {  	_ =	shalt  }
0x6b: {  	_ =	shalt  }
0x6c: {  	_ =	shalt  }
0x6d: {  	_ =	shalt  }
0x6e: {  	_ =	shalt  }
0x6f: {  	_ =	shalt  }
0x70: {  	_ =	shalt  }
0x71: {  	_ =	shalt  }
0x72: {  	_ =	shalt  }
0x73: {  	_ =	shalt  }
0x74: {  	_ =	shalt  }
0x75: {  	_ =	shalt  }
0x76: {  	_ =	shalt  }
0x77: {  	_ =	shalt  }
0x78: {  	_ =	shalt  }
0x79: {  	_ =	shalt  }
0x7a: {  	_ =	shalt  }
0x7b: {  	_ =	shalt  }
0x7c: {  	_ =	shalt  }
0x7d: {  	_ =	shalt  }
0x7e: {  	_ =	shalt  }
0x7f: {  	_ =	shalt  }
0x80: {  	_ =	shalt  }
0x81: {  	_ =	shalt  }
0x82: {  	_ =	shalt  }
0x83: {  	_ =	shalt  }
0x84: {  	_ =	shalt  }
0x85: {  	_ =	shalt  }
0x86: {  	_ =	shalt  }
0x87: {  	_ =	shalt  }
.Lfunc_end0:
.L_simem_size_0:
called_computation.3_lowered:
.L_overlay_start_0:
0x88: {  	s2 =	sld [smem:$0x3FD9]  }
0x89: {  	s3 =	sld [smem:$0x3FFE];
	_ =	sdelay $0x1  }
0x8a: {  	s1 =	srdreg.scid  }
0x8b: {  	s0 =	sand.u32 $0x1, s1  }
0x8c: {  	s17 =	sshll.u32 s0, $0xA;
	s2 =	sadd.s32 s3, s2  }
0x8d: {  	s2 =	sadd.s32 s2, s17  }
0x8e: {  	[smem:$0x3FBA] =	sst s2  }
0x8f: {  	_ = 	snop  }
0x90: {  	(tm) =	ssettm $0x1  }
0x91: {  	s18 =	sld [smem:$0x3FFB];
	_ =	sdelay $0x3  }
0x92: {  	_ =	strace s18  }
0x93: {  	s2 =	sld [smem:$0x3FFC];
	_ =	sdelay $0x3  }
0x94: {  	_ =	strace s2  }
0x95: {  	s2 =	sld [smem:$0x3FFD];
	_ =	sdelay $0x3  }
0x96: {  	_ =	strace s2  }
0x97: {  	_ =	strace $0x8FFFFFFF  }
0x98: {  	s19 =	sld [smem:$0x3FDB];
	_ =	sdelay $0x1  }
0x99: {  	s20 =	simm.s32 $_scs_section_size  }
0x9a: {  	s4 =	simm.s32 $_size__tile_overlayer_lowered;
	s5 =	simm.s32 $_tile_overlayer_lowered  }
0x9b: {  	s6 =	simm.s32 $0x1BFF;
	s21 =	sshll.u32 s5, $0x1;
	s3 =	sadd.s32 s20, s19  }
0x9c: {  	s22 =	simm.s32 $0x0;
	s4 =	sshll.u32 s4, $0x1;
	s5 =	sadd.s32 s21, s3  }
0x9d: {  	[timem:s22], [sflag:s6] =	dma.local [hbm:s5], s4  }
0x9e: {  	_ =	swait.ge [sflag:s6], s4  }
0x9f: {  	s4 =	ssub.s32 $0x0, s4;
	[sflag:s6] =	ssyncset.done $0x0  }
0xa0: {  	[sflag:s6] =	ssyncadd.s32 s4;
	_ =	sdelay $0x1  }
0xa1: {  	s23 =	simm.s32 $0x1B8B  }
0xa2: {  	_ =	swait.ge [sflag:s23], $0x1  }
0xa3: {  	[sflag:s23] =	ssyncset.done $0x0  }
0xa4: {  	[sflag:s23] =	ssyncadd.s32 $0xFFFFFFFF  }
0xa5: {  	s4 =	sld [smem:$0x0]  }
0xa6: {  	s5 =	sand.u32 $0xFFFFFFFE, s1  }
0xa7: {  	p0 =	sne.s32 s1, s5  }
0xa8: {  	s5 =	sshll.u32 @p0 s5, $0xE  }
0xa9: {  	s5 =	sadd.s32 @p0 $0x11B8D, s5;
	s6 =	sshll.u32 @p0 s4, $0x11  }
0xaa: {  	s5 =	sor.u32 @p0 s6, s5  }
0xab: {  	[sflag:s5] =	ssyncadd.remote.s32 @p0 $0x1;
	_ =	sdelay $0x1  }
0xac: {  	s5 =	simm.s32 @p0 $0x1B8D  }
0xad: {  	_ =	swait.eq @p0 [sflag:s5], $0x1  }
0xae: {  	[sflag:s5] =	ssyncadd.s32 @p0 $0xFFFFFFFF  }
0xaf: {  	s6 =	sshll.u32 @!p0 s1, $0xE  }
0xb0: {  	s6 =	sor.u32 @!p0 $0x4000, s6;
	s5 =	simm.s32 @!p0 $0x1B8D  }
0xb1: {  	s4 =	sshll.u32 @!p0 s4, $0x11;
	s6 =	sadd.s32 @!p0 $0x11B8D, s6;
	_ =	swait.eq @!p0 [sflag:s5], $0x1  }
0xb2: {  	s4 =	sor.u32 @!p0 s4, s6;
	[sflag:s5] =	ssyncadd.s32 @!p0 $0xFFFFFFFF  }
0xb3: {  	s25 =	simm.s32 $0x1B8E;
	s24 =	sld [smem:$0x3FFE];
	[sflag:s4] =	ssyncadd.remote.s32 @!p0 $0x1  }
0xb4: {  	s26 =	simm.s32 $execute0_lowered;
	[smem:$0x3FD2] =	sst s25  }
0xb5: {  	s5 =	sshll.u32 s26, $0x1;
	_ =	strace $0x8000004F;
	[dreg:$0x1] =	wrdreg $0xFFFFFFFF  }
0xb6: {  	s28 =	simm.s32 $_size_execute0_lowered;
	s3 =	sadd.s32 s3, s5;
	[dreg:$0x0] =	wrdreg $0x0  }
0xb7: {  	s5 =	sshll.u32 s28, $0x1;
	[dreg:$0x2] =	wrdreg s3  }
0xb8: {  	[dreg:$0x3] =	wrdreg s5  }
0xb9: {  	[dreg:$0x4] =	wrdreg $0xC0  }
0xba: {  	_ =	task [dreg:s22], $0x5FFFF  }
0xbb: {  	[dreg:$0x1] =	wrdreg $0xFFFFFFFF  }
0xbc: {  	[dreg:$0x0] =	wrdreg $0x60  }
0xbd: {  	[dreg:$0x2] =	wrdreg s24  }
0xbe: {  	[dreg:$0x3] =	wrdreg $0xA8000  }
0xbf: {  	[dreg:$0x4] =	wrdreg $0xC  }
0xc0: {  	_ =	task.clear_ibuf [dreg:s22], $0x5FFFF;
	_ =	strace $0x9000004F  }
0xc1: {  	s29 =	simm.s32 $0xC;
	_ =	strace $0x80000051  }
0xc2: {  	_ =	swait.ge [sflag:s29], $0x1  }
0xc3: {  	[sflag:s29] =	ssyncadd.s32 $0xFFFFFFFF  }
0xc4: {  	_ =	strace $0x90000051  }
0xc5: {  	_ =	sfence  }
0xc6: {  	s30 =	sld [smem:$0x0];
	_ =	sdelay $0x2  }
0xc7: {  	s31 =	sshll.u32 s1, $0xD;
	s1 =	sshrl.u32 s1, $0x2  }
0xc8: {  	s4 =	sand.u32 $0x4000, s31;
	s1 =	sadd.s32 s1, s30  }
0xc9: {  	s0 =	sor.u32 s4, s0;
	s1 =	sshll.u32 s1, $0x11  }
0xca: {  	s0 =	sor.u32 s1, s0  }
0xcb: {  	s0 =	sadd.s32 $0x8F2B, s0  }
0xcc: {  	[sflag:s0] =	ssyncadd.remote.s32 $0x1  }
0xcd: {  	_ =	sfence.sel $0xFFFF  }
0xce: {  	[dreg:$0x0] =	wrdreg $0xFFFFFFFF;
	(pc) =	sbr.abs _section_cstart, $3  }
0xcf: {  	[dreg:$0x1] =	wrdreg $0xFFFFFFFF  }
0xd0: {  	_ =	task.clear_ibuf [dreg:s22], $0x2FFFF;
	_ =	strace $0x9FFFFFFF  }
0xd1: {  	(tm) =	ssettm $0x7FFFFFFF  }
tec
execute0_lowered:
.L_overlay_start_1:
0x0: {  	(tag) =	ssettag $0x1  }
0x1: {  	s6 =	rddreg [dreg:$0x0]  }
0x2: {  	s1 =	rddreg [dreg:$0x1]  }
0x3: {  	s0 =	rddreg [dreg:$0x2]  }
0x4: {  	s3 =	simm.s32 $0x0;
	s2 =	srdreg.scid;
	s19 =	simm.s32 $0x1400  }
0x5: {  	s20 =	simm.s32 $0x7D;
	s21 =	simm.s32 $0x2800;
	s22 =	simm.s32 $0x1  }
0x6: {  	s23 =	simm.s32 $0x6800;
	s24 =	simm.s32 $0x2;
	s25 =	simm.s32 $0x1380  }
0x7: {  	s26 =	simm.s32 $0x2700;
	s28 =	simm.s32 $0x2780;
	[smem:$0x7FF] =	sst s3  }
0x8: {  	s7 =	sand.u32 $0x1, s2;
	s2 =	stileid.u32;
	s4 =	sadd.s32 $0xDB400, s6  }
0x9: {  	s11 =	sadd.s32 $0x78400, s6;
	s15 =	sadd.s32 $0x73400, s6;
	s5 =	smul.u32 $0x13C000, s7  }
0xa: {  	s12 =	sadd.s32 $0x151600, s6;
	s16 =	sadd.s32 $0x7D400, s6;
	s8 =	smul.u32 $0x13C00, s2  }
0xb: {  	_ =	strace $0x80000050;
	s9 =	ssub.s32 $0x2, s7;
	s10 =	smul.u32 $0x4F000, s2  }
0xc: {  	s13 =	sshll.u32 s2, $0x6;
	s14 =	smul.u32 $0x2800, s2;
	p0 =	seq.s32 s7, $0x1  }
0xd: {  	s31 =	sshrl.u32 s9, $0x1;
	s5 =	sadd.s32 s8, s5;
	s10 =	sshrl.u32 s10, $0x2  }
0xe: {  	s9 =	ssub.s32 s9, s31;
	s14 =	sshrl.u32 s14, $0x3;
	s8 =	sshrl.u32 s5, $0x3  }
0xf: {  	s5 =	sadd.s32 $0x21400, s6;
	s17 =	sadd.s32 s10, s1;
	s18 =	sadd.s32 $0x280, s14  }
.Ltmp0:
0x10: {  	s10 =	sadd.s32 s12, s14;
	s8 =	sadd.s32 s8, s6;
	(pc) =	sbr.rel .LBB2_1-.Ltmp0, $4  }
0x11: {  	s6 =	sor.u32 $0x1C03, s13;
	s12 =	sadd.s32 s12, s18;
	s13 =	sadd.s32 s15, s14  }
0x12: {  	s15 =	sadd.s32 s15, s18;
	s17 =	sshrl.u32 s17, $0x3;
	s7 =	sadd.s32 $0x156600, s8  }
0x13: {  	s8 =	smax.u32 s9, $0x1;
	s9 =	sadd.s32 s11, s14;
	s11 =	sadd.s32 s11, s18  }
0x14: {  	s14 =	sadd.s32 s16, s14;
	s16 =	sadd.s32 s16, s18;
	s18 =	simm.s32 $0x3  }
.LBB2_11:
0x15: {  	[sflag:s18] =	ssyncadd.s32 $0xFFFFC180  }
0x16: {  	_ =	swait.ge [sflag:s22], $0x3E80  }
0x17: {  	[sflag:s22] =	ssyncset.done $0x0  }
0x18: {  	[sflag:s22] =	ssyncadd.s32 $0xFFFFC180  }
0x19: {  	[tilespmem:s23], [sflag:$0x2] =	stream.indirect.gather [hbm4b:s4+s20], $0x80, s25, s20, $0xb8;
	[tilespmem:$0x1E400] =	vst v63  }
0x1a: {  	_ = 	snop  }
0x1b: {  	[spmem:s1] =	stream.indirect.scatter.add.f32 [tilespmem:s21], [sflag:$0x3], $0x80, s26, s20, $0xb8;
	[tilespmem:$0x1E400] =	vst v63  }
0x1c: {  	_ =	swait.ge [sflag:s18], $0x3E80  }
0x1d: {  	[sflag:s18] =	ssyncset.done $0x0  }
0x1e: {  	[sflag:s18] =	ssyncadd.s32 $0xFFFFC180  }
0x1f: {  	_ =	swait.ge [sflag:s24], $0x3E80  }
0x20: {  	[sflag:s24] =	ssyncset.done $0x0  }
0x21: {  	[sflag:s24] =	ssyncadd.s32 $0xFFFFC180  }
0x22: {  	[spmem:s1] =	stream.indirect.scatter.add.f32 [tilespmem:s23], [sflag:$0x3], $0x80, s28, s20, $0xb8;
	[tilespmem:$0x1E400] =	vst v63  }
0x23: {  	_ =	swait.ge [sflag:s18], $0x3E80  }
0x24: {  	[sflag:s18] =	ssyncset.done $0x0  }
0x25: {  	[sflag:s18] =	ssyncadd.s32 $0xFFFFC180  }
.LBB2_12:
0x26: {  	s3 =	sadd.s32 $0x1, s3  }
0x27: {  	p1 =	sne.s32 s3, s8  }
.Ltmp1:
0x28: {  	[bflag:$0x0] =	sbarrier.arrive $0xFFFF;
	(pc) =	sbr.rel @!p1 .LBB2_13-.Ltmp1, $4  }
0x29: {  	[hbm:s7], [sflag:s6] =	dma.local [spmem:s17], $0x2780  }
0x2a: {  	_ =	swait.ge [sflag:s18], $0x2780  }
0x2b: {  	[sflag:s18] =	ssyncset.done $0x0  }
0x2c: {  	[sflag:s18] =	ssyncadd.s32 $0xFFFFD880  }
.LBB2_1:
0x2d: {  	[spmem:s17], [sflag:s6] =	dma.local [hbm:s5], $0x2780  }
.Ltmp2:
0x2e: {  	_ =	swait.ge [sflag:s18], $0x2780;
	(pc) =	sbr.rel @!p0 .LBB2_2-.Ltmp2, $4  }
0x2f: {  	[sflag:s18] =	ssyncset.done $0x0  }
0x30: {  	[sflag:s18] =	ssyncadd.s32 $0xFFFFD880  }
0x31: {  	[bflag:$0x0] =	sbarrier.arrive $0xFFFF  }
0x32: {  	s29 =	simm.s32 $0x0  }
0x33: {  	[tilespmem:s19], [sflag:$0x3] =	stream.linear.gather [hbm4b:s13+s29], $0x1400, $0x38;
	[tilespmem:$0x1E400] =	vst v63  }
0x34: {  	_ =	swait.ge [sflag:s18], $0x1400  }
0x35: {  	[sflag:s18] =	ssyncset.done $0x0  }
0x36: {  	[sflag:s18] =	ssyncadd.s32 $0xFFFFEC00  }
0x37: {  	[tilespmem:s29], [sflag:$0x3] =	stream.linear.gather [hbm4b:s14+s29], $0x1400, $0x38;
	[tilespmem:$0x1E400] =	vst v63  }
0x38: {  	_ =	swait.ge [sflag:s18], $0x1400  }
0x39: {  	[sflag:s18] =	ssyncset.done $0x0  }
0x3a: {  	[sflag:s18] =	ssyncadd.s32 $0xFFFFEC00  }
0x3b: {  	[tilespmem:s21], [sflag:$0x1] =	stream.indirect.gather [hbm4b:s4+s20], $0x80, s29, s20, $0xb8;
	[tilespmem:$0x1E400] =	vst v63  }
0x3c: {  	_ =	swait.ge [sflag:s22], $0x3E80  }
0x3d: {  	[sflag:s22] =	ssyncset.done $0x0  }
0x3e: {  	s29 =	simm.s32 $0x80;
	[sflag:s22] =	ssyncadd.s32 $0xFFFFC180  }
0x3f: {  	[tilespmem:s23], [sflag:$0x2] =	stream.indirect.gather [hbm4b:s4+s20], $0x80, s29, s20, $0xb8;
	[tilespmem:$0x1E400] =	vst v63  }
0x40: {  	s29 =	simm.s32 $0x1400  }
0x41: {  	[spmem:s1] =	stream.indirect.scatter.add.f32 [tilespmem:s21], [sflag:$0x3], $0x80, s29, s20, $0xb8;
	[tilespmem:$0x1E400] =	vst v63  }
0x42: {  	_ =	swait.ge [sflag:s18], $0x3E80  }
0x43: {  	[sflag:s18] =	ssyncset.done $0x0  }
0x44: {  	[sflag:s18] =	ssyncadd.s32 $0xFFFFC180  }
0x45: {  	_ =	swait.ge [sflag:s24], $0x3E80  }
0x46: {  	[sflag:s24] =	ssyncset.done $0x0  }
0x47: {  	s29 =	simm.s32 $0x100;
	[sflag:s24] =	ssyncadd.s32 $0xFFFFC180  }
0x48: {  	[tilespmem:s21], [sflag:$0x1] =	stream.indirect.gather [hbm4b:s4+s20], $0x80, s29, s20, $0xb8;
	[tilespmem:$0x1E400] =	vst v63  }
0x49: {  	s29 =	simm.s32 $0x1480  }
0x4a: {  	[spmem:s1] =	stream.indirect.scatter.add.f32 [tilespmem:s23], [sflag:$0x3], $0x80, s29, s20, $0xb8;
	[tilespmem:$0x1E400] =	vst v63  }
0x4b: {  	_ =	swait.ge [sflag:s18], $0x3E80  }
0x4c: {  	s29 =	simm.s32 $0x400;
	[sflag:s18] =	ssyncset.done $0x0  }
.LBB2_8:
0x4d: {  	p1 =	sne.s32 s29, $0x4800  }
0x4e: {  	[sflag:s18] =	ssyncadd.s32 $0xFFFFC180;
	s30 =	smov.u32 s29;
	s29 =	sadd.s32 $0x400, s29  }
0x4f: {  	_ = 	snop  }
0x50: {  	_ =	swait.ge [sflag:s22], $0x3E80  }
0x51: {  	s30 =	sshra.s32 s30, $0x2;
	[sflag:s22] =	ssyncset.done $0x0  }
0x52: {  	s31 =	sadd.s32 $0x80, s30;
	[sflag:s22] =	ssyncadd.s32 $0xFFFFC180  }
0x53: {  	[tilespmem:s23], [sflag:$0x2] =	stream.indirect.gather [hbm4b:s4+s20], $0x80, s31, s20, $0xb8;
	[tilespmem:$0x1E400] =	vst v63  }
0x54: {  	s31 =	sadd.s32 $0x1400, s30  }
0x55: {  	[spmem:s1] =	stream.indirect.scatter.add.f32 [tilespmem:s21], [sflag:$0x3], $0x80, s31, s20, $0xb8;
	[tilespmem:$0x1E400] =	vst v63  }
0x56: {  	_ =	swait.ge [sflag:s18], $0x3E80  }
0x57: {  	[sflag:s18] =	ssyncset.done $0x0  }
0x58: {  	[sflag:s18] =	ssyncadd.s32 $0xFFFFC180  }
0x59: {  	_ =	swait.ge [sflag:s24], $0x3E80  }
0x5a: {  	[sflag:s24] =	ssyncset.done $0x0  }
0x5b: {  	s31 =	sadd.s32 $0x100, s30;
	[sflag:s24] =	ssyncadd.s32 $0xFFFFC180  }
0x5c: {  	[tilespmem:s21], [sflag:$0x1] =	stream.indirect.gather [hbm4b:s4+s20], $0x80, s31, s20, $0xb8;
	[tilespmem:$0x1E400] =	vst v63  }
.Ltmp3:
0x5d: {  	_ = 	snop;
	(pc) =	sbr.rel @p1 .LBB2_8-.Ltmp3, $4  }
0x5e: {  	s30 =	sadd.s32 $0x1480, s30  }
0x5f: {  	[spmem:s1] =	stream.indirect.scatter.add.f32 [tilespmem:s23], [sflag:$0x3], $0x80, s30, s20, $0xb8;
	[tilespmem:$0x1E400] =	vst v63  }
0x60: {  	_ =	swait.ge [sflag:s18], $0x3E80  }
0x61: {  	[sflag:s18] =	ssyncset.done $0x0  }
0x62: {  	[sflag:s18] =	ssyncadd.s32 $0xFFFFC180  }
0x63: {  	_ =	swait.ge [sflag:s22], $0x3E80  }
0x64: {  	[sflag:s22] =	ssyncset.done $0x0  }
0x65: {  	[sflag:s22] =	ssyncadd.s32 $0xFFFFC180  }
0x66: {  	[tilespmem:s23], [sflag:$0x2] =	stream.indirect.gather [hbm4b:s4+s20], $0x80, s25, s20, $0xb8;
	[tilespmem:$0x1E400] =	vst v63  }
0x67: {  	_ = 	snop  }
0x68: {  	[spmem:s1] =	stream.indirect.scatter.add.f32 [tilespmem:s21], [sflag:$0x3], $0x80, s26, s20, $0xb8;
	[tilespmem:$0x1E400] =	vst v63  }
0x69: {  	_ =	swait.ge [sflag:s18], $0x3E80  }
0x6a: {  	[sflag:s18] =	ssyncset.done $0x0  }
0x6b: {  	[sflag:s18] =	ssyncadd.s32 $0xFFFFC180  }
0x6c: {  	_ =	swait.ge [sflag:s24], $0x3E80  }
0x6d: {  	[sflag:s24] =	ssyncset.done $0x0  }
0x6e: {  	[sflag:s24] =	ssyncadd.s32 $0xFFFFC180  }
0x6f: {  	[spmem:s1] =	stream.indirect.scatter.add.f32 [tilespmem:s23], [sflag:$0x3], $0x80, s28, s20, $0xb8;
	[tilespmem:$0x1E400] =	vst v63  }
0x70: {  	_ =	swait.ge [sflag:s18], $0x3E80  }
0x71: {  	[sflag:s18] =	ssyncset.done $0x0  }
0x72: {  	s29 =	simm.s32 $0x0;
	[sflag:s18] =	ssyncadd.s32 $0xFFFFC180  }
0x73: {  	[tilespmem:s19], [sflag:$0x3] =	stream.linear.gather [hbm4b:s15+s29], $0x1400, $0x38;
	[tilespmem:$0x1E400] =	vst v63  }
0x74: {  	_ =	swait.ge [sflag:s18], $0x1400  }
0x75: {  	[sflag:s18] =	ssyncset.done $0x0  }
0x76: {  	[sflag:s18] =	ssyncadd.s32 $0xFFFFEC00  }
0x77: {  	[tilespmem:s29], [sflag:$0x3] =	stream.linear.gather [hbm4b:s16+s29], $0x1400, $0x38;
	[tilespmem:$0x1E400] =	vst v63  }
0x78: {  	_ =	swait.ge [sflag:s18], $0x1400  }
0x79: {  	[sflag:s18] =	ssyncset.done $0x0  }
0x7a: {  	[sflag:s18] =	ssyncadd.s32 $0xFFFFEC00  }
0x7b: {  	[tilespmem:s21], [sflag:$0x1] =	stream.indirect.gather [hbm4b:s4+s20], $0x80, s29, s20, $0xb8;
	[tilespmem:$0x1E400] =	vst v63  }
0x7c: {  	_ =	swait.ge [sflag:s22], $0x3E80  }
0x7d: {  	[sflag:s22] =	ssyncset.done $0x0  }
0x7e: {  	s29 =	simm.s32 $0x80;
	[sflag:s22] =	ssyncadd.s32 $0xFFFFC180  }
0x7f: {  	[tilespmem:s23], [sflag:$0x2] =	stream.indirect.gather [hbm4b:s4+s20], $0x80, s29, s20, $0xb8;
	[tilespmem:$0x1E400] =	vst v63  }
0x80: {  	s29 =	simm.s32 $0x1400  }
0x81: {  	[spmem:s1] =	stream.indirect.scatter.add.f32 [tilespmem:s21], [sflag:$0x3], $0x80, s29, s20, $0xb8;
	[tilespmem:$0x1E400] =	vst v63  }
0x82: {  	_ =	swait.ge [sflag:s18], $0x3E80  }
0x83: {  	[sflag:s18] =	ssyncset.done $0x0  }
0x84: {  	[sflag:s18] =	ssyncadd.s32 $0xFFFFC180  }
0x85: {  	_ =	swait.ge [sflag:s24], $0x3E80  }
0x86: {  	[sflag:s24] =	ssyncset.done $0x0  }
0x87: {  	s29 =	simm.s32 $0x100;
	[sflag:s24] =	ssyncadd.s32 $0xFFFFC180  }
0x88: {  	[tilespmem:s21], [sflag:$0x1] =	stream.indirect.gather [hbm4b:s4+s20], $0x80, s29, s20, $0xb8;
	[tilespmem:$0x1E400] =	vst v63  }
0x89: {  	s29 =	simm.s32 $0x1480  }
0x8a: {  	[spmem:s1] =	stream.indirect.scatter.add.f32 [tilespmem:s23], [sflag:$0x3], $0x80, s29, s20, $0xb8;
	[tilespmem:$0x1E400] =	vst v63  }
0x8b: {  	_ =	swait.ge [sflag:s18], $0x3E80  }
0x8c: {  	s29 =	simm.s32 $0x400;
	[sflag:s18] =	ssyncset.done $0x0  }
.LBB2_10:
0x8d: {  	p1 =	sne.s32 s29, $0x4800  }
0x8e: {  	[sflag:s18] =	ssyncadd.s32 $0xFFFFC180;
	s30 =	smov.u32 s29;
	s29 =	sadd.s32 $0x400, s29  }
0x8f: {  	_ = 	snop  }
0x90: {  	_ =	swait.ge [sflag:s22], $0x3E80  }
0x91: {  	s30 =	sshra.s32 s30, $0x2;
	[sflag:s22] =	ssyncset.done $0x0  }
0x92: {  	s31 =	sadd.s32 $0x80, s30;
	[sflag:s22] =	ssyncadd.s32 $0xFFFFC180  }
0x93: {  	[tilespmem:s23], [sflag:$0x2] =	stream.indirect.gather [hbm4b:s4+s20], $0x80, s31, s20, $0xb8;
	[tilespmem:$0x1E400] =	vst v63  }
0x94: {  	s31 =	sadd.s32 $0x1400, s30  }
0x95: {  	[spmem:s1] =	stream.indirect.scatter.add.f32 [tilespmem:s21], [sflag:$0x3], $0x80, s31, s20, $0xb8;
	[tilespmem:$0x1E400] =	vst v63  }
0x96: {  	_ =	swait.ge [sflag:s18], $0x3E80  }
0x97: {  	[sflag:s18] =	ssyncset.done $0x0  }
0x98: {  	[sflag:s18] =	ssyncadd.s32 $0xFFFFC180  }
0x99: {  	_ =	swait.ge [sflag:s24], $0x3E80  }
0x9a: {  	[sflag:s24] =	ssyncset.done $0x0  }
0x9b: {  	s31 =	sadd.s32 $0x100, s30;
	[sflag:s24] =	ssyncadd.s32 $0xFFFFC180  }
0x9c: {  	[tilespmem:s21], [sflag:$0x1] =	stream.indirect.gather [hbm4b:s4+s20], $0x80, s31, s20, $0xb8;
	[tilespmem:$0x1E400] =	vst v63  }
.Ltmp4:
0x9d: {  	_ = 	snop;
	(pc) =	sbr.rel @p1 .LBB2_10-.Ltmp4, $4  }
0x9e: {  	s30 =	sadd.s32 $0x1480, s30  }
0x9f: {  	[spmem:s1] =	stream.indirect.scatter.add.f32 [tilespmem:s23], [sflag:$0x3], $0x80, s30, s20, $0xb8;
	[tilespmem:$0x1E400] =	vst v63  }
0xa0: {  	_ =	swait.ge [sflag:s18], $0x3E80  }
0xa1: {  	[sflag:s18] =	ssyncset.done $0x0  }
.Ltmp5:
0xa2: {  	_ = 	snop;
	(pc) =	sbr.rel .LBB2_11-.Ltmp5, $1  }
0xa3: {  	_ =	sdelay $0x3  }
.LBB2_2:
0xa4: {  	[tilespmem:s19], [sflag:$0x3] =	stream.linear.gather [hbm4b:s9+s29], $0x1400, $0x38;
	[tilespmem:$0x1E400] =	vst v63  }
0xa5: {  	_ =	swait.ge [sflag:s18], $0x1400  }
0xa6: {  	[sflag:s18] =	ssyncset.done $0x0  }
0xa7: {  	[sflag:s18] =	ssyncadd.s32 $0xFFFFEC00  }
0xa8: {  	[tilespmem:s29], [sflag:$0x3] =	stream.linear.gather [hbm4b:s10+s29], $0x1400, $0x38;
	[tilespmem:$0x1E400] =	vst v63  }
0xa9: {  	_ =	swait.ge [sflag:s18], $0x1400  }
0xaa: {  	[sflag:s18] =	ssyncset.done $0x0  }
0xab: {  	[sflag:s18] =	ssyncadd.s32 $0xFFFFEC00  }
0xac: {  	[tilespmem:s21], [sflag:$0x1] =	stream.indirect.gather [hbm4b:s4+s20], $0x80, s29, s20, $0xb8;
	[tilespmem:$0x1E400] =	vst v63  }
0xad: {  	_ =	swait.ge [sflag:s22], $0x3E80  }
0xae: {  	[sflag:s22] =	ssyncset.done $0x0  }
0xaf: {  	s29 =	simm.s32 $0x80;
	[sflag:s22] =	ssyncadd.s32 $0xFFFFC180  }
0xb0: {  	[tilespmem:s23], [sflag:$0x2] =	stream.indirect.gather [hbm4b:s4+s20], $0x80, s29, s20, $0xb8;
	[tilespmem:$0x1E400] =	vst v63  }
0xb1: {  	s29 =	simm.s32 $0x1400  }
0xb2: {  	[spmem:s1] =	stream.indirect.scatter.add.f32 [tilespmem:s21], [sflag:$0x3], $0x80, s29, s20, $0xb8;
	[tilespmem:$0x1E400] =	vst v63  }
0xb3: {  	_ =	swait.ge [sflag:s18], $0x3E80  }
0xb4: {  	[sflag:s18] =	ssyncset.done $0x0  }
0xb5: {  	[sflag:s18] =	ssyncadd.s32 $0xFFFFC180  }
0xb6: {  	_ =	swait.ge [sflag:s24], $0x3E80  }
0xb7: {  	[sflag:s24] =	ssyncset.done $0x0  }
0xb8: {  	s29 =	simm.s32 $0x100;
	[sflag:s24] =	ssyncadd.s32 $0xFFFFC180  }
0xb9: {  	[tilespmem:s21], [sflag:$0x1] =	stream.indirect.gather [hbm4b:s4+s20], $0x80, s29, s20, $0xb8;
	[tilespmem:$0x1E400] =	vst v63  }
0xba: {  	s29 =	simm.s32 $0x1480  }
0xbb: {  	[spmem:s1] =	stream.indirect.scatter.add.f32 [tilespmem:s23], [sflag:$0x3], $0x80, s29, s20, $0xb8;
	[tilespmem:$0x1E400] =	vst v63  }
0xbc: {  	_ =	swait.ge [sflag:s18], $0x3E80  }
0xbd: {  	s29 =	simm.s32 $0x400;
	[sflag:s18] =	ssyncset.done $0x0  }
.LBB2_3:
0xbe: {  	p1 =	sne.s32 s29, $0x4800  }
0xbf: {  	[sflag:s18] =	ssyncadd.s32 $0xFFFFC180;
	s30 =	smov.u32 s29;
	s29 =	sadd.s32 $0x400, s29  }
0xc0: {  	_ = 	snop  }
0xc1: {  	_ =	swait.ge [sflag:s22], $0x3E80  }
0xc2: {  	s30 =	sshra.s32 s30, $0x2;
	[sflag:s22] =	ssyncset.done $0x0  }
0xc3: {  	s31 =	sadd.s32 $0x80, s30;
	[sflag:s22] =	ssyncadd.s32 $0xFFFFC180  }
0xc4: {  	[tilespmem:s23], [sflag:$0x2] =	stream.indirect.gather [hbm4b:s4+s20], $0x80, s31, s20, $0xb8;
	[tilespmem:$0x1E400] =	vst v63  }
0xc5: {  	s31 =	sadd.s32 $0x1400, s30  }
0xc6: {  	[spmem:s1] =	stream.indirect.scatter.add.f32 [tilespmem:s21], [sflag:$0x3], $0x80, s31, s20, $0xb8;
	[tilespmem:$0x1E400] =	vst v63  }
0xc7: {  	_ =	swait.ge [sflag:s18], $0x3E80  }
0xc8: {  	[sflag:s18] =	ssyncset.done $0x0  }
0xc9: {  	[sflag:s18] =	ssyncadd.s32 $0xFFFFC180  }
0xca: {  	_ =	swait.ge [sflag:s24], $0x3E80  }
0xcb: {  	[sflag:s24] =	ssyncset.done $0x0  }
0xcc: {  	s31 =	sadd.s32 $0x100, s30;
	[sflag:s24] =	ssyncadd.s32 $0xFFFFC180  }
0xcd: {  	[tilespmem:s21], [sflag:$0x1] =	stream.indirect.gather [hbm4b:s4+s20], $0x80, s31, s20, $0xb8;
	[tilespmem:$0x1E400] =	vst v63  }
.Ltmp6:
0xce: {  	_ = 	snop;
	(pc) =	sbr.rel @p1 .LBB2_3-.Ltmp6, $4  }
0xcf: {  	s30 =	sadd.s32 $0x1480, s30  }
0xd0: {  	[spmem:s1] =	stream.indirect.scatter.add.f32 [tilespmem:s23], [sflag:$0x3], $0x80, s30, s20, $0xb8;
	[tilespmem:$0x1E400] =	vst v63  }
0xd1: {  	_ =	swait.ge [sflag:s18], $0x3E80  }
0xd2: {  	[sflag:s18] =	ssyncset.done $0x0  }
0xd3: {  	[sflag:s18] =	ssyncadd.s32 $0xFFFFC180  }
0xd4: {  	_ =	swait.ge [sflag:s22], $0x3E80  }
0xd5: {  	[sflag:s22] =	ssyncset.done $0x0  }
0xd6: {  	[sflag:s22] =	ssyncadd.s32 $0xFFFFC180  }
0xd7: {  	[tilespmem:s23], [sflag:$0x2] =	stream.indirect.gather [hbm4b:s4+s20], $0x80, s25, s20, $0xb8;
	[tilespmem:$0x1E400] =	vst v63  }
0xd8: {  	_ = 	snop  }
0xd9: {  	[spmem:s1] =	stream.indirect.scatter.add.f32 [tilespmem:s21], [sflag:$0x3], $0x80, s26, s20, $0xb8;
	[tilespmem:$0x1E400] =	vst v63  }
0xda: {  	_ =	swait.ge [sflag:s18], $0x3E80  }
0xdb: {  	[sflag:s18] =	ssyncset.done $0x0  }
0xdc: {  	[sflag:s18] =	ssyncadd.s32 $0xFFFFC180  }
0xdd: {  	_ =	swait.ge [sflag:s24], $0x3E80  }
0xde: {  	[sflag:s24] =	ssyncset.done $0x0  }
0xdf: {  	[sflag:s24] =	ssyncadd.s32 $0xFFFFC180  }
0xe0: {  	[spmem:s1] =	stream.indirect.scatter.add.f32 [tilespmem:s23], [sflag:$0x3], $0x80, s28, s20, $0xb8;
	[tilespmem:$0x1E400] =	vst v63  }
0xe1: {  	_ =	swait.ge [sflag:s18], $0x3E80  }
0xe2: {  	[sflag:s18] =	ssyncset.done $0x0  }
0xe3: {  	s29 =	simm.s32 $0x0;
	[sflag:s18] =	ssyncadd.s32 $0xFFFFC180  }
0xe4: {  	[tilespmem:s19], [sflag:$0x3] =	stream.linear.gather [hbm4b:s11+s29], $0x1400, $0x38;
	[tilespmem:$0x1E400] =	vst v63  }
0xe5: {  	_ =	swait.ge [sflag:s18], $0x1400  }
0xe6: {  	[sflag:s18] =	ssyncset.done $0x0  }
0xe7: {  	[sflag:s18] =	ssyncadd.s32 $0xFFFFEC00  }
0xe8: {  	[tilespmem:s29], [sflag:$0x3] =	stream.linear.gather [hbm4b:s12+s29], $0x1400, $0x38;
	[tilespmem:$0x1E400] =	vst v63  }
0xe9: {  	_ =	swait.ge [sflag:s18], $0x1400  }
0xea: {  	[sflag:s18] =	ssyncset.done $0x0  }
0xeb: {  	[sflag:s18] =	ssyncadd.s32 $0xFFFFEC00  }
0xec: {  	[tilespmem:s21], [sflag:$0x1] =	stream.indirect.gather [hbm4b:s4+s20], $0x80, s29, s20, $0xb8;
	[tilespmem:$0x1E400] =	vst v63  }
0xed: {  	_ =	swait.ge [sflag:s22], $0x3E80  }
0xee: {  	[sflag:s22] =	ssyncset.done $0x0  }
0xef: {  	s29 =	simm.s32 $0x80;
	[sflag:s22] =	ssyncadd.s32 $0xFFFFC180  }
0xf0: {  	[tilespmem:s23], [sflag:$0x2] =	stream.indirect.gather [hbm4b:s4+s20], $0x80, s29, s20, $0xb8;
	[tilespmem:$0x1E400] =	vst v63  }
0xf1: {  	s29 =	simm.s32 $0x1400  }
0xf2: {  	[spmem:s1] =	stream.indirect.scatter.add.f32 [tilespmem:s21], [sflag:$0x3], $0x80, s29, s20, $0xb8;
	[tilespmem:$0x1E400] =	vst v63  }
0xf3: {  	_ =	swait.ge [sflag:s18], $0x3E80  }
0xf4: {  	[sflag:s18] =	ssyncset.done $0x0  }
0xf5: {  	[sflag:s18] =	ssyncadd.s32 $0xFFFFC180  }
0xf6: {  	_ =	swait.ge [sflag:s24], $0x3E80  }
0xf7: {  	[sflag:s24] =	ssyncset.done $0x0  }
0xf8: {  	s29 =	simm.s32 $0x100;
	[sflag:s24] =	ssyncadd.s32 $0xFFFFC180  }
0xf9: {  	[tilespmem:s21], [sflag:$0x1] =	stream.indirect.gather [hbm4b:s4+s20], $0x80, s29, s20, $0xb8;
	[tilespmem:$0x1E400] =	vst v63  }
0xfa: {  	s29 =	simm.s32 $0x1480  }
0xfb: {  	[spmem:s1] =	stream.indirect.scatter.add.f32 [tilespmem:s23], [sflag:$0x3], $0x80, s29, s20, $0xb8;
	[tilespmem:$0x1E400] =	vst v63  }
0xfc: {  	_ =	swait.ge [sflag:s18], $0x3E80  }
0xfd: {  	s29 =	simm.s32 $0x400;
	[sflag:s18] =	ssyncset.done $0x0  }
.LBB2_5:
0xfe: {  	p1 =	sne.s32 s29, $0x4800  }
0xff: {  	[sflag:s18] =	ssyncadd.s32 $0xFFFFC180;
	s30 =	smov.u32 s29;
	s29 =	sadd.s32 $0x400, s29  }
0x100: {  	_ = 	snop  }
0x101: {  	_ =	swait.ge [sflag:s22], $0x3E80  }
0x102: {  	s30 =	sshra.s32 s30, $0x2;
	[sflag:s22] =	ssyncset.done $0x0  }
0x103: {  	s31 =	sadd.s32 $0x80, s30;
	[sflag:s22] =	ssyncadd.s32 $0xFFFFC180  }
0x104: {  	[tilespmem:s23], [sflag:$0x2] =	stream.indirect.gather [hbm4b:s4+s20], $0x80, s31, s20, $0xb8;
	[tilespmem:$0x1E400] =	vst v63  }
0x105: {  	s31 =	sadd.s32 $0x1400, s30  }
0x106: {  	[spmem:s1] =	stream.indirect.scatter.add.f32 [tilespmem:s21], [sflag:$0x3], $0x80, s31, s20, $0xb8;
	[tilespmem:$0x1E400] =	vst v63  }
0x107: {  	_ =	swait.ge [sflag:s18], $0x3E80  }
0x108: {  	[sflag:s18] =	ssyncset.done $0x0  }
0x109: {  	[sflag:s18] =	ssyncadd.s32 $0xFFFFC180  }
0x10a: {  	_ =	swait.ge [sflag:s24], $0x3E80  }
0x10b: {  	[sflag:s24] =	ssyncset.done $0x0  }
0x10c: {  	s31 =	sadd.s32 $0x100, s30;
	[sflag:s24] =	ssyncadd.s32 $0xFFFFC180  }
0x10d: {  	[tilespmem:s21], [sflag:$0x1] =	stream.indirect.gather [hbm4b:s4+s20], $0x80, s31, s20, $0xb8;
	[tilespmem:$0x1E400] =	vst v63  }
.Ltmp7:
0x10e: {  	_ = 	snop;
	(pc) =	sbr.rel @p1 .LBB2_5-.Ltmp7, $4  }
0x10f: {  	s30 =	sadd.s32 $0x1480, s30  }
0x110: {  	[spmem:s1] =	stream.indirect.scatter.add.f32 [tilespmem:s23], [sflag:$0x3], $0x80, s30, s20, $0xb8;
	[tilespmem:$0x1E400] =	vst v63  }
0x111: {  	_ =	swait.ge [sflag:s18], $0x3E80  }
0x112: {  	[sflag:s18] =	ssyncset.done $0x0  }
0x113: {  	[sflag:s18] =	ssyncadd.s32 $0xFFFFC180  }
0x114: {  	_ =	swait.ge [sflag:s22], $0x3E80  }
0x115: {  	[sflag:s22] =	ssyncset.done $0x0  }
0x116: {  	[sflag:s22] =	ssyncadd.s32 $0xFFFFC180  }
0x117: {  	[tilespmem:s23], [sflag:$0x2] =	stream.indirect.gather [hbm4b:s4+s20], $0x80, s25, s20, $0xb8;
	[tilespmem:$0x1E400] =	vst v63  }
0x118: {  	_ = 	snop  }
0x119: {  	[spmem:s1] =	stream.indirect.scatter.add.f32 [tilespmem:s21], [sflag:$0x3], $0x80, s26, s20, $0xb8;
	[tilespmem:$0x1E400] =	vst v63  }
0x11a: {  	_ =	swait.ge [sflag:s18], $0x3E80  }
0x11b: {  	[sflag:s18] =	ssyncset.done $0x0  }
0x11c: {  	[sflag:s18] =	ssyncadd.s32 $0xFFFFC180  }
0x11d: {  	_ =	swait.ge [sflag:s24], $0x3E80  }
0x11e: {  	[sflag:s24] =	ssyncset.done $0x0  }
.Ltmp8:
0x11f: {  	[sflag:s24] =	ssyncadd.s32 $0xFFFFC180;
	(pc) =	sbr.rel .LBB2_12-.Ltmp8, $4  }
0x120: {  	[spmem:s1] =	stream.indirect.scatter.add.f32 [tilespmem:s23], [sflag:$0x3], $0x80, s28, s20, $0xb8;
	[tilespmem:$0x1E400] =	vst v63  }
0x121: {  	_ =	swait.ge [sflag:s18], $0x3E80  }
0x122: {  	[sflag:s18] =	ssyncset.done $0x0  }
0x123: {  	[sflag:s18] =	ssyncadd.s32 $0xFFFFC180  }
.LBB2_13:
0x124: {  	_ =	sfence.sel $0x180000  }
0x125: {  	[bflag:$0x0] =	sbarrier.arrive $0xFFFF  }
0x126: {  	p0 =	sne.s32 s2, $0x0;
	_ =	strace $0x90000050  }
0x127: {  	s0 =	sadd.s32 @!p0 $0x100000, s0;
	[bflag:$0x2] =	sbarrier.arrive $0xFFFF  }
0x128: {  	[sflag:s0] =	ssyncadd.tile.s32 @!p0 $0x1;
	_ =	shalt  }
.Lfunc_end2:
_tile_overlayer_lowered:
.L_overlay_start_2:
0x129: {  	(tag) =	ssettag $0x2  }
0x12a: {  	s0 =	rddreg [dreg:$0x0];
	s2 =	stileid.u32  }
0x12b: {  	s1 =	rddreg [dreg:$0x1];
	p0 =	sne.s32 s2, $0x0  }
0x12c: {  	s3 =	rddreg [dreg:$0x2];
	[bflag:$0x3] =	sbarrier.arrive $0xFFFF;
	s2 =	simm.s32 @!p0 $0x1C03  }
0x12d: {  	[timem:s3], [sflag:s2] =	dma.local @!p0 [hbm:s0], s1  }
0x12e: {  	s0 =	simm.s32 @!p0 $0x3  }
0x12f: {  	_ =	swait.ge @!p0 [sflag:s0], s1  }
0x130: {  	s1 =	ssub.s32 @!p0 $0x0, s1;
	[sflag:s0] =	ssyncset.done @!p0 $0x0  }
0x131: {  	[sflag:s0] =	ssyncadd.s32 @!p0 s1  }
0x132: {  	[bflag:$0x3] =	sbarrier.arrive $0xFFFF  }
0x133: {  	_ =	shalt  }

// kernel: kernel.24.cloned.1.call-start
scs
__scs_entry_jumppad:
0x0: {  	(pc) =	sbr.rel $0x88, $3  }
0x1: {  	(tag) =	ssettag $0x0;
	lr =	simm.s32 $0x1  }
0x2: {  	[smem:$0x3F93] =	sst lr;
	_ =	strace $0xD0000000  }
0x3: {  	_ = 	snop  }
0x4: {  	_ = 	snop  }
0x5: {  	_ = 	snop  }
0x6: {  	_ = 	snop  }
0x7: {  	_ = 	snop  }
__scs_overlays_trampoline_lowered:
0x8: {  	[smem:$0x3FA2] =	sst s0  }
0x9: {  	[smem:$0x3FA3] =	sst s1  }
0xa: {  	[smem:$0x3FA4] =	sst s2  }
0xb: {  	[smem:$0x3FA5] =	sst s3  }
0xc: {  	[smem:$0x3FA6] =	sst s4  }
0xd: {  	[smem:$0x3FA7] =	sst s5  }
0xe: {  	[smem:$0x3FA8] =	sst s6  }
0xf: {  	[smem:$0x3FA9] =	sst s7  }
0x10: {  	[smem:$0x3FAA] =	sst s8  }
0x11: {  	[smem:$0x3FAB] =	sst s9;
	s0 =	simm.s32 @!p0 $0x0  }
0x12: {  	s1 =	sld [smem:$0x3F91];
	s0 =	simm.s32 @p0 $0x1  }
0x13: {  	[smem:$0x3FAC] =	sst s0;
	s0 =	simm.s32 @!p1 $0x0  }
0x14: {  	s2 =	sld [smem:$0x3F90];
	s0 =	simm.s32 @p1 $0x1  }
0x15: {  	[smem:$0x3FAD] =	sst s0;
	s0 =	simm.s32 @!p2 $0x0  }
0x16: {  	s3 =	sld [smem:$0x3FDB];
	s0 =	simm.s32 @p2 $0x1  }
0x17: {  	s4 =	simm.s32 $0x1BF5;
	[smem:$0x3FAF] =	sst s0  }
0x18: {  	s0 =	sld [smem:$0x3F92];
	_ =	swait.ge [sflag:s4], $0x0  }
0x19: {  	s7 =	sld [smem:$0x3F93]  }
0x1a: {  	s8 =	sadd.s32 $0xFFFFE003, lr  }
0x1b: {  	s9 =	sadd.s32 $0xFFFFFEF7, lr;
	s5 =	simm.s32 $0xFFFFFFFF;
	p2 =	slt.u32 s8, $0xFFFFF086  }
0x1c: {  	p1 =	slt.u32 s9, $0xF7A;
	s5 =	simm.s32 @!p2 $0x0  }
0x1d: {  	s5 =	simm.s32 @p1 $0x1;
	p0 =	seq.s32 s7, s2  }
0x1e: {  	s7 =	smul.u32 @!p0 $0xF7A, s2;
	p2 =	seq.s32 @!p0 s5, $0x0  }
0x1f: {  	s9 =	smul.u32 $0xF7A, s1;
	s8 =	simm.s32 @!p0 $0x1BF5;
	p2 =	por !p2, p0  }
0x20: {  	[sflag:s8] =	ssyncset.s32 @!p0 $0xFFFFF086;
	s6 =	sadd.s32 @!p0 s3, s7;
	s7 =	simm.s32 @!p0 $0x108  }
0x21: {  	s3 =	sadd.s32 s3, s9;
	s6 =	sadd.s32 @!p0 $0x88, s6;
	s7 =	simm.s32 @p2 $0x1082  }
0x22: {  	[simem:s7], [sflag:s8] =	dma.local @!p0 [hbm:s6], $0xF7A  }
0x23: {  	s9 =	sor.u32 $0xD0000000, s2;
	s6 =	simm.s32 $0x108;
	_ =	swait.ge @!p0 [sflag:s8], $0x0  }
0x24: {  	s3 =	sadd.s32 $0x88, s3;
	s6 =	simm.s32 @!p1 $0x1082;
	[sflag:s4] =	ssyncset.s32 $0xFFFFF086  }
0x25: {  	[simem:s6], [sflag:s4] =	dma.local [hbm:s3], $0xF7A  }
0x26: {  	[smem:$0x3F93] =	sst s1;
	(tag) =	ssettag s2;
	_ =	strace s9  }
0x27: {  	s1 =	sld [smem:$0x3FA3]  }
0x28: {  	s2 =	sld [smem:$0x3FA4]  }
0x29: {  	s4 =	sld [smem:$0x3FA6]  }
0x2a: {  	p0 =	seq.s32 s5, $0x0;
	s5 =	sld [smem:$0x3FA7]  }
0x2b: {  	s6 =	sld [smem:$0x3FA8]  }
0x2c: {  	s7 =	sld [smem:$0x3FA9]  }
0x2d: {  	s3 =	simm.s32 $0x108;
	s8 =	sld [smem:$0x3FAA]  }
0x2e: {  	s3 =	simm.s32 @!p0 $0x1082;
	s9 =	sld [smem:$0x3FAB]  }
0x2f: {  	lr =	sadd.s32 s0, s3;
	s0 =	sld [smem:$0x3FA2]  }
0x30: {  	s3 =	sld [smem:$0x3FA5]  }
0x31: {  	[smem:$0x3FAE] =	sst s10  }
0x32: {  	s10 =	sld [smem:$0x3FAC];
	_ =	sdelay $0x3  }
0x33: {  	p0 =	seq.s32 s10, $0x1;
	s10 =	sld [smem:$0x3FAE];
	_ =	sdelay $0x3  }
0x34: {  	[smem:$0x3FAE] =	sst s10  }
0x35: {  	s10 =	sld [smem:$0x3FAD];
	_ =	sdelay $0x3  }
0x36: {  	p1 =	seq.s32 s10, $0x1;
	s10 =	sld [smem:$0x3FAE];
	_ =	sdelay $0x3  }
0x37: {  	[smem:$0x3FAE] =	sst s10  }
0x38: {  	s10 =	sld [smem:$0x3FAF]  }
0x39: {  	_ = 	snop;
	(pc) =	sbr.ind lr, $3  }
0x3a: {  	_ = 	snop  }
0x3b: {  	_ = 	snop  }
0x3c: {  	p2 =	seq.s32 s10, $0x1;
	s10 =	sld [smem:$0x3FAE]  }
0x3d: {  	_ =	shalt  }
0x3e: {  	_ =	shalt  }
0x3f: {  	_ =	shalt  }
0x40: {  	_ =	shalt  }
0x41: {  	_ =	shalt  }
0x42: {  	_ =	shalt  }
0x43: {  	_ =	shalt  }
0x44: {  	_ =	shalt  }
0x45: {  	_ =	shalt  }
0x46: {  	_ =	shalt  }
0x47: {  	_ =	shalt  }
0x48: {  	_ =	shalt  }
0x49: {  	_ =	shalt  }
0x4a: {  	_ =	shalt  }
0x4b: {  	_ =	shalt  }
0x4c: {  	_ =	shalt  }
0x4d: {  	_ =	shalt  }
0x4e: {  	_ =	shalt  }
0x4f: {  	_ =	shalt  }
0x50: {  	_ =	shalt  }
0x51: {  	_ =	shalt  }
0x52: {  	_ =	shalt  }
0x53: {  	_ =	shalt  }
0x54: {  	_ =	shalt  }
0x55: {  	_ =	shalt  }
0x56: {  	_ =	shalt  }
0x57: {  	_ =	shalt  }
0x58: {  	_ =	shalt  }
0x59: {  	_ =	shalt  }
0x5a: {  	_ =	shalt  }
0x5b: {  	_ =	shalt  }
0x5c: {  	_ =	shalt  }
0x5d: {  	_ =	shalt  }
0x5e: {  	_ =	shalt  }
0x5f: {  	_ =	shalt  }
0x60: {  	_ =	shalt  }
0x61: {  	_ =	shalt  }
0x62: {  	_ =	shalt  }
0x63: {  	_ =	shalt  }
0x64: {  	_ =	shalt  }
0x65: {  	_ =	shalt  }
0x66: {  	_ =	shalt  }
0x67: {  	_ =	shalt  }
0x68: {  	_ =	shalt  }
0x69: {  	_ =	shalt  }
0x6a: {  	_ =	shalt  }
0x6b: {  	_ =	shalt  }
0x6c: {  	_ =	shalt  }
0x6d: {  	_ =	shalt  }
0x6e: {  	_ =	shalt  }
0x6f: {  	_ =	shalt  }
0x70: {  	_ =	shalt  }
0x71: {  	_ =	shalt  }
0x72: {  	_ =	shalt  }
0x73: {  	_ =	shalt  }
0x74: {  	_ =	shalt  }
0x75: {  	_ =	shalt  }
0x76: {  	_ =	shalt  }
0x77: {  	_ =	shalt  }
0x78: {  	_ =	shalt  }
0x79: {  	_ =	shalt  }
0x7a: {  	_ =	shalt  }
0x7b: {  	_ =	shalt  }
0x7c: {  	_ =	shalt  }
0x7d: {  	_ =	shalt  }
0x7e: {  	_ =	shalt  }
0x7f: {  	_ =	shalt  }
0x80: {  	_ =	shalt  }
0x81: {  	_ =	shalt  }
0x82: {  	_ =	shalt  }
0x83: {  	_ =	shalt  }
0x84: {  	_ =	shalt  }
0x85: {  	_ =	shalt  }
0x86: {  	_ =	shalt  }
0x87: {  	_ =	shalt  }
.Lfunc_end0:
.L_simem_size_0:
called_computation.4_lowered:
.L_overlay_start_0:
0x88: {  	s2 =	sld [smem:$0x3FD9]  }
0x89: {  	s3 =	sld [smem:$0x3FFE];
	_ =	sdelay $0x1  }
0x8a: {  	s1 =	srdreg.scid  }
0x8b: {  	s0 =	sand.u32 $0x1, s1  }
0x8c: {  	s17 =	sshll.u32 s0, $0xA;
	s2 =	sadd.s32 s3, s2  }
0x8d: {  	s2 =	sadd.s32 s2, s17  }
0x8e: {  	[smem:$0x3FBA] =	sst s2  }
0x8f: {  	_ = 	snop  }
0x90: {  	(tm) =	ssettm $0x1  }
0x91: {  	s18 =	sld [smem:$0x3FFB];
	_ =	sdelay $0x3  }
0x92: {  	_ =	strace s18  }
0x93: {  	s2 =	sld [smem:$0x3FFC];
	_ =	sdelay $0x3  }
0x94: {  	_ =	strace s2  }
0x95: {  	s2 =	sld [smem:$0x3FFD];
	_ =	sdelay $0x3  }
0x96: {  	_ =	strace s2  }
0x97: {  	_ =	strace $0x8FFFFFFF  }
0x98: {  	s19 =	sld [smem:$0x3FDB];
	_ =	sdelay $0x1  }
0x99: {  	s20 =	simm.s32 $_scs_section_size  }
0x9a: {  	s4 =	simm.s32 $_size__tile_overlayer_lowered;
	s5 =	simm.s32 $_tile_overlayer_lowered  }
0x9b: {  	s6 =	simm.s32 $0x1BFF;
	s21 =	sshll.u32 s5, $0x1;
	s3 =	sadd.s32 s20, s19  }
0x9c: {  	s22 =	simm.s32 $0x0;
	s4 =	sshll.u32 s4, $0x1;
	s5 =	sadd.s32 s21, s3  }
0x9d: {  	[timem:s22], [sflag:s6] =	dma.local [hbm:s5], s4  }
0x9e: {  	_ =	swait.ge [sflag:s6], s4  }
0x9f: {  	s4 =	ssub.s32 $0x0, s4;
	[sflag:s6] =	ssyncset.done $0x0  }
0xa0: {  	[sflag:s6] =	ssyncadd.s32 s4;
	_ =	sdelay $0x1  }
0xa1: {  	s23 =	simm.s32 $0x1B8B  }
0xa2: {  	_ =	swait.ge [sflag:s23], $0x1  }
0xa3: {  	[sflag:s23] =	ssyncset.done $0x0  }
0xa4: {  	[sflag:s23] =	ssyncadd.s32 $0xFFFFFFFF  }
0xa5: {  	s4 =	sld [smem:$0x0]  }
0xa6: {  	s5 =	sand.u32 $0xFFFFFFFE, s1  }
0xa7: {  	p0 =	sne.s32 s1, s5  }
0xa8: {  	s5 =	sshll.u32 @p0 s5, $0xE  }
0xa9: {  	s5 =	sadd.s32 @p0 $0x11B8D, s5;
	s6 =	sshll.u32 @p0 s4, $0x11  }
0xaa: {  	s5 =	sor.u32 @p0 s6, s5  }
0xab: {  	[sflag:s5] =	ssyncadd.remote.s32 @p0 $0x1;
	_ =	sdelay $0x1  }
0xac: {  	s5 =	simm.s32 @p0 $0x1B8D  }
0xad: {  	_ =	swait.eq @p0 [sflag:s5], $0x1  }
0xae: {  	[sflag:s5] =	ssyncadd.s32 @p0 $0xFFFFFFFF  }
0xaf: {  	s6 =	sshll.u32 @!p0 s1, $0xE  }
0xb0: {  	s6 =	sor.u32 @!p0 $0x4000, s6;
	s5 =	simm.s32 @!p0 $0x1B8D  }
0xb1: {  	s4 =	sshll.u32 @!p0 s4, $0x11;
	s6 =	sadd.s32 @!p0 $0x11B8D, s6;
	_ =	swait.eq @!p0 [sflag:s5], $0x1  }
0xb2: {  	s4 =	sor.u32 @!p0 s4, s6;
	[sflag:s5] =	ssyncadd.s32 @!p0 $0xFFFFFFFF  }
0xb3: {  	s25 =	simm.s32 $0x1B8E;
	s24 =	sld [smem:$0x3FFE];
	[sflag:s4] =	ssyncadd.remote.s32 @!p0 $0x1  }
0xb4: {  	s26 =	simm.s32 $execute0_lowered;
	[smem:$0x3FD2] =	sst s25  }
0xb5: {  	s5 =	sshll.u32 s26, $0x1;
	_ =	strace $0x80000058;
	[dreg:$0x1] =	wrdreg $0xFFFFFFFF  }
0xb6: {  	s28 =	simm.s32 $_size_execute0_lowered;
	s3 =	sadd.s32 s3, s5;
	[dreg:$0x0] =	wrdreg $0x0  }
0xb7: {  	s5 =	sshll.u32 s28, $0x1;
	[dreg:$0x2] =	wrdreg s3  }
0xb8: {  	[dreg:$0x3] =	wrdreg s5  }
0xb9: {  	[dreg:$0x4] =	wrdreg $0xC0  }
0xba: {  	_ =	task [dreg:s22], $0x5FFFF  }
0xbb: {  	[dreg:$0x1] =	wrdreg $0xFFFFFFFF  }
0xbc: {  	[dreg:$0x0] =	wrdreg $0x60  }
0xbd: {  	[dreg:$0x2] =	wrdreg s24  }
0xbe: {  	[dreg:$0x3] =	wrdreg $0xA8000  }
0xbf: {  	[dreg:$0x4] =	wrdreg $0x9  }
0xc0: {  	_ =	task.clear_ibuf [dreg:s22], $0x5FFFF;
	_ =	strace $0x90000058  }
0xc1: {  	s29 =	simm.s32 $0x9;
	_ =	strace $0x8000005A  }
0xc2: {  	_ =	swait.ge [sflag:s29], $0x1  }
0xc3: {  	[sflag:s29] =	ssyncadd.s32 $0xFFFFFFFF  }
0xc4: {  	_ =	strace $0x9000005A  }
0xc5: {  	_ =	sfence  }
0xc6: {  	s30 =	sld [smem:$0x0];
	_ =	sdelay $0x2  }
0xc7: {  	s31 =	sshll.u32 s1, $0xD;
	s1 =	sshrl.u32 s1, $0x2  }
0xc8: {  	s4 =	sand.u32 $0x4000, s31;
	s1 =	sadd.s32 s1, s30  }
0xc9: {  	s0 =	sor.u32 s4, s0;
	s1 =	sshll.u32 s1, $0x11  }
0xca: {  	s0 =	sor.u32 s1, s0  }
0xcb: {  	s0 =	sadd.s32 $0x8F2B, s0  }
0xcc: {  	[sflag:s0] =	ssyncadd.remote.s32 $0x1  }
0xcd: {  	_ =	sfence.sel $0xFFFF  }
0xce: {  	[dreg:$0x0] =	wrdreg $0xFFFFFFFF;
	(pc) =	sbr.abs _section_cstart, $3  }
0xcf: {  	[dreg:$0x1] =	wrdreg $0xFFFFFFFF  }
0xd0: {  	_ =	task.clear_ibuf [dreg:s22], $0x2FFFF;
	_ =	strace $0x9FFFFFFF  }
0xd1: {  	(tm) =	ssettm $0x7FFFFFFF  }
tec
execute0_lowered:
.L_overlay_start_1:
0x0: {  	(tag) =	ssettag $0x1  }
0x1: {  	s9 =	rddreg [dreg:$0x0]  }
0x2: {  	s1 =	rddreg [dreg:$0x1]  }
0x3: {  	s2 =	srdreg.scid;
	s0 =	rddreg [dreg:$0x2]  }
0x4: {  	s3 =	simm.s32 $0x0;
	s16 =	simm.s32 $0x7D;
	s17 =	simm.s32 $0x2800  }
0x5: {  	s18 =	simm.s32 $0x1;
	s19 =	simm.s32 $0x6800;
	s20 =	simm.s32 $0x2  }
0x6: {  	s21 =	simm.s32 $0x1380;
	s22 =	simm.s32 $0x2700;
	s23 =	simm.s32 $0x2780  }
0x7: {  	s10 =	sand.u32 $0x1, s2;
	s2 =	stileid.u32;
	[smem:$0x7FF] =	sst s3  }
0x8: {  	s4 =	sadd.s32 $0x4AE00, s9;
	s5 =	sadd.s32 $0x17400, s9;
	s7 =	smul.u32 $0x13C000, s10  }
0x9: {  	s6 =	sadd.s32 $0xD400, s9;
	s8 =	smul.u32 $0x13C00, s2;
	_ =	strace $0x80000059  }
0xa: {  	s12 =	smul.u32 $0x4F000, s2;
	s31 =	ssub.s32 $0x2, s10;
	s14 =	sshll.u32 s2, $0x6  }
0xb: {  	p0 =	seq.s32 s10, $0x1;
	s10 =	smul.u32 $0x5000, s2;
	s13 =	sshrl.u32 s31, $0x1  }
.Ltmp0:
0xc: {  	s8 =	sadd.s32 s8, s7;
	s7 =	sadd.s32 $0xD1400, s9;
	(pc) =	sbr.rel .LBB2_1-.Ltmp0, $4  }
0xd: {  	s12 =	sshrl.u32 s12, $0x2;
	s13 =	ssub.s32 s31, s13;
	s11 =	sshrl.u32 s8, $0x3  }
0xe: {  	s8 =	sadd.s32 $0x21400, s9;
	s15 =	sadd.s32 s12, s1;
	s12 =	smax.u32 s13, $0x1  }
0xf: {  	s11 =	sadd.s32 s11, s9;
	s9 =	sor.u32 $0x1C03, s14;
	s13 =	sshrl.u32 s15, $0x3  }
0x10: {  	s14 =	simm.s32 $0x3;
	s15 =	simm.s32 $0x1400;
	s11 =	sadd.s32 $0x12A400, s11  }
.LBB2_8:
0x11: {  	s3 =	sadd.s32 $0x1, s3  }
0x12: {  	p1 =	sne.s32 s3, s12  }
.Ltmp1:
0x13: {  	[bflag:$0x0] =	sbarrier.arrive $0xFFFF;
	(pc) =	sbr.rel @!p1 .LBB2_9-.Ltmp1, $4  }
0x14: {  	[hbm:s11], [sflag:s9] =	dma.local [spmem:s13], $0x2780  }
0x15: {  	_ =	swait.ge [sflag:s14], $0x2780  }
0x16: {  	[sflag:s14] =	ssyncset.done $0x0  }
0x17: {  	[sflag:s14] =	ssyncadd.s32 $0xFFFFD880  }
.LBB2_1:
0x18: {  	[spmem:s13], [sflag:s9] =	dma.local [hbm:s8], $0x2780  }
.Ltmp2:
0x19: {  	_ =	swait.ge [sflag:s14], $0x2780;
	(pc) =	sbr.rel @!p0 .LBB2_2-.Ltmp2, $4  }
0x1a: {  	[sflag:s14] =	ssyncset.done $0x0  }
0x1b: {  	[sflag:s14] =	ssyncadd.s32 $0xFFFFD880  }
0x1c: {  	[bflag:$0x0] =	sbarrier.arrive $0xFFFF  }
0x1d: {  	s24 =	simm.s32 $0x0;
	s25 =	simm.s32 $0x0  }
.LBB2_5:
0x1e: {  	s24 =	smul.u32 $0x1400, s25;
	_ =	sdelay $0x1  }
0x1f: {  	s24 =	sadd.s32 s10, s24  }
0x20: {  	s24 =	sshrl.u32 s24, $0x3  }
0x21: {  	s28 =	simm.s32 $0x0;
	s26 =	sadd.s32 s6, s24  }
0x22: {  	[tilespmem:s15], [sflag:$0x3] =	stream.linear.gather [hbm4b:s26+s28], $0x1400, $0x38;
	[tilespmem:$0x1E400] =	vst v63  }
0x23: {  	_ =	swait.ge [sflag:s14], $0x1400  }
0x24: {  	[sflag:s14] =	ssyncset.done $0x0  }
0x25: {  	s24 =	sadd.s32 s7, s24;
	[sflag:s14] =	ssyncadd.s32 $0xFFFFEC00  }
0x26: {  	[tilespmem:s28], [sflag:$0x3] =	stream.linear.gather [hbm4b:s24+s28], $0x1400, $0x38;
	[tilespmem:$0x1E400] =	vst v63  }
0x27: {  	_ =	swait.ge [sflag:s14], $0x1400  }
0x28: {  	[sflag:s14] =	ssyncset.done $0x0  }
0x29: {  	[sflag:s14] =	ssyncadd.s32 $0xFFFFEC00  }
0x2a: {  	[tilespmem:s17], [sflag:$0x1] =	stream.indirect.gather [hbm4b:s4+s16], $0x80, s28, s16, $0xb8;
	[tilespmem:$0x1E400] =	vst v63  }
0x2b: {  	_ =	swait.ge [sflag:s18], $0x3E80  }
0x2c: {  	[sflag:s18] =	ssyncset.done $0x0  }
0x2d: {  	s28 =	simm.s32 $0x80;
	[sflag:s18] =	ssyncadd.s32 $0xFFFFC180  }
0x2e: {  	[tilespmem:s19], [sflag:$0x2] =	stream.indirect.gather [hbm4b:s4+s16], $0x80, s28, s16, $0xb8;
	[tilespmem:$0x1E400] =	vst v63  }
0x2f: {  	s29 =	simm.s32 $0x1400  }
0x30: {  	[spmem:s1] =	stream.indirect.scatter.add.f32 [tilespmem:s17], [sflag:$0x3], $0x80, s29, s16, $0xb8;
	[tilespmem:$0x1E400] =	vst v63  }
0x31: {  	_ =	swait.ge [sflag:s14], $0x3E80  }
0x32: {  	[sflag:s14] =	ssyncset.done $0x0  }
0x33: {  	[sflag:s14] =	ssyncadd.s32 $0xFFFFC180  }
0x34: {  	_ =	swait.ge [sflag:s20], $0x3E80  }
0x35: {  	[sflag:s20] =	ssyncset.done $0x0  }
0x36: {  	s30 =	simm.s32 $0x100;
	[sflag:s20] =	ssyncadd.s32 $0xFFFFC180  }
0x37: {  	[tilespmem:s17], [sflag:$0x1] =	stream.indirect.gather [hbm4b:s4+s16], $0x80, s30, s16, $0xb8;
	[tilespmem:$0x1E400] =	vst v63  }
0x38: {  	s31 =	simm.s32 $0x1480  }
0x39: {  	[spmem:s1] =	stream.indirect.scatter.add.f32 [tilespmem:s19], [sflag:$0x3], $0x80, s31, s16, $0xb8;
	[tilespmem:$0x1E400] =	vst v63  }
0x3a: {  	_ =	swait.ge [sflag:s14], $0x3E80  }
0x3b: {  	s24 =	simm.s32 $0x400;
	[sflag:s14] =	ssyncset.done $0x0  }
.LBB2_6:
0x3c: {  	p1 =	sne.s32 s24, $0x4800  }
0x3d: {  	[sflag:s14] =	ssyncadd.s32 $0xFFFFC180;
	s26 =	smov.u32 s24;
	s24 =	sadd.s32 $0x400, s24  }
0x3e: {  	_ = 	snop  }
0x3f: {  	_ =	swait.ge [sflag:s18], $0x3E80  }
0x40: {  	s26 =	sshra.s32 s26, $0x2;
	[sflag:s18] =	ssyncset.done $0x0  }
0x41: {  	s28 =	sadd.s32 $0x80, s26;
	[sflag:s18] =	ssyncadd.s32 $0xFFFFC180  }
0x42: {  	[tilespmem:s19], [sflag:$0x2] =	stream.indirect.gather [hbm4b:s4+s16], $0x80, s28, s16, $0xb8;
	[tilespmem:$0x1E400] =	vst v63  }
0x43: {  	s28 =	sadd.s32 $0x1400, s26  }
0x44: {  	[spmem:s1] =	stream.indirect.scatter.add.f32 [tilespmem:s17], [sflag:$0x3], $0x80, s28, s16, $0xb8;
	[tilespmem:$0x1E400] =	vst v63  }
0x45: {  	_ =	swait.ge [sflag:s14], $0x3E80  }
0x46: {  	[sflag:s14] =	ssyncset.done $0x0  }
0x47: {  	[sflag:s14] =	ssyncadd.s32 $0xFFFFC180  }
0x48: {  	_ =	swait.ge [sflag:s20], $0x3E80  }
0x49: {  	[sflag:s20] =	ssyncset.done $0x0  }
0x4a: {  	s28 =	sadd.s32 $0x100, s26;
	[sflag:s20] =	ssyncadd.s32 $0xFFFFC180  }
0x4b: {  	[tilespmem:s17], [sflag:$0x1] =	stream.indirect.gather [hbm4b:s4+s16], $0x80, s28, s16, $0xb8;
	[tilespmem:$0x1E400] =	vst v63  }
.Ltmp3:
0x4c: {  	_ = 	snop;
	(pc) =	sbr.rel @p1 .LBB2_6-.Ltmp3, $4  }
0x4d: {  	s26 =	sadd.s32 $0x1480, s26  }
0x4e: {  	[spmem:s1] =	stream.indirect.scatter.add.f32 [tilespmem:s19], [sflag:$0x3], $0x80, s26, s16, $0xb8;
	[tilespmem:$0x1E400] =	vst v63  }
0x4f: {  	_ =	swait.ge [sflag:s14], $0x3E80  }
0x50: {  	[sflag:s14] =	ssyncset.done $0x0  }
0x51: {  	[sflag:s14] =	ssyncadd.s32 $0xFFFFC180  }
0x52: {  	_ =	swait.ge [sflag:s18], $0x3E80  }
0x53: {  	[sflag:s18] =	ssyncset.done $0x0  }
0x54: {  	[sflag:s18] =	ssyncadd.s32 $0xFFFFC180  }
0x55: {  	[tilespmem:s19], [sflag:$0x2] =	stream.indirect.gather [hbm4b:s4+s16], $0x80, s21, s16, $0xb8;
	[tilespmem:$0x1E400] =	vst v63  }
0x56: {  	_ = 	snop  }
0x57: {  	[spmem:s1] =	stream.indirect.scatter.add.f32 [tilespmem:s17], [sflag:$0x3], $0x80, s22, s16, $0xb8;
	[tilespmem:$0x1E400] =	vst v63  }
0x58: {  	_ =	swait.ge [sflag:s14], $0x3E80  }
0x59: {  	[sflag:s14] =	ssyncset.done $0x0  }
0x5a: {  	[sflag:s14] =	ssyncadd.s32 $0xFFFFC180  }
0x5b: {  	_ =	swait.ge [sflag:s20], $0x3E80  }
0x5c: {  	s25 =	sadd.s32 $0x1, s25;
	[sflag:s20] =	ssyncset.done $0x0  }
0x5d: {  	p1 =	sne.s32 s25, $0x4;
	[sflag:s20] =	ssyncadd.s32 $0xFFFFC180  }
0x5e: {  	[spmem:s1] =	stream.indirect.scatter.add.f32 [tilespmem:s19], [sflag:$0x3], $0x80, s23, s16, $0xb8;
	[tilespmem:$0x1E400] =	vst v63  }
.Ltmp4:
0x5f: {  	_ = 	snop;
	(pc) =	sbr.rel @p1 .LBB2_5-.Ltmp4, $4  }
.Ltmp5:
0x60: {  	_ = 	snop;
	(pc) =	sbr.rel @!p1 .LBB2_8-.Ltmp5, $4  }
0x61: {  	_ =	swait.ge [sflag:s14], $0x3E80  }
0x62: {  	[sflag:s14] =	ssyncset.done $0x0  }
0x63: {  	[sflag:s14] =	ssyncadd.s32 $0xFFFFC180  }
0x64: {  	_ = 	snop  }
.LBB2_2:
0x65: {  	s25 =	smul.u32 $0x1400, s24;
	_ =	sdelay $0x1  }
0x66: {  	s25 =	sadd.s32 s10, s25  }
0x67: {  	s25 =	sshrl.u32 s25, $0x3  }
0x68: {  	s28 =	simm.s32 $0x0;
	s26 =	sadd.s32 s5, s25  }
0x69: {  	[tilespmem:s15], [sflag:$0x3] =	stream.linear.gather [hbm4b:s26+s28], $0x1400, $0x38;
	[tilespmem:$0x1E400] =	vst v63  }
0x6a: {  	_ =	swait.ge [sflag:s14], $0x1400  }
0x6b: {  	[sflag:s14] =	ssyncset.done $0x0  }
0x6c: {  	s25 =	sadd.s32 s7, s25;
	[sflag:s14] =	ssyncadd.s32 $0xFFFFEC00  }
0x6d: {  	[tilespmem:s28], [sflag:$0x3] =	stream.linear.gather [hbm4b:s25+s28], $0x1400, $0x38;
	[tilespmem:$0x1E400] =	vst v63  }
0x6e: {  	_ =	swait.ge [sflag:s14], $0x1400  }
0x6f: {  	[sflag:s14] =	ssyncset.done $0x0  }
0x70: {  	[sflag:s14] =	ssyncadd.s32 $0xFFFFEC00  }
0x71: {  	[tilespmem:s17], [sflag:$0x1] =	stream.indirect.gather [hbm4b:s4+s16], $0x80, s28, s16, $0xb8;
	[tilespmem:$0x1E400] =	vst v63  }
0x72: {  	_ =	swait.ge [sflag:s18], $0x3E80  }
0x73: {  	[sflag:s18] =	ssyncset.done $0x0  }
0x74: {  	s28 =	simm.s32 $0x80;
	[sflag:s18] =	ssyncadd.s32 $0xFFFFC180  }
0x75: {  	[tilespmem:s19], [sflag:$0x2] =	stream.indirect.gather [hbm4b:s4+s16], $0x80, s28, s16, $0xb8;
	[tilespmem:$0x1E400] =	vst v63  }
0x76: {  	s29 =	simm.s32 $0x1400  }
0x77: {  	[spmem:s1] =	stream.indirect.scatter.add.f32 [tilespmem:s17], [sflag:$0x3], $0x80, s29, s16, $0xb8;
	[tilespmem:$0x1E400] =	vst v63  }
0x78: {  	_ =	swait.ge [sflag:s14], $0x3E80  }
0x79: {  	[sflag:s14] =	ssyncset.done $0x0  }
0x7a: {  	[sflag:s14] =	ssyncadd.s32 $0xFFFFC180  }
0x7b: {  	_ =	swait.ge [sflag:s20], $0x3E80  }
0x7c: {  	[sflag:s20] =	ssyncset.done $0x0  }
0x7d: {  	s30 =	simm.s32 $0x100;
	[sflag:s20] =	ssyncadd.s32 $0xFFFFC180  }
0x7e: {  	[tilespmem:s17], [sflag:$0x1] =	stream.indirect.gather [hbm4b:s4+s16], $0x80, s30, s16, $0xb8;
	[tilespmem:$0x1E400] =	vst v63  }
0x7f: {  	s31 =	simm.s32 $0x1480  }
0x80: {  	[spmem:s1] =	stream.indirect.scatter.add.f32 [tilespmem:s19], [sflag:$0x3], $0x80, s31, s16, $0xb8;
	[tilespmem:$0x1E400] =	vst v63  }
0x81: {  	_ =	swait.ge [sflag:s14], $0x3E80  }
0x82: {  	s25 =	simm.s32 $0x400;
	[sflag:s14] =	ssyncset.done $0x0  }
.LBB2_3:
0x83: {  	p1 =	sne.s32 s25, $0x4800  }
0x84: {  	[sflag:s14] =	ssyncadd.s32 $0xFFFFC180;
	s26 =	smov.u32 s25;
	s25 =	sadd.s32 $0x400, s25  }
0x85: {  	_ = 	snop  }
0x86: {  	_ =	swait.ge [sflag:s18], $0x3E80  }
0x87: {  	s26 =	sshra.s32 s26, $0x2;
	[sflag:s18] =	ssyncset.done $0x0  }
0x88: {  	s28 =	sadd.s32 $0x80, s26;
	[sflag:s18] =	ssyncadd.s32 $0xFFFFC180  }
0x89: {  	[tilespmem:s19], [sflag:$0x2] =	stream.indirect.gather [hbm4b:s4+s16], $0x80, s28, s16, $0xb8;
	[tilespmem:$0x1E400] =	vst v63  }
0x8a: {  	s28 =	sadd.s32 $0x1400, s26  }
0x8b: {  	[spmem:s1] =	stream.indirect.scatter.add.f32 [tilespmem:s17], [sflag:$0x3], $0x80, s28, s16, $0xb8;
	[tilespmem:$0x1E400] =	vst v63  }
0x8c: {  	_ =	swait.ge [sflag:s14], $0x3E80  }
0x8d: {  	[sflag:s14] =	ssyncset.done $0x0  }
0x8e: {  	[sflag:s14] =	ssyncadd.s32 $0xFFFFC180  }
0x8f: {  	_ =	swait.ge [sflag:s20], $0x3E80  }
0x90: {  	[sflag:s20] =	ssyncset.done $0x0  }
0x91: {  	s28 =	sadd.s32 $0x100, s26;
	[sflag:s20] =	ssyncadd.s32 $0xFFFFC180  }
0x92: {  	[tilespmem:s17], [sflag:$0x1] =	stream.indirect.gather [hbm4b:s4+s16], $0x80, s28, s16, $0xb8;
	[tilespmem:$0x1E400] =	vst v63  }
.Ltmp6:
0x93: {  	_ = 	snop;
	(pc) =	sbr.rel @p1 .LBB2_3-.Ltmp6, $4  }
0x94: {  	s26 =	sadd.s32 $0x1480, s26  }
0x95: {  	[spmem:s1] =	stream.indirect.scatter.add.f32 [tilespmem:s19], [sflag:$0x3], $0x80, s26, s16, $0xb8;
	[tilespmem:$0x1E400] =	vst v63  }
0x96: {  	_ =	swait.ge [sflag:s14], $0x3E80  }
0x97: {  	[sflag:s14] =	ssyncset.done $0x0  }
0x98: {  	[sflag:s14] =	ssyncadd.s32 $0xFFFFC180  }
0x99: {  	_ =	swait.ge [sflag:s18], $0x3E80  }
0x9a: {  	[sflag:s18] =	ssyncset.done $0x0  }
0x9b: {  	[sflag:s18] =	ssyncadd.s32 $0xFFFFC180  }
0x9c: {  	[tilespmem:s19], [sflag:$0x2] =	stream.indirect.gather [hbm4b:s4+s16], $0x80, s21, s16, $0xb8;
	[tilespmem:$0x1E400] =	vst v63  }
0x9d: {  	_ = 	snop  }
0x9e: {  	[spmem:s1] =	stream.indirect.scatter.add.f32 [tilespmem:s17], [sflag:$0x3], $0x80, s22, s16, $0xb8;
	[tilespmem:$0x1E400] =	vst v63  }
0x9f: {  	_ =	swait.ge [sflag:s14], $0x3E80  }
0xa0: {  	[sflag:s14] =	ssyncset.done $0x0  }
0xa1: {  	[sflag:s14] =	ssyncadd.s32 $0xFFFFC180  }
0xa2: {  	_ =	swait.ge [sflag:s20], $0x3E80  }
0xa3: {  	s24 =	sadd.s32 $0x1, s24;
	[sflag:s20] =	ssyncset.done $0x0  }
0xa4: {  	p1 =	seq.s32 s24, $0x4;
	[sflag:s20] =	ssyncadd.s32 $0xFFFFC180  }
0xa5: {  	[spmem:s1] =	stream.indirect.scatter.add.f32 [tilespmem:s19], [sflag:$0x3], $0x80, s23, s16, $0xb8;
	[tilespmem:$0x1E400] =	vst v63  }
.Ltmp7:
0xa6: {  	_ = 	snop;
	(pc) =	sbr.rel @!p1 .LBB2_2-.Ltmp7, $4  }
.Ltmp8:
0xa7: {  	_ = 	snop;
	(pc) =	sbr.rel @p1 .LBB2_8-.Ltmp8, $4  }
0xa8: {  	_ =	swait.ge [sflag:s14], $0x3E80  }
0xa9: {  	[sflag:s14] =	ssyncset.done $0x0  }
0xaa: {  	[sflag:s14] =	ssyncadd.s32 $0xFFFFC180  }
0xab: {  	_ = 	snop  }
.LBB2_9:
0xac: {  	_ =	sfence.sel $0x180000  }
0xad: {  	[bflag:$0x0] =	sbarrier.arrive $0xFFFF  }
0xae: {  	p0 =	sne.s32 s2, $0x0;
	_ =	strace $0x90000059  }
0xaf: {  	s0 =	sadd.s32 @!p0 $0x100000, s0;
	[bflag:$0x2] =	sbarrier.arrive $0xFFFF  }
0xb0: {  	[sflag:s0] =	ssyncadd.tile.s32 @!p0 $0x1;
	_ =	shalt  }
.Lfunc_end2:
_tile_overlayer_lowered:
.L_overlay_start_2:
0xb1: {  	(tag) =	ssettag $0x2  }
0xb2: {  	s0 =	rddreg [dreg:$0x0];
	s2 =	stileid.u32  }
0xb3: {  	s1 =	rddreg [dreg:$0x1];
	p0 =	sne.s32 s2, $0x0  }
0xb4: {  	s3 =	rddreg [dreg:$0x2];
	[bflag:$0x3] =	sbarrier.arrive $0xFFFF;
	s2 =	simm.s32 @!p0 $0x1C03  }
0xb5: {  	[timem:s3], [sflag:s2] =	dma.local @!p0 [hbm:s0], s1  }
0xb6: {  	s0 =	simm.s32 @!p0 $0x3  }
0xb7: {  	_ =	swait.ge @!p0 [sflag:s0], s1  }
0xb8: {  	s1 =	ssub.s32 @!p0 $0x0, s1;
	[sflag:s0] =	ssyncset.done @!p0 $0x0  }
0xb9: {  	[sflag:s0] =	ssyncadd.s32 @!p0 s1  }
0xba: {  	[bflag:$0x3] =	sbarrier.arrive $0xFFFF  }
0xbb: {  	_ =	shalt  }

// kernel: kernel.27.cloned.1.call-start
scs
__scs_entry_jumppad:
0x0: {  	(pc) =	sbr.rel $0x88, $3  }
0x1: {  	(tag) =	ssettag $0x0;
	lr =	simm.s32 $0x1  }
0x2: {  	[smem:$0x3F93] =	sst lr;
	_ =	strace $0xD0000000  }
0x3: {  	_ = 	snop  }
0x4: {  	_ = 	snop  }
0x5: {  	_ = 	snop  }
0x6: {  	_ = 	snop  }
0x7: {  	_ = 	snop  }
__scs_overlays_trampoline_lowered:
0x8: {  	[smem:$0x3FA2] =	sst s0  }
0x9: {  	[smem:$0x3FA3] =	sst s1  }
0xa: {  	[smem:$0x3FA4] =	sst s2  }
0xb: {  	[smem:$0x3FA5] =	sst s3  }
0xc: {  	[smem:$0x3FA6] =	sst s4  }
0xd: {  	[smem:$0x3FA7] =	sst s5  }
0xe: {  	[smem:$0x3FA8] =	sst s6  }
0xf: {  	[smem:$0x3FA9] =	sst s7  }
0x10: {  	[smem:$0x3FAA] =	sst s8  }
0x11: {  	[smem:$0x3FAB] =	sst s9;
	s0 =	simm.s32 @!p0 $0x0  }
0x12: {  	s1 =	sld [smem:$0x3F91];
	s0 =	simm.s32 @p0 $0x1  }
0x13: {  	[smem:$0x3FAC] =	sst s0;
	s0 =	simm.s32 @!p1 $0x0  }
0x14: {  	s2 =	sld [smem:$0x3F90];
	s0 =	simm.s32 @p1 $0x1  }
0x15: {  	[smem:$0x3FAD] =	sst s0;
	s0 =	simm.s32 @!p2 $0x0  }
0x16: {  	s3 =	sld [smem:$0x3FDB];
	s0 =	simm.s32 @p2 $0x1  }
0x17: {  	s4 =	simm.s32 $0x1BF5;
	[smem:$0x3FAF] =	sst s0  }
0x18: {  	s0 =	sld [smem:$0x3F92];
	_ =	swait.ge [sflag:s4], $0x0  }
0x19: {  	s7 =	sld [smem:$0x3F93]  }
0x1a: {  	s8 =	sadd.s32 $0xFFFFE003, lr  }
0x1b: {  	s9 =	sadd.s32 $0xFFFFFEF7, lr;
	s5 =	simm.s32 $0xFFFFFFFF;
	p2 =	slt.u32 s8, $0xFFFFF086  }
0x1c: {  	p1 =	slt.u32 s9, $0xF7A;
	s5 =	simm.s32 @!p2 $0x0  }
0x1d: {  	s5 =	simm.s32 @p1 $0x1;
	p0 =	seq.s32 s7, s2  }
0x1e: {  	s7 =	smul.u32 @!p0 $0xF7A, s2;
	p2 =	seq.s32 @!p0 s5, $0x0  }
0x1f: {  	s9 =	smul.u32 $0xF7A, s1;
	s8 =	simm.s32 @!p0 $0x1BF5;
	p2 =	por !p2, p0  }
0x20: {  	[sflag:s8] =	ssyncset.s32 @!p0 $0xFFFFF086;
	s6 =	sadd.s32 @!p0 s3, s7;
	s7 =	simm.s32 @!p0 $0x108  }
0x21: {  	s3 =	sadd.s32 s3, s9;
	s6 =	sadd.s32 @!p0 $0x88, s6;
	s7 =	simm.s32 @p2 $0x1082  }
0x22: {  	[simem:s7], [sflag:s8] =	dma.local @!p0 [hbm:s6], $0xF7A  }
0x23: {  	s9 =	sor.u32 $0xD0000000, s2;
	s6 =	simm.s32 $0x108;
	_ =	swait.ge @!p0 [sflag:s8], $0x0  }
0x24: {  	s3 =	sadd.s32 $0x88, s3;
	s6 =	simm.s32 @!p1 $0x1082;
	[sflag:s4] =	ssyncset.s32 $0xFFFFF086  }
0x25: {  	[simem:s6], [sflag:s4] =	dma.local [hbm:s3], $0xF7A  }
0x26: {  	[smem:$0x3F93] =	sst s1;
	(tag) =	ssettag s2;
	_ =	strace s9  }
0x27: {  	s1 =	sld [smem:$0x3FA3]  }
0x28: {  	s2 =	sld [smem:$0x3FA4]  }
0x29: {  	s4 =	sld [smem:$0x3FA6]  }
0x2a: {  	p0 =	seq.s32 s5, $0x0;
	s5 =	sld [smem:$0x3FA7]  }
0x2b: {  	s6 =	sld [smem:$0x3FA8]  }
0x2c: {  	s7 =	sld [smem:$0x3FA9]  }
0x2d: {  	s3 =	simm.s32 $0x108;
	s8 =	sld [smem:$0x3FAA]  }
0x2e: {  	s3 =	simm.s32 @!p0 $0x1082;
	s9 =	sld [smem:$0x3FAB]  }
0x2f: {  	lr =	sadd.s32 s0, s3;
	s0 =	sld [smem:$0x3FA2]  }
0x30: {  	s3 =	sld [smem:$0x3FA5]  }
0x31: {  	[smem:$0x3FAE] =	sst s10  }
0x32: {  	s10 =	sld [smem:$0x3FAC];
	_ =	sdelay $0x3  }
0x33: {  	p0 =	seq.s32 s10, $0x1;
	s10 =	sld [smem:$0x3FAE];
	_ =	sdelay $0x3  }
0x34: {  	[smem:$0x3FAE] =	sst s10  }
0x35: {  	s10 =	sld [smem:$0x3FAD];
	_ =	sdelay $0x3  }
0x36: {  	p1 =	seq.s32 s10, $0x1;
	s10 =	sld [smem:$0x3FAE];
	_ =	sdelay $0x3  }
0x37: {  	[smem:$0x3FAE] =	sst s10  }
0x38: {  	s10 =	sld [smem:$0x3FAF]  }
0x39: {  	_ = 	snop;
	(pc) =	sbr.ind lr, $3  }
0x3a: {  	_ = 	snop  }
0x3b: {  	_ = 	snop  }
0x3c: {  	p2 =	seq.s32 s10, $0x1;
	s10 =	sld [smem:$0x3FAE]  }
0x3d: {  	_ =	shalt  }
0x3e: {  	_ =	shalt  }
0x3f: {  	_ =	shalt  }
0x40: {  	_ =	shalt  }
0x41: {  	_ =	shalt  }
0x42: {  	_ =	shalt  }
0x43: {  	_ =	shalt  }
0x44: {  	_ =	shalt  }
0x45: {  	_ =	shalt  }
0x46: {  	_ =	shalt  }
0x47: {  	_ =	shalt  }
0x48: {  	_ =	shalt  }
0x49: {  	_ =	shalt  }
0x4a: {  	_ =	shalt  }
0x4b: {  	_ =	shalt  }
0x4c: {  	_ =	shalt  }
0x4d: {  	_ =	shalt  }
0x4e: {  	_ =	shalt  }
0x4f: {  	_ =	shalt  }
0x50: {  	_ =	shalt  }
0x51: {  	_ =	shalt  }
0x52: {  	_ =	shalt  }
0x53: {  	_ =	shalt  }
0x54: {  	_ =	shalt  }
0x55: {  	_ =	shalt  }
0x56: {  	_ =	shalt  }
0x57: {  	_ =	shalt  }
0x58: {  	_ =	shalt  }
0x59: {  	_ =	shalt  }
0x5a: {  	_ =	shalt  }
0x5b: {  	_ =	shalt  }
0x5c: {  	_ =	shalt  }
0x5d: {  	_ =	shalt  }
0x5e: {  	_ =	shalt  }
0x5f: {  	_ =	shalt  }
0x60: {  	_ =	shalt  }
0x61: {  	_ =	shalt  }
0x62: {  	_ =	shalt  }
0x63: {  	_ =	shalt  }
0x64: {  	_ =	shalt  }
0x65: {  	_ =	shalt  }
0x66: {  	_ =	shalt  }
0x67: {  	_ =	shalt  }
0x68: {  	_ =	shalt  }
0x69: {  	_ =	shalt  }
0x6a: {  	_ =	shalt  }
0x6b: {  	_ =	shalt  }
0x6c: {  	_ =	shalt  }
0x6d: {  	_ =	shalt  }
0x6e: {  	_ =	shalt  }
0x6f: {  	_ =	shalt  }
0x70: {  	_ =	shalt  }
0x71: {  	_ =	shalt  }
0x72: {  	_ =	shalt  }
0x73: {  	_ =	shalt  }
0x74: {  	_ =	shalt  }
0x75: {  	_ =	shalt  }
0x76: {  	_ =	shalt  }
0x77: {  	_ =	shalt  }
0x78: {  	_ =	shalt  }
0x79: {  	_ =	shalt  }
0x7a: {  	_ =	shalt  }
0x7b: {  	_ =	shalt  }
0x7c: {  	_ =	shalt  }
0x7d: {  	_ =	shalt  }
0x7e: {  	_ =	shalt  }
0x7f: {  	_ =	shalt  }
0x80: {  	_ =	shalt  }
0x81: {  	_ =	shalt  }
0x82: {  	_ =	shalt  }
0x83: {  	_ =	shalt  }
0x84: {  	_ =	shalt  }
0x85: {  	_ =	shalt  }
0x86: {  	_ =	shalt  }
0x87: {  	_ =	shalt  }
.Lfunc_end0:
.L_simem_size_0:
called_computation.5_lowered:
.L_overlay_start_0:
0x88: {  	s2 =	sld [smem:$0x3FD9]  }
0x89: {  	s3 =	sld [smem:$0x3FFE];
	_ =	sdelay $0x1  }
0x8a: {  	s1 =	srdreg.scid  }
0x8b: {  	s0 =	sand.u32 $0x1, s1  }
0x8c: {  	s17 =	sshll.u32 s0, $0xA;
	s2 =	sadd.s32 s3, s2  }
0x8d: {  	s2 =	sadd.s32 s2, s17  }
0x8e: {  	[smem:$0x3FBA] =	sst s2  }
0x8f: {  	_ = 	snop  }
0x90: {  	(tm) =	ssettm $0x1  }
0x91: {  	s18 =	sld [smem:$0x3FFB];
	_ =	sdelay $0x3  }
0x92: {  	_ =	strace s18  }
0x93: {  	s2 =	sld [smem:$0x3FFC];
	_ =	sdelay $0x3  }
0x94: {  	_ =	strace s2  }
0x95: {  	s2 =	sld [smem:$0x3FFD];
	_ =	sdelay $0x3  }
0x96: {  	_ =	strace s2  }
0x97: {  	_ =	strace $0x8FFFFFFF  }
0x98: {  	s19 =	sld [smem:$0x3FDB];
	_ =	sdelay $0x1  }
0x99: {  	s20 =	simm.s32 $_scs_section_size  }
0x9a: {  	s4 =	simm.s32 $_size__tile_overlayer_lowered;
	s5 =	simm.s32 $_tile_overlayer_lowered  }
0x9b: {  	s6 =	simm.s32 $0x1BFF;
	s21 =	sshll.u32 s5, $0x1;
	s3 =	sadd.s32 s20, s19  }
0x9c: {  	s22 =	simm.s32 $0x0;
	s4 =	sshll.u32 s4, $0x1;
	s5 =	sadd.s32 s21, s3  }
0x9d: {  	[timem:s22], [sflag:s6] =	dma.local [hbm:s5], s4  }
0x9e: {  	_ =	swait.ge [sflag:s6], s4  }
0x9f: {  	s4 =	ssub.s32 $0x0, s4;
	[sflag:s6] =	ssyncset.done $0x0  }
0xa0: {  	[sflag:s6] =	ssyncadd.s32 s4;
	_ =	sdelay $0x1  }
0xa1: {  	s23 =	simm.s32 $0x1B8B  }
0xa2: {  	_ =	swait.ge [sflag:s23], $0x1  }
0xa3: {  	[sflag:s23] =	ssyncset.done $0x0  }
0xa4: {  	[sflag:s23] =	ssyncadd.s32 $0xFFFFFFFF  }
0xa5: {  	s4 =	sld [smem:$0x0]  }
0xa6: {  	s5 =	sand.u32 $0xFFFFFFFE, s1  }
0xa7: {  	p0 =	sne.s32 s1, s5  }
0xa8: {  	s5 =	sshll.u32 @p0 s5, $0xE  }
0xa9: {  	s5 =	sadd.s32 @p0 $0x11B8D, s5;
	s6 =	sshll.u32 @p0 s4, $0x11  }
0xaa: {  	s5 =	sor.u32 @p0 s6, s5  }
0xab: {  	[sflag:s5] =	ssyncadd.remote.s32 @p0 $0x1;
	_ =	sdelay $0x1  }
0xac: {  	s5 =	simm.s32 @p0 $0x1B8D  }
0xad: {  	_ =	swait.eq @p0 [sflag:s5], $0x1  }
0xae: {  	[sflag:s5] =	ssyncadd.s32 @p0 $0xFFFFFFFF  }
0xaf: {  	s6 =	sshll.u32 @!p0 s1, $0xE  }
0xb0: {  	s6 =	sor.u32 @!p0 $0x4000, s6;
	s5 =	simm.s32 @!p0 $0x1B8D  }
0xb1: {  	s4 =	sshll.u32 @!p0 s4, $0x11;
	s6 =	sadd.s32 @!p0 $0x11B8D, s6;
	_ =	swait.eq @!p0 [sflag:s5], $0x1  }
0xb2: {  	s4 =	sor.u32 @!p0 s4, s6;
	[sflag:s5] =	ssyncadd.s32 @!p0 $0xFFFFFFFF  }
0xb3: {  	s25 =	simm.s32 $0x1B8E;
	s24 =	sld [smem:$0x3FFE];
	[sflag:s4] =	ssyncadd.remote.s32 @!p0 $0x1  }
0xb4: {  	s26 =	simm.s32 $execute0_lowered;
	[smem:$0x3FD2] =	sst s25  }
0xb5: {  	s5 =	sshll.u32 s26, $0x1;
	_ =	strace $0x80000055;
	[dreg:$0x1] =	wrdreg $0xFFFFFFFF  }
0xb6: {  	s28 =	simm.s32 $_size_execute0_lowered;
	s3 =	sadd.s32 s3, s5;
	[dreg:$0x0] =	wrdreg $0x0  }
0xb7: {  	s5 =	sshll.u32 s28, $0x1;
	[dreg:$0x2] =	wrdreg s3  }
0xb8: {  	[dreg:$0x3] =	wrdreg s5  }
0xb9: {  	[dreg:$0x4] =	wrdreg $0xC0  }
0xba: {  	_ =	task [dreg:s22], $0x5FFFF  }
0xbb: {  	[dreg:$0x1] =	wrdreg $0xFFFFFFFF  }
0xbc: {  	[dreg:$0x0] =	wrdreg $0x60  }
0xbd: {  	[dreg:$0x2] =	wrdreg s24  }
0xbe: {  	[dreg:$0x3] =	wrdreg $0xA8000  }
0xbf: {  	[dreg:$0x4] =	wrdreg $0xA  }
0xc0: {  	_ =	task.clear_ibuf [dreg:s22], $0x5FFFF;
	_ =	strace $0x90000055  }
0xc1: {  	s29 =	simm.s32 $0xA;
	_ =	strace $0x80000057  }
0xc2: {  	_ =	swait.ge [sflag:s29], $0x1  }
0xc3: {  	[sflag:s29] =	ssyncadd.s32 $0xFFFFFFFF  }
0xc4: {  	_ =	strace $0x90000057  }
0xc5: {  	_ =	sfence  }
0xc6: {  	s30 =	sld [smem:$0x0];
	_ =	sdelay $0x2  }
0xc7: {  	s31 =	sshll.u32 s1, $0xD;
	s1 =	sshrl.u32 s1, $0x2  }
0xc8: {  	s4 =	sand.u32 $0x4000, s31;
	s1 =	sadd.s32 s1, s30  }
0xc9: {  	s0 =	sor.u32 s4, s0;
	s1 =	sshll.u32 s1, $0x11  }
0xca: {  	s0 =	sor.u32 s1, s0  }
0xcb: {  	s0 =	sadd.s32 $0x8F2B, s0  }
0xcc: {  	[sflag:s0] =	ssyncadd.remote.s32 $0x1  }
0xcd: {  	_ =	sfence.sel $0xFFFF  }
0xce: {  	[dreg:$0x0] =	wrdreg $0xFFFFFFFF;
	(pc) =	sbr.abs _section_cstart, $3  }
0xcf: {  	[dreg:$0x1] =	wrdreg $0xFFFFFFFF  }
0xd0: {  	_ =	task.clear_ibuf [dreg:s22], $0x2FFFF;
	_ =	strace $0x9FFFFFFF  }
0xd1: {  	(tm) =	ssettm $0x7FFFFFFF  }
tec
execute0_lowered:
.L_overlay_start_1:
0x0: {  	(tag) =	ssettag $0x1  }
0x1: {  	s10 =	rddreg [dreg:$0x0]  }
0x2: {  	s1 =	rddreg [dreg:$0x1]  }
0x3: {  	s2 =	srdreg.scid;
	s0 =	rddreg [dreg:$0x2];
	s3 =	simm.s32 $0x0  }
0x4: {  	s17 =	simm.s32 $0x7D;
	s18 =	simm.s32 $0x2800;
	s19 =	simm.s32 $0x1  }
0x5: {  	s20 =	simm.s32 $0x6800;
	s21 =	simm.s32 $0x2;
	s22 =	simm.s32 $0x1380  }
0x6: {  	s23 =	simm.s32 $0x2700;
	s24 =	simm.s32 $0x2780;
	s11 =	sand.u32 $0x1, s2  }
0x7: {  	s2 =	stileid.u32;
	[smem:$0x7FF] =	sst s3;
	s4 =	sadd.s32 $0x4AE00, s10  }
0x8: {  	s5 =	sadd.s32 $0x23C00, s10;
	s6 =	sadd.s32 $0x3400, s10;
	s8 =	smul.u32 $0x13C000, s11  }
0x9: {  	s7 =	sadd.s32 $0x17400, s10;
	s9 =	smul.u32 $0x13C00, s2;
	_ =	strace $0x80000056  }
0xa: {  	s13 =	smul.u32 $0x4F000, s2;
	s31 =	ssub.s32 $0x2, s11;
	s15 =	sshll.u32 s2, $0x6  }
0xb: {  	p0 =	seq.s32 s11, $0x1;
	s11 =	smul.u32 $0x5000, s2;
	s14 =	sshrl.u32 s31, $0x1  }
.Ltmp0:
0xc: {  	s9 =	sadd.s32 s9, s8;
	s8 =	sadd.s32 $0xD1400, s10;
	(pc) =	sbr.rel .LBB2_1-.Ltmp0, $4  }
0xd: {  	s13 =	sshrl.u32 s13, $0x2;
	s14 =	ssub.s32 s31, s14;
	s12 =	sshrl.u32 s9, $0x3  }
0xe: {  	s9 =	sadd.s32 $0x21400, s10;
	s16 =	sadd.s32 s13, s1;
	s13 =	smax.u32 s14, $0x1  }
0xf: {  	s12 =	sadd.s32 s12, s10;
	s10 =	sor.u32 $0x1C03, s15;
	s14 =	sshrl.u32 s16, $0x3  }
0x10: {  	s15 =	simm.s32 $0x3;
	s16 =	simm.s32 $0x1400;
	s12 =	sadd.s32 $0xDB400, s12  }
.LBB2_8:
0x11: {  	s3 =	sadd.s32 $0x1, s3  }
0x12: {  	p1 =	sne.s32 s3, s13  }
.Ltmp1:
0x13: {  	[bflag:$0x0] =	sbarrier.arrive $0xFFFF;
	(pc) =	sbr.rel @!p1 .LBB2_9-.Ltmp1, $4  }
0x14: {  	[hbm:s12], [sflag:s10] =	dma.local [spmem:s14], $0x2780  }
0x15: {  	_ =	swait.ge [sflag:s15], $0x2780  }
0x16: {  	[sflag:s15] =	ssyncset.done $0x0  }
0x17: {  	[sflag:s15] =	ssyncadd.s32 $0xFFFFD880  }
.LBB2_1:
0x18: {  	[spmem:s14], [sflag:s10] =	dma.local [hbm:s9], $0x2780  }
.Ltmp2:
0x19: {  	_ =	swait.ge [sflag:s15], $0x2780;
	(pc) =	sbr.rel @!p0 .LBB2_2-.Ltmp2, $4  }
0x1a: {  	[sflag:s15] =	ssyncset.done $0x0  }
0x1b: {  	[sflag:s15] =	ssyncadd.s32 $0xFFFFD880  }
0x1c: {  	[bflag:$0x0] =	sbarrier.arrive $0xFFFF  }
0x1d: {  	s25 =	simm.s32 $0x0;
	s26 =	simm.s32 $0x0  }
.LBB2_5:
0x1e: {  	s25 =	smul.u32 $0x1400, s26;
	_ =	sdelay $0x1  }
0x1f: {  	s25 =	sadd.s32 s11, s25  }
0x20: {  	s25 =	sshrl.u32 s25, $0x3  }
0x21: {  	s29 =	simm.s32 $0x0;
	s28 =	sadd.s32 s7, s25  }
0x22: {  	[tilespmem:s16], [sflag:$0x3] =	stream.linear.gather [hbm4b:s28+s29], $0x1400, $0x38;
	[tilespmem:$0x1E400] =	vst v63  }
0x23: {  	_ =	swait.ge [sflag:s15], $0x1400  }
0x24: {  	[sflag:s15] =	ssyncset.done $0x0  }
0x25: {  	s25 =	sadd.s32 s8, s25;
	[sflag:s15] =	ssyncadd.s32 $0xFFFFEC00  }
0x26: {  	[tilespmem:s29], [sflag:$0x3] =	stream.linear.gather [hbm4b:s25+s29], $0x1400, $0x38;
	[tilespmem:$0x1E400] =	vst v63  }
0x27: {  	_ =	swait.ge [sflag:s15], $0x1400  }
0x28: {  	[sflag:s15] =	ssyncset.done $0x0  }
0x29: {  	[sflag:s15] =	ssyncadd.s32 $0xFFFFEC00  }
0x2a: {  	[tilespmem:s18], [sflag:$0x1] =	stream.indirect.gather [hbm4b:s5+s17], $0x80, s29, s17, $0xb8;
	[tilespmem:$0x1E400] =	vst v63  }
0x2b: {  	_ =	swait.ge [sflag:s19], $0x3E80  }
0x2c: {  	[sflag:s19] =	ssyncset.done $0x0  }
0x2d: {  	s28 =	simm.s32 $0x80;
	[sflag:s19] =	ssyncadd.s32 $0xFFFFC180  }
0x2e: {  	[tilespmem:s20], [sflag:$0x2] =	stream.indirect.gather [hbm4b:s5+s17], $0x80, s28, s17, $0xb8;
	[tilespmem:$0x1E400] =	vst v63  }
0x2f: {  	s29 =	simm.s32 $0x1400  }
0x30: {  	[spmem:s1] =	stream.indirect.scatter.add.f32 [tilespmem:s18], [sflag:$0x3], $0x80, s29, s17, $0xb8;
	[tilespmem:$0x1E400] =	vst v63  }
0x31: {  	_ =	swait.ge [sflag:s15], $0x3E80  }
0x32: {  	[sflag:s15] =	ssyncset.done $0x0  }
0x33: {  	[sflag:s15] =	ssyncadd.s32 $0xFFFFC180  }
0x34: {  	_ =	swait.ge [sflag:s21], $0x3E80  }
0x35: {  	[sflag:s21] =	ssyncset.done $0x0  }
0x36: {  	s30 =	simm.s32 $0x100;
	[sflag:s21] =	ssyncadd.s32 $0xFFFFC180  }
0x37: {  	[tilespmem:s18], [sflag:$0x1] =	stream.indirect.gather [hbm4b:s5+s17], $0x80, s30, s17, $0xb8;
	[tilespmem:$0x1E400] =	vst v63  }
0x38: {  	s31 =	simm.s32 $0x1480  }
0x39: {  	[spmem:s1] =	stream.indirect.scatter.add.f32 [tilespmem:s20], [sflag:$0x3], $0x80, s31, s17, $0xb8;
	[tilespmem:$0x1E400] =	vst v63  }
0x3a: {  	_ =	swait.ge [sflag:s15], $0x3E80  }
0x3b: {  	s25 =	simm.s32 $0x400;
	[sflag:s15] =	ssyncset.done $0x0  }
.LBB2_6:
0x3c: {  	p1 =	sne.s32 s25, $0x4800  }
0x3d: {  	[sflag:s15] =	ssyncadd.s32 $0xFFFFC180;
	s28 =	smov.u32 s25;
	s25 =	sadd.s32 $0x400, s25  }
0x3e: {  	_ = 	snop  }
0x3f: {  	_ =	swait.ge [sflag:s19], $0x3E80  }
0x40: {  	s28 =	sshra.s32 s28, $0x2;
	[sflag:s19] =	ssyncset.done $0x0  }
0x41: {  	s29 =	sadd.s32 $0x80, s28;
	[sflag:s19] =	ssyncadd.s32 $0xFFFFC180  }
0x42: {  	[tilespmem:s20], [sflag:$0x2] =	stream.indirect.gather [hbm4b:s5+s17], $0x80, s29, s17, $0xb8;
	[tilespmem:$0x1E400] =	vst v63  }
0x43: {  	s29 =	sadd.s32 $0x1400, s28  }
0x44: {  	[spmem:s1] =	stream.indirect.scatter.add.f32 [tilespmem:s18], [sflag:$0x3], $0x80, s29, s17, $0xb8;
	[tilespmem:$0x1E400] =	vst v63  }
0x45: {  	_ =	swait.ge [sflag:s15], $0x3E80  }
0x46: {  	[sflag:s15] =	ssyncset.done $0x0  }
0x47: {  	[sflag:s15] =	ssyncadd.s32 $0xFFFFC180  }
0x48: {  	_ =	swait.ge [sflag:s21], $0x3E80  }
0x49: {  	[sflag:s21] =	ssyncset.done $0x0  }
0x4a: {  	s29 =	sadd.s32 $0x100, s28;
	[sflag:s21] =	ssyncadd.s32 $0xFFFFC180  }
0x4b: {  	[tilespmem:s18], [sflag:$0x1] =	stream.indirect.gather [hbm4b:s5+s17], $0x80, s29, s17, $0xb8;
	[tilespmem:$0x1E400] =	vst v63  }
.Ltmp3:
0x4c: {  	_ = 	snop;
	(pc) =	sbr.rel @p1 .LBB2_6-.Ltmp3, $4  }
0x4d: {  	s28 =	sadd.s32 $0x1480, s28  }
0x4e: {  	[spmem:s1] =	stream.indirect.scatter.add.f32 [tilespmem:s20], [sflag:$0x3], $0x80, s28, s17, $0xb8;
	[tilespmem:$0x1E400] =	vst v63  }
0x4f: {  	_ =	swait.ge [sflag:s15], $0x3E80  }
0x50: {  	[sflag:s15] =	ssyncset.done $0x0  }
0x51: {  	[sflag:s15] =	ssyncadd.s32 $0xFFFFC180  }
0x52: {  	_ =	swait.ge [sflag:s19], $0x3E80  }
0x53: {  	[sflag:s19] =	ssyncset.done $0x0  }
0x54: {  	[sflag:s19] =	ssyncadd.s32 $0xFFFFC180  }
0x55: {  	[tilespmem:s20], [sflag:$0x2] =	stream.indirect.gather [hbm4b:s5+s17], $0x80, s22, s17, $0xb8;
	[tilespmem:$0x1E400] =	vst v63  }
0x56: {  	_ = 	snop  }
0x57: {  	[spmem:s1] =	stream.indirect.scatter.add.f32 [tilespmem:s18], [sflag:$0x3], $0x80, s23, s17, $0xb8;
	[tilespmem:$0x1E400] =	vst v63  }
0x58: {  	_ =	swait.ge [sflag:s15], $0x3E80  }
0x59: {  	[sflag:s15] =	ssyncset.done $0x0  }
0x5a: {  	[sflag:s15] =	ssyncadd.s32 $0xFFFFC180  }
0x5b: {  	_ =	swait.ge [sflag:s21], $0x3E80  }
0x5c: {  	s26 =	sadd.s32 $0x1, s26;
	[sflag:s21] =	ssyncset.done $0x0  }
0x5d: {  	p1 =	sne.s32 s26, $0x4;
	[sflag:s21] =	ssyncadd.s32 $0xFFFFC180  }
0x5e: {  	[spmem:s1] =	stream.indirect.scatter.add.f32 [tilespmem:s20], [sflag:$0x3], $0x80, s24, s17, $0xb8;
	[tilespmem:$0x1E400] =	vst v63  }
.Ltmp4:
0x5f: {  	_ = 	snop;
	(pc) =	sbr.rel @p1 .LBB2_5-.Ltmp4, $4  }
.Ltmp5:
0x60: {  	_ = 	snop;
	(pc) =	sbr.rel @!p1 .LBB2_8-.Ltmp5, $4  }
0x61: {  	_ =	swait.ge [sflag:s15], $0x3E80  }
0x62: {  	[sflag:s15] =	ssyncset.done $0x0  }
0x63: {  	[sflag:s15] =	ssyncadd.s32 $0xFFFFC180  }
0x64: {  	_ = 	snop  }
.LBB2_2:
0x65: {  	s26 =	smul.u32 $0x1400, s25;
	_ =	sdelay $0x1  }
0x66: {  	s26 =	sadd.s32 s11, s26  }
0x67: {  	s26 =	sshrl.u32 s26, $0x3  }
0x68: {  	s29 =	simm.s32 $0x0;
	s28 =	sadd.s32 s6, s26  }
0x69: {  	[tilespmem:s16], [sflag:$0x3] =	stream.linear.gather [hbm4b:s28+s29], $0x1400, $0x38;
	[tilespmem:$0x1E400] =	vst v63  }
0x6a: {  	_ =	swait.ge [sflag:s15], $0x1400  }
0x6b: {  	[sflag:s15] =	ssyncset.done $0x0  }
0x6c: {  	s26 =	sadd.s32 s8, s26;
	[sflag:s15] =	ssyncadd.s32 $0xFFFFEC00  }
0x6d: {  	[tilespmem:s29], [sflag:$0x3] =	stream.linear.gather [hbm4b:s26+s29], $0x1400, $0x38;
	[tilespmem:$0x1E400] =	vst v63  }
0x6e: {  	_ =	swait.ge [sflag:s15], $0x1400  }
0x6f: {  	[sflag:s15] =	ssyncset.done $0x0  }
0x70: {  	[sflag:s15] =	ssyncadd.s32 $0xFFFFEC00  }
0x71: {  	[tilespmem:s18], [sflag:$0x1] =	stream.indirect.gather [hbm4b:s4+s17], $0x80, s29, s17, $0xb8;
	[tilespmem:$0x1E400] =	vst v63  }
0x72: {  	_ =	swait.ge [sflag:s19], $0x3E80  }
0x73: {  	[sflag:s19] =	ssyncset.done $0x0  }
0x74: {  	s28 =	simm.s32 $0x80;
	[sflag:s19] =	ssyncadd.s32 $0xFFFFC180  }
0x75: {  	[tilespmem:s20], [sflag:$0x2] =	stream.indirect.gather [hbm4b:s4+s17], $0x80, s28, s17, $0xb8;
	[tilespmem:$0x1E400] =	vst v63  }
0x76: {  	s29 =	simm.s32 $0x1400  }
0x77: {  	[spmem:s1] =	stream.indirect.scatter.add.f32 [tilespmem:s18], [sflag:$0x3], $0x80, s29, s17, $0xb8;
	[tilespmem:$0x1E400] =	vst v63  }
0x78: {  	_ =	swait.ge [sflag:s15], $0x3E80  }
0x79: {  	[sflag:s15] =	ssyncset.done $0x0  }
0x7a: {  	[sflag:s15] =	ssyncadd.s32 $0xFFFFC180  }
0x7b: {  	_ =	swait.ge [sflag:s21], $0x3E80  }
0x7c: {  	[sflag:s21] =	ssyncset.done $0x0  }
0x7d: {  	s30 =	simm.s32 $0x100;
	[sflag:s21] =	ssyncadd.s32 $0xFFFFC180  }
0x7e: {  	[tilespmem:s18], [sflag:$0x1] =	stream.indirect.gather [hbm4b:s4+s17], $0x80, s30, s17, $0xb8;
	[tilespmem:$0x1E400] =	vst v63  }
0x7f: {  	s31 =	simm.s32 $0x1480  }
0x80: {  	[spmem:s1] =	stream.indirect.scatter.add.f32 [tilespmem:s20], [sflag:$0x3], $0x80, s31, s17, $0xb8;
	[tilespmem:$0x1E400] =	vst v63  }
0x81: {  	_ =	swait.ge [sflag:s15], $0x3E80  }
0x82: {  	s26 =	simm.s32 $0x400;
	[sflag:s15] =	ssyncset.done $0x0  }
.LBB2_3:
0x83: {  	p1 =	sne.s32 s26, $0x4800  }
0x84: {  	[sflag:s15] =	ssyncadd.s32 $0xFFFFC180;
	s28 =	smov.u32 s26;
	s26 =	sadd.s32 $0x400, s26  }
0x85: {  	_ = 	snop  }
0x86: {  	_ =	swait.ge [sflag:s19], $0x3E80  }
0x87: {  	s28 =	sshra.s32 s28, $0x2;
	[sflag:s19] =	ssyncset.done $0x0  }
0x88: {  	s29 =	sadd.s32 $0x80, s28;
	[sflag:s19] =	ssyncadd.s32 $0xFFFFC180  }
0x89: {  	[tilespmem:s20], [sflag:$0x2] =	stream.indirect.gather [hbm4b:s4+s17], $0x80, s29, s17, $0xb8;
	[tilespmem:$0x1E400] =	vst v63  }
0x8a: {  	s29 =	sadd.s32 $0x1400, s28  }
0x8b: {  	[spmem:s1] =	stream.indirect.scatter.add.f32 [tilespmem:s18], [sflag:$0x3], $0x80, s29, s17, $0xb8;
	[tilespmem:$0x1E400] =	vst v63  }
0x8c: {  	_ =	swait.ge [sflag:s15], $0x3E80  }
0x8d: {  	[sflag:s15] =	ssyncset.done $0x0  }
0x8e: {  	[sflag:s15] =	ssyncadd.s32 $0xFFFFC180  }
0x8f: {  	_ =	swait.ge [sflag:s21], $0x3E80  }
0x90: {  	[sflag:s21] =	ssyncset.done $0x0  }
0x91: {  	s29 =	sadd.s32 $0x100, s28;
	[sflag:s21] =	ssyncadd.s32 $0xFFFFC180  }
0x92: {  	[tilespmem:s18], [sflag:$0x1] =	stream.indirect.gather [hbm4b:s4+s17], $0x80, s29, s17, $0xb8;
	[tilespmem:$0x1E400] =	vst v63  }
.Ltmp6:
0x93: {  	_ = 	snop;
	(pc) =	sbr.rel @p1 .LBB2_3-.Ltmp6, $4  }
0x94: {  	s28 =	sadd.s32 $0x1480, s28  }
0x95: {  	[spmem:s1] =	stream.indirect.scatter.add.f32 [tilespmem:s20], [sflag:$0x3], $0x80, s28, s17, $0xb8;
	[tilespmem:$0x1E400] =	vst v63  }
0x96: {  	_ =	swait.ge [sflag:s15], $0x3E80  }
0x97: {  	[sflag:s15] =	ssyncset.done $0x0  }
0x98: {  	[sflag:s15] =	ssyncadd.s32 $0xFFFFC180  }
0x99: {  	_ =	swait.ge [sflag:s19], $0x3E80  }
0x9a: {  	[sflag:s19] =	ssyncset.done $0x0  }
0x9b: {  	[sflag:s19] =	ssyncadd.s32 $0xFFFFC180  }
0x9c: {  	[tilespmem:s20], [sflag:$0x2] =	stream.indirect.gather [hbm4b:s4+s17], $0x80, s22, s17, $0xb8;
	[tilespmem:$0x1E400] =	vst v63  }
0x9d: {  	_ = 	snop  }
0x9e: {  	[spmem:s1] =	stream.indirect.scatter.add.f32 [tilespmem:s18], [sflag:$0x3], $0x80, s23, s17, $0xb8;
	[tilespmem:$0x1E400] =	vst v63  }
0x9f: {  	_ =	swait.ge [sflag:s15], $0x3E80  }
0xa0: {  	[sflag:s15] =	ssyncset.done $0x0  }
0xa1: {  	[sflag:s15] =	ssyncadd.s32 $0xFFFFC180  }
0xa2: {  	_ =	swait.ge [sflag:s21], $0x3E80  }
0xa3: {  	s25 =	sadd.s32 $0x1, s25;
	[sflag:s21] =	ssyncset.done $0x0  }
0xa4: {  	p1 =	seq.s32 s25, $0x4;
	[sflag:s21] =	ssyncadd.s32 $0xFFFFC180  }
0xa5: {  	[spmem:s1] =	stream.indirect.scatter.add.f32 [tilespmem:s20], [sflag:$0x3], $0x80, s24, s17, $0xb8;
	[tilespmem:$0x1E400] =	vst v63  }
.Ltmp7:
0xa6: {  	_ = 	snop;
	(pc) =	sbr.rel @!p1 .LBB2_2-.Ltmp7, $4  }
.Ltmp8:
0xa7: {  	_ = 	snop;
	(pc) =	sbr.rel @p1 .LBB2_8-.Ltmp8, $4  }
0xa8: {  	_ =	swait.ge [sflag:s15], $0x3E80  }
0xa9: {  	[sflag:s15] =	ssyncset.done $0x0  }
0xaa: {  	[sflag:s15] =	ssyncadd.s32 $0xFFFFC180  }
0xab: {  	_ = 	snop  }
.LBB2_9:
0xac: {  	_ =	sfence.sel $0x180000  }
0xad: {  	[bflag:$0x0] =	sbarrier.arrive $0xFFFF  }
0xae: {  	p0 =	sne.s32 s2, $0x0;
	_ =	strace $0x90000056  }
0xaf: {  	s0 =	sadd.s32 @!p0 $0x100000, s0;
	[bflag:$0x2] =	sbarrier.arrive $0xFFFF  }
0xb0: {  	[sflag:s0] =	ssyncadd.tile.s32 @!p0 $0x1;
	_ =	shalt  }
.Lfunc_end2:
_tile_overlayer_lowered:
.L_overlay_start_2:
0xb1: {  	(tag) =	ssettag $0x2  }
0xb2: {  	s0 =	rddreg [dreg:$0x0];
	s2 =	stileid.u32  }
0xb3: {  	s1 =	rddreg [dreg:$0x1];
	p0 =	sne.s32 s2, $0x0  }
0xb4: {  	s3 =	rddreg [dreg:$0x2];
	[bflag:$0x3] =	sbarrier.arrive $0xFFFF;
	s2 =	simm.s32 @!p0 $0x1C03  }
0xb5: {  	[timem:s3], [sflag:s2] =	dma.local @!p0 [hbm:s0], s1  }
0xb6: {  	s0 =	simm.s32 @!p0 $0x3  }
0xb7: {  	_ =	swait.ge @!p0 [sflag:s0], s1  }
0xb8: {  	s1 =	ssub.s32 @!p0 $0x0, s1;
	[sflag:s0] =	ssyncset.done @!p0 $0x0  }
0xb9: {  	[sflag:s0] =	ssyncadd.s32 @!p0 s1  }
0xba: {  	[bflag:$0x3] =	sbarrier.arrive $0xFFFF  }
0xbb: {  	_ =	shalt  }

// kernel: kernel.30.cloned.1.call-start
scs
__scs_entry_jumppad:
0x0: {  	(pc) =	sbr.rel $0x88, $3  }
0x1: {  	(tag) =	ssettag $0x0;
	lr =	simm.s32 $0x1  }
0x2: {  	[smem:$0x3F93] =	sst lr;
	_ =	strace $0xD0000000  }
0x3: {  	_ = 	snop  }
0x4: {  	_ = 	snop  }
0x5: {  	_ = 	snop  }
0x6: {  	_ = 	snop  }
0x7: {  	_ = 	snop  }
__scs_overlays_trampoline_lowered:
0x8: {  	[smem:$0x3FA2] =	sst s0  }
0x9: {  	[smem:$0x3FA3] =	sst s1  }
0xa: {  	[smem:$0x3FA4] =	sst s2  }
0xb: {  	[smem:$0x3FA5] =	sst s3  }
0xc: {  	[smem:$0x3FA6] =	sst s4  }
0xd: {  	[smem:$0x3FA7] =	sst s5  }
0xe: {  	[smem:$0x3FA8] =	sst s6  }
0xf: {  	[smem:$0x3FA9] =	sst s7  }
0x10: {  	[smem:$0x3FAA] =	sst s8  }
0x11: {  	[smem:$0x3FAB] =	sst s9;
	s0 =	simm.s32 @!p0 $0x0  }
0x12: {  	s1 =	sld [smem:$0x3F91];
	s0 =	simm.s32 @p0 $0x1  }
0x13: {  	[smem:$0x3FAC] =	sst s0;
	s0 =	simm.s32 @!p1 $0x0  }
0x14: {  	s2 =	sld [smem:$0x3F90];
	s0 =	simm.s32 @p1 $0x1  }
0x15: {  	[smem:$0x3FAD] =	sst s0;
	s0 =	simm.s32 @!p2 $0x0  }
0x16: {  	s3 =	sld [smem:$0x3FDB];
	s0 =	simm.s32 @p2 $0x1  }
0x17: {  	s4 =	simm.s32 $0x1BF5;
	[smem:$0x3FAF] =	sst s0  }
0x18: {  	s0 =	sld [smem:$0x3F92];
	_ =	swait.ge [sflag:s4], $0x0  }
0x19: {  	s7 =	sld [smem:$0x3F93]  }
0x1a: {  	s8 =	sadd.s32 $0xFFFFE003, lr  }
0x1b: {  	s9 =	sadd.s32 $0xFFFFFEF7, lr;
	s5 =	simm.s32 $0xFFFFFFFF;
	p2 =	slt.u32 s8, $0xFFFFF086  }
0x1c: {  	p1 =	slt.u32 s9, $0xF7A;
	s5 =	simm.s32 @!p2 $0x0  }
0x1d: {  	s5 =	simm.s32 @p1 $0x1;
	p0 =	seq.s32 s7, s2  }
0x1e: {  	s7 =	smul.u32 @!p0 $0xF7A, s2;
	p2 =	seq.s32 @!p0 s5, $0x0  }
0x1f: {  	s9 =	smul.u32 $0xF7A, s1;
	s8 =	simm.s32 @!p0 $0x1BF5;
	p2 =	por !p2, p0  }
0x20: {  	[sflag:s8] =	ssyncset.s32 @!p0 $0xFFFFF086;
	s6 =	sadd.s32 @!p0 s3, s7;
	s7 =	simm.s32 @!p0 $0x108  }
0x21: {  	s3 =	sadd.s32 s3, s9;
	s6 =	sadd.s32 @!p0 $0x88, s6;
	s7 =	simm.s32 @p2 $0x1082  }
0x22: {  	[simem:s7], [sflag:s8] =	dma.local @!p0 [hbm:s6], $0xF7A  }
0x23: {  	s9 =	sor.u32 $0xD0000000, s2;
	s6 =	simm.s32 $0x108;
	_ =	swait.ge @!p0 [sflag:s8], $0x0  }
0x24: {  	s3 =	sadd.s32 $0x88, s3;
	s6 =	simm.s32 @!p1 $0x1082;
	[sflag:s4] =	ssyncset.s32 $0xFFFFF086  }
0x25: {  	[simem:s6], [sflag:s4] =	dma.local [hbm:s3], $0xF7A  }
0x26: {  	[smem:$0x3F93] =	sst s1;
	(tag) =	ssettag s2;
	_ =	strace s9  }
0x27: {  	s1 =	sld [smem:$0x3FA3]  }
0x28: {  	s2 =	sld [smem:$0x3FA4]  }
0x29: {  	s4 =	sld [smem:$0x3FA6]  }
0x2a: {  	p0 =	seq.s32 s5, $0x0;
	s5 =	sld [smem:$0x3FA7]  }
0x2b: {  	s6 =	sld [smem:$0x3FA8]  }
0x2c: {  	s7 =	sld [smem:$0x3FA9]  }
0x2d: {  	s3 =	simm.s32 $0x108;
	s8 =	sld [smem:$0x3FAA]  }
0x2e: {  	s3 =	simm.s32 @!p0 $0x1082;
	s9 =	sld [smem:$0x3FAB]  }
0x2f: {  	lr =	sadd.s32 s0, s3;
	s0 =	sld [smem:$0x3FA2]  }
0x30: {  	s3 =	sld [smem:$0x3FA5]  }
0x31: {  	[smem:$0x3FAE] =	sst s10  }
0x32: {  	s10 =	sld [smem:$0x3FAC];
	_ =	sdelay $0x3  }
0x33: {  	p0 =	seq.s32 s10, $0x1;
	s10 =	sld [smem:$0x3FAE];
	_ =	sdelay $0x3  }
0x34: {  	[smem:$0x3FAE] =	sst s10  }
0x35: {  	s10 =	sld [smem:$0x3FAD];
	_ =	sdelay $0x3  }
0x36: {  	p1 =	seq.s32 s10, $0x1;
	s10 =	sld [smem:$0x3FAE];
	_ =	sdelay $0x3  }
0x37: {  	[smem:$0x3FAE] =	sst s10  }
0x38: {  	s10 =	sld [smem:$0x3FAF]  }
0x39: {  	_ = 	snop;
	(pc) =	sbr.ind lr, $3  }
0x3a: {  	_ = 	snop  }
0x3b: {  	_ = 	snop  }
0x3c: {  	p2 =	seq.s32 s10, $0x1;
	s10 =	sld [smem:$0x3FAE]  }
0x3d: {  	_ =	shalt  }
0x3e: {  	_ =	shalt  }
0x3f: {  	_ =	shalt  }
0x40: {  	_ =	shalt  }
0x41: {  	_ =	shalt  }
0x42: {  	_ =	shalt  }
0x43: {  	_ =	shalt  }
0x44: {  	_ =	shalt  }
0x45: {  	_ =	shalt  }
0x46: {  	_ =	shalt  }
0x47: {  	_ =	shalt  }
0x48: {  	_ =	shalt  }
0x49: {  	_ =	shalt  }
0x4a: {  	_ =	shalt  }
0x4b: {  	_ =	shalt  }
0x4c: {  	_ =	shalt  }
0x4d: {  	_ =	shalt  }
0x4e: {  	_ =	shalt  }
0x4f: {  	_ =	shalt  }
0x50: {  	_ =	shalt  }
0x51: {  	_ =	shalt  }
0x52: {  	_ =	shalt  }
0x53: {  	_ =	shalt  }
0x54: {  	_ =	shalt  }
0x55: {  	_ =	shalt  }
0x56: {  	_ =	shalt  }
0x57: {  	_ =	shalt  }
0x58: {  	_ =	shalt  }
0x59: {  	_ =	shalt  }
0x5a: {  	_ =	shalt  }
0x5b: {  	_ =	shalt  }
0x5c: {  	_ =	shalt  }
0x5d: {  	_ =	shalt  }
0x5e: {  	_ =	shalt  }
0x5f: {  	_ =	shalt  }
0x60: {  	_ =	shalt  }
0x61: {  	_ =	shalt  }
0x62: {  	_ =	shalt  }
0x63: {  	_ =	shalt  }
0x64: {  	_ =	shalt  }
0x65: {  	_ =	shalt  }
0x66: {  	_ =	shalt  }
0x67: {  	_ =	shalt  }
0x68: {  	_ =	shalt  }
0x69: {  	_ =	shalt  }
0x6a: {  	_ =	shalt  }
0x6b: {  	_ =	shalt  }
0x6c: {  	_ =	shalt  }
0x6d: {  	_ =	shalt  }
0x6e: {  	_ =	shalt  }
0x6f: {  	_ =	shalt  }
0x70: {  	_ =	shalt  }
0x71: {  	_ =	shalt  }
0x72: {  	_ =	shalt  }
0x73: {  	_ =	shalt  }
0x74: {  	_ =	shalt  }
0x75: {  	_ =	shalt  }
0x76: {  	_ =	shalt  }
0x77: {  	_ =	shalt  }
0x78: {  	_ =	shalt  }
0x79: {  	_ =	shalt  }
0x7a: {  	_ =	shalt  }
0x7b: {  	_ =	shalt  }
0x7c: {  	_ =	shalt  }
0x7d: {  	_ =	shalt  }
0x7e: {  	_ =	shalt  }
0x7f: {  	_ =	shalt  }
0x80: {  	_ =	shalt  }
0x81: {  	_ =	shalt  }
0x82: {  	_ =	shalt  }
0x83: {  	_ =	shalt  }
0x84: {  	_ =	shalt  }
0x85: {  	_ =	shalt  }
0x86: {  	_ =	shalt  }
0x87: {  	_ =	shalt  }
.Lfunc_end0:
.L_simem_size_0:
called_computation.6_lowered:
.L_overlay_start_0:
0x88: {  	s2 =	sld [smem:$0x3FD9]  }
0x89: {  	s3 =	sld [smem:$0x3FFE];
	_ =	sdelay $0x1  }
0x8a: {  	s1 =	srdreg.scid  }
0x8b: {  	s0 =	sand.u32 $0x1, s1  }
0x8c: {  	s16 =	sshll.u32 s0, $0xA;
	s2 =	sadd.s32 s3, s2  }
0x8d: {  	s2 =	sadd.s32 s2, s16  }
0x8e: {  	[smem:$0x3FBA] =	sst s2  }
0x8f: {  	_ = 	snop  }
0x90: {  	(tm) =	ssettm $0x1  }
0x91: {  	s17 =	sld [smem:$0x3FFB];
	_ =	sdelay $0x3  }
0x92: {  	_ =	strace s17  }
0x93: {  	s2 =	sld [smem:$0x3FFC];
	_ =	sdelay $0x3  }
0x94: {  	_ =	strace s2  }
0x95: {  	s2 =	sld [smem:$0x3FFD];
	_ =	sdelay $0x3  }
0x96: {  	_ =	strace s2  }
0x97: {  	_ =	strace $0x8FFFFFFF  }
0x98: {  	s18 =	sld [smem:$0x3FDB];
	_ =	sdelay $0x1  }
0x99: {  	s19 =	simm.s32 $_scs_section_size  }
0x9a: {  	s4 =	simm.s32 $_size__tile_overlayer_lowered;
	s5 =	simm.s32 $_tile_overlayer_lowered  }
0x9b: {  	s22 =	simm.s32 $0x1BFF;
	s21 =	sshll.u32 s5, $0x1;
	s2 =	sadd.s32 s19, s18  }
0x9c: {  	s6 =	simm.s32 $0x0;
	s20 =	sshll.u32 s4, $0x1;
	s4 =	sadd.s32 s21, s2  }
0x9d: {  	[timem:s6], [sflag:s22] =	dma.local [hbm:s4], s20  }
0x9e: {  	_ =	swait.ge [sflag:s22], s20  }
0x9f: {  	s3 =	ssub.s32 $0x0, s20;
	[sflag:s22] =	ssyncset.done $0x0  }
0xa0: {  	[sflag:s22] =	ssyncadd.s32 s3;
	_ =	sdelay $0x1  }
0xa1: {  	s23 =	simm.s32 $0x1B8B  }
0xa2: {  	_ =	swait.ge [sflag:s23], $0x1  }
0xa3: {  	[sflag:s23] =	ssyncset.done $0x0  }
0xa4: {  	s25 =	simm.s32 $0x1B8E;
	s24 =	sld [smem:$0x3FFE];
	[sflag:s23] =	ssyncadd.s32 $0xFFFFFFFF  }
0xa5: {  	s26 =	simm.s32 $execute0_lowered;
	[smem:$0x3FD2] =	sst s25  }
0xa6: {  	s4 =	sshll.u32 s26, $0x1;
	_ =	strace $0x80000052;
	[dreg:$0x1] =	wrdreg $0xFFFFFFFF  }
0xa7: {  	s28 =	simm.s32 $_size_execute0_lowered;
	s2 =	sadd.s32 s2, s4;
	[dreg:$0x0] =	wrdreg $0x0  }
0xa8: {  	s4 =	sshll.u32 s28, $0x1;
	[dreg:$0x2] =	wrdreg s2  }
0xa9: {  	[dreg:$0x3] =	wrdreg s4  }
0xaa: {  	[dreg:$0x4] =	wrdreg $0xC0  }
0xab: {  	_ =	task [dreg:s6], $0x5FFFF  }
0xac: {  	[dreg:$0x1] =	wrdreg $0xFFFFFFFF  }
0xad: {  	[dreg:$0x0] =	wrdreg $0x60  }
0xae: {  	[dreg:$0x2] =	wrdreg s24  }
0xaf: {  	[dreg:$0x3] =	wrdreg $0xA8000  }
0xb0: {  	[dreg:$0x4] =	wrdreg $0xB  }
0xb1: {  	_ =	task.clear_ibuf [dreg:s6], $0x5FFFF;
	_ =	strace $0x90000052  }
0xb2: {  	s29 =	simm.s32 $0xB;
	_ =	strace $0x80000054  }
0xb3: {  	_ =	swait.ge [sflag:s29], $0x1  }
0xb4: {  	[sflag:s29] =	ssyncadd.s32 $0xFFFFFFFF  }
0xb5: {  	_ =	strace $0x90000054  }
0xb6: {  	_ =	sfence  }
0xb7: {  	s30 =	sld [smem:$0x0];
	_ =	sdelay $0x2  }
0xb8: {  	s31 =	sshll.u32 s1, $0xD;
	s1 =	sshrl.u32 s1, $0x2  }
0xb9: {  	s3 =	sand.u32 $0x4000, s31;
	s1 =	sadd.s32 s1, s30  }
0xba: {  	s0 =	sor.u32 s3, s0;
	s1 =	sshll.u32 s1, $0x11  }
0xbb: {  	s0 =	sor.u32 s1, s0  }
0xbc: {  	s0 =	sadd.s32 $0x8F2B, s0  }
0xbd: {  	[sflag:s0] =	ssyncadd.remote.s32 $0x1  }
0xbe: {  	_ =	sfence.sel $0xFFFF  }
0xbf: {  	[dreg:$0x0] =	wrdreg $0xFFFFFFFF;
	(pc) =	sbr.abs _section_cstart, $3  }
0xc0: {  	[dreg:$0x1] =	wrdreg $0xFFFFFFFF  }
0xc1: {  	_ =	task.clear_ibuf [dreg:s6], $0x2FFFF;
	_ =	strace $0x9FFFFFFF  }
0xc2: {  	(tm) =	ssettm $0x7FFFFFFF  }
0xc3: {  	_ =	shalt  }
tec
execute0_lowered:
.L_overlay_start_1:
0x0: {  	(tag) =	ssettag $0x1  }
0x1: {  	s9 =	rddreg [dreg:$0x0]  }
0x2: {  	s1 =	rddreg [dreg:$0x1]  }
0x3: {  	s2 =	srdreg.scid;
	s0 =	rddreg [dreg:$0x2]  }
0x4: {  	s3 =	simm.s32 $0x0;
	s16 =	simm.s32 $0x7D;
	s17 =	simm.s32 $0x2800  }
0x5: {  	s18 =	simm.s32 $0x1;
	s19 =	simm.s32 $0x6800;
	s20 =	simm.s32 $0x2  }
0x6: {  	s21 =	simm.s32 $0x1380;
	s22 =	simm.s32 $0x2700;
	s23 =	simm.s32 $0x2780  }
0x7: {  	s10 =	sand.u32 $0x1, s2;
	s2 =	stileid.u32;
	[smem:$0x7FF] =	sst s3  }
0x8: {  	s4 =	sadd.s32 $0x23C00, s9;
	s5 =	sadd.s32 $0xD400, s9;
	s7 =	smul.u32 $0x13C000, s10  }
0x9: {  	s6 =	sadd.s32 $0x3400, s9;
	s8 =	smul.u32 $0x13C00, s2;
	_ =	strace $0x80000053  }
0xa: {  	s12 =	smul.u32 $0x4F000, s2;
	s31 =	ssub.s32 $0x2, s10;
	s14 =	sshll.u32 s2, $0x6  }
0xb: {  	p0 =	seq.s32 s10, $0x1;
	s10 =	smul.u32 $0x5000, s2;
	s13 =	sshrl.u32 s31, $0x1  }
.Ltmp0:
0xc: {  	s8 =	sadd.s32 s8, s7;
	s7 =	sadd.s32 $0xD1400, s9;
	(pc) =	sbr.rel .LBB2_1-.Ltmp0, $4  }
0xd: {  	s12 =	sshrl.u32 s12, $0x2;
	s13 =	ssub.s32 s31, s13;
	s11 =	sshrl.u32 s8, $0x3  }
0xe: {  	s8 =	sadd.s32 $0x21400, s9;
	s15 =	sadd.s32 s12, s1;
	s12 =	smax.u32 s13, $0x1  }
0xf: {  	s11 =	sadd.s32 s11, s9;
	s9 =	sor.u32 $0x1C03, s14;
	s13 =	sshrl.u32 s15, $0x3  }
0x10: {  	s14 =	simm.s32 $0x3;
	s15 =	simm.s32 $0x1400;
	s11 =	sadd.s32 $0x72000, s11  }
.LBB2_8:
0x11: {  	s3 =	sadd.s32 $0x1, s3  }
0x12: {  	p1 =	sne.s32 s3, s12  }
.Ltmp1:
0x13: {  	[bflag:$0x0] =	sbarrier.arrive $0xFFFF;
	(pc) =	sbr.rel @!p1 .LBB2_9-.Ltmp1, $4  }
0x14: {  	[hbm:s11], [sflag:s9] =	dma.local [spmem:s13], $0x2780  }
0x15: {  	_ =	swait.ge [sflag:s14], $0x2780  }
0x16: {  	[sflag:s14] =	ssyncset.done $0x0  }
0x17: {  	[sflag:s14] =	ssyncadd.s32 $0xFFFFD880  }
.LBB2_1:
0x18: {  	[spmem:s13], [sflag:s9] =	dma.local [hbm:s8], $0x2780  }
.Ltmp2:
0x19: {  	_ =	swait.ge [sflag:s14], $0x2780;
	(pc) =	sbr.rel @!p0 .LBB2_2-.Ltmp2, $4  }
0x1a: {  	[sflag:s14] =	ssyncset.done $0x0  }
0x1b: {  	[sflag:s14] =	ssyncadd.s32 $0xFFFFD880  }
0x1c: {  	[bflag:$0x0] =	sbarrier.arrive $0xFFFF  }
0x1d: {  	s24 =	simm.s32 $0x0;
	s25 =	simm.s32 $0x0  }
.LBB2_5:
0x1e: {  	s24 =	smul.u32 $0x1400, s25;
	_ =	sdelay $0x1  }
0x1f: {  	s24 =	sadd.s32 s10, s24  }
0x20: {  	s24 =	sshrl.u32 s24, $0x3  }
0x21: {  	s28 =	simm.s32 $0x0;
	s26 =	sadd.s32 s6, s24  }
0x22: {  	[tilespmem:s15], [sflag:$0x3] =	stream.linear.gather [hbm4b:s26+s28], $0x1400, $0x38;
	[tilespmem:$0x1E400] =	vst v63  }
0x23: {  	_ =	swait.ge [sflag:s14], $0x1400  }
0x24: {  	[sflag:s14] =	ssyncset.done $0x0  }
0x25: {  	s24 =	sadd.s32 s7, s24;
	[sflag:s14] =	ssyncadd.s32 $0xFFFFEC00  }
0x26: {  	[tilespmem:s28], [sflag:$0x3] =	stream.linear.gather [hbm4b:s24+s28], $0x1400, $0x38;
	[tilespmem:$0x1E400] =	vst v63  }
0x27: {  	_ =	swait.ge [sflag:s14], $0x1400  }
0x28: {  	[sflag:s14] =	ssyncset.done $0x0  }
0x29: {  	[sflag:s14] =	ssyncadd.s32 $0xFFFFEC00  }
0x2a: {  	[tilespmem:s17], [sflag:$0x1] =	stream.indirect.gather [hbm4b:s4+s16], $0x80, s28, s16, $0xb8;
	[tilespmem:$0x1E400] =	vst v63  }
0x2b: {  	_ =	swait.ge [sflag:s18], $0x3E80  }
0x2c: {  	[sflag:s18] =	ssyncset.done $0x0  }
0x2d: {  	s28 =	simm.s32 $0x80;
	[sflag:s18] =	ssyncadd.s32 $0xFFFFC180  }
0x2e: {  	[tilespmem:s19], [sflag:$0x2] =	stream.indirect.gather [hbm4b:s4+s16], $0x80, s28, s16, $0xb8;
	[tilespmem:$0x1E400] =	vst v63  }
0x2f: {  	s29 =	simm.s32 $0x1400  }
0x30: {  	[spmem:s1] =	stream.indirect.scatter.add.f32 [tilespmem:s17], [sflag:$0x3], $0x80, s29, s16, $0xb8;
	[tilespmem:$0x1E400] =	vst v63  }
0x31: {  	_ =	swait.ge [sflag:s14], $0x3E80  }
0x32: {  	[sflag:s14] =	ssyncset.done $0x0  }
0x33: {  	[sflag:s14] =	ssyncadd.s32 $0xFFFFC180  }
0x34: {  	_ =	swait.ge [sflag:s20], $0x3E80  }
0x35: {  	[sflag:s20] =	ssyncset.done $0x0  }
0x36: {  	s30 =	simm.s32 $0x100;
	[sflag:s20] =	ssyncadd.s32 $0xFFFFC180  }
0x37: {  	[tilespmem:s17], [sflag:$0x1] =	stream.indirect.gather [hbm4b:s4+s16], $0x80, s30, s16, $0xb8;
	[tilespmem:$0x1E400] =	vst v63  }
0x38: {  	s31 =	simm.s32 $0x1480  }
0x39: {  	[spmem:s1] =	stream.indirect.scatter.add.f32 [tilespmem:s19], [sflag:$0x3], $0x80, s31, s16, $0xb8;
	[tilespmem:$0x1E400] =	vst v63  }
0x3a: {  	_ =	swait.ge [sflag:s14], $0x3E80  }
0x3b: {  	s24 =	simm.s32 $0x400;
	[sflag:s14] =	ssyncset.done $0x0  }
.LBB2_6:
0x3c: {  	p1 =	sne.s32 s24, $0x4800  }
0x3d: {  	[sflag:s14] =	ssyncadd.s32 $0xFFFFC180;
	s26 =	smov.u32 s24;
	s24 =	sadd.s32 $0x400, s24  }
0x3e: {  	_ = 	snop  }
0x3f: {  	_ =	swait.ge [sflag:s18], $0x3E80  }
0x40: {  	s26 =	sshra.s32 s26, $0x2;
	[sflag:s18] =	ssyncset.done $0x0  }
0x41: {  	s28 =	sadd.s32 $0x80, s26;
	[sflag:s18] =	ssyncadd.s32 $0xFFFFC180  }
0x42: {  	[tilespmem:s19], [sflag:$0x2] =	stream.indirect.gather [hbm4b:s4+s16], $0x80, s28, s16, $0xb8;
	[tilespmem:$0x1E400] =	vst v63  }
0x43: {  	s28 =	sadd.s32 $0x1400, s26  }
0x44: {  	[spmem:s1] =	stream.indirect.scatter.add.f32 [tilespmem:s17], [sflag:$0x3], $0x80, s28, s16, $0xb8;
	[tilespmem:$0x1E400] =	vst v63  }
0x45: {  	_ =	swait.ge [sflag:s14], $0x3E80  }
0x46: {  	[sflag:s14] =	ssyncset.done $0x0  }
0x47: {  	[sflag:s14] =	ssyncadd.s32 $0xFFFFC180  }
0x48: {  	_ =	swait.ge [sflag:s20], $0x3E80  }
0x49: {  	[sflag:s20] =	ssyncset.done $0x0  }
0x4a: {  	s28 =	sadd.s32 $0x100, s26;
	[sflag:s20] =	ssyncadd.s32 $0xFFFFC180  }
0x4b: {  	[tilespmem:s17], [sflag:$0x1] =	stream.indirect.gather [hbm4b:s4+s16], $0x80, s28, s16, $0xb8;
	[tilespmem:$0x1E400] =	vst v63  }
.Ltmp3:
0x4c: {  	_ = 	snop;
	(pc) =	sbr.rel @p1 .LBB2_6-.Ltmp3, $4  }
0x4d: {  	s26 =	sadd.s32 $0x1480, s26  }
0x4e: {  	[spmem:s1] =	stream.indirect.scatter.add.f32 [tilespmem:s19], [sflag:$0x3], $0x80, s26, s16, $0xb8;
	[tilespmem:$0x1E400] =	vst v63  }
0x4f: {  	_ =	swait.ge [sflag:s14], $0x3E80  }
0x50: {  	[sflag:s14] =	ssyncset.done $0x0  }
0x51: {  	[sflag:s14] =	ssyncadd.s32 $0xFFFFC180  }
0x52: {  	_ =	swait.ge [sflag:s18], $0x3E80  }
0x53: {  	[sflag:s18] =	ssyncset.done $0x0  }
0x54: {  	[sflag:s18] =	ssyncadd.s32 $0xFFFFC180  }
0x55: {  	[tilespmem:s19], [sflag:$0x2] =	stream.indirect.gather [hbm4b:s4+s16], $0x80, s21, s16, $0xb8;
	[tilespmem:$0x1E400] =	vst v63  }
0x56: {  	_ = 	snop  }
0x57: {  	[spmem:s1] =	stream.indirect.scatter.add.f32 [tilespmem:s17], [sflag:$0x3], $0x80, s22, s16, $0xb8;
	[tilespmem:$0x1E400] =	vst v63  }
0x58: {  	_ =	swait.ge [sflag:s14], $0x3E80  }
0x59: {  	[sflag:s14] =	ssyncset.done $0x0  }
0x5a: {  	[sflag:s14] =	ssyncadd.s32 $0xFFFFC180  }
0x5b: {  	_ =	swait.ge [sflag:s20], $0x3E80  }
0x5c: {  	s25 =	sadd.s32 $0x1, s25;
	[sflag:s20] =	ssyncset.done $0x0  }
0x5d: {  	p1 =	sne.s32 s25, $0x4;
	[sflag:s20] =	ssyncadd.s32 $0xFFFFC180  }
0x5e: {  	[spmem:s1] =	stream.indirect.scatter.add.f32 [tilespmem:s19], [sflag:$0x3], $0x80, s23, s16, $0xb8;
	[tilespmem:$0x1E400] =	vst v63  }
.Ltmp4:
0x5f: {  	_ = 	snop;
	(pc) =	sbr.rel @p1 .LBB2_5-.Ltmp4, $4  }
.Ltmp5:
0x60: {  	_ = 	snop;
	(pc) =	sbr.rel @!p1 .LBB2_8-.Ltmp5, $4  }
0x61: {  	_ =	swait.ge [sflag:s14], $0x3E80  }
0x62: {  	[sflag:s14] =	ssyncset.done $0x0  }
0x63: {  	[sflag:s14] =	ssyncadd.s32 $0xFFFFC180  }
0x64: {  	_ = 	snop  }
.LBB2_2:
0x65: {  	s25 =	smul.u32 $0x1400, s24;
	_ =	sdelay $0x1  }
0x66: {  	s25 =	sadd.s32 s10, s25  }
0x67: {  	s25 =	sshrl.u32 s25, $0x3  }
0x68: {  	s28 =	simm.s32 $0x0;
	s26 =	sadd.s32 s5, s25  }
0x69: {  	[tilespmem:s15], [sflag:$0x3] =	stream.linear.gather [hbm4b:s26+s28], $0x1400, $0x38;
	[tilespmem:$0x1E400] =	vst v63  }
0x6a: {  	_ =	swait.ge [sflag:s14], $0x1400  }
0x6b: {  	[sflag:s14] =	ssyncset.done $0x0  }
0x6c: {  	s25 =	sadd.s32 s7, s25;
	[sflag:s14] =	ssyncadd.s32 $0xFFFFEC00  }
0x6d: {  	[tilespmem:s28], [sflag:$0x3] =	stream.linear.gather [hbm4b:s25+s28], $0x1400, $0x38;
	[tilespmem:$0x1E400] =	vst v63  }
0x6e: {  	_ =	swait.ge [sflag:s14], $0x1400  }
0x6f: {  	[sflag:s14] =	ssyncset.done $0x0  }
0x70: {  	[sflag:s14] =	ssyncadd.s32 $0xFFFFEC00  }
0x71: {  	[tilespmem:s17], [sflag:$0x1] =	stream.indirect.gather [hbm4b:s4+s16], $0x80, s28, s16, $0xb8;
	[tilespmem:$0x1E400] =	vst v63  }
0x72: {  	_ =	swait.ge [sflag:s18], $0x3E80  }
0x73: {  	[sflag:s18] =	ssyncset.done $0x0  }
0x74: {  	s28 =	simm.s32 $0x80;
	[sflag:s18] =	ssyncadd.s32 $0xFFFFC180  }
0x75: {  	[tilespmem:s19], [sflag:$0x2] =	stream.indirect.gather [hbm4b:s4+s16], $0x80, s28, s16, $0xb8;
	[tilespmem:$0x1E400] =	vst v63  }
0x76: {  	s29 =	simm.s32 $0x1400  }
0x77: {  	[spmem:s1] =	stream.indirect.scatter.add.f32 [tilespmem:s17], [sflag:$0x3], $0x80, s29, s16, $0xb8;
	[tilespmem:$0x1E400] =	vst v63  }
0x78: {  	_ =	swait.ge [sflag:s14], $0x3E80  }
0x79: {  	[sflag:s14] =	ssyncset.done $0x0  }
0x7a: {  	[sflag:s14] =	ssyncadd.s32 $0xFFFFC180  }
0x7b: {  	_ =	swait.ge [sflag:s20], $0x3E80  }
0x7c: {  	[sflag:s20] =	ssyncset.done $0x0  }
0x7d: {  	s30 =	simm.s32 $0x100;
	[sflag:s20] =	ssyncadd.s32 $0xFFFFC180  }
0x7e: {  	[tilespmem:s17], [sflag:$0x1] =	stream.indirect.gather [hbm4b:s4+s16], $0x80, s30, s16, $0xb8;
	[tilespmem:$0x1E400] =	vst v63  }
0x7f: {  	s31 =	simm.s32 $0x1480  }
0x80: {  	[spmem:s1] =	stream.indirect.scatter.add.f32 [tilespmem:s19], [sflag:$0x3], $0x80, s31, s16, $0xb8;
	[tilespmem:$0x1E400] =	vst v63  }
0x81: {  	_ =	swait.ge [sflag:s14], $0x3E80  }
0x82: {  	s25 =	simm.s32 $0x400;
	[sflag:s14] =	ssyncset.done $0x0  }
.LBB2_3:
0x83: {  	p1 =	sne.s32 s25, $0x4800  }
0x84: {  	[sflag:s14] =	ssyncadd.s32 $0xFFFFC180;
	s26 =	smov.u32 s25;
	s25 =	sadd.s32 $0x400, s25  }
0x85: {  	_ = 	snop  }
0x86: {  	_ =	swait.ge [sflag:s18], $0x3E80  }
0x87: {  	s26 =	sshra.s32 s26, $0x2;
	[sflag:s18] =	ssyncset.done $0x0  }
0x88: {  	s28 =	sadd.s32 $0x80, s26;
	[sflag:s18] =	ssyncadd.s32 $0xFFFFC180  }
0x89: {  	[tilespmem:s19], [sflag:$0x2] =	stream.indirect.gather [hbm4b:s4+s16], $0x80, s28, s16, $0xb8;
	[tilespmem:$0x1E400] =	vst v63  }
0x8a: {  	s28 =	sadd.s32 $0x1400, s26  }
0x8b: {  	[spmem:s1] =	stream.indirect.scatter.add.f32 [tilespmem:s17], [sflag:$0x3], $0x80, s28, s16, $0xb8;
	[tilespmem:$0x1E400] =	vst v63  }
0x8c: {  	_ =	swait.ge [sflag:s14], $0x3E80  }
0x8d: {  	[sflag:s14] =	ssyncset.done $0x0  }
0x8e: {  	[sflag:s14] =	ssyncadd.s32 $0xFFFFC180  }
0x8f: {  	_ =	swait.ge [sflag:s20], $0x3E80  }
0x90: {  	[sflag:s20] =	ssyncset.done $0x0  }
0x91: {  	s28 =	sadd.s32 $0x100, s26;
	[sflag:s20] =	ssyncadd.s32 $0xFFFFC180  }
0x92: {  	[tilespmem:s17], [sflag:$0x1] =	stream.indirect.gather [hbm4b:s4+s16], $0x80, s28, s16, $0xb8;
	[tilespmem:$0x1E400] =	vst v63  }
.Ltmp6:
0x93: {  	_ = 	snop;
	(pc) =	sbr.rel @p1 .LBB2_3-.Ltmp6, $4  }
0x94: {  	s26 =	sadd.s32 $0x1480, s26  }
0x95: {  	[spmem:s1] =	stream.indirect.scatter.add.f32 [tilespmem:s19], [sflag:$0x3], $0x80, s26, s16, $0xb8;
	[tilespmem:$0x1E400] =	vst v63  }
0x96: {  	_ =	swait.ge [sflag:s14], $0x3E80  }
0x97: {  	[sflag:s14] =	ssyncset.done $0x0  }
0x98: {  	[sflag:s14] =	ssyncadd.s32 $0xFFFFC180  }
0x99: {  	_ =	swait.ge [sflag:s18], $0x3E80  }
0x9a: {  	[sflag:s18] =	ssyncset.done $0x0  }
0x9b: {  	[sflag:s18] =	ssyncadd.s32 $0xFFFFC180  }
0x9c: {  	[tilespmem:s19], [sflag:$0x2] =	stream.indirect.gather [hbm4b:s4+s16], $0x80, s21, s16, $0xb8;
	[tilespmem:$0x1E400] =	vst v63  }
0x9d: {  	_ = 	snop  }
0x9e: {  	[spmem:s1] =	stream.indirect.scatter.add.f32 [tilespmem:s17], [sflag:$0x3], $0x80, s22, s16, $0xb8;
	[tilespmem:$0x1E400] =	vst v63  }
0x9f: {  	_ =	swait.ge [sflag:s14], $0x3E80  }
0xa0: {  	[sflag:s14] =	ssyncset.done $0x0  }
0xa1: {  	[sflag:s14] =	ssyncadd.s32 $0xFFFFC180  }
0xa2: {  	_ =	swait.ge [sflag:s20], $0x3E80  }
0xa3: {  	s24 =	sadd.s32 $0x1, s24;
	[sflag:s20] =	ssyncset.done $0x0  }
0xa4: {  	p1 =	seq.s32 s24, $0x4;
	[sflag:s20] =	ssyncadd.s32 $0xFFFFC180  }
0xa5: {  	[spmem:s1] =	stream.indirect.scatter.add.f32 [tilespmem:s19], [sflag:$0x3], $0x80, s23, s16, $0xb8;
	[tilespmem:$0x1E400] =	vst v63  }
.Ltmp7:
0xa6: {  	_ = 	snop;
	(pc) =	sbr.rel @!p1 .LBB2_2-.Ltmp7, $4  }
.Ltmp8:
0xa7: {  	_ = 	snop;
	(pc) =	sbr.rel @p1 .LBB2_8-.Ltmp8, $4  }
0xa8: {  	_ =	swait.ge [sflag:s14], $0x3E80  }
0xa9: {  	[sflag:s14] =	ssyncset.done $0x0  }
0xaa: {  	[sflag:s14] =	ssyncadd.s32 $0xFFFFC180  }
0xab: {  	_ = 	snop  }
.LBB2_9:
0xac: {  	_ =	sfence.sel $0x180000  }
0xad: {  	[bflag:$0x0] =	sbarrier.arrive $0xFFFF  }
0xae: {  	p0 =	sne.s32 s2, $0x0;
	_ =	strace $0x90000053  }
0xaf: {  	s0 =	sadd.s32 @!p0 $0x100000, s0;
	[bflag:$0x2] =	sbarrier.arrive $0xFFFF  }
0xb0: {  	[sflag:s0] =	ssyncadd.tile.s32 @!p0 $0x1;
	_ =	shalt  }
.Lfunc_end2:
_tile_overlayer_lowered:
.L_overlay_start_2:
0xb1: {  	(tag) =	ssettag $0x2  }
0xb2: {  	s0 =	rddreg [dreg:$0x0];
	s2 =	stileid.u32  }
0xb3: {  	s1 =	rddreg [dreg:$0x1];
	p0 =	sne.s32 s2, $0x0  }
0xb4: {  	s3 =	rddreg [dreg:$0x2];
	[bflag:$0x3] =	sbarrier.arrive $0xFFFF;
	s2 =	simm.s32 @!p0 $0x1C03  }
0xb5: {  	[timem:s3], [sflag:s2] =	dma.local @!p0 [hbm:s0], s1  }
0xb6: {  	s0 =	simm.s32 @!p0 $0x3  }
0xb7: {  	_ =	swait.ge @!p0 [sflag:s0], s1  }
0xb8: {  	s1 =	ssub.s32 @!p0 $0x0, s1;
	[sflag:s0] =	ssyncset.done @!p0 $0x0  }
0xb9: {  	[sflag:s0] =	ssyncadd.s32 @!p0 s1  }
0xba: {  	[bflag:$0x3] =	sbarrier.arrive $0xFFFF  }
0xbb: {  	_ =	shalt  }

</sc_bundles>
